<compile_context>
chip_gen: v7x
topology: tpu7x:2x2x1
jax: 0.10.2.dev20260603
libtpu: 0.0.44.dev20260713+nightly
codegen_flags: <defaults>
</compile_context>

<pallas_src>
import functools

import jax
import jax.numpy as jnp
from jax import lax
from jax.experimental import pallas as pl
from jax.experimental.pallas import tpu as pltpu
from jax.experimental.pallas import tpu_sc as plsc

NC = 2
NS = 16
NW = NC * NS
LANES = 16

VOCAB = 1000000
EMBED = 64
BATCH = 4096
CTX = 20

RPW = BATCH // NW
CHUNK = 32
NCHUNK = RPW // CHUNK
GPC = CHUNK * CTX // 128
EV = EMBED // LANES
NBUF = 8
KT = EMBED // 8


def _tgt_body(wt3, tgt_idx, out, tidx_v, stage, out_v, sems):
  wid = lax.axis_index("s") * NC + lax.axis_index("c")
  pltpu.sync_copy(tgt_idx.at[wid], tidx_v.at[pl.ds(0, RPW)])

  lane = lax.iota(jnp.int32, LANES)
  i0 = []
  i1 = []
  for ev in range(EV):
    e = ev * LANES + lane
    i0.append(e >> 3)
    i1.append(e & 7)

  def scal(v, l):
    return jnp.sum(jnp.where(lane == l, v, jnp.int32(0)))

  def issue(col, slot):
    col = pl.multiple_of(col, 128)
    pltpu.async_copy(
        wt3.at[:, :, pl.ds(col, 128)], stage.at[slot], sems.at[slot])

  def drain(slot):
    pltpu.make_async_copy(
        wt3.at[:, :, pl.ds(0, 128)], stage.at[slot], sems.at[slot]).wait()

  idvec0 = tidx_v[pl.ds(0, LANES)]
  blk0 = (idvec0 >> 7) * 128
  for slot in range(NBUF):
    issue(scal(blk0, slot), slot)

  def phase_body(ph, _):
    idcur = tidx_v[pl.ds(ph * NBUF, LANES)]
    civ = idcur & 127
    idnext = tidx_v[pl.ds(ph * NBUF + NBUF, LANES)]
    blknext = (idnext >> 7) * 128
    for slot in range(NBUF):
      r = ph * NBUF + slot
      drain(slot)
      ci = jnp.full((LANES,), scal(civ, slot), jnp.int32)
      for ev in range(EV):
        row = plsc.load_gather(stage.at[slot], [i0[ev], i1[ev], ci])
        out_v[r, pl.ds(ev * LANES, LANES)] = row

      @pl.when(ph < RPW // NBUF - 1)
      def _next(slot=slot, blknext=blknext):
        issue(scal(blknext, slot), slot)

    return 0

  lax.fori_loop(0, RPW // NBUF, phase_body, 0)
  pltpu.sync_copy(out_v, out.at[wid])


def _cbow_body(w_in, ctx_idx, tgt_hbm, out, idx_v, ctx_rows, tgt_rows,
               scores_v, sem):
  wid = lax.axis_index("s") * NC + lax.axis_index("c")

  pltpu.sync_copy(tgt_hbm.at[wid], tgt_rows)

  inv_ctx = jnp.float32(1.0 / CTX)
  lane_iota = lax.iota(jnp.int32, LANES)

  for chunk in range(NCHUNK):
    pltpu.sync_copy(ctx_idx.at[wid, chunk], idx_v)
    copies = []
    for j in range(GPC):
      copies.append(
          pltpu.async_copy(w_in.at[idx_v.at[j]],
                           ctx_rows.at[pl.ds(j * 128, 128)], sem))
    for c in copies:
      c.wait()

    def row_body(r, svec, chunk=chunk):
      base = r * CTX
      trow = chunk * CHUNK + r
      prod = None
      for e in range(EV):
        acc = ctx_rows[base, pl.ds(e * LANES, LANES)]
        for c in range(1, CTX):
          acc = acc + ctx_rows[base + c, pl.ds(e * LANES, LANES)]
        term = acc * tgt_rows[trow, pl.ds(e * LANES, LANES)]
        prod = term if prod is None else prod + term
      s = jnp.sum(prod) * inv_ctx
      svec = jnp.where(lane_iota == (r & (LANES - 1)), s, svec)

      @pl.when((r & (LANES - 1)) == LANES - 1)
      def _store(svec=svec, r=r):
        scores_v[pl.ds(chunk * CHUNK + (r & ~(LANES - 1)), LANES)] = svec

      return svec

    lax.fori_loop(0, CHUNK, row_body, jnp.zeros((LANES,), jnp.float32))

  pltpu.sync_copy(scores_v, out.at[wid])


@jax.jit
def _cbow(ctx_idx, tgt_idx, w_in, w_out):
  mesh = plsc.VectorSubcoreMesh(core_axis_name="c", subcore_axis_name="s")

  wt3 = w_out.T.reshape(KT, 8, VOCAB)
  tgt_fn = pl.kernel(
      _tgt_body,
      out_type=jax.ShapeDtypeStruct((NW, RPW, EMBED), jnp.float32),
      mesh=mesh,
      compiler_params=pltpu.CompilerParams(needs_layout_passes=False),
      scratch_types=[
          pltpu.VMEM((RPW + LANES,), jnp.int32),
          pltpu.VMEM((NBUF, KT, 8, 128), jnp.float32),
          pltpu.VMEM((RPW, EMBED), jnp.float32),
          pltpu.SemaphoreType.DMA((NBUF,)),
      ],
  )
  tgt_rows = tgt_fn(wt3, tgt_idx)

  cbow_fn = pl.kernel(
      _cbow_body,
      out_type=jax.ShapeDtypeStruct((NW, RPW), jnp.float32),
      mesh=mesh,
      compiler_params=pltpu.CompilerParams(
          needs_layout_passes=False, use_tc_tiling_on_sc=False),
      scratch_types=[
          pltpu.VMEM((GPC, 128), jnp.int32),
          pltpu.VMEM((CHUNK * CTX, EMBED), jnp.float32),
          pltpu.VMEM((RPW, EMBED), jnp.float32),
          pltpu.VMEM((RPW,), jnp.float32),
          pltpu.SemaphoreType.DMA,
      ],
  )
  return cbow_fn(w_in, ctx_idx, tgt_rows)


def kernel(context_ids, target_ids, W_in, W_out):
  ctx_idx = context_ids.astype(jnp.int32).reshape(NW, NCHUNK, GPC, 128)
  tgt_idx = target_ids.astype(jnp.int32).reshape(NW, RPW)
  out = _cbow(ctx_idx, tgt_idx, W_in, W_out)
  return out.reshape(BATCH)

# --- scband reference (transcript-rebuilt; emitter-appended) ---
"""Pipeline reference for scband-cbow-37726992728304 (READ-ONLY COPY).

The authoritative reference and input builder live on the scoring server;
editing this copy changes nothing except your own understanding.
"""

import jax, jax.numpy as jnp
import numpy as np

VOCAB = 1000000
EMBED = 64
BATCH = 4096
CTX = 20

def setup_inputs(seed: int = 0) -> dict:
    key = jax.random.key(seed)
    k1, k2, k3, k4 = jax.random.split(key, 4)
    context_ids = jax.random.randint(k1, (BATCH, CTX), 0, VOCAB, dtype=jnp.int64 if jax.config.jax_enable_x64 else jnp.int32)
    target_ids = jax.random.randint(k2, (BATCH,), 0, VOCAB, dtype=jnp.int64 if jax.config.jax_enable_x64 else jnp.int32)
    # Learned parameters: two embedding tables initialized uniform(-0.5, 0.5), as in the torch module
    W_in = jax.random.uniform(k3, (VOCAB, EMBED), dtype=jnp.float32, minval=-0.5, maxval=0.5)
    W_out = jax.random.uniform(k4, (VOCAB, EMBED), dtype=jnp.float32, minval=-0.5, maxval=0.5)
    return {"context_ids": context_ids, "target_ids": target_ids, "W_in": W_in, "W_out": W_out}

def reference(context_ids, target_ids, W_in, W_out):
    # CBOW forward: mean of input embeddings over the context window,
    # scored against the output embedding of the target word (dot product).
    ctx_emb = jnp.take(W_in, context_ids, axis=0)          # [B, CTX, E] gather
    ctx_mean = jnp.mean(ctx_emb, axis=1)                   # [B, E]
    tgt_emb = jnp.take(W_out, target_ids, axis=0)          # [B, E] gather
    scores = jnp.sum(ctx_mean * tgt_emb, axis=-1)          # [B]
    return scores

if __name__ == "__main__":
    import jax
    _d = setup_inputs()
    print(jax.jit(kernel)(*tuple(_d.values())))

</pallas_src>

<mosaic_0001>
#map = affine_map<(d0, d1) -> (0, 0)>
#map1 = affine_map<(d0, d1) -> (0, 0, 0, 0)>
#map2 = affine_map<(d0, d1) -> (0, 0, 0)>
module attributes {stable_mosaic.version = 14 : i64} {
  func.func @_cbow_body(%arg0: i32, %arg1: i32, %arg2: memref<1000000x64xf32, #tpu.memory_space<hbm>>, %arg3: memref<32x4x5x128xi32, #tpu.memory_space<hbm>>, %arg4: memref<32x128x64xf32, #tpu.memory_space<hbm>>, %arg5: memref<32x128xf32, #tpu.memory_space<hbm>>, %arg6: memref<5x128xi32, #tpu.memory_space<vmem>>, %arg7: memref<640x64xf32, #tpu.memory_space<vmem>>, %arg8: memref<128x64xf32, #tpu.memory_space<vmem>>, %arg9: memref<128xf32, #tpu.memory_space<vmem>>, %arg10: memref<!tpu.dma_semaphore, #tpu.memory_space<semaphore_mem>>) attributes {dimension_semantics = [#tpu.dimension_semantics<core_parallel>, #tpu.dimension_semantics<subcore_parallel>], iteration_bounds = array<i64: 2, 16>, scalar_prefetch = 0 : i64, scratch_operands = 5 : i64, tpu.core_type = #tpu.core_type<sc_vector_subcore>, window_params = [{transform_indices = #map}, {transform_indices = #map1}, {transform_indices = #map2}, {transform_indices = #map}]} {
    %mul3A = arith.constant 2 : i32
    %mul3A_0 = arith.muli %arg1, %mul3A : i32
    %add3A = arith.addi %mul3A_0, %arg0 : i32
    "tpu.region"() ({
      %run_scoped3A_436 = tpu.sem_alloc : memref<!tpu.dma_semaphore, #tpu.memory_space<semaphore_mem>>
      %dma_start3A_437 = arith.constant 0 : i32
      %dma_start3A_438 = arith.constant 0 : i32
      %dma_start3A_439 = tpu.memref_slice %arg4[%add3A, %dma_start3A_437, %dma_start3A_438] : memref<32x128x64xf32, #tpu.memory_space<hbm>> -> memref<1x128x64xf32, #tpu.memory_space<hbm>>
      %dma_start3A_440 = tpu.memref_squeeze %dma_start3A_439 : memref<1x128x64xf32, #tpu.memory_space<hbm>> -> memref<128x64xf32, #tpu.memory_space<hbm>>
      %dma_start3A_441 = arith.constant 0 : i32
      %dma_start3A_442 = arith.constant 0 : i32
      %dma_start3A_443 = tpu.memref_slice %arg4[%add3A, %dma_start3A_441, %dma_start3A_442] : memref<32x128x64xf32, #tpu.memory_space<hbm>> -> memref<1x128x64xf32, #tpu.memory_space<hbm>>
      %dma_start3A_444 = tpu.memref_squeeze %dma_start3A_443 : memref<1x128x64xf32, #tpu.memory_space<hbm>> -> memref<128x64xf32, #tpu.memory_space<hbm>>
      tpu.enqueue_dma source(%dma_start3A_444 : memref<128x64xf32, #tpu.memory_space<hbm>>) target(%arg8 : memref<128x64xf32, #tpu.memory_space<vmem>>) target_semaphore(%run_scoped3A_436 : memref<!tpu.dma_semaphore, #tpu.memory_space<semaphore_mem>>)
      %dma_wait3A_445 = arith.constant 0 : i32
      %dma_wait3A_446 = arith.constant 0 : i32
      %dma_wait3A_447 = tpu.memref_slice %arg4[%add3A, %dma_wait3A_445, %dma_wait3A_446] : memref<32x128x64xf32, #tpu.memory_space<hbm>> -> memref<1x128x64xf32, #tpu.memory_space<hbm>>
      %dma_wait3A_448 = tpu.memref_squeeze %dma_wait3A_447 : memref<1x128x64xf32, #tpu.memory_space<hbm>> -> memref<128x64xf32, #tpu.memory_space<hbm>>
      %dma_wait3A_449 = arith.constant 0 : i32
      %dma_wait3A_450 = arith.constant 0 : i32
      %dma_wait3A_451 = tpu.memref_slice %arg4[%add3A, %dma_wait3A_449, %dma_wait3A_450] : memref<32x128x64xf32, #tpu.memory_space<hbm>> -> memref<1x128x64xf32, #tpu.memory_space<hbm>>
      %dma_wait3A_452 = tpu.memref_squeeze %dma_wait3A_451 : memref<1x128x64xf32, #tpu.memory_space<hbm>> -> memref<128x64xf32, #tpu.memory_space<hbm>>
      tpu.wait_dma2 semaphore(%run_scoped3A_436 : memref<!tpu.dma_semaphore, #tpu.memory_space<semaphore_mem>>) src(%dma_wait3A_452 : memref<128x64xf32, #tpu.memory_space<hbm>>) dst(%arg8 : memref<128x64xf32, #tpu.memory_space<vmem>>)
      tpu.yield
    }) : () -> ()
    %iota3A = tpu.iota {dimensions = array<i32: 0>} : vector<16xi32>
    %run_scoped3A = arith.constant 0 : i32
    "tpu.region"() ({
      %run_scoped3A_436 = tpu.sem_alloc : memref<!tpu.dma_semaphore, #tpu.memory_space<semaphore_mem>>
      %dma_start3A_437 = arith.constant 0 : i32
      %dma_start3A_438 = arith.constant 0 : i32
      %dma_start3A_439 = tpu.memref_slice %arg3[%add3A, %run_scoped3A, %dma_start3A_437, %dma_start3A_438] : memref<32x4x5x128xi32, #tpu.memory_space<hbm>> -> memref<1x1x5x128xi32, #tpu.memory_space<hbm>>
      %dma_start3A_440 = tpu.memref_squeeze %dma_start3A_439 : memref<1x1x5x128xi32, #tpu.memory_space<hbm>> -> memref<5x128xi32, #tpu.memory_space<hbm>>
      %dma_start3A_441 = arith.constant 0 : i32
      %dma_start3A_442 = arith.constant 0 : i32
      %dma_start3A_443 = tpu.memref_slice %arg3[%add3A, %run_scoped3A, %dma_start3A_441, %dma_start3A_442] : memref<32x4x5x128xi32, #tpu.memory_space<hbm>> -> memref<1x1x5x128xi32, #tpu.memory_space<hbm>>
      %dma_start3A_444 = tpu.memref_squeeze %dma_start3A_443 : memref<1x1x5x128xi32, #tpu.memory_space<hbm>> -> memref<5x128xi32, #tpu.memory_space<hbm>>
      tpu.enqueue_dma source(%dma_start3A_444 : memref<5x128xi32, #tpu.memory_space<hbm>>) target(%arg6 : memref<5x128xi32, #tpu.memory_space<vmem>>) target_semaphore(%run_scoped3A_436 : memref<!tpu.dma_semaphore, #tpu.memory_space<semaphore_mem>>)
      %dma_wait3A_445 = arith.constant 0 : i32
      %dma_wait3A_446 = arith.constant 0 : i32
      %dma_wait3A_447 = tpu.memref_slice %arg3[%add3A, %run_scoped3A, %dma_wait3A_445, %dma_wait3A_446] : memref<32x4x5x128xi32, #tpu.memory_space<hbm>> -> memref<1x1x5x128xi32, #tpu.memory_space<hbm>>
      %dma_wait3A_448 = tpu.memref_squeeze %dma_wait3A_447 : memref<1x1x5x128xi32, #tpu.memory_space<hbm>> -> memref<5x128xi32, #tpu.memory_space<hbm>>
      %dma_wait3A_449 = arith.constant 0 : i32
      %dma_wait3A_450 = arith.constant 0 : i32
      %dma_wait3A_451 = tpu.memref_slice %arg3[%add3A, %run_scoped3A, %dma_wait3A_449, %dma_wait3A_450] : memref<32x4x5x128xi32, #tpu.memory_space<hbm>> -> memref<1x1x5x128xi32, #tpu.memory_space<hbm>>
      %dma_wait3A_452 = tpu.memref_squeeze %dma_wait3A_451 : memref<1x1x5x128xi32, #tpu.memory_space<hbm>> -> memref<5x128xi32, #tpu.memory_space<hbm>>
      tpu.wait_dma2 semaphore(%run_scoped3A_436 : memref<!tpu.dma_semaphore, #tpu.memory_space<semaphore_mem>>) src(%dma_wait3A_452 : memref<5x128xi32, #tpu.memory_space<hbm>>) dst(%arg6 : memref<5x128xi32, #tpu.memory_space<vmem>>)
      tpu.yield
    }) : () -> ()
    %dma_start3A = arith.constant 0 : i32
    %dma_start3A_1 = arith.constant 0 : i32
    %dma_start3A_2 = arith.constant 0 : i32
    %dma_start3A_3 = tpu.memref_slice %arg7[%dma_start3A_1, %dma_start3A_2] : memref<640x64xf32, #tpu.memory_space<vmem>> -> memref<128x64xf32, #tpu.memory_space<vmem>>
    %dma_start3A_4 = arith.constant 0 : i32
    %dma_start3A_5 = tpu.memref_slice %arg6[%dma_start3A, %dma_start3A_4] : memref<5x128xi32, #tpu.memory_space<vmem>> -> memref<1x128xi32, #tpu.memory_space<vmem>>
    %dma_start3A_6 = tpu.memref_squeeze %dma_start3A_5 : memref<1x128xi32, #tpu.memory_space<vmem>> -> memref<128xi32, #tpu.memory_space<vmem>>
    %dma_start3A_7 = arith.constant 0 : i32
    %dma_start3A_8 = arith.constant 0 : i32
    %dma_start3A_9 = tpu.memref_slice %arg2[%dma_start3A_7, %dma_start3A_8] : memref<1000000x64xf32, #tpu.memory_space<hbm>> -> memref<1000000x64xf32, #tpu.memory_space<hbm>>
    tpu.enqueue_indirect_dma source(%dma_start3A_9 : memref<1000000x64xf32, #tpu.memory_space<hbm>>) target(%dma_start3A_3 : memref<128x64xf32, #tpu.memory_space<vmem>>) offsets(%dma_start3A_6 : memref<128xi32, #tpu.memory_space<vmem>>) semaphore(%arg10 : memref<!tpu.dma_semaphore, #tpu.memory_space<semaphore_mem>>)
    %dma_start3A_10 = arith.constant 1 : i32
    %dma_start3A_11 = arith.constant 128 : i32
    %dma_start3A_12 = arith.constant 0 : i32
    %dma_start3A_13 = tpu.memref_slice %arg7[%dma_start3A_11, %dma_start3A_12] : memref<640x64xf32, #tpu.memory_space<vmem>> -> memref<128x64xf32, #tpu.memory_space<vmem>>
    %dma_start3A_14 = arith.constant 0 : i32
    %dma_start3A_15 = tpu.memref_slice %arg6[%dma_start3A_10, %dma_start3A_14] : memref<5x128xi32, #tpu.memory_space<vmem>> -> memref<1x128xi32, #tpu.memory_space<vmem>>
    %dma_start3A_16 = tpu.memref_squeeze %dma_start3A_15 : memref<1x128xi32, #tpu.memory_space<vmem>> -> memref<128xi32, #tpu.memory_space<vmem>>
    %dma_start3A_17 = arith.constant 0 : i32
    %dma_start3A_18 = arith.constant 0 : i32
    %dma_start3A_19 = tpu.memref_slice %arg2[%dma_start3A_17, %dma_start3A_18] : memref<1000000x64xf32, #tpu.memory_space<hbm>> -> memref<1000000x64xf32, #tpu.memory_space<hbm>>
    tpu.enqueue_indirect_dma source(%dma_start3A_19 : memref<1000000x64xf32, #tpu.memory_space<hbm>>) target(%dma_start3A_13 : memref<128x64xf32, #tpu.memory_space<vmem>>) offsets(%dma_start3A_16 : memref<128xi32, #tpu.memory_space<vmem>>) semaphore(%arg10 : memref<!tpu.dma_semaphore, #tpu.memory_space<semaphore_mem>>)
    %dma_start3A_20 = arith.constant 2 : i32
    %dma_start3A_21 = arith.constant 256 : i32
    %dma_start3A_22 = arith.constant 0 : i32
    %dma_start3A_23 = tpu.memref_slice %arg7[%dma_start3A_21, %dma_start3A_22] : memref<640x64xf32, #tpu.memory_space<vmem>> -> memref<128x64xf32, #tpu.memory_space<vmem>>
    %dma_start3A_24 = arith.constant 0 : i32
    %dma_start3A_25 = tpu.memref_slice %arg6[%dma_start3A_20, %dma_start3A_24] : memref<5x128xi32, #tpu.memory_space<vmem>> -> memref<1x128xi32, #tpu.memory_space<vmem>>
    %dma_start3A_26 = tpu.memref_squeeze %dma_start3A_25 : memref<1x128xi32, #tpu.memory_space<vmem>> -> memref<128xi32, #tpu.memory_space<vmem>>
    %dma_start3A_27 = arith.constant 0 : i32
    %dma_start3A_28 = arith.constant 0 : i32
    %dma_start3A_29 = tpu.memref_slice %arg2[%dma_start3A_27, %dma_start3A_28] : memref<1000000x64xf32, #tpu.memory_space<hbm>> -> memref<1000000x64xf32, #tpu.memory_space<hbm>>
    tpu.enqueue_indirect_dma source(%dma_start3A_29 : memref<1000000x64xf32, #tpu.memory_space<hbm>>) target(%dma_start3A_23 : memref<128x64xf32, #tpu.memory_space<vmem>>) offsets(%dma_start3A_26 : memref<128xi32, #tpu.memory_space<vmem>>) semaphore(%arg10 : memref<!tpu.dma_semaphore, #tpu.memory_space<semaphore_mem>>)
    %dma_start3A_30 = arith.constant 3 : i32
    %dma_start3A_31 = arith.constant 384 : i32
    %dma_start3A_32 = arith.constant 0 : i32
    %dma_start3A_33 = tpu.memref_slice %arg7[%dma_start3A_31, %dma_start3A_32] : memref<640x64xf32, #tpu.memory_space<vmem>> -> memref<128x64xf32, #tpu.memory_space<vmem>>
    %dma_start3A_34 = arith.constant 0 : i32
    %dma_start3A_35 = tpu.memref_slice %arg6[%dma_start3A_30, %dma_start3A_34] : memref<5x128xi32, #tpu.memory_space<vmem>> -> memref<1x128xi32, #tpu.memory_space<vmem>>
    %dma_start3A_36 = tpu.memref_squeeze %dma_start3A_35 : memref<1x128xi32, #tpu.memory_space<vmem>> -> memref<128xi32, #tpu.memory_space<vmem>>
    %dma_start3A_37 = arith.constant 0 : i32
    %dma_start3A_38 = arith.constant 0 : i32
    %dma_start3A_39 = tpu.memref_slice %arg2[%dma_start3A_37, %dma_start3A_38] : memref<1000000x64xf32, #tpu.memory_space<hbm>> -> memref<1000000x64xf32, #tpu.memory_space<hbm>>
    tpu.enqueue_indirect_dma source(%dma_start3A_39 : memref<1000000x64xf32, #tpu.memory_space<hbm>>) target(%dma_start3A_33 : memref<128x64xf32, #tpu.memory_space<vmem>>) offsets(%dma_start3A_36 : memref<128xi32, #tpu.memory_space<vmem>>) semaphore(%arg10 : memref<!tpu.dma_semaphore, #tpu.memory_space<semaphore_mem>>)
    %dma_start3A_40 = arith.constant 4 : i32
    %dma_start3A_41 = arith.constant 512 : i32
    %dma_start3A_42 = arith.constant 0 : i32
    %dma_start3A_43 = tpu.memref_slice %arg7[%dma_start3A_41, %dma_start3A_42] : memref<640x64xf32, #tpu.memory_space<vmem>> -> memref<128x64xf32, #tpu.memory_space<vmem>>
    %dma_start3A_44 = arith.constant 0 : i32
    %dma_start3A_45 = tpu.memref_slice %arg6[%dma_start3A_40, %dma_start3A_44] : memref<5x128xi32, #tpu.memory_space<vmem>> -> memref<1x128xi32, #tpu.memory_space<vmem>>
    %dma_start3A_46 = tpu.memref_squeeze %dma_start3A_45 : memref<1x128xi32, #tpu.memory_space<vmem>> -> memref<128xi32, #tpu.memory_space<vmem>>
    %dma_start3A_47 = arith.constant 0 : i32
    %dma_start3A_48 = arith.constant 0 : i32
    %dma_start3A_49 = tpu.memref_slice %arg2[%dma_start3A_47, %dma_start3A_48] : memref<1000000x64xf32, #tpu.memory_space<hbm>> -> memref<1000000x64xf32, #tpu.memory_space<hbm>>
    tpu.enqueue_indirect_dma source(%dma_start3A_49 : memref<1000000x64xf32, #tpu.memory_space<hbm>>) target(%dma_start3A_43 : memref<128x64xf32, #tpu.memory_space<vmem>>) offsets(%dma_start3A_46 : memref<128xi32, #tpu.memory_space<vmem>>) semaphore(%arg10 : memref<!tpu.dma_semaphore, #tpu.memory_space<semaphore_mem>>)
    %dma_wait3A = arith.constant 0 : i32
    %dma_wait3A_50 = arith.constant 0 : i32
    %dma_wait3A_51 = arith.constant 0 : i32
    %dma_wait3A_52 = tpu.memref_slice %arg7[%dma_wait3A_50, %dma_wait3A_51] : memref<640x64xf32, #tpu.memory_space<vmem>> -> memref<128x64xf32, #tpu.memory_space<vmem>>
    %dma_wait3A_53 = arith.constant 0 : i32
    %dma_wait3A_54 = tpu.memref_slice %arg6[%dma_wait3A, %dma_wait3A_53] : memref<5x128xi32, #tpu.memory_space<vmem>> -> memref<1x128xi32, #tpu.memory_space<vmem>>
    %dma_wait3A_55 = tpu.memref_squeeze %dma_wait3A_54 : memref<1x128xi32, #tpu.memory_space<vmem>> -> memref<128xi32, #tpu.memory_space<vmem>>
    %dma_wait3A_56 = arith.constant 0 : i32
    %dma_wait3A_57 = arith.constant 0 : i32
    %dma_wait3A_58 = tpu.memref_slice %arg2[%dma_wait3A_56, %dma_wait3A_57] : memref<1000000x64xf32, #tpu.memory_space<hbm>> -> memref<1000000x64xf32, #tpu.memory_space<hbm>>
    tpu.wait_indirect_dma semaphore(%arg10 : memref<!tpu.dma_semaphore, #tpu.memory_space<semaphore_mem>>) src(%dma_wait3A_58 : memref<1000000x64xf32, #tpu.memory_space<hbm>>) dst(%dma_wait3A_52 : memref<128x64xf32, #tpu.memory_space<vmem>>)
    %dma_wait3A_59 = arith.constant 1 : i32
    %dma_wait3A_60 = arith.constant 128 : i32
    %dma_wait3A_61 = arith.constant 0 : i32
    %dma_wait3A_62 = tpu.memref_slice %arg7[%dma_wait3A_60, %dma_wait3A_61] : memref<640x64xf32, #tpu.memory_space<vmem>> -> memref<128x64xf32, #tpu.memory_space<vmem>>
    %dma_wait3A_63 = arith.constant 0 : i32
    %dma_wait3A_64 = tpu.memref_slice %arg6[%dma_wait3A_59, %dma_wait3A_63] : memref<5x128xi32, #tpu.memory_space<vmem>> -> memref<1x128xi32, #tpu.memory_space<vmem>>
    %dma_wait3A_65 = tpu.memref_squeeze %dma_wait3A_64 : memref<1x128xi32, #tpu.memory_space<vmem>> -> memref<128xi32, #tpu.memory_space<vmem>>
    %dma_wait3A_66 = arith.constant 0 : i32
    %dma_wait3A_67 = arith.constant 0 : i32
    %dma_wait3A_68 = tpu.memref_slice %arg2[%dma_wait3A_66, %dma_wait3A_67] : memref<1000000x64xf32, #tpu.memory_space<hbm>> -> memref<1000000x64xf32, #tpu.memory_space<hbm>>
    tpu.wait_indirect_dma semaphore(%arg10 : memref<!tpu.dma_semaphore, #tpu.memory_space<semaphore_mem>>) src(%dma_wait3A_68 : memref<1000000x64xf32, #tpu.memory_space<hbm>>) dst(%dma_wait3A_62 : memref<128x64xf32, #tpu.memory_space<vmem>>)
    %dma_wait3A_69 = arith.constant 2 : i32
    %dma_wait3A_70 = arith.constant 256 : i32
    %dma_wait3A_71 = arith.constant 0 : i32
    %dma_wait3A_72 = tpu.memref_slice %arg7[%dma_wait3A_70, %dma_wait3A_71] : memref<640x64xf32, #tpu.memory_space<vmem>> -> memref<128x64xf32, #tpu.memory_space<vmem>>
    %dma_wait3A_73 = arith.constant 0 : i32
    %dma_wait3A_74 = tpu.memref_slice %arg6[%dma_wait3A_69, %dma_wait3A_73] : memref<5x128xi32, #tpu.memory_space<vmem>> -> memref<1x128xi32, #tpu.memory_space<vmem>>
    %dma_wait3A_75 = tpu.memref_squeeze %dma_wait3A_74 : memref<1x128xi32, #tpu.memory_space<vmem>> -> memref<128xi32, #tpu.memory_space<vmem>>
    %dma_wait3A_76 = arith.constant 0 : i32
    %dma_wait3A_77 = arith.constant 0 : i32
    %dma_wait3A_78 = tpu.memref_slice %arg2[%dma_wait3A_76, %dma_wait3A_77] : memref<1000000x64xf32, #tpu.memory_space<hbm>> -> memref<1000000x64xf32, #tpu.memory_space<hbm>>
    tpu.wait_indirect_dma semaphore(%arg10 : memref<!tpu.dma_semaphore, #tpu.memory_space<semaphore_mem>>) src(%dma_wait3A_78 : memref<1000000x64xf32, #tpu.memory_space<hbm>>) dst(%dma_wait3A_72 : memref<128x64xf32, #tpu.memory_space<vmem>>)
    %dma_wait3A_79 = arith.constant 3 : i32
    %dma_wait3A_80 = arith.constant 384 : i32
    %dma_wait3A_81 = arith.constant 0 : i32
    %dma_wait3A_82 = tpu.memref_slice %arg7[%dma_wait3A_80, %dma_wait3A_81] : memref<640x64xf32, #tpu.memory_space<vmem>> -> memref<128x64xf32, #tpu.memory_space<vmem>>
    %dma_wait3A_83 = arith.constant 0 : i32
    %dma_wait3A_84 = tpu.memref_slice %arg6[%dma_wait3A_79, %dma_wait3A_83] : memref<5x128xi32, #tpu.memory_space<vmem>> -> memref<1x128xi32, #tpu.memory_space<vmem>>
    %dma_wait3A_85 = tpu.memref_squeeze %dma_wait3A_84 : memref<1x128xi32, #tpu.memory_space<vmem>> -> memref<128xi32, #tpu.memory_space<vmem>>
    %dma_wait3A_86 = arith.constant 0 : i32
    %dma_wait3A_87 = arith.constant 0 : i32
    %dma_wait3A_88 = tpu.memref_slice %arg2[%dma_wait3A_86, %dma_wait3A_87] : memref<1000000x64xf32, #tpu.memory_space<hbm>> -> memref<1000000x64xf32, #tpu.memory_space<hbm>>
    tpu.wait_indirect_dma semaphore(%arg10 : memref<!tpu.dma_semaphore, #tpu.memory_space<semaphore_mem>>) src(%dma_wait3A_88 : memref<1000000x64xf32, #tpu.memory_space<hbm>>) dst(%dma_wait3A_82 : memref<128x64xf32, #tpu.memory_space<vmem>>)
    %dma_wait3A_89 = arith.constant 4 : i32
    %dma_wait3A_90 = arith.constant 512 : i32
    %dma_wait3A_91 = arith.constant 0 : i32
    %dma_wait3A_92 = tpu.memref_slice %arg7[%dma_wait3A_90, %dma_wait3A_91] : memref<640x64xf32, #tpu.memory_space<vmem>> -> memref<128x64xf32, #tpu.memory_space<vmem>>
    %dma_wait3A_93 = arith.constant 0 : i32
    %dma_wait3A_94 = tpu.memref_slice %arg6[%dma_wait3A_89, %dma_wait3A_93] : memref<5x128xi32, #tpu.memory_space<vmem>> -> memref<1x128xi32, #tpu.memory_space<vmem>>
    %dma_wait3A_95 = tpu.memref_squeeze %dma_wait3A_94 : memref<1x128xi32, #tpu.memory_space<vmem>> -> memref<128xi32, #tpu.memory_space<vmem>>
    %dma_wait3A_96 = arith.constant 0 : i32
    %dma_wait3A_97 = arith.constant 0 : i32
    %dma_wait3A_98 = tpu.memref_slice %arg2[%dma_wait3A_96, %dma_wait3A_97] : memref<1000000x64xf32, #tpu.memory_space<hbm>> -> memref<1000000x64xf32, #tpu.memory_space<hbm>>
    tpu.wait_indirect_dma semaphore(%arg10 : memref<!tpu.dma_semaphore, #tpu.memory_space<semaphore_mem>>) src(%dma_wait3A_98 : memref<1000000x64xf32, #tpu.memory_space<hbm>>) dst(%dma_wait3A_92 : memref<128x64xf32, #tpu.memory_space<vmem>>)
    %broadcast_in_dim3A = arith.constant 0.000000e+00 : f32
    %broadcast_in_dim3A_99 = vector.broadcast %broadcast_in_dim3A : f32 to vector<16xf32>
    %scan3A = arith.constant 5.000000e-02 : f32
    %scan3A_100 = arith.constant 0 : i32
    %scan3A_101 = arith.constant 32 : i32
    %scan3A_102 = arith.addi %scan3A_100, %scan3A_101 : i32
    %scan3A_103 = arith.constant 1 : i32
    %scan3A_104 = scf.for %scan3A_436 = %scan3A_100 to %scan3A_102 step %scan3A_103 iter_args(%scan3A_437 = %broadcast_in_dim3A_99) -> (vector<16xf32>)  : i32 {
      %mul3A_438 = arith.constant 20 : i32
      %mul3A_439 = arith.muli %scan3A_436, %mul3A_438 : i32
      %add3A_440 = arith.constant 0 : i32
      %add3A_441 = arith.addi %add3A_440, %scan3A_436 : i32
      %get3A = arith.index_cast %mul3A_439 : i32 to index
      %get3A_442 = arith.constant 0 : index
      %get3A_443 = tpu.vector_load %arg7[%get3A, %get3A_442] {strides = array<i32>} : memref<640x64xf32, #tpu.memory_space<vmem>>, vector<16xf32>,
      %add3A_444 = arith.constant 1 : i32
      %add3A_445 = arith.addi %mul3A_439, %add3A_444 : i32
      %get3A_446 = arith.index_cast %add3A_445 : i32 to index
      %get3A_447 = arith.constant 0 : index
      %get3A_448 = tpu.vector_load %arg7[%get3A_446, %get3A_447] {strides = array<i32>} : memref<640x64xf32, #tpu.memory_space<vmem>>, vector<16xf32>,
      %add3A_449 = arith.addf %get3A_443, %get3A_448 : vector<16xf32>
      %add3A_450 = arith.constant 2 : i32
      %add3A_451 = arith.addi %mul3A_439, %add3A_450 : i32
      %get3A_452 = arith.index_cast %add3A_451 : i32 to index
      %get3A_453 = arith.constant 0 : index
      %get3A_454 = tpu.vector_load %arg7[%get3A_452, %get3A_453] {strides = array<i32>} : memref<640x64xf32, #tpu.memory_space<vmem>>, vector<16xf32>,
      %add3A_455 = arith.addf %add3A_449, %get3A_454 : vector<16xf32>
      %add3A_456 = arith.constant 3 : i32
      %add3A_457 = arith.addi %mul3A_439, %add3A_456 : i32
      %get3A_458 = arith.index_cast %add3A_457 : i32 to index
      %get3A_459 = arith.constant 0 : index
      %get3A_460 = tpu.vector_load %arg7[%get3A_458, %get3A_459] {strides = array<i32>} : memref<640x64xf32, #tpu.memory_space<vmem>>, vector<16xf32>,
      %add3A_461 = arith.addf %add3A_455, %get3A_460 : vector<16xf32>
      %add3A_462 = arith.constant 4 : i32
      %add3A_463 = arith.addi %mul3A_439, %add3A_462 : i32
      %get3A_464 = arith.index_cast %add3A_463 : i32 to index
      %get3A_465 = arith.constant 0 : index
      %get3A_466 = tpu.vector_load %arg7[%get3A_464, %get3A_465] {strides = array<i32>} : memref<640x64xf32, #tpu.memory_space<vmem>>, vector<16xf32>,
      %add3A_467 = arith.addf %add3A_461, %get3A_466 : vector<16xf32>
      %add3A_468 = arith.constant 5 : i32
      %add3A_469 = arith.addi %mul3A_439, %add3A_468 : i32
      %get3A_470 = arith.index_cast %add3A_469 : i32 to index
      %get3A_471 = arith.constant 0 : index
      %get3A_472 = tpu.vector_load %arg7[%get3A_470, %get3A_471] {strides = array<i32>} : memref<640x64xf32, #tpu.memory_space<vmem>>, vector<16xf32>,
      %add3A_473 = arith.addf %add3A_467, %get3A_472 : vector<16xf32>
      %add3A_474 = arith.constant 6 : i32
      %add3A_475 = arith.addi %mul3A_439, %add3A_474 : i32
      %get3A_476 = arith.index_cast %add3A_475 : i32 to index
      %get3A_477 = arith.constant 0 : index
      %get3A_478 = tpu.vector_load %arg7[%get3A_476, %get3A_477] {strides = array<i32>} : memref<640x64xf32, #tpu.memory_space<vmem>>, vector<16xf32>,
      %add3A_479 = arith.addf %add3A_473, %get3A_478 : vector<16xf32>
      %add3A_480 = arith.constant 7 : i32
      %add3A_481 = arith.addi %mul3A_439, %add3A_480 : i32
      %get3A_482 = arith.index_cast %add3A_481 : i32 to index
      %get3A_483 = arith.constant 0 : index
      %get3A_484 = tpu.vector_load %arg7[%get3A_482, %get3A_483] {strides = array<i32>} : memref<640x64xf32, #tpu.memory_space<vmem>>, vector<16xf32>,
      %add3A_485 = arith.addf %add3A_479, %get3A_484 : vector<16xf32>
      %add3A_486 = arith.constant 8 : i32
      %add3A_487 = arith.addi %mul3A_439, %add3A_486 : i32
      %get3A_488 = arith.index_cast %add3A_487 : i32 to index
      %get3A_489 = arith.constant 0 : index
      %get3A_490 = tpu.vector_load %arg7[%get3A_488, %get3A_489] {strides = array<i32>} : memref<640x64xf32, #tpu.memory_space<vmem>>, vector<16xf32>,
      %add3A_491 = arith.addf %add3A_485, %get3A_490 : vector<16xf32>
      %add3A_492 = arith.constant 9 : i32
      %add3A_493 = arith.addi %mul3A_439, %add3A_492 : i32
      %get3A_494 = arith.index_cast %add3A_493 : i32 to index
      %get3A_495 = arith.constant 0 : index
      %get3A_496 = tpu.vector_load %arg7[%get3A_494, %get3A_495] {strides = array<i32>} : memref<640x64xf32, #tpu.memory_space<vmem>>, vector<16xf32>,
      %add3A_497 = arith.addf %add3A_491, %get3A_496 : vector<16xf32>
      %add3A_498 = arith.constant 10 : i32
      %add3A_499 = arith.addi %mul3A_439, %add3A_498 : i32
      %get3A_500 = arith.index_cast %add3A_499 : i32 to index
      %get3A_501 = arith.constant 0 : index
      %get3A_502 = tpu.vector_load %arg7[%get3A_500, %get3A_501] {strides = array<i32>} : memref<640x64xf32, #tpu.memory_space<vmem>>, vector<16xf32>,
      %add3A_503 = arith.addf %add3A_497, %get3A_502 : vector<16xf32>
      %add3A_504 = arith.constant 11 : i32
      %add3A_505 = arith.addi %mul3A_439, %add3A_504 : i32
      %get3A_506 = arith.index_cast %add3A_505 : i32 to index
      %get3A_507 = arith.constant 0 : index
      %get3A_508 = tpu.vector_load %arg7[%get3A_506, %get3A_507] {strides = array<i32>} : memref<640x64xf32, #tpu.memory_space<vmem>>, vector<16xf32>,
      %add3A_509 = arith.addf %add3A_503, %get3A_508 : vector<16xf32>
      %add3A_510 = arith.constant 12 : i32
      %add3A_511 = arith.addi %mul3A_439, %add3A_510 : i32
      %get3A_512 = arith.index_cast %add3A_511 : i32 to index
      %get3A_513 = arith.constant 0 : index
      %get3A_514 = tpu.vector_load %arg7[%get3A_512, %get3A_513] {strides = array<i32>} : memref<640x64xf32, #tpu.memory_space<vmem>>, vector<16xf32>,
      %add3A_515 = arith.addf %add3A_509, %get3A_514 : vector<16xf32>
      %add3A_516 = arith.constant 13 : i32
      %add3A_517 = arith.addi %mul3A_439, %add3A_516 : i32
      %get3A_518 = arith.index_cast %add3A_517 : i32 to index
      %get3A_519 = arith.constant 0 : index
      %get3A_520 = tpu.vector_load %arg7[%get3A_518, %get3A_519] {strides = array<i32>} : memref<640x64xf32, #tpu.memory_space<vmem>>, vector<16xf32>,
      %add3A_521 = arith.addf %add3A_515, %get3A_520 : vector<16xf32>
      %add3A_522 = arith.constant 14 : i32
      %add3A_523 = arith.addi %mul3A_439, %add3A_522 : i32
      %get3A_524 = arith.index_cast %add3A_523 : i32 to index
      %get3A_525 = arith.constant 0 : index
      %get3A_526 = tpu.vector_load %arg7[%get3A_524, %get3A_525] {strides = array<i32>} : memref<640x64xf32, #tpu.memory_space<vmem>>, vector<16xf32>,
      %add3A_527 = arith.addf %add3A_521, %get3A_526 : vector<16xf32>
      %add3A_528 = arith.constant 15 : i32
      %add3A_529 = arith.addi %mul3A_439, %add3A_528 : i32
      %get3A_530 = arith.index_cast %add3A_529 : i32 to index
      %get3A_531 = arith.constant 0 : index
      %get3A_532 = tpu.vector_load %arg7[%get3A_530, %get3A_531] {strides = array<i32>} : memref<640x64xf32, #tpu.memory_space<vmem>>, vector<16xf32>,
      %add3A_533 = arith.addf %add3A_527, %get3A_532 : vector<16xf32>
      %add3A_534 = arith.constant 16 : i32
      %add3A_535 = arith.addi %mul3A_439, %add3A_534 : i32
      %get3A_536 = arith.index_cast %add3A_535 : i32 to index
      %get3A_537 = arith.constant 0 : index
      %get3A_538 = tpu.vector_load %arg7[%get3A_536, %get3A_537] {strides = array<i32>} : memref<640x64xf32, #tpu.memory_space<vmem>>, vector<16xf32>,
      %add3A_539 = arith.addf %add3A_533, %get3A_538 : vector<16xf32>
      %add3A_540 = arith.constant 17 : i32
      %add3A_541 = arith.addi %mul3A_439, %add3A_540 : i32
      %get3A_542 = arith.index_cast %add3A_541 : i32 to index
      %get3A_543 = arith.constant 0 : index
      %get3A_544 = tpu.vector_load %arg7[%get3A_542, %get3A_543] {strides = array<i32>} : memref<640x64xf32, #tpu.memory_space<vmem>>, vector<16xf32>,
      %add3A_545 = arith.addf %add3A_539, %get3A_544 : vector<16xf32>
      %add3A_546 = arith.constant 18 : i32
      %add3A_547 = arith.addi %mul3A_439, %add3A_546 : i32
      %get3A_548 = arith.index_cast %add3A_547 : i32 to index
      %get3A_549 = arith.constant 0 : index
      %get3A_550 = tpu.vector_load %arg7[%get3A_548, %get3A_549] {strides = array<i32>} : memref<640x64xf32, #tpu.memory_space<vmem>>, vector<16xf32>,
      %add3A_551 = arith.addf %add3A_545, %get3A_550 : vector<16xf32>
      %add3A_552 = arith.constant 19 : i32
      %add3A_553 = arith.addi %mul3A_439, %add3A_552 : i32
      %get3A_554 = arith.index_cast %add3A_553 : i32 to index
      %get3A_555 = arith.constant 0 : index
      %get3A_556 = tpu.vector_load %arg7[%get3A_554, %get3A_555] {strides = array<i32>} : memref<640x64xf32, #tpu.memory_space<vmem>>, vector<16xf32>,
      %add3A_557 = arith.addf %add3A_551, %get3A_556 : vector<16xf32>
      %get3A_558 = arith.index_cast %add3A_441 : i32 to index
      %get3A_559 = arith.constant 0 : index
      %get3A_560 = tpu.vector_load %arg8[%get3A_558, %get3A_559] {strides = array<i32>} : memref<128x64xf32, #tpu.memory_space<vmem>>, vector<16xf32>,
      %mul3A_561 = arith.mulf %add3A_557, %get3A_560 : vector<16xf32>
      %get3A_562 = arith.index_cast %mul3A_439 : i32 to index
      %get3A_563 = arith.constant 16 : index
      %get3A_564 = tpu.vector_load %arg7[%get3A_562, %get3A_563] {strides = array<i32>} : memref<640x64xf32, #tpu.memory_space<vmem>>, vector<16xf32>,
      %add3A_565 = arith.constant 1 : i32
      %add3A_566 = arith.addi %mul3A_439, %add3A_565 : i32
      %get3A_567 = arith.index_cast %add3A_566 : i32 to index
      %get3A_568 = arith.constant 16 : index
      %get3A_569 = tpu.vector_load %arg7[%get3A_567, %get3A_568] {strides = array<i32>} : memref<640x64xf32, #tpu.memory_space<vmem>>, vector<16xf32>,
      %add3A_570 = arith.addf %get3A_564, %get3A_569 : vector<16xf32>
      %add3A_571 = arith.constant 2 : i32
      %add3A_572 = arith.addi %mul3A_439, %add3A_571 : i32
      %get3A_573 = arith.index_cast %add3A_572 : i32 to index
      %get3A_574 = arith.constant 16 : index
      %get3A_575 = tpu.vector_load %arg7[%get3A_573, %get3A_574] {strides = array<i32>} : memref<640x64xf32, #tpu.memory_space<vmem>>, vector<16xf32>,
      %add3A_576 = arith.addf %add3A_570, %get3A_575 : vector<16xf32>
      %add3A_577 = arith.constant 3 : i32
      %add3A_578 = arith.addi %mul3A_439, %add3A_577 : i32
      %get3A_579 = arith.index_cast %add3A_578 : i32 to index
      %get3A_580 = arith.constant 16 : index
      %get3A_581 = tpu.vector_load %arg7[%get3A_579, %get3A_580] {strides = array<i32>} : memref<640x64xf32, #tpu.memory_space<vmem>>, vector<16xf32>,
      %add3A_582 = arith.addf %add3A_576, %get3A_581 : vector<16xf32>
      %add3A_583 = arith.constant 4 : i32
      %add3A_584 = arith.addi %mul3A_439, %add3A_583 : i32
      %get3A_585 = arith.index_cast %add3A_584 : i32 to index
      %get3A_586 = arith.constant 16 : index
      %get3A_587 = tpu.vector_load %arg7[%get3A_585, %get3A_586] {strides = array<i32>} : memref<640x64xf32, #tpu.memory_space<vmem>>, vector<16xf32>,
      %add3A_588 = arith.addf %add3A_582, %get3A_587 : vector<16xf32>
      %add3A_589 = arith.constant 5 : i32
      %add3A_590 = arith.addi %mul3A_439, %add3A_589 : i32
      %get3A_591 = arith.index_cast %add3A_590 : i32 to index
      %get3A_592 = arith.constant 16 : index
      %get3A_593 = tpu.vector_load %arg7[%get3A_591, %get3A_592] {strides = array<i32>} : memref<640x64xf32, #tpu.memory_space<vmem>>, vector<16xf32>,
      %add3A_594 = arith.addf %add3A_588, %get3A_593 : vector<16xf32>
      %add3A_595 = arith.constant 6 : i32
      %add3A_596 = arith.addi %mul3A_439, %add3A_595 : i32
      %get3A_597 = arith.index_cast %add3A_596 : i32 to index
      %get3A_598 = arith.constant 16 : index
      %get3A_599 = tpu.vector_load %arg7[%get3A_597, %get3A_598] {strides = array<i32>} : memref<640x64xf32, #tpu.memory_space<vmem>>, vector<16xf32>,
      %add3A_600 = arith.addf %add3A_594, %get3A_599 : vector<16xf32>
      %add3A_601 = arith.constant 7 : i32
      %add3A_602 = arith.addi %mul3A_439, %add3A_601 : i32
      %get3A_603 = arith.index_cast %add3A_602 : i32 to index
      %get3A_604 = arith.constant 16 : index
      %get3A_605 = tpu.vector_load %arg7[%get3A_603, %get3A_604] {strides = array<i32>} : memref<640x64xf32, #tpu.memory_space<vmem>>, vector<16xf32>,
      %add3A_606 = arith.addf %add3A_600, %get3A_605 : vector<16xf32>
      %add3A_607 = arith.constant 8 : i32
      %add3A_608 = arith.addi %mul3A_439, %add3A_607 : i32
      %get3A_609 = arith.index_cast %add3A_608 : i32 to index
      %get3A_610 = arith.constant 16 : index
      %get3A_611 = tpu.vector_load %arg7[%get3A_609, %get3A_610] {strides = array<i32>} : memref<640x64xf32, #tpu.memory_space<vmem>>, vector<16xf32>,
      %add3A_612 = arith.addf %add3A_606, %get3A_611 : vector<16xf32>
      %add3A_613 = arith.constant 9 : i32
      %add3A_614 = arith.addi %mul3A_439, %add3A_613 : i32
      %get3A_615 = arith.index_cast %add3A_614 : i32 to index
      %get3A_616 = arith.constant 16 : index
      %get3A_617 = tpu.vector_load %arg7[%get3A_615, %get3A_616] {strides = array<i32>} : memref<640x64xf32, #tpu.memory_space<vmem>>, vector<16xf32>,
      %add3A_618 = arith.addf %add3A_612, %get3A_617 : vector<16xf32>
      %add3A_619 = arith.constant 10 : i32
      %add3A_620 = arith.addi %mul3A_439, %add3A_619 : i32
      %get3A_621 = arith.index_cast %add3A_620 : i32 to index
      %get3A_622 = arith.constant 16 : index
      %get3A_623 = tpu.vector_load %arg7[%get3A_621, %get3A_622] {strides = array<i32>} : memref<640x64xf32, #tpu.memory_space<vmem>>, vector<16xf32>,
      %add3A_624 = arith.addf %add3A_618, %get3A_623 : vector<16xf32>
      %add3A_625 = arith.constant 11 : i32
      %add3A_626 = arith.addi %mul3A_439, %add3A_625 : i32
      %get3A_627 = arith.index_cast %add3A_626 : i32 to index
      %get3A_628 = arith.constant 16 : index
      %get3A_629 = tpu.vector_load %arg7[%get3A_627, %get3A_628] {strides = array<i32>} : memref<640x64xf32, #tpu.memory_space<vmem>>, vector<16xf32>,
      %add3A_630 = arith.addf %add3A_624, %get3A_629 : vector<16xf32>
      %add3A_631 = arith.constant 12 : i32
      %add3A_632 = arith.addi %mul3A_439, %add3A_631 : i32
      %get3A_633 = arith.index_cast %add3A_632 : i32 to index
      %get3A_634 = arith.constant 16 : index
      %get3A_635 = tpu.vector_load %arg7[%get3A_633, %get3A_634] {strides = array<i32>} : memref<640x64xf32, #tpu.memory_space<vmem>>, vector<16xf32>,
      %add3A_636 = arith.addf %add3A_630, %get3A_635 : vector<16xf32>
      %add3A_637 = arith.constant 13 : i32
      %add3A_638 = arith.addi %mul3A_439, %add3A_637 : i32
      %get3A_639 = arith.index_cast %add3A_638 : i32 to index
      %get3A_640 = arith.constant 16 : index
      %get3A_641 = tpu.vector_load %arg7[%get3A_639, %get3A_640] {strides = array<i32>} : memref<640x64xf32, #tpu.memory_space<vmem>>, vector<16xf32>,
      %add3A_642 = arith.addf %add3A_636, %get3A_641 : vector<16xf32>
      %add3A_643 = arith.constant 14 : i32
      %add3A_644 = arith.addi %mul3A_439, %add3A_643 : i32
      %get3A_645 = arith.index_cast %add3A_644 : i32 to index
      %get3A_646 = arith.constant 16 : index
      %get3A_647 = tpu.vector_load %arg7[%get3A_645, %get3A_646] {strides = array<i32>} : memref<640x64xf32, #tpu.memory_space<vmem>>, vector<16xf32>,
      %add3A_648 = arith.addf %add3A_642, %get3A_647 : vector<16xf32>
      %add3A_649 = arith.constant 15 : i32
      %add3A_650 = arith.addi %mul3A_439, %add3A_649 : i32
      %get3A_651 = arith.index_cast %add3A_650 : i32 to index
      %get3A_652 = arith.constant 16 : index
      %get3A_653 = tpu.vector_load %arg7[%get3A_651, %get3A_652] {strides = array<i32>} : memref<640x64xf32, #tpu.memory_space<vmem>>, vector<16xf32>,
      %add3A_654 = arith.addf %add3A_648, %get3A_653 : vector<16xf32>
      %add3A_655 = arith.constant 16 : i32
      %add3A_656 = arith.addi %mul3A_439, %add3A_655 : i32
      %get3A_657 = arith.index_cast %add3A_656 : i32 to index
      %get3A_658 = arith.constant 16 : index
      %get3A_659 = tpu.vector_load %arg7[%get3A_657, %get3A_658] {strides = array<i32>} : memref<640x64xf32, #tpu.memory_space<vmem>>, vector<16xf32>,
      %add3A_660 = arith.addf %add3A_654, %get3A_659 : vector<16xf32>
      %add3A_661 = arith.constant 17 : i32
      %add3A_662 = arith.addi %mul3A_439, %add3A_661 : i32
      %get3A_663 = arith.index_cast %add3A_662 : i32 to index
      %get3A_664 = arith.constant 16 : index
      %get3A_665 = tpu.vector_load %arg7[%get3A_663, %get3A_664] {strides = array<i32>} : memref<640x64xf32, #tpu.memory_space<vmem>>, vector<16xf32>,
      %add3A_666 = arith.addf %add3A_660, %get3A_665 : vector<16xf32>
      %add3A_667 = arith.constant 18 : i32
      %add3A_668 = arith.addi %mul3A_439, %add3A_667 : i32
      %get3A_669 = arith.index_cast %add3A_668 : i32 to index
      %get3A_670 = arith.constant 16 : index
      %get3A_671 = tpu.vector_load %arg7[%get3A_669, %get3A_670] {strides = array<i32>} : memref<640x64xf32, #tpu.memory_space<vmem>>, vector<16xf32>,
      %add3A_672 = arith.addf %add3A_666, %get3A_671 : vector<16xf32>
      %add3A_673 = arith.constant 19 : i32
      %add3A_674 = arith.addi %mul3A_439, %add3A_673 : i32
      %get3A_675 = arith.index_cast %add3A_674 : i32 to index
      %get3A_676 = arith.constant 16 : index
      %get3A_677 = tpu.vector_load %arg7[%get3A_675, %get3A_676] {strides = array<i32>} : memref<640x64xf32, #tpu.memory_space<vmem>>, vector<16xf32>,
      %add3A_678 = arith.addf %add3A_672, %get3A_677 : vector<16xf32>
      %get3A_679 = arith.index_cast %add3A_441 : i32 to index
      %get3A_680 = arith.constant 16 : index
      %get3A_681 = tpu.vector_load %arg8[%get3A_679, %get3A_680] {strides = array<i32>} : memref<128x64xf32, #tpu.memory_space<vmem>>, vector<16xf32>,
      %mul3A_682 = arith.mulf %add3A_678, %get3A_681 : vector<16xf32>
      %add3A_683 = arith.addf %mul3A_561, %mul3A_682 : vector<16xf32>
      %get3A_684 = arith.index_cast %mul3A_439 : i32 to index
      %get3A_685 = arith.constant 32 : index
      %get3A_686 = tpu.vector_load %arg7[%get3A_684, %get3A_685] {strides = array<i32>} : memref<640x64xf32, #tpu.memory_space<vmem>>, vector<16xf32>,
      %add3A_687 = arith.constant 1 : i32
      %add3A_688 = arith.addi %mul3A_439, %add3A_687 : i32
      %get3A_689 = arith.index_cast %add3A_688 : i32 to index
      %get3A_690 = arith.constant 32 : index
      %get3A_691 = tpu.vector_load %arg7[%get3A_689, %get3A_690] {strides = array<i32>} : memref<640x64xf32, #tpu.memory_space<vmem>>, vector<16xf32>,
      %add3A_692 = arith.addf %get3A_686, %get3A_691 : vector<16xf32>
      %add3A_693 = arith.constant 2 : i32
      %add3A_694 = arith.addi %mul3A_439, %add3A_693 : i32
      %get3A_695 = arith.index_cast %add3A_694 : i32 to index
      %get3A_696 = arith.constant 32 : index
      %get3A_697 = tpu.vector_load %arg7[%get3A_695, %get3A_696] {strides = array<i32>} : memref<640x64xf32, #tpu.memory_space<vmem>>, vector<16xf32>,
      %add3A_698 = arith.addf %add3A_692, %get3A_697 : vector<16xf32>
      %add3A_699 = arith.constant 3 : i32
      %add3A_700 = arith.addi %mul3A_439, %add3A_699 : i32
      %get3A_701 = arith.index_cast %add3A_700 : i32 to index
      %get3A_702 = arith.constant 32 : index
      %get3A_703 = tpu.vector_load %arg7[%get3A_701, %get3A_702] {strides = array<i32>} : memref<640x64xf32, #tpu.memory_space<vmem>>, vector<16xf32>,
      %add3A_704 = arith.addf %add3A_698, %get3A_703 : vector<16xf32>
      %add3A_705 = arith.constant 4 : i32
      %add3A_706 = arith.addi %mul3A_439, %add3A_705 : i32
      %get3A_707 = arith.index_cast %add3A_706 : i32 to index
      %get3A_708 = arith.constant 32 : index
      %get3A_709 = tpu.vector_load %arg7[%get3A_707, %get3A_708] {strides = array<i32>} : memref<640x64xf32, #tpu.memory_space<vmem>>, vector<16xf32>,
      %add3A_710 = arith.addf %add3A_704, %get3A_709 : vector<16xf32>
      %add3A_711 = arith.constant 5 : i32
      %add3A_712 = arith.addi %mul3A_439, %add3A_711 : i32
      %get3A_713 = arith.index_cast %add3A_712 : i32 to index
      %get3A_714 = arith.constant 32 : index
      %get3A_715 = tpu.vector_load %arg7[%get3A_713, %get3A_714] {strides = array<i32>} : memref<640x64xf32, #tpu.memory_space<vmem>>, vector<16xf32>,
      %add3A_716 = arith.addf %add3A_710, %get3A_715 : vector<16xf32>
      %add3A_717 = arith.constant 6 : i32
      %add3A_718 = arith.addi %mul3A_439, %add3A_717 : i32
      %get3A_719 = arith.index_cast %add3A_718 : i32 to index
      %get3A_720 = arith.constant 32 : index
      %get3A_721 = tpu.vector_load %arg7[%get3A_719, %get3A_720] {strides = array<i32>} : memref<640x64xf32, #tpu.memory_space<vmem>>, vector<16xf32>,
      %add3A_722 = arith.addf %add3A_716, %get3A_721 : vector<16xf32>
      %add3A_723 = arith.constant 7 : i32
      %add3A_724 = arith.addi %mul3A_439, %add3A_723 : i32
      %get3A_725 = arith.index_cast %add3A_724 : i32 to index
      %get3A_726 = arith.constant 32 : index
      %get3A_727 = tpu.vector_load %arg7[%get3A_725, %get3A_726] {strides = array<i32>} : memref<640x64xf32, #tpu.memory_space<vmem>>, vector<16xf32>,
      %add3A_728 = arith.addf %add3A_722, %get3A_727 : vector<16xf32>
      %add3A_729 = arith.constant 8 : i32
      %add3A_730 = arith.addi %mul3A_439, %add3A_729 : i32
      %get3A_731 = arith.index_cast %add3A_730 : i32 to index
      %get3A_732 = arith.constant 32 : index
      %get3A_733 = tpu.vector_load %arg7[%get3A_731, %get3A_732] {strides = array<i32>} : memref<640x64xf32, #tpu.memory_space<vmem>>, vector<16xf32>,
      %add3A_734 = arith.addf %add3A_728, %get3A_733 : vector<16xf32>
      %add3A_735 = arith.constant 9 : i32
      %add3A_736 = arith.addi %mul3A_439, %add3A_735 : i32
      %get3A_737 = arith.index_cast %add3A_736 : i32 to index
      %get3A_738 = arith.constant 32 : index
      %get3A_739 = tpu.vector_load %arg7[%get3A_737, %get3A_738] {strides = array<i32>} : memref<640x64xf32, #tpu.memory_space<vmem>>, vector<16xf32>,
      %add3A_740 = arith.addf %add3A_734, %get3A_739 : vector<16xf32>
      %add3A_741 = arith.constant 10 : i32
      %add3A_742 = arith.addi %mul3A_439, %add3A_741 : i32
      %get3A_743 = arith.index_cast %add3A_742 : i32 to index
      %get3A_744 = arith.constant 32 : index
      %get3A_745 = tpu.vector_load %arg7[%get3A_743, %get3A_744] {strides = array<i32>} : memref<640x64xf32, #tpu.memory_space<vmem>>, vector<16xf32>,
      %add3A_746 = arith.addf %add3A_740, %get3A_745 : vector<16xf32>
      %add3A_747 = arith.constant 11 : i32
      %add3A_748 = arith.addi %mul3A_439, %add3A_747 : i32
      %get3A_749 = arith.index_cast %add3A_748 : i32 to index
      %get3A_750 = arith.constant 32 : index
      %get3A_751 = tpu.vector_load %arg7[%get3A_749, %get3A_750] {strides = array<i32>} : memref<640x64xf32, #tpu.memory_space<vmem>>, vector<16xf32>,
      %add3A_752 = arith.addf %add3A_746, %get3A_751 : vector<16xf32>
      %add3A_753 = arith.constant 12 : i32
      %add3A_754 = arith.addi %mul3A_439, %add3A_753 : i32
      %get3A_755 = arith.index_cast %add3A_754 : i32 to index
      %get3A_756 = arith.constant 32 : index
      %get3A_757 = tpu.vector_load %arg7[%get3A_755, %get3A_756] {strides = array<i32>} : memref<640x64xf32, #tpu.memory_space<vmem>>, vector<16xf32>,
      %add3A_758 = arith.addf %add3A_752, %get3A_757 : vector<16xf32>
      %add3A_759 = arith.constant 13 : i32
      %add3A_760 = arith.addi %mul3A_439, %add3A_759 : i32
      %get3A_761 = arith.index_cast %add3A_760 : i32 to index
      %get3A_762 = arith.constant 32 : index
      %get3A_763 = tpu.vector_load %arg7[%get3A_761, %get3A_762] {strides = array<i32>} : memref<640x64xf32, #tpu.memory_space<vmem>>, vector<16xf32>,
      %add3A_764 = arith.addf %add3A_758, %get3A_763 : vector<16xf32>
      %add3A_765 = arith.constant 14 : i32
      %add3A_766 = arith.addi %mul3A_439, %add3A_765 : i32
      %get3A_767 = arith.index_cast %add3A_766 : i32 to index
      %get3A_768 = arith.constant 32 : index
      %get3A_769 = tpu.vector_load %arg7[%get3A_767, %get3A_768] {strides = array<i32>} : memref<640x64xf32, #tpu.memory_space<vmem>>, vector<16xf32>,
      %add3A_770 = arith.addf %add3A_764, %get3A_769 : vector<16xf32>
      %add3A_771 = arith.constant 15 : i32
      %add3A_772 = arith.addi %mul3A_439, %add3A_771 : i32
      %get3A_773 = arith.index_cast %add3A_772 : i32 to index
      %get3A_774 = arith.constant 32 : index
      %get3A_775 = tpu.vector_load %arg7[%get3A_773, %get3A_774] {strides = array<i32>} : memref<640x64xf32, #tpu.memory_space<vmem>>, vector<16xf32>,
      %add3A_776 = arith.addf %add3A_770, %get3A_775 : vector<16xf32>
      %add3A_777 = arith.constant 16 : i32
      %add3A_778 = arith.addi %mul3A_439, %add3A_777 : i32
      %get3A_779 = arith.index_cast %add3A_778 : i32 to index
      %get3A_780 = arith.constant 32 : index
      %get3A_781 = tpu.vector_load %arg7[%get3A_779, %get3A_780] {strides = array<i32>} : memref<640x64xf32, #tpu.memory_space<vmem>>, vector<16xf32>,
      %add3A_782 = arith.addf %add3A_776, %get3A_781 : vector<16xf32>
      %add3A_783 = arith.constant 17 : i32
      %add3A_784 = arith.addi %mul3A_439, %add3A_783 : i32
      %get3A_785 = arith.index_cast %add3A_784 : i32 to index
      %get3A_786 = arith.constant 32 : index
      %get3A_787 = tpu.vector_load %arg7[%get3A_785, %get3A_786] {strides = array<i32>} : memref<640x64xf32, #tpu.memory_space<vmem>>, vector<16xf32>,
      %add3A_788 = arith.addf %add3A_782, %get3A_787 : vector<16xf32>
      %add3A_789 = arith.constant 18 : i32
      %add3A_790 = arith.addi %mul3A_439, %add3A_789 : i32
      %get3A_791 = arith.index_cast %add3A_790 : i32 to index
      %get3A_792 = arith.constant 32 : index
      %get3A_793 = tpu.vector_load %arg7[%get3A_791, %get3A_792] {strides = array<i32>} : memref<640x64xf32, #tpu.memory_space<vmem>>, vector<16xf32>,
      %add3A_794 = arith.addf %add3A_788, %get3A_793 : vector<16xf32>
      %add3A_795 = arith.constant 19 : i32
      %add3A_796 = arith.addi %mul3A_439, %add3A_795 : i32
      %get3A_797 = arith.index_cast %add3A_796 : i32 to index
      %get3A_798 = arith.constant 32 : index
      %get3A_799 = tpu.vector_load %arg7[%get3A_797, %get3A_798] {strides = array<i32>} : memref<640x64xf32, #tpu.memory_space<vmem>>, vector<16xf32>,
      %add3A_800 = arith.addf %add3A_794, %get3A_799 : vector<16xf32>
      %get3A_801 = arith.index_cast %add3A_441 : i32 to index
      %get3A_802 = arith.constant 32 : index
      %get3A_803 = tpu.vector_load %arg8[%get3A_801, %get3A_802] {strides = array<i32>} : memref<128x64xf32, #tpu.memory_space<vmem>>, vector<16xf32>,
      %mul3A_804 = arith.mulf %add3A_800, %get3A_803 : vector<16xf32>
      %add3A_805 = arith.addf %add3A_683, %mul3A_804 : vector<16xf32>
      %get3A_806 = arith.index_cast %mul3A_439 : i32 to index
      %get3A_807 = arith.constant 48 : index
      %get3A_808 = tpu.vector_load %arg7[%get3A_806, %get3A_807] {strides = array<i32>} : memref<640x64xf32, #tpu.memory_space<vmem>>, vector<16xf32>,
      %add3A_809 = arith.constant 1 : i32
      %add3A_810 = arith.addi %mul3A_439, %add3A_809 : i32
      %get3A_811 = arith.index_cast %add3A_810 : i32 to index
      %get3A_812 = arith.constant 48 : index
      %get3A_813 = tpu.vector_load %arg7[%get3A_811, %get3A_812] {strides = array<i32>} : memref<640x64xf32, #tpu.memory_space<vmem>>, vector<16xf32>,
      %add3A_814 = arith.addf %get3A_808, %get3A_813 : vector<16xf32>
      %add3A_815 = arith.constant 2 : i32
      %add3A_816 = arith.addi %mul3A_439, %add3A_815 : i32
      %get3A_817 = arith.index_cast %add3A_816 : i32 to index
      %get3A_818 = arith.constant 48 : index
      %get3A_819 = tpu.vector_load %arg7[%get3A_817, %get3A_818] {strides = array<i32>} : memref<640x64xf32, #tpu.memory_space<vmem>>, vector<16xf32>,
      %add3A_820 = arith.addf %add3A_814, %get3A_819 : vector<16xf32>
      %add3A_821 = arith.constant 3 : i32
      %add3A_822 = arith.addi %mul3A_439, %add3A_821 : i32
      %get3A_823 = arith.index_cast %add3A_822 : i32 to index
      %get3A_824 = arith.constant 48 : index
      %get3A_825 = tpu.vector_load %arg7[%get3A_823, %get3A_824] {strides = array<i32>} : memref<640x64xf32, #tpu.memory_space<vmem>>, vector<16xf32>,
      %add3A_826 = arith.addf %add3A_820, %get3A_825 : vector<16xf32>
      %add3A_827 = arith.constant 4 : i32
      %add3A_828 = arith.addi %mul3A_439, %add3A_827 : i32
      %get3A_829 = arith.index_cast %add3A_828 : i32 to index
      %get3A_830 = arith.constant 48 : index
      %get3A_831 = tpu.vector_load %arg7[%get3A_829, %get3A_830] {strides = array<i32>} : memref<640x64xf32, #tpu.memory_space<vmem>>, vector<16xf32>,
      %add3A_832 = arith.addf %add3A_826, %get3A_831 : vector<16xf32>
      %add3A_833 = arith.constant 5 : i32
      %add3A_834 = arith.addi %mul3A_439, %add3A_833 : i32
      %get3A_835 = arith.index_cast %add3A_834 : i32 to index
      %get3A_836 = arith.constant 48 : index
      %get3A_837 = tpu.vector_load %arg7[%get3A_835, %get3A_836] {strides = array<i32>} : memref<640x64xf32, #tpu.memory_space<vmem>>, vector<16xf32>,
      %add3A_838 = arith.addf %add3A_832, %get3A_837 : vector<16xf32>
      %add3A_839 = arith.constant 6 : i32
      %add3A_840 = arith.addi %mul3A_439, %add3A_839 : i32
      %get3A_841 = arith.index_cast %add3A_840 : i32 to index
      %get3A_842 = arith.constant 48 : index
      %get3A_843 = tpu.vector_load %arg7[%get3A_841, %get3A_842] {strides = array<i32>} : memref<640x64xf32, #tpu.memory_space<vmem>>, vector<16xf32>,
      %add3A_844 = arith.addf %add3A_838, %get3A_843 : vector<16xf32>
      %add3A_845 = arith.constant 7 : i32
      %add3A_846 = arith.addi %mul3A_439, %add3A_845 : i32
      %get3A_847 = arith.index_cast %add3A_846 : i32 to index
      %get3A_848 = arith.constant 48 : index
      %get3A_849 = tpu.vector_load %arg7[%get3A_847, %get3A_848] {strides = array<i32>} : memref<640x64xf32, #tpu.memory_space<vmem>>, vector<16xf32>,
      %add3A_850 = arith.addf %add3A_844, %get3A_849 : vector<16xf32>
      %add3A_851 = arith.constant 8 : i32
      %add3A_852 = arith.addi %mul3A_439, %add3A_851 : i32
      %get3A_853 = arith.index_cast %add3A_852 : i32 to index
      %get3A_854 = arith.constant 48 : index
      %get3A_855 = tpu.vector_load %arg7[%get3A_853, %get3A_854] {strides = array<i32>} : memref<640x64xf32, #tpu.memory_space<vmem>>, vector<16xf32>,
      %add3A_856 = arith.addf %add3A_850, %get3A_855 : vector<16xf32>
      %add3A_857 = arith.constant 9 : i32
      %add3A_858 = arith.addi %mul3A_439, %add3A_857 : i32
      %get3A_859 = arith.index_cast %add3A_858 : i32 to index
      %get3A_860 = arith.constant 48 : index
      %get3A_861 = tpu.vector_load %arg7[%get3A_859, %get3A_860] {strides = array<i32>} : memref<640x64xf32, #tpu.memory_space<vmem>>, vector<16xf32>,
      %add3A_862 = arith.addf %add3A_856, %get3A_861 : vector<16xf32>
      %add3A_863 = arith.constant 10 : i32
      %add3A_864 = arith.addi %mul3A_439, %add3A_863 : i32
      %get3A_865 = arith.index_cast %add3A_864 : i32 to index
      %get3A_866 = arith.constant 48 : index
      %get3A_867 = tpu.vector_load %arg7[%get3A_865, %get3A_866] {strides = array<i32>} : memref<640x64xf32, #tpu.memory_space<vmem>>, vector<16xf32>,
      %add3A_868 = arith.addf %add3A_862, %get3A_867 : vector<16xf32>
      %add3A_869 = arith.constant 11 : i32
      %add3A_870 = arith.addi %mul3A_439, %add3A_869 : i32
      %get3A_871 = arith.index_cast %add3A_870 : i32 to index
      %get3A_872 = arith.constant 48 : index
      %get3A_873 = tpu.vector_load %arg7[%get3A_871, %get3A_872] {strides = array<i32>} : memref<640x64xf32, #tpu.memory_space<vmem>>, vector<16xf32>,
      %add3A_874 = arith.addf %add3A_868, %get3A_873 : vector<16xf32>
      %add3A_875 = arith.constant 12 : i32
      %add3A_876 = arith.addi %mul3A_439, %add3A_875 : i32
      %get3A_877 = arith.index_cast %add3A_876 : i32 to index
      %get3A_878 = arith.constant 48 : index
      %get3A_879 = tpu.vector_load %arg7[%get3A_877, %get3A_878] {strides = array<i32>} : memref<640x64xf32, #tpu.memory_space<vmem>>, vector<16xf32>,
      %add3A_880 = arith.addf %add3A_874, %get3A_879 : vector<16xf32>
      %add3A_881 = arith.constant 13 : i32
      %add3A_882 = arith.addi %mul3A_439, %add3A_881 : i32
      %get3A_883 = arith.index_cast %add3A_882 : i32 to index
      %get3A_884 = arith.constant 48 : index
      %get3A_885 = tpu.vector_load %arg7[%get3A_883, %get3A_884] {strides = array<i32>} : memref<640x64xf32, #tpu.memory_space<vmem>>, vector<16xf32>,
      %add3A_886 = arith.addf %add3A_880, %get3A_885 : vector<16xf32>
      %add3A_887 = arith.constant 14 : i32
      %add3A_888 = arith.addi %mul3A_439, %add3A_887 : i32
      %get3A_889 = arith.index_cast %add3A_888 : i32 to index
      %get3A_890 = arith.constant 48 : index
      %get3A_891 = tpu.vector_load %arg7[%get3A_889, %get3A_890] {strides = array<i32>} : memref<640x64xf32, #tpu.memory_space<vmem>>, vector<16xf32>,
      %add3A_892 = arith.addf %add3A_886, %get3A_891 : vector<16xf32>
      %add3A_893 = arith.constant 15 : i32
      %add3A_894 = arith.addi %mul3A_439, %add3A_893 : i32
      %get3A_895 = arith.index_cast %add3A_894 : i32 to index
      %get3A_896 = arith.constant 48 : index
      %get3A_897 = tpu.vector_load %arg7[%get3A_895, %get3A_896] {strides = array<i32>} : memref<640x64xf32, #tpu.memory_space<vmem>>, vector<16xf32>,
      %add3A_898 = arith.addf %add3A_892, %get3A_897 : vector<16xf32>
      %add3A_899 = arith.constant 16 : i32
      %add3A_900 = arith.addi %mul3A_439, %add3A_899 : i32
      %get3A_901 = arith.index_cast %add3A_900 : i32 to index
      %get3A_902 = arith.constant 48 : index
      %get3A_903 = tpu.vector_load %arg7[%get3A_901, %get3A_902] {strides = array<i32>} : memref<640x64xf32, #tpu.memory_space<vmem>>, vector<16xf32>,
      %add3A_904 = arith.addf %add3A_898, %get3A_903 : vector<16xf32>
      %add3A_905 = arith.constant 17 : i32
      %add3A_906 = arith.addi %mul3A_439, %add3A_905 : i32
      %get3A_907 = arith.index_cast %add3A_906 : i32 to index
      %get3A_908 = arith.constant 48 : index
      %get3A_909 = tpu.vector_load %arg7[%get3A_907, %get3A_908] {strides = array<i32>} : memref<640x64xf32, #tpu.memory_space<vmem>>, vector<16xf32>,
      %add3A_910 = arith.addf %add3A_904, %get3A_909 : vector<16xf32>
      %add3A_911 = arith.constant 18 : i32
      %add3A_912 = arith.addi %mul3A_439, %add3A_911 : i32
      %get3A_913 = arith.index_cast %add3A_912 : i32 to index
      %get3A_914 = arith.constant 48 : index
      %get3A_915 = tpu.vector_load %arg7[%get3A_913, %get3A_914] {strides = array<i32>} : memref<640x64xf32, #tpu.memory_space<vmem>>, vector<16xf32>,
      %add3A_916 = arith.addf %add3A_910, %get3A_915 : vector<16xf32>
      %add3A_917 = arith.constant 19 : i32
      %add3A_918 = arith.addi %mul3A_439, %add3A_917 : i32
      %get3A_919 = arith.index_cast %add3A_918 : i32 to index
      %get3A_920 = arith.constant 48 : index
      %get3A_921 = tpu.vector_load %arg7[%get3A_919, %get3A_920] {strides = array<i32>} : memref<640x64xf32, #tpu.memory_space<vmem>>, vector<16xf32>,
      %add3A_922 = arith.addf %add3A_916, %get3A_921 : vector<16xf32>
      %get3A_923 = arith.index_cast %add3A_441 : i32 to index
      %get3A_924 = arith.constant 48 : index
      %get3A_925 = tpu.vector_load %arg8[%get3A_923, %get3A_924] {strides = array<i32>} : memref<128x64xf32, #tpu.memory_space<vmem>>, vector<16xf32>,
      %mul3A_926 = arith.mulf %add3A_922, %get3A_925 : vector<16xf32>
      %add3A_927 = arith.addf %add3A_805, %mul3A_926 : vector<16xf32>
      %reduce_sum3A = arith.constant true
      %reduce_sum3A_928 = vector.broadcast %reduce_sum3A : i1 to vector<16xi1>
      %reduce_sum3A_929 = tpu.scan <sum>, %add3A_927 masked %reduce_sum3A_928 : vector<16xf32>, vector<16xi1> -> vector<16xf32>
      %reduce_sum3A_930 = vector.extract %reduce_sum3A_929[15] : f32 from vector<16xf32>
      %mul3A_931 = arith.mulf %reduce_sum3A_930, %scan3A : f32
      %and3A = arith.constant 15 : i32
      %and3A_932 = arith.andi %scan3A_436, %and3A : i32
      %eq3A = vector.broadcast %and3A_932 : i32 to vector<16xi32>
      %eq3A_933 = arith.cmpi eq, %iota3A, %eq3A : vector<16xi32>
      %broadcast_in_dim3A_934 = vector.broadcast %mul3A_931 : f32 to vector<16xf32>
      %select_n3A = arith.select %eq3A_933, %broadcast_in_dim3A_934, %scan3A_437 : vector<16xi1>, vector<16xf32>
      %and3A_935 = arith.constant 15 : i32
      %and3A_936 = arith.andi %scan3A_436, %and3A_935 : i32
      %eq3A_937 = arith.constant 15 : i32
      %eq3A_938 = arith.cmpi eq, %and3A_936, %eq3A_937 : i32
      %convert_element_type3A = arith.extui %eq3A_938 : i1 to i32
      %cond3A = arith.constant 0 : i32
      %cond3A_939 = arith.cmpi ne, %convert_element_type3A, %cond3A : i32
      scf.if %cond3A_939 {
        %and3A_940 = arith.constant -16 : i32
        %and3A_941 = arith.andi %scan3A_436, %and3A_940 : i32
        %add3A_942 = arith.constant 0 : i32
        %add3A_943 = arith.addi %add3A_942, %and3A_941 : i32
        %swap3A = arith.index_cast %add3A_943 : i32 to index
        %swap3A_944 = tpu.vector_load %arg9[%swap3A] {strides = array<i32>} : memref<128xf32, #tpu.memory_space<vmem>>, vector<16xf32>,
        tpu.vector_store %arg9[%swap3A], %select_n3A {strides = array<i32>} : memref<128xf32, #tpu.memory_space<vmem>>, vector<16xf32>,
      } else {
      }
      scf.yield %select_n3A : vector<16xf32>
    }
    %scan3A_105 = arith.constant 32 : i32
    %run_scoped3A_106 = arith.constant 1 : i32
    "tpu.region"() ({
      %run_scoped3A_436 = tpu.sem_alloc : memref<!tpu.dma_semaphore, #tpu.memory_space<semaphore_mem>>
      %dma_start3A_437 = arith.constant 0 : i32
      %dma_start3A_438 = arith.constant 0 : i32
      %dma_start3A_439 = tpu.memref_slice %arg3[%add3A, %run_scoped3A_106, %dma_start3A_437, %dma_start3A_438] : memref<32x4x5x128xi32, #tpu.memory_space<hbm>> -> memref<1x1x5x128xi32, #tpu.memory_space<hbm>>
      %dma_start3A_440 = tpu.memref_squeeze %dma_start3A_439 : memref<1x1x5x128xi32, #tpu.memory_space<hbm>> -> memref<5x128xi32, #tpu.memory_space<hbm>>
      %dma_start3A_441 = arith.constant 0 : i32
      %dma_start3A_442 = arith.constant 0 : i32
      %dma_start3A_443 = tpu.memref_slice %arg3[%add3A, %run_scoped3A_106, %dma_start3A_441, %dma_start3A_442] : memref<32x4x5x128xi32, #tpu.memory_space<hbm>> -> memref<1x1x5x128xi32, #tpu.memory_space<hbm>>
      %dma_start3A_444 = tpu.memref_squeeze %dma_start3A_443 : memref<1x1x5x128xi32, #tpu.memory_space<hbm>> -> memref<5x128xi32, #tpu.memory_space<hbm>>
      tpu.enqueue_dma source(%dma_start3A_444 : memref<5x128xi32, #tpu.memory_space<hbm>>) target(%arg6 : memref<5x128xi32, #tpu.memory_space<vmem>>) target_semaphore(%run_scoped3A_436 : memref<!tpu.dma_semaphore, #tpu.memory_space<semaphore_mem>>)
      %dma_wait3A_445 = arith.constant 0 : i32
      %dma_wait3A_446 = arith.constant 0 : i32
      %dma_wait3A_447 = tpu.memref_slice %arg3[%add3A, %run_scoped3A_106, %dma_wait3A_445, %dma_wait3A_446] : memref<32x4x5x128xi32, #tpu.memory_space<hbm>> -> memref<1x1x5x128xi32, #tpu.memory_space<hbm>>
      %dma_wait3A_448 = tpu.memref_squeeze %dma_wait3A_447 : memref<1x1x5x128xi32, #tpu.memory_space<hbm>> -> memref<5x128xi32, #tpu.memory_space<hbm>>
      %dma_wait3A_449 = arith.constant 0 : i32
      %dma_wait3A_450 = arith.constant 0 : i32
      %dma_wait3A_451 = tpu.memref_slice %arg3[%add3A, %run_scoped3A_106, %dma_wait3A_449, %dma_wait3A_450] : memref<32x4x5x128xi32, #tpu.memory_space<hbm>> -> memref<1x1x5x128xi32, #tpu.memory_space<hbm>>
      %dma_wait3A_452 = tpu.memref_squeeze %dma_wait3A_451 : memref<1x1x5x128xi32, #tpu.memory_space<hbm>> -> memref<5x128xi32, #tpu.memory_space<hbm>>
      tpu.wait_dma2 semaphore(%run_scoped3A_436 : memref<!tpu.dma_semaphore, #tpu.memory_space<semaphore_mem>>) src(%dma_wait3A_452 : memref<5x128xi32, #tpu.memory_space<hbm>>) dst(%arg6 : memref<5x128xi32, #tpu.memory_space<vmem>>)
      tpu.yield
    }) : () -> ()
    %dma_start3A_107 = arith.constant 0 : i32
    %dma_start3A_108 = arith.constant 0 : i32
    %dma_start3A_109 = arith.constant 0 : i32
    %dma_start3A_110 = tpu.memref_slice %arg7[%dma_start3A_108, %dma_start3A_109] : memref<640x64xf32, #tpu.memory_space<vmem>> -> memref<128x64xf32, #tpu.memory_space<vmem>>
    %dma_start3A_111 = arith.constant 0 : i32
    %dma_start3A_112 = tpu.memref_slice %arg6[%dma_start3A_107, %dma_start3A_111] : memref<5x128xi32, #tpu.memory_space<vmem>> -> memref<1x128xi32, #tpu.memory_space<vmem>>
    %dma_start3A_113 = tpu.memref_squeeze %dma_start3A_112 : memref<1x128xi32, #tpu.memory_space<vmem>> -> memref<128xi32, #tpu.memory_space<vmem>>
    %dma_start3A_114 = arith.constant 0 : i32
    %dma_start3A_115 = arith.constant 0 : i32
    %dma_start3A_116 = tpu.memref_slice %arg2[%dma_start3A_114, %dma_start3A_115] : memref<1000000x64xf32, #tpu.memory_space<hbm>> -> memref<1000000x64xf32, #tpu.memory_space<hbm>>
    tpu.enqueue_indirect_dma source(%dma_start3A_116 : memref<1000000x64xf32, #tpu.memory_space<hbm>>) target(%dma_start3A_110 : memref<128x64xf32, #tpu.memory_space<vmem>>) offsets(%dma_start3A_113 : memref<128xi32, #tpu.memory_space<vmem>>) semaphore(%arg10 : memref<!tpu.dma_semaphore, #tpu.memory_space<semaphore_mem>>)
    %dma_start3A_117 = arith.constant 1 : i32
    %dma_start3A_118 = arith.constant 128 : i32
    %dma_start3A_119 = arith.constant 0 : i32
    %dma_start3A_120 = tpu.memref_slice %arg7[%dma_start3A_118, %dma_start3A_119] : memref<640x64xf32, #tpu.memory_space<vmem>> -> memref<128x64xf32, #tpu.memory_space<vmem>>
    %dma_start3A_121 = arith.constant 0 : i32
    %dma_start3A_122 = tpu.memref_slice %arg6[%dma_start3A_117, %dma_start3A_121] : memref<5x128xi32, #tpu.memory_space<vmem>> -> memref<1x128xi32, #tpu.memory_space<vmem>>
    %dma_start3A_123 = tpu.memref_squeeze %dma_start3A_122 : memref<1x128xi32, #tpu.memory_space<vmem>> -> memref<128xi32, #tpu.memory_space<vmem>>
    %dma_start3A_124 = arith.constant 0 : i32
    %dma_start3A_125 = arith.constant 0 : i32
    %dma_start3A_126 = tpu.memref_slice %arg2[%dma_start3A_124, %dma_start3A_125] : memref<1000000x64xf32, #tpu.memory_space<hbm>> -> memref<1000000x64xf32, #tpu.memory_space<hbm>>
    tpu.enqueue_indirect_dma source(%dma_start3A_126 : memref<1000000x64xf32, #tpu.memory_space<hbm>>) target(%dma_start3A_120 : memref<128x64xf32, #tpu.memory_space<vmem>>) offsets(%dma_start3A_123 : memref<128xi32, #tpu.memory_space<vmem>>) semaphore(%arg10 : memref<!tpu.dma_semaphore, #tpu.memory_space<semaphore_mem>>)
    %dma_start3A_127 = arith.constant 2 : i32
    %dma_start3A_128 = arith.constant 256 : i32
    %dma_start3A_129 = arith.constant 0 : i32
    %dma_start3A_130 = tpu.memref_slice %arg7[%dma_start3A_128, %dma_start3A_129] : memref<640x64xf32, #tpu.memory_space<vmem>> -> memref<128x64xf32, #tpu.memory_space<vmem>>
    %dma_start3A_131 = arith.constant 0 : i32
    %dma_start3A_132 = tpu.memref_slice %arg6[%dma_start3A_127, %dma_start3A_131] : memref<5x128xi32, #tpu.memory_space<vmem>> -> memref<1x128xi32, #tpu.memory_space<vmem>>
    %dma_start3A_133 = tpu.memref_squeeze %dma_start3A_132 : memref<1x128xi32, #tpu.memory_space<vmem>> -> memref<128xi32, #tpu.memory_space<vmem>>
    %dma_start3A_134 = arith.constant 0 : i32
    %dma_start3A_135 = arith.constant 0 : i32
    %dma_start3A_136 = tpu.memref_slice %arg2[%dma_start3A_134, %dma_start3A_135] : memref<1000000x64xf32, #tpu.memory_space<hbm>> -> memref<1000000x64xf32, #tpu.memory_space<hbm>>
    tpu.enqueue_indirect_dma source(%dma_start3A_136 : memref<1000000x64xf32, #tpu.memory_space<hbm>>) target(%dma_start3A_130 : memref<128x64xf32, #tpu.memory_space<vmem>>) offsets(%dma_start3A_133 : memref<128xi32, #tpu.memory_space<vmem>>) semaphore(%arg10 : memref<!tpu.dma_semaphore, #tpu.memory_space<semaphore_mem>>)
    %dma_start3A_137 = arith.constant 3 : i32
    %dma_start3A_138 = arith.constant 384 : i32
    %dma_start3A_139 = arith.constant 0 : i32
    %dma_start3A_140 = tpu.memref_slice %arg7[%dma_start3A_138, %dma_start3A_139] : memref<640x64xf32, #tpu.memory_space<vmem>> -> memref<128x64xf32, #tpu.memory_space<vmem>>
    %dma_start3A_141 = arith.constant 0 : i32
    %dma_start3A_142 = tpu.memref_slice %arg6[%dma_start3A_137, %dma_start3A_141] : memref<5x128xi32, #tpu.memory_space<vmem>> -> memref<1x128xi32, #tpu.memory_space<vmem>>
    %dma_start3A_143 = tpu.memref_squeeze %dma_start3A_142 : memref<1x128xi32, #tpu.memory_space<vmem>> -> memref<128xi32, #tpu.memory_space<vmem>>
    %dma_start3A_144 = arith.constant 0 : i32
    %dma_start3A_145 = arith.constant 0 : i32
    %dma_start3A_146 = tpu.memref_slice %arg2[%dma_start3A_144, %dma_start3A_145] : memref<1000000x64xf32, #tpu.memory_space<hbm>> -> memref<1000000x64xf32, #tpu.memory_space<hbm>>
    tpu.enqueue_indirect_dma source(%dma_start3A_146 : memref<1000000x64xf32, #tpu.memory_space<hbm>>) target(%dma_start3A_140 : memref<128x64xf32, #tpu.memory_space<vmem>>) offsets(%dma_start3A_143 : memref<128xi32, #tpu.memory_space<vmem>>) semaphore(%arg10 : memref<!tpu.dma_semaphore, #tpu.memory_space<semaphore_mem>>)
    %dma_start3A_147 = arith.constant 4 : i32
    %dma_start3A_148 = arith.constant 512 : i32
    %dma_start3A_149 = arith.constant 0 : i32
    %dma_start3A_150 = tpu.memref_slice %arg7[%dma_start3A_148, %dma_start3A_149] : memref<640x64xf32, #tpu.memory_space<vmem>> -> memref<128x64xf32, #tpu.memory_space<vmem>>
    %dma_start3A_151 = arith.constant 0 : i32
    %dma_start3A_152 = tpu.memref_slice %arg6[%dma_start3A_147, %dma_start3A_151] : memref<5x128xi32, #tpu.memory_space<vmem>> -> memref<1x128xi32, #tpu.memory_space<vmem>>
    %dma_start3A_153 = tpu.memref_squeeze %dma_start3A_152 : memref<1x128xi32, #tpu.memory_space<vmem>> -> memref<128xi32, #tpu.memory_space<vmem>>
    %dma_start3A_154 = arith.constant 0 : i32
    %dma_start3A_155 = arith.constant 0 : i32
    %dma_start3A_156 = tpu.memref_slice %arg2[%dma_start3A_154, %dma_start3A_155] : memref<1000000x64xf32, #tpu.memory_space<hbm>> -> memref<1000000x64xf32, #tpu.memory_space<hbm>>
    tpu.enqueue_indirect_dma source(%dma_start3A_156 : memref<1000000x64xf32, #tpu.memory_space<hbm>>) target(%dma_start3A_150 : memref<128x64xf32, #tpu.memory_space<vmem>>) offsets(%dma_start3A_153 : memref<128xi32, #tpu.memory_space<vmem>>) semaphore(%arg10 : memref<!tpu.dma_semaphore, #tpu.memory_space<semaphore_mem>>)
    %dma_wait3A_157 = arith.constant 0 : i32
    %dma_wait3A_158 = arith.constant 0 : i32
    %dma_wait3A_159 = arith.constant 0 : i32
    %dma_wait3A_160 = tpu.memref_slice %arg7[%dma_wait3A_158, %dma_wait3A_159] : memref<640x64xf32, #tpu.memory_space<vmem>> -> memref<128x64xf32, #tpu.memory_space<vmem>>
    %dma_wait3A_161 = arith.constant 0 : i32
    %dma_wait3A_162 = tpu.memref_slice %arg6[%dma_wait3A_157, %dma_wait3A_161] : memref<5x128xi32, #tpu.memory_space<vmem>> -> memref<1x128xi32, #tpu.memory_space<vmem>>
    %dma_wait3A_163 = tpu.memref_squeeze %dma_wait3A_162 : memref<1x128xi32, #tpu.memory_space<vmem>> -> memref<128xi32, #tpu.memory_space<vmem>>
    %dma_wait3A_164 = arith.constant 0 : i32
    %dma_wait3A_165 = arith.constant 0 : i32
    %dma_wait3A_166 = tpu.memref_slice %arg2[%dma_wait3A_164, %dma_wait3A_165] : memref<1000000x64xf32, #tpu.memory_space<hbm>> -> memref<1000000x64xf32, #tpu.memory_space<hbm>>
    tpu.wait_indirect_dma semaphore(%arg10 : memref<!tpu.dma_semaphore, #tpu.memory_space<semaphore_mem>>) src(%dma_wait3A_166 : memref<1000000x64xf32, #tpu.memory_space<hbm>>) dst(%dma_wait3A_160 : memref<128x64xf32, #tpu.memory_space<vmem>>)
    %dma_wait3A_167 = arith.constant 1 : i32
    %dma_wait3A_168 = arith.constant 128 : i32
    %dma_wait3A_169 = arith.constant 0 : i32
    %dma_wait3A_170 = tpu.memref_slice %arg7[%dma_wait3A_168, %dma_wait3A_169] : memref<640x64xf32, #tpu.memory_space<vmem>> -> memref<128x64xf32, #tpu.memory_space<vmem>>
    %dma_wait3A_171 = arith.constant 0 : i32
    %dma_wait3A_172 = tpu.memref_slice %arg6[%dma_wait3A_167, %dma_wait3A_171] : memref<5x128xi32, #tpu.memory_space<vmem>> -> memref<1x128xi32, #tpu.memory_space<vmem>>
    %dma_wait3A_173 = tpu.memref_squeeze %dma_wait3A_172 : memref<1x128xi32, #tpu.memory_space<vmem>> -> memref<128xi32, #tpu.memory_space<vmem>>
    %dma_wait3A_174 = arith.constant 0 : i32
    %dma_wait3A_175 = arith.constant 0 : i32
    %dma_wait3A_176 = tpu.memref_slice %arg2[%dma_wait3A_174, %dma_wait3A_175] : memref<1000000x64xf32, #tpu.memory_space<hbm>> -> memref<1000000x64xf32, #tpu.memory_space<hbm>>
    tpu.wait_indirect_dma semaphore(%arg10 : memref<!tpu.dma_semaphore, #tpu.memory_space<semaphore_mem>>) src(%dma_wait3A_176 : memref<1000000x64xf32, #tpu.memory_space<hbm>>) dst(%dma_wait3A_170 : memref<128x64xf32, #tpu.memory_space<vmem>>)
    %dma_wait3A_177 = arith.constant 2 : i32
    %dma_wait3A_178 = arith.constant 256 : i32
    %dma_wait3A_179 = arith.constant 0 : i32
    %dma_wait3A_180 = tpu.memref_slice %arg7[%dma_wait3A_178, %dma_wait3A_179] : memref<640x64xf32, #tpu.memory_space<vmem>> -> memref<128x64xf32, #tpu.memory_space<vmem>>
    %dma_wait3A_181 = arith.constant 0 : i32
    %dma_wait3A_182 = tpu.memref_slice %arg6[%dma_wait3A_177, %dma_wait3A_181] : memref<5x128xi32, #tpu.memory_space<vmem>> -> memref<1x128xi32, #tpu.memory_space<vmem>>
    %dma_wait3A_183 = tpu.memref_squeeze %dma_wait3A_182 : memref<1x128xi32, #tpu.memory_space<vmem>> -> memref<128xi32, #tpu.memory_space<vmem>>
    %dma_wait3A_184 = arith.constant 0 : i32
    %dma_wait3A_185 = arith.constant 0 : i32
    %dma_wait3A_186 = tpu.memref_slice %arg2[%dma_wait3A_184, %dma_wait3A_185] : memref<1000000x64xf32, #tpu.memory_space<hbm>> -> memref<1000000x64xf32, #tpu.memory_space<hbm>>
    tpu.wait_indirect_dma semaphore(%arg10 : memref<!tpu.dma_semaphore, #tpu.memory_space<semaphore_mem>>) src(%dma_wait3A_186 : memref<1000000x64xf32, #tpu.memory_space<hbm>>) dst(%dma_wait3A_180 : memref<128x64xf32, #tpu.memory_space<vmem>>)
    %dma_wait3A_187 = arith.constant 3 : i32
    %dma_wait3A_188 = arith.constant 384 : i32
    %dma_wait3A_189 = arith.constant 0 : i32
    %dma_wait3A_190 = tpu.memref_slice %arg7[%dma_wait3A_188, %dma_wait3A_189] : memref<640x64xf32, #tpu.memory_space<vmem>> -> memref<128x64xf32, #tpu.memory_space<vmem>>
    %dma_wait3A_191 = arith.constant 0 : i32
    %dma_wait3A_192 = tpu.memref_slice %arg6[%dma_wait3A_187, %dma_wait3A_191] : memref<5x128xi32, #tpu.memory_space<vmem>> -> memref<1x128xi32, #tpu.memory_space<vmem>>
    %dma_wait3A_193 = tpu.memref_squeeze %dma_wait3A_192 : memref<1x128xi32, #tpu.memory_space<vmem>> -> memref<128xi32, #tpu.memory_space<vmem>>
    %dma_wait3A_194 = arith.constant 0 : i32
    %dma_wait3A_195 = arith.constant 0 : i32
    %dma_wait3A_196 = tpu.memref_slice %arg2[%dma_wait3A_194, %dma_wait3A_195] : memref<1000000x64xf32, #tpu.memory_space<hbm>> -> memref<1000000x64xf32, #tpu.memory_space<hbm>>
    tpu.wait_indirect_dma semaphore(%arg10 : memref<!tpu.dma_semaphore, #tpu.memory_space<semaphore_mem>>) src(%dma_wait3A_196 : memref<1000000x64xf32, #tpu.memory_space<hbm>>) dst(%dma_wait3A_190 : memref<128x64xf32, #tpu.memory_space<vmem>>)
    %dma_wait3A_197 = arith.constant 4 : i32
    %dma_wait3A_198 = arith.constant 512 : i32
    %dma_wait3A_199 = arith.constant 0 : i32
    %dma_wait3A_200 = tpu.memref_slice %arg7[%dma_wait3A_198, %dma_wait3A_199] : memref<640x64xf32, #tpu.memory_space<vmem>> -> memref<128x64xf32, #tpu.memory_space<vmem>>
    %dma_wait3A_201 = arith.constant 0 : i32
    %dma_wait3A_202 = tpu.memref_slice %arg6[%dma_wait3A_197, %dma_wait3A_201] : memref<5x128xi32, #tpu.memory_space<vmem>> -> memref<1x128xi32, #tpu.memory_space<vmem>>
    %dma_wait3A_203 = tpu.memref_squeeze %dma_wait3A_202 : memref<1x128xi32, #tpu.memory_space<vmem>> -> memref<128xi32, #tpu.memory_space<vmem>>
    %dma_wait3A_204 = arith.constant 0 : i32
    %dma_wait3A_205 = arith.constant 0 : i32
    %dma_wait3A_206 = tpu.memref_slice %arg2[%dma_wait3A_204, %dma_wait3A_205] : memref<1000000x64xf32, #tpu.memory_space<hbm>> -> memref<1000000x64xf32, #tpu.memory_space<hbm>>
    tpu.wait_indirect_dma semaphore(%arg10 : memref<!tpu.dma_semaphore, #tpu.memory_space<semaphore_mem>>) src(%dma_wait3A_206 : memref<1000000x64xf32, #tpu.memory_space<hbm>>) dst(%dma_wait3A_200 : memref<128x64xf32, #tpu.memory_space<vmem>>)
    %broadcast_in_dim3A_207 = arith.constant 0.000000e+00 : f32
    %broadcast_in_dim3A_208 = vector.broadcast %broadcast_in_dim3A_207 : f32 to vector<16xf32>
    %scan3A_209 = arith.constant 5.000000e-02 : f32
    %scan3A_210 = arith.constant 0 : i32
    %scan3A_211 = arith.constant 32 : i32
    %scan3A_212 = arith.addi %scan3A_210, %scan3A_211 : i32
    %scan3A_213 = arith.constant 1 : i32
    %scan3A_214 = scf.for %scan3A_436 = %scan3A_210 to %scan3A_212 step %scan3A_213 iter_args(%scan3A_437 = %broadcast_in_dim3A_208) -> (vector<16xf32>)  : i32 {
      %mul3A_438 = arith.constant 20 : i32
      %mul3A_439 = arith.muli %scan3A_436, %mul3A_438 : i32
      %add3A_440 = arith.constant 32 : i32
      %add3A_441 = arith.addi %add3A_440, %scan3A_436 : i32
      %get3A = arith.index_cast %mul3A_439 : i32 to index
      %get3A_442 = arith.constant 0 : index
      %get3A_443 = tpu.vector_load %arg7[%get3A, %get3A_442] {strides = array<i32>} : memref<640x64xf32, #tpu.memory_space<vmem>>, vector<16xf32>,
      %add3A_444 = arith.constant 1 : i32
      %add3A_445 = arith.addi %mul3A_439, %add3A_444 : i32
      %get3A_446 = arith.index_cast %add3A_445 : i32 to index
      %get3A_447 = arith.constant 0 : index
      %get3A_448 = tpu.vector_load %arg7[%get3A_446, %get3A_447] {strides = array<i32>} : memref<640x64xf32, #tpu.memory_space<vmem>>, vector<16xf32>,
      %add3A_449 = arith.addf %get3A_443, %get3A_448 : vector<16xf32>
      %add3A_450 = arith.constant 2 : i32
      %add3A_451 = arith.addi %mul3A_439, %add3A_450 : i32
      %get3A_452 = arith.index_cast %add3A_451 : i32 to index
      %get3A_453 = arith.constant 0 : index
      %get3A_454 = tpu.vector_load %arg7[%get3A_452, %get3A_453] {strides = array<i32>} : memref<640x64xf32, #tpu.memory_space<vmem>>, vector<16xf32>,
      %add3A_455 = arith.addf %add3A_449, %get3A_454 : vector<16xf32>
      %add3A_456 = arith.constant 3 : i32
      %add3A_457 = arith.addi %mul3A_439, %add3A_456 : i32
      %get3A_458 = arith.index_cast %add3A_457 : i32 to index
      %get3A_459 = arith.constant 0 : index
      %get3A_460 = tpu.vector_load %arg7[%get3A_458, %get3A_459] {strides = array<i32>} : memref<640x64xf32, #tpu.memory_space<vmem>>, vector<16xf32>,
      %add3A_461 = arith.addf %add3A_455, %get3A_460 : vector<16xf32>
      %add3A_462 = arith.constant 4 : i32
      %add3A_463 = arith.addi %mul3A_439, %add3A_462 : i32
      %get3A_464 = arith.index_cast %add3A_463 : i32 to index
      %get3A_465 = arith.constant 0 : index
      %get3A_466 = tpu.vector_load %arg7[%get3A_464, %get3A_465] {strides = array<i32>} : memref<640x64xf32, #tpu.memory_space<vmem>>, vector<16xf32>,
      %add3A_467 = arith.addf %add3A_461, %get3A_466 : vector<16xf32>
      %add3A_468 = arith.constant 5 : i32
      %add3A_469 = arith.addi %mul3A_439, %add3A_468 : i32
      %get3A_470 = arith.index_cast %add3A_469 : i32 to index
      %get3A_471 = arith.constant 0 : index
      %get3A_472 = tpu.vector_load %arg7[%get3A_470, %get3A_471] {strides = array<i32>} : memref<640x64xf32, #tpu.memory_space<vmem>>, vector<16xf32>,
      %add3A_473 = arith.addf %add3A_467, %get3A_472 : vector<16xf32>
      %add3A_474 = arith.constant 6 : i32
      %add3A_475 = arith.addi %mul3A_439, %add3A_474 : i32
      %get3A_476 = arith.index_cast %add3A_475 : i32 to index
      %get3A_477 = arith.constant 0 : index
      %get3A_478 = tpu.vector_load %arg7[%get3A_476, %get3A_477] {strides = array<i32>} : memref<640x64xf32, #tpu.memory_space<vmem>>, vector<16xf32>,
      %add3A_479 = arith.addf %add3A_473, %get3A_478 : vector<16xf32>
      %add3A_480 = arith.constant 7 : i32
      %add3A_481 = arith.addi %mul3A_439, %add3A_480 : i32
      %get3A_482 = arith.index_cast %add3A_481 : i32 to index
      %get3A_483 = arith.constant 0 : index
      %get3A_484 = tpu.vector_load %arg7[%get3A_482, %get3A_483] {strides = array<i32>} : memref<640x64xf32, #tpu.memory_space<vmem>>, vector<16xf32>,
      %add3A_485 = arith.addf %add3A_479, %get3A_484 : vector<16xf32>
      %add3A_486 = arith.constant 8 : i32
      %add3A_487 = arith.addi %mul3A_439, %add3A_486 : i32
      %get3A_488 = arith.index_cast %add3A_487 : i32 to index
      %get3A_489 = arith.constant 0 : index
      %get3A_490 = tpu.vector_load %arg7[%get3A_488, %get3A_489] {strides = array<i32>} : memref<640x64xf32, #tpu.memory_space<vmem>>, vector<16xf32>,
      %add3A_491 = arith.addf %add3A_485, %get3A_490 : vector<16xf32>
      %add3A_492 = arith.constant 9 : i32
      %add3A_493 = arith.addi %mul3A_439, %add3A_492 : i32
      %get3A_494 = arith.index_cast %add3A_493 : i32 to index
      %get3A_495 = arith.constant 0 : index
      %get3A_496 = tpu.vector_load %arg7[%get3A_494, %get3A_495] {strides = array<i32>} : memref<640x64xf32, #tpu.memory_space<vmem>>, vector<16xf32>,
      %add3A_497 = arith.addf %add3A_491, %get3A_496 : vector<16xf32>
      %add3A_498 = arith.constant 10 : i32
      %add3A_499 = arith.addi %mul3A_439, %add3A_498 : i32
      %get3A_500 = arith.index_cast %add3A_499 : i32 to index
      %get3A_501 = arith.constant 0 : index
      %get3A_502 = tpu.vector_load %arg7[%get3A_500, %get3A_501] {strides = array<i32>} : memref<640x64xf32, #tpu.memory_space<vmem>>, vector<16xf32>,
      %add3A_503 = arith.addf %add3A_497, %get3A_502 : vector<16xf32>
      %add3A_504 = arith.constant 11 : i32
      %add3A_505 = arith.addi %mul3A_439, %add3A_504 : i32
      %get3A_506 = arith.index_cast %add3A_505 : i32 to index
      %get3A_507 = arith.constant 0 : index
      %get3A_508 = tpu.vector_load %arg7[%get3A_506, %get3A_507] {strides = array<i32>} : memref<640x64xf32, #tpu.memory_space<vmem>>, vector<16xf32>,
      %add3A_509 = arith.addf %add3A_503, %get3A_508 : vector<16xf32>
      %add3A_510 = arith.constant 12 : i32
      %add3A_511 = arith.addi %mul3A_439, %add3A_510 : i32
      %get3A_512 = arith.index_cast %add3A_511 : i32 to index
      %get3A_513 = arith.constant 0 : index
      %get3A_514 = tpu.vector_load %arg7[%get3A_512, %get3A_513] {strides = array<i32>} : memref<640x64xf32, #tpu.memory_space<vmem>>, vector<16xf32>,
      %add3A_515 = arith.addf %add3A_509, %get3A_514 : vector<16xf32>
      %add3A_516 = arith.constant 13 : i32
      %add3A_517 = arith.addi %mul3A_439, %add3A_516 : i32
      %get3A_518 = arith.index_cast %add3A_517 : i32 to index
      %get3A_519 = arith.constant 0 : index
      %get3A_520 = tpu.vector_load %arg7[%get3A_518, %get3A_519] {strides = array<i32>} : memref<640x64xf32, #tpu.memory_space<vmem>>, vector<16xf32>,
      %add3A_521 = arith.addf %add3A_515, %get3A_520 : vector<16xf32>
      %add3A_522 = arith.constant 14 : i32
      %add3A_523 = arith.addi %mul3A_439, %add3A_522 : i32
      %get3A_524 = arith.index_cast %add3A_523 : i32 to index
      %get3A_525 = arith.constant 0 : index
      %get3A_526 = tpu.vector_load %arg7[%get3A_524, %get3A_525] {strides = array<i32>} : memref<640x64xf32, #tpu.memory_space<vmem>>, vector<16xf32>,
      %add3A_527 = arith.addf %add3A_521, %get3A_526 : vector<16xf32>
      %add3A_528 = arith.constant 15 : i32
      %add3A_529 = arith.addi %mul3A_439, %add3A_528 : i32
      %get3A_530 = arith.index_cast %add3A_529 : i32 to index
      %get3A_531 = arith.constant 0 : index
      %get3A_532 = tpu.vector_load %arg7[%get3A_530, %get3A_531] {strides = array<i32>} : memref<640x64xf32, #tpu.memory_space<vmem>>, vector<16xf32>,
      %add3A_533 = arith.addf %add3A_527, %get3A_532 : vector<16xf32>
      %add3A_534 = arith.constant 16 : i32
      %add3A_535 = arith.addi %mul3A_439, %add3A_534 : i32
      %get3A_536 = arith.index_cast %add3A_535 : i32 to index
      %get3A_537 = arith.constant 0 : index
      %get3A_538 = tpu.vector_load %arg7[%get3A_536, %get3A_537] {strides = array<i32>} : memref<640x64xf32, #tpu.memory_space<vmem>>, vector<16xf32>,
      %add3A_539 = arith.addf %add3A_533, %get3A_538 : vector<16xf32>
      %add3A_540 = arith.constant 17 : i32
      %add3A_541 = arith.addi %mul3A_439, %add3A_540 : i32
      %get3A_542 = arith.index_cast %add3A_541 : i32 to index
      %get3A_543 = arith.constant 0 : index
      %get3A_544 = tpu.vector_load %arg7[%get3A_542, %get3A_543] {strides = array<i32>} : memref<640x64xf32, #tpu.memory_space<vmem>>, vector<16xf32>,
      %add3A_545 = arith.addf %add3A_539, %get3A_544 : vector<16xf32>
      %add3A_546 = arith.constant 18 : i32
      %add3A_547 = arith.addi %mul3A_439, %add3A_546 : i32
      %get3A_548 = arith.index_cast %add3A_547 : i32 to index
      %get3A_549 = arith.constant 0 : index
      %get3A_550 = tpu.vector_load %arg7[%get3A_548, %get3A_549] {strides = array<i32>} : memref<640x64xf32, #tpu.memory_space<vmem>>, vector<16xf32>,
      %add3A_551 = arith.addf %add3A_545, %get3A_550 : vector<16xf32>
      %add3A_552 = arith.constant 19 : i32
      %add3A_553 = arith.addi %mul3A_439, %add3A_552 : i32
      %get3A_554 = arith.index_cast %add3A_553 : i32 to index
      %get3A_555 = arith.constant 0 : index
      %get3A_556 = tpu.vector_load %arg7[%get3A_554, %get3A_555] {strides = array<i32>} : memref<640x64xf32, #tpu.memory_space<vmem>>, vector<16xf32>,
      %add3A_557 = arith.addf %add3A_551, %get3A_556 : vector<16xf32>
      %get3A_558 = arith.index_cast %add3A_441 : i32 to index
      %get3A_559 = arith.constant 0 : index
      %get3A_560 = tpu.vector_load %arg8[%get3A_558, %get3A_559] {strides = array<i32>} : memref<128x64xf32, #tpu.memory_space<vmem>>, vector<16xf32>,
      %mul3A_561 = arith.mulf %add3A_557, %get3A_560 : vector<16xf32>
      %get3A_562 = arith.index_cast %mul3A_439 : i32 to index
      %get3A_563 = arith.constant 16 : index
      %get3A_564 = tpu.vector_load %arg7[%get3A_562, %get3A_563] {strides = array<i32>} : memref<640x64xf32, #tpu.memory_space<vmem>>, vector<16xf32>,
      %add3A_565 = arith.constant 1 : i32
      %add3A_566 = arith.addi %mul3A_439, %add3A_565 : i32
      %get3A_567 = arith.index_cast %add3A_566 : i32 to index
      %get3A_568 = arith.constant 16 : index
      %get3A_569 = tpu.vector_load %arg7[%get3A_567, %get3A_568] {strides = array<i32>} : memref<640x64xf32, #tpu.memory_space<vmem>>, vector<16xf32>,
      %add3A_570 = arith.addf %get3A_564, %get3A_569 : vector<16xf32>
      %add3A_571 = arith.constant 2 : i32
      %add3A_572 = arith.addi %mul3A_439, %add3A_571 : i32
      %get3A_573 = arith.index_cast %add3A_572 : i32 to index
      %get3A_574 = arith.constant 16 : index
      %get3A_575 = tpu.vector_load %arg7[%get3A_573, %get3A_574] {strides = array<i32>} : memref<640x64xf32, #tpu.memory_space<vmem>>, vector<16xf32>,
      %add3A_576 = arith.addf %add3A_570, %get3A_575 : vector<16xf32>
      %add3A_577 = arith.constant 3 : i32
      %add3A_578 = arith.addi %mul3A_439, %add3A_577 : i32
      %get3A_579 = arith.index_cast %add3A_578 : i32 to index
      %get3A_580 = arith.constant 16 : index
      %get3A_581 = tpu.vector_load %arg7[%get3A_579, %get3A_580] {strides = array<i32>} : memref<640x64xf32, #tpu.memory_space<vmem>>, vector<16xf32>,
      %add3A_582 = arith.addf %add3A_576, %get3A_581 : vector<16xf32>
      %add3A_583 = arith.constant 4 : i32
      %add3A_584 = arith.addi %mul3A_439, %add3A_583 : i32
      %get3A_585 = arith.index_cast %add3A_584 : i32 to index
      %get3A_586 = arith.constant 16 : index
      %get3A_587 = tpu.vector_load %arg7[%get3A_585, %get3A_586] {strides = array<i32>} : memref<640x64xf32, #tpu.memory_space<vmem>>, vector<16xf32>,
      %add3A_588 = arith.addf %add3A_582, %get3A_587 : vector<16xf32>
      %add3A_589 = arith.constant 5 : i32
      %add3A_590 = arith.addi %mul3A_439, %add3A_589 : i32
      %get3A_591 = arith.index_cast %add3A_590 : i32 to index
      %get3A_592 = arith.constant 16 : index
      %get3A_593 = tpu.vector_load %arg7[%get3A_591, %get3A_592] {strides = array<i32>} : memref<640x64xf32, #tpu.memory_space<vmem>>, vector<16xf32>,
      %add3A_594 = arith.addf %add3A_588, %get3A_593 : vector<16xf32>
      %add3A_595 = arith.constant 6 : i32
      %add3A_596 = arith.addi %mul3A_439, %add3A_595 : i32
      %get3A_597 = arith.index_cast %add3A_596 : i32 to index
      %get3A_598 = arith.constant 16 : index
      %get3A_599 = tpu.vector_load %arg7[%get3A_597, %get3A_598] {strides = array<i32>} : memref<640x64xf32, #tpu.memory_space<vmem>>, vector<16xf32>,
      %add3A_600 = arith.addf %add3A_594, %get3A_599 : vector<16xf32>
      %add3A_601 = arith.constant 7 : i32
      %add3A_602 = arith.addi %mul3A_439, %add3A_601 : i32
      %get3A_603 = arith.index_cast %add3A_602 : i32 to index
      %get3A_604 = arith.constant 16 : index
      %get3A_605 = tpu.vector_load %arg7[%get3A_603, %get3A_604] {strides = array<i32>} : memref<640x64xf32, #tpu.memory_space<vmem>>, vector<16xf32>,
      %add3A_606 = arith.addf %add3A_600, %get3A_605 : vector<16xf32>
      %add3A_607 = arith.constant 8 : i32
      %add3A_608 = arith.addi %mul3A_439, %add3A_607 : i32
      %get3A_609 = arith.index_cast %add3A_608 : i32 to index
      %get3A_610 = arith.constant 16 : index
      %get3A_611 = tpu.vector_load %arg7[%get3A_609, %get3A_610] {strides = array<i32>} : memref<640x64xf32, #tpu.memory_space<vmem>>, vector<16xf32>,
      %add3A_612 = arith.addf %add3A_606, %get3A_611 : vector<16xf32>
      %add3A_613 = arith.constant 9 : i32
      %add3A_614 = arith.addi %mul3A_439, %add3A_613 : i32
      %get3A_615 = arith.index_cast %add3A_614 : i32 to index
      %get3A_616 = arith.constant 16 : index
      %get3A_617 = tpu.vector_load %arg7[%get3A_615, %get3A_616] {strides = array<i32>} : memref<640x64xf32, #tpu.memory_space<vmem>>, vector<16xf32>,
      %add3A_618 = arith.addf %add3A_612, %get3A_617 : vector<16xf32>
      %add3A_619 = arith.constant 10 : i32
      %add3A_620 = arith.addi %mul3A_439, %add3A_619 : i32
      %get3A_621 = arith.index_cast %add3A_620 : i32 to index
      %get3A_622 = arith.constant 16 : index
      %get3A_623 = tpu.vector_load %arg7[%get3A_621, %get3A_622] {strides = array<i32>} : memref<640x64xf32, #tpu.memory_space<vmem>>, vector<16xf32>,
      %add3A_624 = arith.addf %add3A_618, %get3A_623 : vector<16xf32>
      %add3A_625 = arith.constant 11 : i32
      %add3A_626 = arith.addi %mul3A_439, %add3A_625 : i32
      %get3A_627 = arith.index_cast %add3A_626 : i32 to index
      %get3A_628 = arith.constant 16 : index
      %get3A_629 = tpu.vector_load %arg7[%get3A_627, %get3A_628] {strides = array<i32>} : memref<640x64xf32, #tpu.memory_space<vmem>>, vector<16xf32>,
      %add3A_630 = arith.addf %add3A_624, %get3A_629 : vector<16xf32>
      %add3A_631 = arith.constant 12 : i32
      %add3A_632 = arith.addi %mul3A_439, %add3A_631 : i32
      %get3A_633 = arith.index_cast %add3A_632 : i32 to index
      %get3A_634 = arith.constant 16 : index
      %get3A_635 = tpu.vector_load %arg7[%get3A_633, %get3A_634] {strides = array<i32>} : memref<640x64xf32, #tpu.memory_space<vmem>>, vector<16xf32>,
      %add3A_636 = arith.addf %add3A_630, %get3A_635 : vector<16xf32>
      %add3A_637 = arith.constant 13 : i32
      %add3A_638 = arith.addi %mul3A_439, %add3A_637 : i32
      %get3A_639 = arith.index_cast %add3A_638 : i32 to index
      %get3A_640 = arith.constant 16 : index
      %get3A_641 = tpu.vector_load %arg7[%get3A_639, %get3A_640] {strides = array<i32>} : memref<640x64xf32, #tpu.memory_space<vmem>>, vector<16xf32>,
      %add3A_642 = arith.addf %add3A_636, %get3A_641 : vector<16xf32>
      %add3A_643 = arith.constant 14 : i32
      %add3A_644 = arith.addi %mul3A_439, %add3A_643 : i32
      %get3A_645 = arith.index_cast %add3A_644 : i32 to index
      %get3A_646 = arith.constant 16 : index
      %get3A_647 = tpu.vector_load %arg7[%get3A_645, %get3A_646] {strides = array<i32>} : memref<640x64xf32, #tpu.memory_space<vmem>>, vector<16xf32>,
      %add3A_648 = arith.addf %add3A_642, %get3A_647 : vector<16xf32>
      %add3A_649 = arith.constant 15 : i32
      %add3A_650 = arith.addi %mul3A_439, %add3A_649 : i32
      %get3A_651 = arith.index_cast %add3A_650 : i32 to index
      %get3A_652 = arith.constant 16 : index
      %get3A_653 = tpu.vector_load %arg7[%get3A_651, %get3A_652] {strides = array<i32>} : memref<640x64xf32, #tpu.memory_space<vmem>>, vector<16xf32>,
      %add3A_654 = arith.addf %add3A_648, %get3A_653 : vector<16xf32>
      %add3A_655 = arith.constant 16 : i32
      %add3A_656 = arith.addi %mul3A_439, %add3A_655 : i32
      %get3A_657 = arith.index_cast %add3A_656 : i32 to index
      %get3A_658 = arith.constant 16 : index
      %get3A_659 = tpu.vector_load %arg7[%get3A_657, %get3A_658] {strides = array<i32>} : memref<640x64xf32, #tpu.memory_space<vmem>>, vector<16xf32>,
      %add3A_660 = arith.addf %add3A_654, %get3A_659 : vector<16xf32>
      %add3A_661 = arith.constant 17 : i32
      %add3A_662 = arith.addi %mul3A_439, %add3A_661 : i32
      %get3A_663 = arith.index_cast %add3A_662 : i32 to index
      %get3A_664 = arith.constant 16 : index
      %get3A_665 = tpu.vector_load %arg7[%get3A_663, %get3A_664] {strides = array<i32>} : memref<640x64xf32, #tpu.memory_space<vmem>>, vector<16xf32>,
      %add3A_666 = arith.addf %add3A_660, %get3A_665 : vector<16xf32>
      %add3A_667 = arith.constant 18 : i32
      %add3A_668 = arith.addi %mul3A_439, %add3A_667 : i32
      %get3A_669 = arith.index_cast %add3A_668 : i32 to index
      %get3A_670 = arith.constant 16 : index
      %get3A_671 = tpu.vector_load %arg7[%get3A_669, %get3A_670] {strides = array<i32>} : memref<640x64xf32, #tpu.memory_space<vmem>>, vector<16xf32>,
      %add3A_672 = arith.addf %add3A_666, %get3A_671 : vector<16xf32>
      %add3A_673 = arith.constant 19 : i32
      %add3A_674 = arith.addi %mul3A_439, %add3A_673 : i32
      %get3A_675 = arith.index_cast %add3A_674 : i32 to index
      %get3A_676 = arith.constant 16 : index
      %get3A_677 = tpu.vector_load %arg7[%get3A_675, %get3A_676] {strides = array<i32>} : memref<640x64xf32, #tpu.memory_space<vmem>>, vector<16xf32>,
      %add3A_678 = arith.addf %add3A_672, %get3A_677 : vector<16xf32>
      %get3A_679 = arith.index_cast %add3A_441 : i32 to index
      %get3A_680 = arith.constant 16 : index
      %get3A_681 = tpu.vector_load %arg8[%get3A_679, %get3A_680] {strides = array<i32>} : memref<128x64xf32, #tpu.memory_space<vmem>>, vector<16xf32>,
      %mul3A_682 = arith.mulf %add3A_678, %get3A_681 : vector<16xf32>
      %add3A_683 = arith.addf %mul3A_561, %mul3A_682 : vector<16xf32>
      %get3A_684 = arith.index_cast %mul3A_439 : i32 to index
      %get3A_685 = arith.constant 32 : index
      %get3A_686 = tpu.vector_load %arg7[%get3A_684, %get3A_685] {strides = array<i32>} : memref<640x64xf32, #tpu.memory_space<vmem>>, vector<16xf32>,
      %add3A_687 = arith.constant 1 : i32
      %add3A_688 = arith.addi %mul3A_439, %add3A_687 : i32
      %get3A_689 = arith.index_cast %add3A_688 : i32 to index
      %get3A_690 = arith.constant 32 : index
      %get3A_691 = tpu.vector_load %arg7[%get3A_689, %get3A_690] {strides = array<i32>} : memref<640x64xf32, #tpu.memory_space<vmem>>, vector<16xf32>,
      %add3A_692 = arith.addf %get3A_686, %get3A_691 : vector<16xf32>
      %add3A_693 = arith.constant 2 : i32
      %add3A_694 = arith.addi %mul3A_439, %add3A_693 : i32
      %get3A_695 = arith.index_cast %add3A_694 : i32 to index
      %get3A_696 = arith.constant 32 : index
      %get3A_697 = tpu.vector_load %arg7[%get3A_695, %get3A_696] {strides = array<i32>} : memref<640x64xf32, #tpu.memory_space<vmem>>, vector<16xf32>,
      %add3A_698 = arith.addf %add3A_692, %get3A_697 : vector<16xf32>
      %add3A_699 = arith.constant 3 : i32
      %add3A_700 = arith.addi %mul3A_439, %add3A_699 : i32
      %get3A_701 = arith.index_cast %add3A_700 : i32 to index
      %get3A_702 = arith.constant 32 : index
      %get3A_703 = tpu.vector_load %arg7[%get3A_701, %get3A_702] {strides = array<i32>} : memref<640x64xf32, #tpu.memory_space<vmem>>, vector<16xf32>,
      %add3A_704 = arith.addf %add3A_698, %get3A_703 : vector<16xf32>
      %add3A_705 = arith.constant 4 : i32
      %add3A_706 = arith.addi %mul3A_439, %add3A_705 : i32
      %get3A_707 = arith.index_cast %add3A_706 : i32 to index
      %get3A_708 = arith.constant 32 : index
      %get3A_709 = tpu.vector_load %arg7[%get3A_707, %get3A_708] {strides = array<i32>} : memref<640x64xf32, #tpu.memory_space<vmem>>, vector<16xf32>,
      %add3A_710 = arith.addf %add3A_704, %get3A_709 : vector<16xf32>
      %add3A_711 = arith.constant 5 : i32
      %add3A_712 = arith.addi %mul3A_439, %add3A_711 : i32
      %get3A_713 = arith.index_cast %add3A_712 : i32 to index
      %get3A_714 = arith.constant 32 : index
      %get3A_715 = tpu.vector_load %arg7[%get3A_713, %get3A_714] {strides = array<i32>} : memref<640x64xf32, #tpu.memory_space<vmem>>, vector<16xf32>,
      %add3A_716 = arith.addf %add3A_710, %get3A_715 : vector<16xf32>
      %add3A_717 = arith.constant 6 : i32
      %add3A_718 = arith.addi %mul3A_439, %add3A_717 : i32
      %get3A_719 = arith.index_cast %add3A_718 : i32 to index
      %get3A_720 = arith.constant 32 : index
      %get3A_721 = tpu.vector_load %arg7[%get3A_719, %get3A_720] {strides = array<i32>} : memref<640x64xf32, #tpu.memory_space<vmem>>, vector<16xf32>,
      %add3A_722 = arith.addf %add3A_716, %get3A_721 : vector<16xf32>
      %add3A_723 = arith.constant 7 : i32
      %add3A_724 = arith.addi %mul3A_439, %add3A_723 : i32
      %get3A_725 = arith.index_cast %add3A_724 : i32 to index
      %get3A_726 = arith.constant 32 : index
      %get3A_727 = tpu.vector_load %arg7[%get3A_725, %get3A_726] {strides = array<i32>} : memref<640x64xf32, #tpu.memory_space<vmem>>, vector<16xf32>,
      %add3A_728 = arith.addf %add3A_722, %get3A_727 : vector<16xf32>
      %add3A_729 = arith.constant 8 : i32
      %add3A_730 = arith.addi %mul3A_439, %add3A_729 : i32
      %get3A_731 = arith.index_cast %add3A_730 : i32 to index
      %get3A_732 = arith.constant 32 : index
      %get3A_733 = tpu.vector_load %arg7[%get3A_731, %get3A_732] {strides = array<i32>} : memref<640x64xf32, #tpu.memory_space<vmem>>, vector<16xf32>,
      %add3A_734 = arith.addf %add3A_728, %get3A_733 : vector<16xf32>
      %add3A_735 = arith.constant 9 : i32
      %add3A_736 = arith.addi %mul3A_439, %add3A_735 : i32
      %get3A_737 = arith.index_cast %add3A_736 : i32 to index
      %get3A_738 = arith.constant 32 : index
      %get3A_739 = tpu.vector_load %arg7[%get3A_737, %get3A_738] {strides = array<i32>} : memref<640x64xf32, #tpu.memory_space<vmem>>, vector<16xf32>,
      %add3A_740 = arith.addf %add3A_734, %get3A_739 : vector<16xf32>
      %add3A_741 = arith.constant 10 : i32
      %add3A_742 = arith.addi %mul3A_439, %add3A_741 : i32
      %get3A_743 = arith.index_cast %add3A_742 : i32 to index
      %get3A_744 = arith.constant 32 : index
      %get3A_745 = tpu.vector_load %arg7[%get3A_743, %get3A_744] {strides = array<i32>} : memref<640x64xf32, #tpu.memory_space<vmem>>, vector<16xf32>,
      %add3A_746 = arith.addf %add3A_740, %get3A_745 : vector<16xf32>
      %add3A_747 = arith.constant 11 : i32
      %add3A_748 = arith.addi %mul3A_439, %add3A_747 : i32
      %get3A_749 = arith.index_cast %add3A_748 : i32 to index
      %get3A_750 = arith.constant 32 : index
      %get3A_751 = tpu.vector_load %arg7[%get3A_749, %get3A_750] {strides = array<i32>} : memref<640x64xf32, #tpu.memory_space<vmem>>, vector<16xf32>,
      %add3A_752 = arith.addf %add3A_746, %get3A_751 : vector<16xf32>
      %add3A_753 = arith.constant 12 : i32
      %add3A_754 = arith.addi %mul3A_439, %add3A_753 : i32
      %get3A_755 = arith.index_cast %add3A_754 : i32 to index
      %get3A_756 = arith.constant 32 : index
      %get3A_757 = tpu.vector_load %arg7[%get3A_755, %get3A_756] {strides = array<i32>} : memref<640x64xf32, #tpu.memory_space<vmem>>, vector<16xf32>,
      %add3A_758 = arith.addf %add3A_752, %get3A_757 : vector<16xf32>
      %add3A_759 = arith.constant 13 : i32
      %add3A_760 = arith.addi %mul3A_439, %add3A_759 : i32
      %get3A_761 = arith.index_cast %add3A_760 : i32 to index
      %get3A_762 = arith.constant 32 : index
      %get3A_763 = tpu.vector_load %arg7[%get3A_761, %get3A_762] {strides = array<i32>} : memref<640x64xf32, #tpu.memory_space<vmem>>, vector<16xf32>,
      %add3A_764 = arith.addf %add3A_758, %get3A_763 : vector<16xf32>
      %add3A_765 = arith.constant 14 : i32
      %add3A_766 = arith.addi %mul3A_439, %add3A_765 : i32
      %get3A_767 = arith.index_cast %add3A_766 : i32 to index
      %get3A_768 = arith.constant 32 : index
      %get3A_769 = tpu.vector_load %arg7[%get3A_767, %get3A_768] {strides = array<i32>} : memref<640x64xf32, #tpu.memory_space<vmem>>, vector<16xf32>,
      %add3A_770 = arith.addf %add3A_764, %get3A_769 : vector<16xf32>
      %add3A_771 = arith.constant 15 : i32
      %add3A_772 = arith.addi %mul3A_439, %add3A_771 : i32
      %get3A_773 = arith.index_cast %add3A_772 : i32 to index
      %get3A_774 = arith.constant 32 : index
      %get3A_775 = tpu.vector_load %arg7[%get3A_773, %get3A_774] {strides = array<i32>} : memref<640x64xf32, #tpu.memory_space<vmem>>, vector<16xf32>,
      %add3A_776 = arith.addf %add3A_770, %get3A_775 : vector<16xf32>
      %add3A_777 = arith.constant 16 : i32
      %add3A_778 = arith.addi %mul3A_439, %add3A_777 : i32
      %get3A_779 = arith.index_cast %add3A_778 : i32 to index
      %get3A_780 = arith.constant 32 : index
      %get3A_781 = tpu.vector_load %arg7[%get3A_779, %get3A_780] {strides = array<i32>} : memref<640x64xf32, #tpu.memory_space<vmem>>, vector<16xf32>,
      %add3A_782 = arith.addf %add3A_776, %get3A_781 : vector<16xf32>
      %add3A_783 = arith.constant 17 : i32
      %add3A_784 = arith.addi %mul3A_439, %add3A_783 : i32
      %get3A_785 = arith.index_cast %add3A_784 : i32 to index
      %get3A_786 = arith.constant 32 : index
      %get3A_787 = tpu.vector_load %arg7[%get3A_785, %get3A_786] {strides = array<i32>} : memref<640x64xf32, #tpu.memory_space<vmem>>, vector<16xf32>,
      %add3A_788 = arith.addf %add3A_782, %get3A_787 : vector<16xf32>
      %add3A_789 = arith.constant 18 : i32
      %add3A_790 = arith.addi %mul3A_439, %add3A_789 : i32
      %get3A_791 = arith.index_cast %add3A_790 : i32 to index
      %get3A_792 = arith.constant 32 : index
      %get3A_793 = tpu.vector_load %arg7[%get3A_791, %get3A_792] {strides = array<i32>} : memref<640x64xf32, #tpu.memory_space<vmem>>, vector<16xf32>,
      %add3A_794 = arith.addf %add3A_788, %get3A_793 : vector<16xf32>
      %add3A_795 = arith.constant 19 : i32
      %add3A_796 = arith.addi %mul3A_439, %add3A_795 : i32
      %get3A_797 = arith.index_cast %add3A_796 : i32 to index
      %get3A_798 = arith.constant 32 : index
      %get3A_799 = tpu.vector_load %arg7[%get3A_797, %get3A_798] {strides = array<i32>} : memref<640x64xf32, #tpu.memory_space<vmem>>, vector<16xf32>,
      %add3A_800 = arith.addf %add3A_794, %get3A_799 : vector<16xf32>
      %get3A_801 = arith.index_cast %add3A_441 : i32 to index
      %get3A_802 = arith.constant 32 : index
      %get3A_803 = tpu.vector_load %arg8[%get3A_801, %get3A_802] {strides = array<i32>} : memref<128x64xf32, #tpu.memory_space<vmem>>, vector<16xf32>,
      %mul3A_804 = arith.mulf %add3A_800, %get3A_803 : vector<16xf32>
      %add3A_805 = arith.addf %add3A_683, %mul3A_804 : vector<16xf32>
      %get3A_806 = arith.index_cast %mul3A_439 : i32 to index
      %get3A_807 = arith.constant 48 : index
      %get3A_808 = tpu.vector_load %arg7[%get3A_806, %get3A_807] {strides = array<i32>} : memref<640x64xf32, #tpu.memory_space<vmem>>, vector<16xf32>,
      %add3A_809 = arith.constant 1 : i32
      %add3A_810 = arith.addi %mul3A_439, %add3A_809 : i32
      %get3A_811 = arith.index_cast %add3A_810 : i32 to index
      %get3A_812 = arith.constant 48 : index
      %get3A_813 = tpu.vector_load %arg7[%get3A_811, %get3A_812] {strides = array<i32>} : memref<640x64xf32, #tpu.memory_space<vmem>>, vector<16xf32>,
      %add3A_814 = arith.addf %get3A_808, %get3A_813 : vector<16xf32>
      %add3A_815 = arith.constant 2 : i32
      %add3A_816 = arith.addi %mul3A_439, %add3A_815 : i32
      %get3A_817 = arith.index_cast %add3A_816 : i32 to index
      %get3A_818 = arith.constant 48 : index
      %get3A_819 = tpu.vector_load %arg7[%get3A_817, %get3A_818] {strides = array<i32>} : memref<640x64xf32, #tpu.memory_space<vmem>>, vector<16xf32>,
      %add3A_820 = arith.addf %add3A_814, %get3A_819 : vector<16xf32>
      %add3A_821 = arith.constant 3 : i32
      %add3A_822 = arith.addi %mul3A_439, %add3A_821 : i32
      %get3A_823 = arith.index_cast %add3A_822 : i32 to index
      %get3A_824 = arith.constant 48 : index
      %get3A_825 = tpu.vector_load %arg7[%get3A_823, %get3A_824] {strides = array<i32>} : memref<640x64xf32, #tpu.memory_space<vmem>>, vector<16xf32>,
      %add3A_826 = arith.addf %add3A_820, %get3A_825 : vector<16xf32>
      %add3A_827 = arith.constant 4 : i32
      %add3A_828 = arith.addi %mul3A_439, %add3A_827 : i32
      %get3A_829 = arith.index_cast %add3A_828 : i32 to index
      %get3A_830 = arith.constant 48 : index
      %get3A_831 = tpu.vector_load %arg7[%get3A_829, %get3A_830] {strides = array<i32>} : memref<640x64xf32, #tpu.memory_space<vmem>>, vector<16xf32>,
      %add3A_832 = arith.addf %add3A_826, %get3A_831 : vector<16xf32>
      %add3A_833 = arith.constant 5 : i32
      %add3A_834 = arith.addi %mul3A_439, %add3A_833 : i32
      %get3A_835 = arith.index_cast %add3A_834 : i32 to index
      %get3A_836 = arith.constant 48 : index
      %get3A_837 = tpu.vector_load %arg7[%get3A_835, %get3A_836] {strides = array<i32>} : memref<640x64xf32, #tpu.memory_space<vmem>>, vector<16xf32>,
      %add3A_838 = arith.addf %add3A_832, %get3A_837 : vector<16xf32>
      %add3A_839 = arith.constant 6 : i32
      %add3A_840 = arith.addi %mul3A_439, %add3A_839 : i32
      %get3A_841 = arith.index_cast %add3A_840 : i32 to index
      %get3A_842 = arith.constant 48 : index
      %get3A_843 = tpu.vector_load %arg7[%get3A_841, %get3A_842] {strides = array<i32>} : memref<640x64xf32, #tpu.memory_space<vmem>>, vector<16xf32>,
      %add3A_844 = arith.addf %add3A_838, %get3A_843 : vector<16xf32>
      %add3A_845 = arith.constant 7 : i32
      %add3A_846 = arith.addi %mul3A_439, %add3A_845 : i32
      %get3A_847 = arith.index_cast %add3A_846 : i32 to index
      %get3A_848 = arith.constant 48 : index
      %get3A_849 = tpu.vector_load %arg7[%get3A_847, %get3A_848] {strides = array<i32>} : memref<640x64xf32, #tpu.memory_space<vmem>>, vector<16xf32>,
      %add3A_850 = arith.addf %add3A_844, %get3A_849 : vector<16xf32>
      %add3A_851 = arith.constant 8 : i32
      %add3A_852 = arith.addi %mul3A_439, %add3A_851 : i32
      %get3A_853 = arith.index_cast %add3A_852 : i32 to index
      %get3A_854 = arith.constant 48 : index
      %get3A_855 = tpu.vector_load %arg7[%get3A_853, %get3A_854] {strides = array<i32>} : memref<640x64xf32, #tpu.memory_space<vmem>>, vector<16xf32>,
      %add3A_856 = arith.addf %add3A_850, %get3A_855 : vector<16xf32>
      %add3A_857 = arith.constant 9 : i32
      %add3A_858 = arith.addi %mul3A_439, %add3A_857 : i32
      %get3A_859 = arith.index_cast %add3A_858 : i32 to index
      %get3A_860 = arith.constant 48 : index
      %get3A_861 = tpu.vector_load %arg7[%get3A_859, %get3A_860] {strides = array<i32>} : memref<640x64xf32, #tpu.memory_space<vmem>>, vector<16xf32>,
      %add3A_862 = arith.addf %add3A_856, %get3A_861 : vector<16xf32>
      %add3A_863 = arith.constant 10 : i32
      %add3A_864 = arith.addi %mul3A_439, %add3A_863 : i32
      %get3A_865 = arith.index_cast %add3A_864 : i32 to index
      %get3A_866 = arith.constant 48 : index
      %get3A_867 = tpu.vector_load %arg7[%get3A_865, %get3A_866] {strides = array<i32>} : memref<640x64xf32, #tpu.memory_space<vmem>>, vector<16xf32>,
      %add3A_868 = arith.addf %add3A_862, %get3A_867 : vector<16xf32>
      %add3A_869 = arith.constant 11 : i32
      %add3A_870 = arith.addi %mul3A_439, %add3A_869 : i32
      %get3A_871 = arith.index_cast %add3A_870 : i32 to index
      %get3A_872 = arith.constant 48 : index
      %get3A_873 = tpu.vector_load %arg7[%get3A_871, %get3A_872] {strides = array<i32>} : memref<640x64xf32, #tpu.memory_space<vmem>>, vector<16xf32>,
      %add3A_874 = arith.addf %add3A_868, %get3A_873 : vector<16xf32>
      %add3A_875 = arith.constant 12 : i32
      %add3A_876 = arith.addi %mul3A_439, %add3A_875 : i32
      %get3A_877 = arith.index_cast %add3A_876 : i32 to index
      %get3A_878 = arith.constant 48 : index
      %get3A_879 = tpu.vector_load %arg7[%get3A_877, %get3A_878] {strides = array<i32>} : memref<640x64xf32, #tpu.memory_space<vmem>>, vector<16xf32>,
      %add3A_880 = arith.addf %add3A_874, %get3A_879 : vector<16xf32>
      %add3A_881 = arith.constant 13 : i32
      %add3A_882 = arith.addi %mul3A_439, %add3A_881 : i32
      %get3A_883 = arith.index_cast %add3A_882 : i32 to index
      %get3A_884 = arith.constant 48 : index
      %get3A_885 = tpu.vector_load %arg7[%get3A_883, %get3A_884] {strides = array<i32>} : memref<640x64xf32, #tpu.memory_space<vmem>>, vector<16xf32>,
      %add3A_886 = arith.addf %add3A_880, %get3A_885 : vector<16xf32>
      %add3A_887 = arith.constant 14 : i32
      %add3A_888 = arith.addi %mul3A_439, %add3A_887 : i32
      %get3A_889 = arith.index_cast %add3A_888 : i32 to index
      %get3A_890 = arith.constant 48 : index
      %get3A_891 = tpu.vector_load %arg7[%get3A_889, %get3A_890] {strides = array<i32>} : memref<640x64xf32, #tpu.memory_space<vmem>>, vector<16xf32>,
      %add3A_892 = arith.addf %add3A_886, %get3A_891 : vector<16xf32>
      %add3A_893 = arith.constant 15 : i32
      %add3A_894 = arith.addi %mul3A_439, %add3A_893 : i32
      %get3A_895 = arith.index_cast %add3A_894 : i32 to index
      %get3A_896 = arith.constant 48 : index
      %get3A_897 = tpu.vector_load %arg7[%get3A_895, %get3A_896] {strides = array<i32>} : memref<640x64xf32, #tpu.memory_space<vmem>>, vector<16xf32>,
      %add3A_898 = arith.addf %add3A_892, %get3A_897 : vector<16xf32>
      %add3A_899 = arith.constant 16 : i32
      %add3A_900 = arith.addi %mul3A_439, %add3A_899 : i32
      %get3A_901 = arith.index_cast %add3A_900 : i32 to index
      %get3A_902 = arith.constant 48 : index
      %get3A_903 = tpu.vector_load %arg7[%get3A_901, %get3A_902] {strides = array<i32>} : memref<640x64xf32, #tpu.memory_space<vmem>>, vector<16xf32>,
      %add3A_904 = arith.addf %add3A_898, %get3A_903 : vector<16xf32>
      %add3A_905 = arith.constant 17 : i32
      %add3A_906 = arith.addi %mul3A_439, %add3A_905 : i32
      %get3A_907 = arith.index_cast %add3A_906 : i32 to index
      %get3A_908 = arith.constant 48 : index
      %get3A_909 = tpu.vector_load %arg7[%get3A_907, %get3A_908] {strides = array<i32>} : memref<640x64xf32, #tpu.memory_space<vmem>>, vector<16xf32>,
      %add3A_910 = arith.addf %add3A_904, %get3A_909 : vector<16xf32>
      %add3A_911 = arith.constant 18 : i32
      %add3A_912 = arith.addi %mul3A_439, %add3A_911 : i32
      %get3A_913 = arith.index_cast %add3A_912 : i32 to index
      %get3A_914 = arith.constant 48 : index
      %get3A_915 = tpu.vector_load %arg7[%get3A_913, %get3A_914] {strides = array<i32>} : memref<640x64xf32, #tpu.memory_space<vmem>>, vector<16xf32>,
      %add3A_916 = arith.addf %add3A_910, %get3A_915 : vector<16xf32>
      %add3A_917 = arith.constant 19 : i32
      %add3A_918 = arith.addi %mul3A_439, %add3A_917 : i32
      %get3A_919 = arith.index_cast %add3A_918 : i32 to index
      %get3A_920 = arith.constant 48 : index
      %get3A_921 = tpu.vector_load %arg7[%get3A_919, %get3A_920] {strides = array<i32>} : memref<640x64xf32, #tpu.memory_space<vmem>>, vector<16xf32>,
      %add3A_922 = arith.addf %add3A_916, %get3A_921 : vector<16xf32>
      %get3A_923 = arith.index_cast %add3A_441 : i32 to index
      %get3A_924 = arith.constant 48 : index
      %get3A_925 = tpu.vector_load %arg8[%get3A_923, %get3A_924] {strides = array<i32>} : memref<128x64xf32, #tpu.memory_space<vmem>>, vector<16xf32>,
      %mul3A_926 = arith.mulf %add3A_922, %get3A_925 : vector<16xf32>
      %add3A_927 = arith.addf %add3A_805, %mul3A_926 : vector<16xf32>
      %reduce_sum3A = arith.constant true
      %reduce_sum3A_928 = vector.broadcast %reduce_sum3A : i1 to vector<16xi1>
      %reduce_sum3A_929 = tpu.scan <sum>, %add3A_927 masked %reduce_sum3A_928 : vector<16xf32>, vector<16xi1> -> vector<16xf32>
      %reduce_sum3A_930 = vector.extract %reduce_sum3A_929[15] : f32 from vector<16xf32>
      %mul3A_931 = arith.mulf %reduce_sum3A_930, %scan3A_209 : f32
      %and3A = arith.constant 15 : i32
      %and3A_932 = arith.andi %scan3A_436, %and3A : i32
      %eq3A = vector.broadcast %and3A_932 : i32 to vector<16xi32>
      %eq3A_933 = arith.cmpi eq, %iota3A, %eq3A : vector<16xi32>
      %broadcast_in_dim3A_934 = vector.broadcast %mul3A_931 : f32 to vector<16xf32>
      %select_n3A = arith.select %eq3A_933, %broadcast_in_dim3A_934, %scan3A_437 : vector<16xi1>, vector<16xf32>
      %and3A_935 = arith.constant 15 : i32
      %and3A_936 = arith.andi %scan3A_436, %and3A_935 : i32
      %eq3A_937 = arith.constant 15 : i32
      %eq3A_938 = arith.cmpi eq, %and3A_936, %eq3A_937 : i32
      %convert_element_type3A = arith.extui %eq3A_938 : i1 to i32
      %cond3A = arith.constant 0 : i32
      %cond3A_939 = arith.cmpi ne, %convert_element_type3A, %cond3A : i32
      scf.if %cond3A_939 {
        %and3A_940 = arith.constant -16 : i32
        %and3A_941 = arith.andi %scan3A_436, %and3A_940 : i32
        %add3A_942 = arith.constant 32 : i32
        %add3A_943 = arith.addi %add3A_942, %and3A_941 : i32
        %swap3A = arith.index_cast %add3A_943 : i32 to index
        %swap3A_944 = tpu.vector_load %arg9[%swap3A] {strides = array<i32>} : memref<128xf32, #tpu.memory_space<vmem>>, vector<16xf32>,
        tpu.vector_store %arg9[%swap3A], %select_n3A {strides = array<i32>} : memref<128xf32, #tpu.memory_space<vmem>>, vector<16xf32>,
      } else {
      }
      scf.yield %select_n3A : vector<16xf32>
    }
    %scan3A_215 = arith.constant 32 : i32
    %run_scoped3A_216 = arith.constant 2 : i32
    "tpu.region"() ({
      %run_scoped3A_436 = tpu.sem_alloc : memref<!tpu.dma_semaphore, #tpu.memory_space<semaphore_mem>>
      %dma_start3A_437 = arith.constant 0 : i32
      %dma_start3A_438 = arith.constant 0 : i32
      %dma_start3A_439 = tpu.memref_slice %arg3[%add3A, %run_scoped3A_216, %dma_start3A_437, %dma_start3A_438] : memref<32x4x5x128xi32, #tpu.memory_space<hbm>> -> memref<1x1x5x128xi32, #tpu.memory_space<hbm>>
      %dma_start3A_440 = tpu.memref_squeeze %dma_start3A_439 : memref<1x1x5x128xi32, #tpu.memory_space<hbm>> -> memref<5x128xi32, #tpu.memory_space<hbm>>
      %dma_start3A_441 = arith.constant 0 : i32
      %dma_start3A_442 = arith.constant 0 : i32
      %dma_start3A_443 = tpu.memref_slice %arg3[%add3A, %run_scoped3A_216, %dma_start3A_441, %dma_start3A_442] : memref<32x4x5x128xi32, #tpu.memory_space<hbm>> -> memref<1x1x5x128xi32, #tpu.memory_space<hbm>>
      %dma_start3A_444 = tpu.memref_squeeze %dma_start3A_443 : memref<1x1x5x128xi32, #tpu.memory_space<hbm>> -> memref<5x128xi32, #tpu.memory_space<hbm>>
      tpu.enqueue_dma source(%dma_start3A_444 : memref<5x128xi32, #tpu.memory_space<hbm>>) target(%arg6 : memref<5x128xi32, #tpu.memory_space<vmem>>) target_semaphore(%run_scoped3A_436 : memref<!tpu.dma_semaphore, #tpu.memory_space<semaphore_mem>>)
      %dma_wait3A_445 = arith.constant 0 : i32
      %dma_wait3A_446 = arith.constant 0 : i32
      %dma_wait3A_447 = tpu.memref_slice %arg3[%add3A, %run_scoped3A_216, %dma_wait3A_445, %dma_wait3A_446] : memref<32x4x5x128xi32, #tpu.memory_space<hbm>> -> memref<1x1x5x128xi32, #tpu.memory_space<hbm>>
      %dma_wait3A_448 = tpu.memref_squeeze %dma_wait3A_447 : memref<1x1x5x128xi32, #tpu.memory_space<hbm>> -> memref<5x128xi32, #tpu.memory_space<hbm>>
      %dma_wait3A_449 = arith.constant 0 : i32
      %dma_wait3A_450 = arith.constant 0 : i32
      %dma_wait3A_451 = tpu.memref_slice %arg3[%add3A, %run_scoped3A_216, %dma_wait3A_449, %dma_wait3A_450] : memref<32x4x5x128xi32, #tpu.memory_space<hbm>> -> memref<1x1x5x128xi32, #tpu.memory_space<hbm>>
      %dma_wait3A_452 = tpu.memref_squeeze %dma_wait3A_451 : memref<1x1x5x128xi32, #tpu.memory_space<hbm>> -> memref<5x128xi32, #tpu.memory_space<hbm>>
      tpu.wait_dma2 semaphore(%run_scoped3A_436 : memref<!tpu.dma_semaphore, #tpu.memory_space<semaphore_mem>>) src(%dma_wait3A_452 : memref<5x128xi32, #tpu.memory_space<hbm>>) dst(%arg6 : memref<5x128xi32, #tpu.memory_space<vmem>>)
      tpu.yield
    }) : () -> ()
    %dma_start3A_217 = arith.constant 0 : i32
    %dma_start3A_218 = arith.constant 0 : i32
    %dma_start3A_219 = arith.constant 0 : i32
    %dma_start3A_220 = tpu.memref_slice %arg7[%dma_start3A_218, %dma_start3A_219] : memref<640x64xf32, #tpu.memory_space<vmem>> -> memref<128x64xf32, #tpu.memory_space<vmem>>
    %dma_start3A_221 = arith.constant 0 : i32
    %dma_start3A_222 = tpu.memref_slice %arg6[%dma_start3A_217, %dma_start3A_221] : memref<5x128xi32, #tpu.memory_space<vmem>> -> memref<1x128xi32, #tpu.memory_space<vmem>>
    %dma_start3A_223 = tpu.memref_squeeze %dma_start3A_222 : memref<1x128xi32, #tpu.memory_space<vmem>> -> memref<128xi32, #tpu.memory_space<vmem>>
    %dma_start3A_224 = arith.constant 0 : i32
    %dma_start3A_225 = arith.constant 0 : i32
    %dma_start3A_226 = tpu.memref_slice %arg2[%dma_start3A_224, %dma_start3A_225] : memref<1000000x64xf32, #tpu.memory_space<hbm>> -> memref<1000000x64xf32, #tpu.memory_space<hbm>>
    tpu.enqueue_indirect_dma source(%dma_start3A_226 : memref<1000000x64xf32, #tpu.memory_space<hbm>>) target(%dma_start3A_220 : memref<128x64xf32, #tpu.memory_space<vmem>>) offsets(%dma_start3A_223 : memref<128xi32, #tpu.memory_space<vmem>>) semaphore(%arg10 : memref<!tpu.dma_semaphore, #tpu.memory_space<semaphore_mem>>)
    %dma_start3A_227 = arith.constant 1 : i32
    %dma_start3A_228 = arith.constant 128 : i32
    %dma_start3A_229 = arith.constant 0 : i32
    %dma_start3A_230 = tpu.memref_slice %arg7[%dma_start3A_228, %dma_start3A_229] : memref<640x64xf32, #tpu.memory_space<vmem>> -> memref<128x64xf32, #tpu.memory_space<vmem>>
    %dma_start3A_231 = arith.constant 0 : i32
    %dma_start3A_232 = tpu.memref_slice %arg6[%dma_start3A_227, %dma_start3A_231] : memref<5x128xi32, #tpu.memory_space<vmem>> -> memref<1x128xi32, #tpu.memory_space<vmem>>
    %dma_start3A_233 = tpu.memref_squeeze %dma_start3A_232 : memref<1x128xi32, #tpu.memory_space<vmem>> -> memref<128xi32, #tpu.memory_space<vmem>>
    %dma_start3A_234 = arith.constant 0 : i32
    %dma_start3A_235 = arith.constant 0 : i32
    %dma_start3A_236 = tpu.memref_slice %arg2[%dma_start3A_234, %dma_start3A_235] : memref<1000000x64xf32, #tpu.memory_space<hbm>> -> memref<1000000x64xf32, #tpu.memory_space<hbm>>
    tpu.enqueue_indirect_dma source(%dma_start3A_236 : memref<1000000x64xf32, #tpu.memory_space<hbm>>) target(%dma_start3A_230 : memref<128x64xf32, #tpu.memory_space<vmem>>) offsets(%dma_start3A_233 : memref<128xi32, #tpu.memory_space<vmem>>) semaphore(%arg10 : memref<!tpu.dma_semaphore, #tpu.memory_space<semaphore_mem>>)
    %dma_start3A_237 = arith.constant 2 : i32
    %dma_start3A_238 = arith.constant 256 : i32
    %dma_start3A_239 = arith.constant 0 : i32
    %dma_start3A_240 = tpu.memref_slice %arg7[%dma_start3A_238, %dma_start3A_239] : memref<640x64xf32, #tpu.memory_space<vmem>> -> memref<128x64xf32, #tpu.memory_space<vmem>>
    %dma_start3A_241 = arith.constant 0 : i32
    %dma_start3A_242 = tpu.memref_slice %arg6[%dma_start3A_237, %dma_start3A_241] : memref<5x128xi32, #tpu.memory_space<vmem>> -> memref<1x128xi32, #tpu.memory_space<vmem>>
    %dma_start3A_243 = tpu.memref_squeeze %dma_start3A_242 : memref<1x128xi32, #tpu.memory_space<vmem>> -> memref<128xi32, #tpu.memory_space<vmem>>
    %dma_start3A_244 = arith.constant 0 : i32
    %dma_start3A_245 = arith.constant 0 : i32
    %dma_start3A_246 = tpu.memref_slice %arg2[%dma_start3A_244, %dma_start3A_245] : memref<1000000x64xf32, #tpu.memory_space<hbm>> -> memref<1000000x64xf32, #tpu.memory_space<hbm>>
    tpu.enqueue_indirect_dma source(%dma_start3A_246 : memref<1000000x64xf32, #tpu.memory_space<hbm>>) target(%dma_start3A_240 : memref<128x64xf32, #tpu.memory_space<vmem>>) offsets(%dma_start3A_243 : memref<128xi32, #tpu.memory_space<vmem>>) semaphore(%arg10 : memref<!tpu.dma_semaphore, #tpu.memory_space<semaphore_mem>>)
    %dma_start3A_247 = arith.constant 3 : i32
    %dma_start3A_248 = arith.constant 384 : i32
    %dma_start3A_249 = arith.constant 0 : i32
    %dma_start3A_250 = tpu.memref_slice %arg7[%dma_start3A_248, %dma_start3A_249] : memref<640x64xf32, #tpu.memory_space<vmem>> -> memref<128x64xf32, #tpu.memory_space<vmem>>
    %dma_start3A_251 = arith.constant 0 : i32
    %dma_start3A_252 = tpu.memref_slice %arg6[%dma_start3A_247, %dma_start3A_251] : memref<5x128xi32, #tpu.memory_space<vmem>> -> memref<1x128xi32, #tpu.memory_space<vmem>>
    %dma_start3A_253 = tpu.memref_squeeze %dma_start3A_252 : memref<1x128xi32, #tpu.memory_space<vmem>> -> memref<128xi32, #tpu.memory_space<vmem>>
    %dma_start3A_254 = arith.constant 0 : i32
    %dma_start3A_255 = arith.constant 0 : i32
    %dma_start3A_256 = tpu.memref_slice %arg2[%dma_start3A_254, %dma_start3A_255] : memref<1000000x64xf32, #tpu.memory_space<hbm>> -> memref<1000000x64xf32, #tpu.memory_space<hbm>>
    tpu.enqueue_indirect_dma source(%dma_start3A_256 : memref<1000000x64xf32, #tpu.memory_space<hbm>>) target(%dma_start3A_250 : memref<128x64xf32, #tpu.memory_space<vmem>>) offsets(%dma_start3A_253 : memref<128xi32, #tpu.memory_space<vmem>>) semaphore(%arg10 : memref<!tpu.dma_semaphore, #tpu.memory_space<semaphore_mem>>)
    %dma_start3A_257 = arith.constant 4 : i32
    %dma_start3A_258 = arith.constant 512 : i32
    %dma_start3A_259 = arith.constant 0 : i32
    %dma_start3A_260 = tpu.memref_slice %arg7[%dma_start3A_258, %dma_start3A_259] : memref<640x64xf32, #tpu.memory_space<vmem>> -> memref<128x64xf32, #tpu.memory_space<vmem>>
    %dma_start3A_261 = arith.constant 0 : i32
    %dma_start3A_262 = tpu.memref_slice %arg6[%dma_start3A_257, %dma_start3A_261] : memref<5x128xi32, #tpu.memory_space<vmem>> -> memref<1x128xi32, #tpu.memory_space<vmem>>
    %dma_start3A_263 = tpu.memref_squeeze %dma_start3A_262 : memref<1x128xi32, #tpu.memory_space<vmem>> -> memref<128xi32, #tpu.memory_space<vmem>>
    %dma_start3A_264 = arith.constant 0 : i32
    %dma_start3A_265 = arith.constant 0 : i32
    %dma_start3A_266 = tpu.memref_slice %arg2[%dma_start3A_264, %dma_start3A_265] : memref<1000000x64xf32, #tpu.memory_space<hbm>> -> memref<1000000x64xf32, #tpu.memory_space<hbm>>
    tpu.enqueue_indirect_dma source(%dma_start3A_266 : memref<1000000x64xf32, #tpu.memory_space<hbm>>) target(%dma_start3A_260 : memref<128x64xf32, #tpu.memory_space<vmem>>) offsets(%dma_start3A_263 : memref<128xi32, #tpu.memory_space<vmem>>) semaphore(%arg10 : memref<!tpu.dma_semaphore, #tpu.memory_space<semaphore_mem>>)
    %dma_wait3A_267 = arith.constant 0 : i32
    %dma_wait3A_268 = arith.constant 0 : i32
    %dma_wait3A_269 = arith.constant 0 : i32
    %dma_wait3A_270 = tpu.memref_slice %arg7[%dma_wait3A_268, %dma_wait3A_269] : memref<640x64xf32, #tpu.memory_space<vmem>> -> memref<128x64xf32, #tpu.memory_space<vmem>>
    %dma_wait3A_271 = arith.constant 0 : i32
    %dma_wait3A_272 = tpu.memref_slice %arg6[%dma_wait3A_267, %dma_wait3A_271] : memref<5x128xi32, #tpu.memory_space<vmem>> -> memref<1x128xi32, #tpu.memory_space<vmem>>
    %dma_wait3A_273 = tpu.memref_squeeze %dma_wait3A_272 : memref<1x128xi32, #tpu.memory_space<vmem>> -> memref<128xi32, #tpu.memory_space<vmem>>
    %dma_wait3A_274 = arith.constant 0 : i32
    %dma_wait3A_275 = arith.constant 0 : i32
    %dma_wait3A_276 = tpu.memref_slice %arg2[%dma_wait3A_274, %dma_wait3A_275] : memref<1000000x64xf32, #tpu.memory_space<hbm>> -> memref<1000000x64xf32, #tpu.memory_space<hbm>>
    tpu.wait_indirect_dma semaphore(%arg10 : memref<!tpu.dma_semaphore, #tpu.memory_space<semaphore_mem>>) src(%dma_wait3A_276 : memref<1000000x64xf32, #tpu.memory_space<hbm>>) dst(%dma_wait3A_270 : memref<128x64xf32, #tpu.memory_space<vmem>>)
    %dma_wait3A_277 = arith.constant 1 : i32
    %dma_wait3A_278 = arith.constant 128 : i32
    %dma_wait3A_279 = arith.constant 0 : i32
    %dma_wait3A_280 = tpu.memref_slice %arg7[%dma_wait3A_278, %dma_wait3A_279] : memref<640x64xf32, #tpu.memory_space<vmem>> -> memref<128x64xf32, #tpu.memory_space<vmem>>
    %dma_wait3A_281 = arith.constant 0 : i32
    %dma_wait3A_282 = tpu.memref_slice %arg6[%dma_wait3A_277, %dma_wait3A_281] : memref<5x128xi32, #tpu.memory_space<vmem>> -> memref<1x128xi32, #tpu.memory_space<vmem>>
    %dma_wait3A_283 = tpu.memref_squeeze %dma_wait3A_282 : memref<1x128xi32, #tpu.memory_space<vmem>> -> memref<128xi32, #tpu.memory_space<vmem>>
    %dma_wait3A_284 = arith.constant 0 : i32
    %dma_wait3A_285 = arith.constant 0 : i32
    %dma_wait3A_286 = tpu.memref_slice %arg2[%dma_wait3A_284, %dma_wait3A_285] : memref<1000000x64xf32, #tpu.memory_space<hbm>> -> memref<1000000x64xf32, #tpu.memory_space<hbm>>
    tpu.wait_indirect_dma semaphore(%arg10 : memref<!tpu.dma_semaphore, #tpu.memory_space<semaphore_mem>>) src(%dma_wait3A_286 : memref<1000000x64xf32, #tpu.memory_space<hbm>>) dst(%dma_wait3A_280 : memref<128x64xf32, #tpu.memory_space<vmem>>)
    %dma_wait3A_287 = arith.constant 2 : i32
    %dma_wait3A_288 = arith.constant 256 : i32
    %dma_wait3A_289 = arith.constant 0 : i32
    %dma_wait3A_290 = tpu.memref_slice %arg7[%dma_wait3A_288, %dma_wait3A_289] : memref<640x64xf32, #tpu.memory_space<vmem>> -> memref<128x64xf32, #tpu.memory_space<vmem>>
    %dma_wait3A_291 = arith.constant 0 : i32
    %dma_wait3A_292 = tpu.memref_slice %arg6[%dma_wait3A_287, %dma_wait3A_291] : memref<5x128xi32, #tpu.memory_space<vmem>> -> memref<1x128xi32, #tpu.memory_space<vmem>>
    %dma_wait3A_293 = tpu.memref_squeeze %dma_wait3A_292 : memref<1x128xi32, #tpu.memory_space<vmem>> -> memref<128xi32, #tpu.memory_space<vmem>>
    %dma_wait3A_294 = arith.constant 0 : i32
    %dma_wait3A_295 = arith.constant 0 : i32
    %dma_wait3A_296 = tpu.memref_slice %arg2[%dma_wait3A_294, %dma_wait3A_295] : memref<1000000x64xf32, #tpu.memory_space<hbm>> -> memref<1000000x64xf32, #tpu.memory_space<hbm>>
    tpu.wait_indirect_dma semaphore(%arg10 : memref<!tpu.dma_semaphore, #tpu.memory_space<semaphore_mem>>) src(%dma_wait3A_296 : memref<1000000x64xf32, #tpu.memory_space<hbm>>) dst(%dma_wait3A_290 : memref<128x64xf32, #tpu.memory_space<vmem>>)
    %dma_wait3A_297 = arith.constant 3 : i32
    %dma_wait3A_298 = arith.constant 384 : i32
    %dma_wait3A_299 = arith.constant 0 : i32
    %dma_wait3A_300 = tpu.memref_slice %arg7[%dma_wait3A_298, %dma_wait3A_299] : memref<640x64xf32, #tpu.memory_space<vmem>> -> memref<128x64xf32, #tpu.memory_space<vmem>>
    %dma_wait3A_301 = arith.constant 0 : i32
    %dma_wait3A_302 = tpu.memref_slice %arg6[%dma_wait3A_297, %dma_wait3A_301] : memref<5x128xi32, #tpu.memory_space<vmem>> -> memref<1x128xi32, #tpu.memory_space<vmem>>
    %dma_wait3A_303 = tpu.memref_squeeze %dma_wait3A_302 : memref<1x128xi32, #tpu.memory_space<vmem>> -> memref<128xi32, #tpu.memory_space<vmem>>
    %dma_wait3A_304 = arith.constant 0 : i32
    %dma_wait3A_305 = arith.constant 0 : i32
    %dma_wait3A_306 = tpu.memref_slice %arg2[%dma_wait3A_304, %dma_wait3A_305] : memref<1000000x64xf32, #tpu.memory_space<hbm>> -> memref<1000000x64xf32, #tpu.memory_space<hbm>>
    tpu.wait_indirect_dma semaphore(%arg10 : memref<!tpu.dma_semaphore, #tpu.memory_space<semaphore_mem>>) src(%dma_wait3A_306 : memref<1000000x64xf32, #tpu.memory_space<hbm>>) dst(%dma_wait3A_300 : memref<128x64xf32, #tpu.memory_space<vmem>>)
    %dma_wait3A_307 = arith.constant 4 : i32
    %dma_wait3A_308 = arith.constant 512 : i32
    %dma_wait3A_309 = arith.constant 0 : i32
    %dma_wait3A_310 = tpu.memref_slice %arg7[%dma_wait3A_308, %dma_wait3A_309] : memref<640x64xf32, #tpu.memory_space<vmem>> -> memref<128x64xf32, #tpu.memory_space<vmem>>
    %dma_wait3A_311 = arith.constant 0 : i32
    %dma_wait3A_312 = tpu.memref_slice %arg6[%dma_wait3A_307, %dma_wait3A_311] : memref<5x128xi32, #tpu.memory_space<vmem>> -> memref<1x128xi32, #tpu.memory_space<vmem>>
    %dma_wait3A_313 = tpu.memref_squeeze %dma_wait3A_312 : memref<1x128xi32, #tpu.memory_space<vmem>> -> memref<128xi32, #tpu.memory_space<vmem>>
    %dma_wait3A_314 = arith.constant 0 : i32
    %dma_wait3A_315 = arith.constant 0 : i32
    %dma_wait3A_316 = tpu.memref_slice %arg2[%dma_wait3A_314, %dma_wait3A_315] : memref<1000000x64xf32, #tpu.memory_space<hbm>> -> memref<1000000x64xf32, #tpu.memory_space<hbm>>
    tpu.wait_indirect_dma semaphore(%arg10 : memref<!tpu.dma_semaphore, #tpu.memory_space<semaphore_mem>>) src(%dma_wait3A_316 : memref<1000000x64xf32, #tpu.memory_space<hbm>>) dst(%dma_wait3A_310 : memref<128x64xf32, #tpu.memory_space<vmem>>)
    %broadcast_in_dim3A_317 = arith.constant 0.000000e+00 : f32
    %broadcast_in_dim3A_318 = vector.broadcast %broadcast_in_dim3A_317 : f32 to vector<16xf32>
    %scan3A_319 = arith.constant 5.000000e-02 : f32
    %scan3A_320 = arith.constant 0 : i32
    %scan3A_321 = arith.constant 32 : i32
    %scan3A_322 = arith.addi %scan3A_320, %scan3A_321 : i32
    %scan3A_323 = arith.constant 1 : i32
    %scan3A_324 = scf.for %scan3A_436 = %scan3A_320 to %scan3A_322 step %scan3A_323 iter_args(%scan3A_437 = %broadcast_in_dim3A_318) -> (vector<16xf32>)  : i32 {
      %mul3A_438 = arith.constant 20 : i32
      %mul3A_439 = arith.muli %scan3A_436, %mul3A_438 : i32
      %add3A_440 = arith.constant 64 : i32
      %add3A_441 = arith.addi %add3A_440, %scan3A_436 : i32
      %get3A = arith.index_cast %mul3A_439 : i32 to index
      %get3A_442 = arith.constant 0 : index
      %get3A_443 = tpu.vector_load %arg7[%get3A, %get3A_442] {strides = array<i32>} : memref<640x64xf32, #tpu.memory_space<vmem>>, vector<16xf32>,
      %add3A_444 = arith.constant 1 : i32
      %add3A_445 = arith.addi %mul3A_439, %add3A_444 : i32
      %get3A_446 = arith.index_cast %add3A_445 : i32 to index
      %get3A_447 = arith.constant 0 : index
      %get3A_448 = tpu.vector_load %arg7[%get3A_446, %get3A_447] {strides = array<i32>} : memref<640x64xf32, #tpu.memory_space<vmem>>, vector<16xf32>,
      %add3A_449 = arith.addf %get3A_443, %get3A_448 : vector<16xf32>
      %add3A_450 = arith.constant 2 : i32
      %add3A_451 = arith.addi %mul3A_439, %add3A_450 : i32
      %get3A_452 = arith.index_cast %add3A_451 : i32 to index
      %get3A_453 = arith.constant 0 : index
      %get3A_454 = tpu.vector_load %arg7[%get3A_452, %get3A_453] {strides = array<i32>} : memref<640x64xf32, #tpu.memory_space<vmem>>, vector<16xf32>,
      %add3A_455 = arith.addf %add3A_449, %get3A_454 : vector<16xf32>
      %add3A_456 = arith.constant 3 : i32
      %add3A_457 = arith.addi %mul3A_439, %add3A_456 : i32
      %get3A_458 = arith.index_cast %add3A_457 : i32 to index
      %get3A_459 = arith.constant 0 : index
      %get3A_460 = tpu.vector_load %arg7[%get3A_458, %get3A_459] {strides = array<i32>} : memref<640x64xf32, #tpu.memory_space<vmem>>, vector<16xf32>,
      %add3A_461 = arith.addf %add3A_455, %get3A_460 : vector<16xf32>
      %add3A_462 = arith.constant 4 : i32
      %add3A_463 = arith.addi %mul3A_439, %add3A_462 : i32
      %get3A_464 = arith.index_cast %add3A_463 : i32 to index
      %get3A_465 = arith.constant 0 : index
      %get3A_466 = tpu.vector_load %arg7[%get3A_464, %get3A_465] {strides = array<i32>} : memref<640x64xf32, #tpu.memory_space<vmem>>, vector<16xf32>,
      %add3A_467 = arith.addf %add3A_461, %get3A_466 : vector<16xf32>
      %add3A_468 = arith.constant 5 : i32
      %add3A_469 = arith.addi %mul3A_439, %add3A_468 : i32
      %get3A_470 = arith.index_cast %add3A_469 : i32 to index
      %get3A_471 = arith.constant 0 : index
      %get3A_472 = tpu.vector_load %arg7[%get3A_470, %get3A_471] {strides = array<i32>} : memref<640x64xf32, #tpu.memory_space<vmem>>, vector<16xf32>,
      %add3A_473 = arith.addf %add3A_467, %get3A_472 : vector<16xf32>
      %add3A_474 = arith.constant 6 : i32
      %add3A_475 = arith.addi %mul3A_439, %add3A_474 : i32
      %get3A_476 = arith.index_cast %add3A_475 : i32 to index
      %get3A_477 = arith.constant 0 : index
      %get3A_478 = tpu.vector_load %arg7[%get3A_476, %get3A_477] {strides = array<i32>} : memref<640x64xf32, #tpu.memory_space<vmem>>, vector<16xf32>,
      %add3A_479 = arith.addf %add3A_473, %get3A_478 : vector<16xf32>
      %add3A_480 = arith.constant 7 : i32
      %add3A_481 = arith.addi %mul3A_439, %add3A_480 : i32
      %get3A_482 = arith.index_cast %add3A_481 : i32 to index
      %get3A_483 = arith.constant 0 : index
      %get3A_484 = tpu.vector_load %arg7[%get3A_482, %get3A_483] {strides = array<i32>} : memref<640x64xf32, #tpu.memory_space<vmem>>, vector<16xf32>,
      %add3A_485 = arith.addf %add3A_479, %get3A_484 : vector<16xf32>
      %add3A_486 = arith.constant 8 : i32
      %add3A_487 = arith.addi %mul3A_439, %add3A_486 : i32
      %get3A_488 = arith.index_cast %add3A_487 : i32 to index
      %get3A_489 = arith.constant 0 : index
      %get3A_490 = tpu.vector_load %arg7[%get3A_488, %get3A_489] {strides = array<i32>} : memref<640x64xf32, #tpu.memory_space<vmem>>, vector<16xf32>,
      %add3A_491 = arith.addf %add3A_485, %get3A_490 : vector<16xf32>
      %add3A_492 = arith.constant 9 : i32
      %add3A_493 = arith.addi %mul3A_439, %add3A_492 : i32
      %get3A_494 = arith.index_cast %add3A_493 : i32 to index
      %get3A_495 = arith.constant 0 : index
      %get3A_496 = tpu.vector_load %arg7[%get3A_494, %get3A_495] {strides = array<i32>} : memref<640x64xf32, #tpu.memory_space<vmem>>, vector<16xf32>,
      %add3A_497 = arith.addf %add3A_491, %get3A_496 : vector<16xf32>
      %add3A_498 = arith.constant 10 : i32
      %add3A_499 = arith.addi %mul3A_439, %add3A_498 : i32
      %get3A_500 = arith.index_cast %add3A_499 : i32 to index
      %get3A_501 = arith.constant 0 : index
      %get3A_502 = tpu.vector_load %arg7[%get3A_500, %get3A_501] {strides = array<i32>} : memref<640x64xf32, #tpu.memory_space<vmem>>, vector<16xf32>,
      %add3A_503 = arith.addf %add3A_497, %get3A_502 : vector<16xf32>
      %add3A_504 = arith.constant 11 : i32
      %add3A_505 = arith.addi %mul3A_439, %add3A_504 : i32
      %get3A_506 = arith.index_cast %add3A_505 : i32 to index
      %get3A_507 = arith.constant 0 : index
      %get3A_508 = tpu.vector_load %arg7[%get3A_506, %get3A_507] {strides = array<i32>} : memref<640x64xf32, #tpu.memory_space<vmem>>, vector<16xf32>,
      %add3A_509 = arith.addf %add3A_503, %get3A_508 : vector<16xf32>
      %add3A_510 = arith.constant 12 : i32
      %add3A_511 = arith.addi %mul3A_439, %add3A_510 : i32
      %get3A_512 = arith.index_cast %add3A_511 : i32 to index
      %get3A_513 = arith.constant 0 : index
      %get3A_514 = tpu.vector_load %arg7[%get3A_512, %get3A_513] {strides = array<i32>} : memref<640x64xf32, #tpu.memory_space<vmem>>, vector<16xf32>,
      %add3A_515 = arith.addf %add3A_509, %get3A_514 : vector<16xf32>
      %add3A_516 = arith.constant 13 : i32
      %add3A_517 = arith.addi %mul3A_439, %add3A_516 : i32
      %get3A_518 = arith.index_cast %add3A_517 : i32 to index
      %get3A_519 = arith.constant 0 : index
      %get3A_520 = tpu.vector_load %arg7[%get3A_518, %get3A_519] {strides = array<i32>} : memref<640x64xf32, #tpu.memory_space<vmem>>, vector<16xf32>,
      %add3A_521 = arith.addf %add3A_515, %get3A_520 : vector<16xf32>
      %add3A_522 = arith.constant 14 : i32
      %add3A_523 = arith.addi %mul3A_439, %add3A_522 : i32
      %get3A_524 = arith.index_cast %add3A_523 : i32 to index
      %get3A_525 = arith.constant 0 : index
      %get3A_526 = tpu.vector_load %arg7[%get3A_524, %get3A_525] {strides = array<i32>} : memref<640x64xf32, #tpu.memory_space<vmem>>, vector<16xf32>,
      %add3A_527 = arith.addf %add3A_521, %get3A_526 : vector<16xf32>
      %add3A_528 = arith.constant 15 : i32
      %add3A_529 = arith.addi %mul3A_439, %add3A_528 : i32
      %get3A_530 = arith.index_cast %add3A_529 : i32 to index
      %get3A_531 = arith.constant 0 : index
      %get3A_532 = tpu.vector_load %arg7[%get3A_530, %get3A_531] {strides = array<i32>} : memref<640x64xf32, #tpu.memory_space<vmem>>, vector<16xf32>,
      %add3A_533 = arith.addf %add3A_527, %get3A_532 : vector<16xf32>
      %add3A_534 = arith.constant 16 : i32
      %add3A_535 = arith.addi %mul3A_439, %add3A_534 : i32
      %get3A_536 = arith.index_cast %add3A_535 : i32 to index
      %get3A_537 = arith.constant 0 : index
      %get3A_538 = tpu.vector_load %arg7[%get3A_536, %get3A_537] {strides = array<i32>} : memref<640x64xf32, #tpu.memory_space<vmem>>, vector<16xf32>,
      %add3A_539 = arith.addf %add3A_533, %get3A_538 : vector<16xf32>
      %add3A_540 = arith.constant 17 : i32
      %add3A_541 = arith.addi %mul3A_439, %add3A_540 : i32
      %get3A_542 = arith.index_cast %add3A_541 : i32 to index
      %get3A_543 = arith.constant 0 : index
      %get3A_544 = tpu.vector_load %arg7[%get3A_542, %get3A_543] {strides = array<i32>} : memref<640x64xf32, #tpu.memory_space<vmem>>, vector<16xf32>,
      %add3A_545 = arith.addf %add3A_539, %get3A_544 : vector<16xf32>
      %add3A_546 = arith.constant 18 : i32
      %add3A_547 = arith.addi %mul3A_439, %add3A_546 : i32
      %get3A_548 = arith.index_cast %add3A_547 : i32 to index
      %get3A_549 = arith.constant 0 : index
      %get3A_550 = tpu.vector_load %arg7[%get3A_548, %get3A_549] {strides = array<i32>} : memref<640x64xf32, #tpu.memory_space<vmem>>, vector<16xf32>,
      %add3A_551 = arith.addf %add3A_545, %get3A_550 : vector<16xf32>
      %add3A_552 = arith.constant 19 : i32
      %add3A_553 = arith.addi %mul3A_439, %add3A_552 : i32
      %get3A_554 = arith.index_cast %add3A_553 : i32 to index
      %get3A_555 = arith.constant 0 : index
      %get3A_556 = tpu.vector_load %arg7[%get3A_554, %get3A_555] {strides = array<i32>} : memref<640x64xf32, #tpu.memory_space<vmem>>, vector<16xf32>,
      %add3A_557 = arith.addf %add3A_551, %get3A_556 : vector<16xf32>
      %get3A_558 = arith.index_cast %add3A_441 : i32 to index
      %get3A_559 = arith.constant 0 : index
      %get3A_560 = tpu.vector_load %arg8[%get3A_558, %get3A_559] {strides = array<i32>} : memref<128x64xf32, #tpu.memory_space<vmem>>, vector<16xf32>,
      %mul3A_561 = arith.mulf %add3A_557, %get3A_560 : vector<16xf32>
      %get3A_562 = arith.index_cast %mul3A_439 : i32 to index
      %get3A_563 = arith.constant 16 : index
      %get3A_564 = tpu.vector_load %arg7[%get3A_562, %get3A_563] {strides = array<i32>} : memref<640x64xf32, #tpu.memory_space<vmem>>, vector<16xf32>,
      %add3A_565 = arith.constant 1 : i32
      %add3A_566 = arith.addi %mul3A_439, %add3A_565 : i32
      %get3A_567 = arith.index_cast %add3A_566 : i32 to index
      %get3A_568 = arith.constant 16 : index
      %get3A_569 = tpu.vector_load %arg7[%get3A_567, %get3A_568] {strides = array<i32>} : memref<640x64xf32, #tpu.memory_space<vmem>>, vector<16xf32>,
      %add3A_570 = arith.addf %get3A_564, %get3A_569 : vector<16xf32>
      %add3A_571 = arith.constant 2 : i32
      %add3A_572 = arith.addi %mul3A_439, %add3A_571 : i32
      %get3A_573 = arith.index_cast %add3A_572 : i32 to index
      %get3A_574 = arith.constant 16 : index
      %get3A_575 = tpu.vector_load %arg7[%get3A_573, %get3A_574] {strides = array<i32>} : memref<640x64xf32, #tpu.memory_space<vmem>>, vector<16xf32>,
      %add3A_576 = arith.addf %add3A_570, %get3A_575 : vector<16xf32>
      %add3A_577 = arith.constant 3 : i32
      %add3A_578 = arith.addi %mul3A_439, %add3A_577 : i32
      %get3A_579 = arith.index_cast %add3A_578 : i32 to index
      %get3A_580 = arith.constant 16 : index
      %get3A_581 = tpu.vector_load %arg7[%get3A_579, %get3A_580] {strides = array<i32>} : memref<640x64xf32, #tpu.memory_space<vmem>>, vector<16xf32>,
      %add3A_582 = arith.addf %add3A_576, %get3A_581 : vector<16xf32>
      %add3A_583 = arith.constant 4 : i32
      %add3A_584 = arith.addi %mul3A_439, %add3A_583 : i32
      %get3A_585 = arith.index_cast %add3A_584 : i32 to index
      %get3A_586 = arith.constant 16 : index
      %get3A_587 = tpu.vector_load %arg7[%get3A_585, %get3A_586] {strides = array<i32>} : memref<640x64xf32, #tpu.memory_space<vmem>>, vector<16xf32>,
      %add3A_588 = arith.addf %add3A_582, %get3A_587 : vector<16xf32>
      %add3A_589 = arith.constant 5 : i32
      %add3A_590 = arith.addi %mul3A_439, %add3A_589 : i32
      %get3A_591 = arith.index_cast %add3A_590 : i32 to index
      %get3A_592 = arith.constant 16 : index
      %get3A_593 = tpu.vector_load %arg7[%get3A_591, %get3A_592] {strides = array<i32>} : memref<640x64xf32, #tpu.memory_space<vmem>>, vector<16xf32>,
      %add3A_594 = arith.addf %add3A_588, %get3A_593 : vector<16xf32>
      %add3A_595 = arith.constant 6 : i32
      %add3A_596 = arith.addi %mul3A_439, %add3A_595 : i32
      %get3A_597 = arith.index_cast %add3A_596 : i32 to index
      %get3A_598 = arith.constant 16 : index
      %get3A_599 = tpu.vector_load %arg7[%get3A_597, %get3A_598] {strides = array<i32>} : memref<640x64xf32, #tpu.memory_space<vmem>>, vector<16xf32>,
      %add3A_600 = arith.addf %add3A_594, %get3A_599 : vector<16xf32>
      %add3A_601 = arith.constant 7 : i32
      %add3A_602 = arith.addi %mul3A_439, %add3A_601 : i32
      %get3A_603 = arith.index_cast %add3A_602 : i32 to index
      %get3A_604 = arith.constant 16 : index
      %get3A_605 = tpu.vector_load %arg7[%get3A_603, %get3A_604] {strides = array<i32>} : memref<640x64xf32, #tpu.memory_space<vmem>>, vector<16xf32>,
      %add3A_606 = arith.addf %add3A_600, %get3A_605 : vector<16xf32>
      %add3A_607 = arith.constant 8 : i32
      %add3A_608 = arith.addi %mul3A_439, %add3A_607 : i32
      %get3A_609 = arith.index_cast %add3A_608 : i32 to index
      %get3A_610 = arith.constant 16 : index
      %get3A_611 = tpu.vector_load %arg7[%get3A_609, %get3A_610] {strides = array<i32>} : memref<640x64xf32, #tpu.memory_space<vmem>>, vector<16xf32>,
      %add3A_612 = arith.addf %add3A_606, %get3A_611 : vector<16xf32>
      %add3A_613 = arith.constant 9 : i32
      %add3A_614 = arith.addi %mul3A_439, %add3A_613 : i32
      %get3A_615 = arith.index_cast %add3A_614 : i32 to index
      %get3A_616 = arith.constant 16 : index
      %get3A_617 = tpu.vector_load %arg7[%get3A_615, %get3A_616] {strides = array<i32>} : memref<640x64xf32, #tpu.memory_space<vmem>>, vector<16xf32>,
      %add3A_618 = arith.addf %add3A_612, %get3A_617 : vector<16xf32>
      %add3A_619 = arith.constant 10 : i32
      %add3A_620 = arith.addi %mul3A_439, %add3A_619 : i32
      %get3A_621 = arith.index_cast %add3A_620 : i32 to index
      %get3A_622 = arith.constant 16 : index
      %get3A_623 = tpu.vector_load %arg7[%get3A_621, %get3A_622] {strides = array<i32>} : memref<640x64xf32, #tpu.memory_space<vmem>>, vector<16xf32>,
      %add3A_624 = arith.addf %add3A_618, %get3A_623 : vector<16xf32>
      %add3A_625 = arith.constant 11 : i32
      %add3A_626 = arith.addi %mul3A_439, %add3A_625 : i32
      %get3A_627 = arith.index_cast %add3A_626 : i32 to index
      %get3A_628 = arith.constant 16 : index
      %get3A_629 = tpu.vector_load %arg7[%get3A_627, %get3A_628] {strides = array<i32>} : memref<640x64xf32, #tpu.memory_space<vmem>>, vector<16xf32>,
      %add3A_630 = arith.addf %add3A_624, %get3A_629 : vector<16xf32>
      %add3A_631 = arith.constant 12 : i32
      %add3A_632 = arith.addi %mul3A_439, %add3A_631 : i32
      %get3A_633 = arith.index_cast %add3A_632 : i32 to index
      %get3A_634 = arith.constant 16 : index
      %get3A_635 = tpu.vector_load %arg7[%get3A_633, %get3A_634] {strides = array<i32>} : memref<640x64xf32, #tpu.memory_space<vmem>>, vector<16xf32>,
      %add3A_636 = arith.addf %add3A_630, %get3A_635 : vector<16xf32>
      %add3A_637 = arith.constant 13 : i32
      %add3A_638 = arith.addi %mul3A_439, %add3A_637 : i32
      %get3A_639 = arith.index_cast %add3A_638 : i32 to index
      %get3A_640 = arith.constant 16 : index
      %get3A_641 = tpu.vector_load %arg7[%get3A_639, %get3A_640] {strides = array<i32>} : memref<640x64xf32, #tpu.memory_space<vmem>>, vector<16xf32>,
      %add3A_642 = arith.addf %add3A_636, %get3A_641 : vector<16xf32>
      %add3A_643 = arith.constant 14 : i32
      %add3A_644 = arith.addi %mul3A_439, %add3A_643 : i32
      %get3A_645 = arith.index_cast %add3A_644 : i32 to index
      %get3A_646 = arith.constant 16 : index
      %get3A_647 = tpu.vector_load %arg7[%get3A_645, %get3A_646] {strides = array<i32>} : memref<640x64xf32, #tpu.memory_space<vmem>>, vector<16xf32>,
      %add3A_648 = arith.addf %add3A_642, %get3A_647 : vector<16xf32>
      %add3A_649 = arith.constant 15 : i32
      %add3A_650 = arith.addi %mul3A_439, %add3A_649 : i32
      %get3A_651 = arith.index_cast %add3A_650 : i32 to index
      %get3A_652 = arith.constant 16 : index
      %get3A_653 = tpu.vector_load %arg7[%get3A_651, %get3A_652] {strides = array<i32>} : memref<640x64xf32, #tpu.memory_space<vmem>>, vector<16xf32>,
      %add3A_654 = arith.addf %add3A_648, %get3A_653 : vector<16xf32>
      %add3A_655 = arith.constant 16 : i32
      %add3A_656 = arith.addi %mul3A_439, %add3A_655 : i32
      %get3A_657 = arith.index_cast %add3A_656 : i32 to index
      %get3A_658 = arith.constant 16 : index
      %get3A_659 = tpu.vector_load %arg7[%get3A_657, %get3A_658] {strides = array<i32>} : memref<640x64xf32, #tpu.memory_space<vmem>>, vector<16xf32>,
      %add3A_660 = arith.addf %add3A_654, %get3A_659 : vector<16xf32>
      %add3A_661 = arith.constant 17 : i32
      %add3A_662 = arith.addi %mul3A_439, %add3A_661 : i32
      %get3A_663 = arith.index_cast %add3A_662 : i32 to index
      %get3A_664 = arith.constant 16 : index
      %get3A_665 = tpu.vector_load %arg7[%get3A_663, %get3A_664] {strides = array<i32>} : memref<640x64xf32, #tpu.memory_space<vmem>>, vector<16xf32>,
      %add3A_666 = arith.addf %add3A_660, %get3A_665 : vector<16xf32>
      %add3A_667 = arith.constant 18 : i32
      %add3A_668 = arith.addi %mul3A_439, %add3A_667 : i32
      %get3A_669 = arith.index_cast %add3A_668 : i32 to index
      %get3A_670 = arith.constant 16 : index
      %get3A_671 = tpu.vector_load %arg7[%get3A_669, %get3A_670] {strides = array<i32>} : memref<640x64xf32, #tpu.memory_space<vmem>>, vector<16xf32>,
      %add3A_672 = arith.addf %add3A_666, %get3A_671 : vector<16xf32>
      %add3A_673 = arith.constant 19 : i32
      %add3A_674 = arith.addi %mul3A_439, %add3A_673 : i32
      %get3A_675 = arith.index_cast %add3A_674 : i32 to index
      %get3A_676 = arith.constant 16 : index
      %get3A_677 = tpu.vector_load %arg7[%get3A_675, %get3A_676] {strides = array<i32>} : memref<640x64xf32, #tpu.memory_space<vmem>>, vector<16xf32>,
      %add3A_678 = arith.addf %add3A_672, %get3A_677 : vector<16xf32>
      %get3A_679 = arith.index_cast %add3A_441 : i32 to index
      %get3A_680 = arith.constant 16 : index
      %get3A_681 = tpu.vector_load %arg8[%get3A_679, %get3A_680] {strides = array<i32>} : memref<128x64xf32, #tpu.memory_space<vmem>>, vector<16xf32>,
      %mul3A_682 = arith.mulf %add3A_678, %get3A_681 : vector<16xf32>
      %add3A_683 = arith.addf %mul3A_561, %mul3A_682 : vector<16xf32>
      %get3A_684 = arith.index_cast %mul3A_439 : i32 to index
      %get3A_685 = arith.constant 32 : index
      %get3A_686 = tpu.vector_load %arg7[%get3A_684, %get3A_685] {strides = array<i32>} : memref<640x64xf32, #tpu.memory_space<vmem>>, vector<16xf32>,
      %add3A_687 = arith.constant 1 : i32
      %add3A_688 = arith.addi %mul3A_439, %add3A_687 : i32
      %get3A_689 = arith.index_cast %add3A_688 : i32 to index
      %get3A_690 = arith.constant 32 : index
      %get3A_691 = tpu.vector_load %arg7[%get3A_689, %get3A_690] {strides = array<i32>} : memref<640x64xf32, #tpu.memory_space<vmem>>, vector<16xf32>,
      %add3A_692 = arith.addf %get3A_686, %get3A_691 : vector<16xf32>
      %add3A_693 = arith.constant 2 : i32
      %add3A_694 = arith.addi %mul3A_439, %add3A_693 : i32
      %get3A_695 = arith.index_cast %add3A_694 : i32 to index
      %get3A_696 = arith.constant 32 : index
      %get3A_697 = tpu.vector_load %arg7[%get3A_695, %get3A_696] {strides = array<i32>} : memref<640x64xf32, #tpu.memory_space<vmem>>, vector<16xf32>,
      %add3A_698 = arith.addf %add3A_692, %get3A_697 : vector<16xf32>
      %add3A_699 = arith.constant 3 : i32
      %add3A_700 = arith.addi %mul3A_439, %add3A_699 : i32
      %get3A_701 = arith.index_cast %add3A_700 : i32 to index
      %get3A_702 = arith.constant 32 : index
      %get3A_703 = tpu.vector_load %arg7[%get3A_701, %get3A_702] {strides = array<i32>} : memref<640x64xf32, #tpu.memory_space<vmem>>, vector<16xf32>,
      %add3A_704 = arith.addf %add3A_698, %get3A_703 : vector<16xf32>
      %add3A_705 = arith.constant 4 : i32
      %add3A_706 = arith.addi %mul3A_439, %add3A_705 : i32
      %get3A_707 = arith.index_cast %add3A_706 : i32 to index
      %get3A_708 = arith.constant 32 : index
      %get3A_709 = tpu.vector_load %arg7[%get3A_707, %get3A_708] {strides = array<i32>} : memref<640x64xf32, #tpu.memory_space<vmem>>, vector<16xf32>,
      %add3A_710 = arith.addf %add3A_704, %get3A_709 : vector<16xf32>
      %add3A_711 = arith.constant 5 : i32
      %add3A_712 = arith.addi %mul3A_439, %add3A_711 : i32
      %get3A_713 = arith.index_cast %add3A_712 : i32 to index
      %get3A_714 = arith.constant 32 : index
      %get3A_715 = tpu.vector_load %arg7[%get3A_713, %get3A_714] {strides = array<i32>} : memref<640x64xf32, #tpu.memory_space<vmem>>, vector<16xf32>,
      %add3A_716 = arith.addf %add3A_710, %get3A_715 : vector<16xf32>
      %add3A_717 = arith.constant 6 : i32
      %add3A_718 = arith.addi %mul3A_439, %add3A_717 : i32
      %get3A_719 = arith.index_cast %add3A_718 : i32 to index
      %get3A_720 = arith.constant 32 : index
      %get3A_721 = tpu.vector_load %arg7[%get3A_719, %get3A_720] {strides = array<i32>} : memref<640x64xf32, #tpu.memory_space<vmem>>, vector<16xf32>,
      %add3A_722 = arith.addf %add3A_716, %get3A_721 : vector<16xf32>
      %add3A_723 = arith.constant 7 : i32
      %add3A_724 = arith.addi %mul3A_439, %add3A_723 : i32
      %get3A_725 = arith.index_cast %add3A_724 : i32 to index
      %get3A_726 = arith.constant 32 : index
      %get3A_727 = tpu.vector_load %arg7[%get3A_725, %get3A_726] {strides = array<i32>} : memref<640x64xf32, #tpu.memory_space<vmem>>, vector<16xf32>,
      %add3A_728 = arith.addf %add3A_722, %get3A_727 : vector<16xf32>
      %add3A_729 = arith.constant 8 : i32
      %add3A_730 = arith.addi %mul3A_439, %add3A_729 : i32
      %get3A_731 = arith.index_cast %add3A_730 : i32 to index
      %get3A_732 = arith.constant 32 : index
      %get3A_733 = tpu.vector_load %arg7[%get3A_731, %get3A_732] {strides = array<i32>} : memref<640x64xf32, #tpu.memory_space<vmem>>, vector<16xf32>,
      %add3A_734 = arith.addf %add3A_728, %get3A_733 : vector<16xf32>
      %add3A_735 = arith.constant 9 : i32
      %add3A_736 = arith.addi %mul3A_439, %add3A_735 : i32
      %get3A_737 = arith.index_cast %add3A_736 : i32 to index
      %get3A_738 = arith.constant 32 : index
      %get3A_739 = tpu.vector_load %arg7[%get3A_737, %get3A_738] {strides = array<i32>} : memref<640x64xf32, #tpu.memory_space<vmem>>, vector<16xf32>,
      %add3A_740 = arith.addf %add3A_734, %get3A_739 : vector<16xf32>
      %add3A_741 = arith.constant 10 : i32
      %add3A_742 = arith.addi %mul3A_439, %add3A_741 : i32
      %get3A_743 = arith.index_cast %add3A_742 : i32 to index
      %get3A_744 = arith.constant 32 : index
      %get3A_745 = tpu.vector_load %arg7[%get3A_743, %get3A_744] {strides = array<i32>} : memref<640x64xf32, #tpu.memory_space<vmem>>, vector<16xf32>,
      %add3A_746 = arith.addf %add3A_740, %get3A_745 : vector<16xf32>
      %add3A_747 = arith.constant 11 : i32
      %add3A_748 = arith.addi %mul3A_439, %add3A_747 : i32
      %get3A_749 = arith.index_cast %add3A_748 : i32 to index
      %get3A_750 = arith.constant 32 : index
      %get3A_751 = tpu.vector_load %arg7[%get3A_749, %get3A_750] {strides = array<i32>} : memref<640x64xf32, #tpu.memory_space<vmem>>, vector<16xf32>,
      %add3A_752 = arith.addf %add3A_746, %get3A_751 : vector<16xf32>
      %add3A_753 = arith.constant 12 : i32
      %add3A_754 = arith.addi %mul3A_439, %add3A_753 : i32
      %get3A_755 = arith.index_cast %add3A_754 : i32 to index
      %get3A_756 = arith.constant 32 : index
      %get3A_757 = tpu.vector_load %arg7[%get3A_755, %get3A_756] {strides = array<i32>} : memref<640x64xf32, #tpu.memory_space<vmem>>, vector<16xf32>,
      %add3A_758 = arith.addf %add3A_752, %get3A_757 : vector<16xf32>
      %add3A_759 = arith.constant 13 : i32
      %add3A_760 = arith.addi %mul3A_439, %add3A_759 : i32
      %get3A_761 = arith.index_cast %add3A_760 : i32 to index
      %get3A_762 = arith.constant 32 : index
      %get3A_763 = tpu.vector_load %arg7[%get3A_761, %get3A_762] {strides = array<i32>} : memref<640x64xf32, #tpu.memory_space<vmem>>, vector<16xf32>,
      %add3A_764 = arith.addf %add3A_758, %get3A_763 : vector<16xf32>
      %add3A_765 = arith.constant 14 : i32
      %add3A_766 = arith.addi %mul3A_439, %add3A_765 : i32
      %get3A_767 = arith.index_cast %add3A_766 : i32 to index
      %get3A_768 = arith.constant 32 : index
      %get3A_769 = tpu.vector_load %arg7[%get3A_767, %get3A_768] {strides = array<i32>} : memref<640x64xf32, #tpu.memory_space<vmem>>, vector<16xf32>,
      %add3A_770 = arith.addf %add3A_764, %get3A_769 : vector<16xf32>
      %add3A_771 = arith.constant 15 : i32
      %add3A_772 = arith.addi %mul3A_439, %add3A_771 : i32
      %get3A_773 = arith.index_cast %add3A_772 : i32 to index
      %get3A_774 = arith.constant 32 : index
      %get3A_775 = tpu.vector_load %arg7[%get3A_773, %get3A_774] {strides = array<i32>} : memref<640x64xf32, #tpu.memory_space<vmem>>, vector<16xf32>,
      %add3A_776 = arith.addf %add3A_770, %get3A_775 : vector<16xf32>
      %add3A_777 = arith.constant 16 : i32
      %add3A_778 = arith.addi %mul3A_439, %add3A_777 : i32
      %get3A_779 = arith.index_cast %add3A_778 : i32 to index
      %get3A_780 = arith.constant 32 : index
      %get3A_781 = tpu.vector_load %arg7[%get3A_779, %get3A_780] {strides = array<i32>} : memref<640x64xf32, #tpu.memory_space<vmem>>, vector<16xf32>,
      %add3A_782 = arith.addf %add3A_776, %get3A_781 : vector<16xf32>
      %add3A_783 = arith.constant 17 : i32
      %add3A_784 = arith.addi %mul3A_439, %add3A_783 : i32
      %get3A_785 = arith.index_cast %add3A_784 : i32 to index
      %get3A_786 = arith.constant 32 : index
      %get3A_787 = tpu.vector_load %arg7[%get3A_785, %get3A_786] {strides = array<i32>} : memref<640x64xf32, #tpu.memory_space<vmem>>, vector<16xf32>,
      %add3A_788 = arith.addf %add3A_782, %get3A_787 : vector<16xf32>
      %add3A_789 = arith.constant 18 : i32
      %add3A_790 = arith.addi %mul3A_439, %add3A_789 : i32
      %get3A_791 = arith.index_cast %add3A_790 : i32 to index
      %get3A_792 = arith.constant 32 : index
      %get3A_793 = tpu.vector_load %arg7[%get3A_791, %get3A_792] {strides = array<i32>} : memref<640x64xf32, #tpu.memory_space<vmem>>, vector<16xf32>,
      %add3A_794 = arith.addf %add3A_788, %get3A_793 : vector<16xf32>
      %add3A_795 = arith.constant 19 : i32
      %add3A_796 = arith.addi %mul3A_439, %add3A_795 : i32
      %get3A_797 = arith.index_cast %add3A_796 : i32 to index
      %get3A_798 = arith.constant 32 : index
      %get3A_799 = tpu.vector_load %arg7[%get3A_797, %get3A_798] {strides = array<i32>} : memref<640x64xf32, #tpu.memory_space<vmem>>, vector<16xf32>,
      %add3A_800 = arith.addf %add3A_794, %get3A_799 : vector<16xf32>
      %get3A_801 = arith.index_cast %add3A_441 : i32 to index
      %get3A_802 = arith.constant 32 : index
      %get3A_803 = tpu.vector_load %arg8[%get3A_801, %get3A_802] {strides = array<i32>} : memref<128x64xf32, #tpu.memory_space<vmem>>, vector<16xf32>,
      %mul3A_804 = arith.mulf %add3A_800, %get3A_803 : vector<16xf32>
      %add3A_805 = arith.addf %add3A_683, %mul3A_804 : vector<16xf32>
      %get3A_806 = arith.index_cast %mul3A_439 : i32 to index
      %get3A_807 = arith.constant 48 : index
      %get3A_808 = tpu.vector_load %arg7[%get3A_806, %get3A_807] {strides = array<i32>} : memref<640x64xf32, #tpu.memory_space<vmem>>, vector<16xf32>,
      %add3A_809 = arith.constant 1 : i32
      %add3A_810 = arith.addi %mul3A_439, %add3A_809 : i32
      %get3A_811 = arith.index_cast %add3A_810 : i32 to index
      %get3A_812 = arith.constant 48 : index
      %get3A_813 = tpu.vector_load %arg7[%get3A_811, %get3A_812] {strides = array<i32>} : memref<640x64xf32, #tpu.memory_space<vmem>>, vector<16xf32>,
      %add3A_814 = arith.addf %get3A_808, %get3A_813 : vector<16xf32>
      %add3A_815 = arith.constant 2 : i32
      %add3A_816 = arith.addi %mul3A_439, %add3A_815 : i32
      %get3A_817 = arith.index_cast %add3A_816 : i32 to index
      %get3A_818 = arith.constant 48 : index
      %get3A_819 = tpu.vector_load %arg7[%get3A_817, %get3A_818] {strides = array<i32>} : memref<640x64xf32, #tpu.memory_space<vmem>>, vector<16xf32>,
      %add3A_820 = arith.addf %add3A_814, %get3A_819 : vector<16xf32>
      %add3A_821 = arith.constant 3 : i32
      %add3A_822 = arith.addi %mul3A_439, %add3A_821 : i32
      %get3A_823 = arith.index_cast %add3A_822 : i32 to index
      %get3A_824 = arith.constant 48 : index
      %get3A_825 = tpu.vector_load %arg7[%get3A_823, %get3A_824] {strides = array<i32>} : memref<640x64xf32, #tpu.memory_space<vmem>>, vector<16xf32>,
      %add3A_826 = arith.addf %add3A_820, %get3A_825 : vector<16xf32>
      %add3A_827 = arith.constant 4 : i32
      %add3A_828 = arith.addi %mul3A_439, %add3A_827 : i32
      %get3A_829 = arith.index_cast %add3A_828 : i32 to index
      %get3A_830 = arith.constant 48 : index
      %get3A_831 = tpu.vector_load %arg7[%get3A_829, %get3A_830] {strides = array<i32>} : memref<640x64xf32, #tpu.memory_space<vmem>>, vector<16xf32>,
      %add3A_832 = arith.addf %add3A_826, %get3A_831 : vector<16xf32>
      %add3A_833 = arith.constant 5 : i32
      %add3A_834 = arith.addi %mul3A_439, %add3A_833 : i32
      %get3A_835 = arith.index_cast %add3A_834 : i32 to index
      %get3A_836 = arith.constant 48 : index
      %get3A_837 = tpu.vector_load %arg7[%get3A_835, %get3A_836] {strides = array<i32>} : memref<640x64xf32, #tpu.memory_space<vmem>>, vector<16xf32>,
      %add3A_838 = arith.addf %add3A_832, %get3A_837 : vector<16xf32>
      %add3A_839 = arith.constant 6 : i32
      %add3A_840 = arith.addi %mul3A_439, %add3A_839 : i32
      %get3A_841 = arith.index_cast %add3A_840 : i32 to index
      %get3A_842 = arith.constant 48 : index
      %get3A_843 = tpu.vector_load %arg7[%get3A_841, %get3A_842] {strides = array<i32>} : memref<640x64xf32, #tpu.memory_space<vmem>>, vector<16xf32>,
      %add3A_844 = arith.addf %add3A_838, %get3A_843 : vector<16xf32>
      %add3A_845 = arith.constant 7 : i32
      %add3A_846 = arith.addi %mul3A_439, %add3A_845 : i32
      %get3A_847 = arith.index_cast %add3A_846 : i32 to index
      %get3A_848 = arith.constant 48 : index
      %get3A_849 = tpu.vector_load %arg7[%get3A_847, %get3A_848] {strides = array<i32>} : memref<640x64xf32, #tpu.memory_space<vmem>>, vector<16xf32>,
      %add3A_850 = arith.addf %add3A_844, %get3A_849 : vector<16xf32>
      %add3A_851 = arith.constant 8 : i32
      %add3A_852 = arith.addi %mul3A_439, %add3A_851 : i32
      %get3A_853 = arith.index_cast %add3A_852 : i32 to index
      %get3A_854 = arith.constant 48 : index
      %get3A_855 = tpu.vector_load %arg7[%get3A_853, %get3A_854] {strides = array<i32>} : memref<640x64xf32, #tpu.memory_space<vmem>>, vector<16xf32>,
      %add3A_856 = arith.addf %add3A_850, %get3A_855 : vector<16xf32>
      %add3A_857 = arith.constant 9 : i32
      %add3A_858 = arith.addi %mul3A_439, %add3A_857 : i32
      %get3A_859 = arith.index_cast %add3A_858 : i32 to index
      %get3A_860 = arith.constant 48 : index
      %get3A_861 = tpu.vector_load %arg7[%get3A_859, %get3A_860] {strides = array<i32>} : memref<640x64xf32, #tpu.memory_space<vmem>>, vector<16xf32>,
      %add3A_862 = arith.addf %add3A_856, %get3A_861 : vector<16xf32>
      %add3A_863 = arith.constant 10 : i32
      %add3A_864 = arith.addi %mul3A_439, %add3A_863 : i32
      %get3A_865 = arith.index_cast %add3A_864 : i32 to index
      %get3A_866 = arith.constant 48 : index
      %get3A_867 = tpu.vector_load %arg7[%get3A_865, %get3A_866] {strides = array<i32>} : memref<640x64xf32, #tpu.memory_space<vmem>>, vector<16xf32>,
      %add3A_868 = arith.addf %add3A_862, %get3A_867 : vector<16xf32>
      %add3A_869 = arith.constant 11 : i32
      %add3A_870 = arith.addi %mul3A_439, %add3A_869 : i32
      %get3A_871 = arith.index_cast %add3A_870 : i32 to index
      %get3A_872 = arith.constant 48 : index
      %get3A_873 = tpu.vector_load %arg7[%get3A_871, %get3A_872] {strides = array<i32>} : memref<640x64xf32, #tpu.memory_space<vmem>>, vector<16xf32>,
      %add3A_874 = arith.addf %add3A_868, %get3A_873 : vector<16xf32>
      %add3A_875 = arith.constant 12 : i32
      %add3A_876 = arith.addi %mul3A_439, %add3A_875 : i32
      %get3A_877 = arith.index_cast %add3A_876 : i32 to index
      %get3A_878 = arith.constant 48 : index
      %get3A_879 = tpu.vector_load %arg7[%get3A_877, %get3A_878] {strides = array<i32>} : memref<640x64xf32, #tpu.memory_space<vmem>>, vector<16xf32>,
      %add3A_880 = arith.addf %add3A_874, %get3A_879 : vector<16xf32>
      %add3A_881 = arith.constant 13 : i32
      %add3A_882 = arith.addi %mul3A_439, %add3A_881 : i32
      %get3A_883 = arith.index_cast %add3A_882 : i32 to index
      %get3A_884 = arith.constant 48 : index
      %get3A_885 = tpu.vector_load %arg7[%get3A_883, %get3A_884] {strides = array<i32>} : memref<640x64xf32, #tpu.memory_space<vmem>>, vector<16xf32>,
      %add3A_886 = arith.addf %add3A_880, %get3A_885 : vector<16xf32>
      %add3A_887 = arith.constant 14 : i32
      %add3A_888 = arith.addi %mul3A_439, %add3A_887 : i32
      %get3A_889 = arith.index_cast %add3A_888 : i32 to index
      %get3A_890 = arith.constant 48 : index
      %get3A_891 = tpu.vector_load %arg7[%get3A_889, %get3A_890] {strides = array<i32>} : memref<640x64xf32, #tpu.memory_space<vmem>>, vector<16xf32>,
      %add3A_892 = arith.addf %add3A_886, %get3A_891 : vector<16xf32>
      %add3A_893 = arith.constant 15 : i32
      %add3A_894 = arith.addi %mul3A_439, %add3A_893 : i32
      %get3A_895 = arith.index_cast %add3A_894 : i32 to index
      %get3A_896 = arith.constant 48 : index
      %get3A_897 = tpu.vector_load %arg7[%get3A_895, %get3A_896] {strides = array<i32>} : memref<640x64xf32, #tpu.memory_space<vmem>>, vector<16xf32>,
      %add3A_898 = arith.addf %add3A_892, %get3A_897 : vector<16xf32>
      %add3A_899 = arith.constant 16 : i32
      %add3A_900 = arith.addi %mul3A_439, %add3A_899 : i32
      %get3A_901 = arith.index_cast %add3A_900 : i32 to index
      %get3A_902 = arith.constant 48 : index
      %get3A_903 = tpu.vector_load %arg7[%get3A_901, %get3A_902] {strides = array<i32>} : memref<640x64xf32, #tpu.memory_space<vmem>>, vector<16xf32>,
      %add3A_904 = arith.addf %add3A_898, %get3A_903 : vector<16xf32>
      %add3A_905 = arith.constant 17 : i32
      %add3A_906 = arith.addi %mul3A_439, %add3A_905 : i32
      %get3A_907 = arith.index_cast %add3A_906 : i32 to index
      %get3A_908 = arith.constant 48 : index
      %get3A_909 = tpu.vector_load %arg7[%get3A_907, %get3A_908] {strides = array<i32>} : memref<640x64xf32, #tpu.memory_space<vmem>>, vector<16xf32>,
      %add3A_910 = arith.addf %add3A_904, %get3A_909 : vector<16xf32>
      %add3A_911 = arith.constant 18 : i32
      %add3A_912 = arith.addi %mul3A_439, %add3A_911 : i32
      %get3A_913 = arith.index_cast %add3A_912 : i32 to index
      %get3A_914 = arith.constant 48 : index
      %get3A_915 = tpu.vector_load %arg7[%get3A_913, %get3A_914] {strides = array<i32>} : memref<640x64xf32, #tpu.memory_space<vmem>>, vector<16xf32>,
      %add3A_916 = arith.addf %add3A_910, %get3A_915 : vector<16xf32>
      %add3A_917 = arith.constant 19 : i32
      %add3A_918 = arith.addi %mul3A_439, %add3A_917 : i32
      %get3A_919 = arith.index_cast %add3A_918 : i32 to index
      %get3A_920 = arith.constant 48 : index
      %get3A_921 = tpu.vector_load %arg7[%get3A_919, %get3A_920] {strides = array<i32>} : memref<640x64xf32, #tpu.memory_space<vmem>>, vector<16xf32>,
      %add3A_922 = arith.addf %add3A_916, %get3A_921 : vector<16xf32>
      %get3A_923 = arith.index_cast %add3A_441 : i32 to index
      %get3A_924 = arith.constant 48 : index
      %get3A_925 = tpu.vector_load %arg8[%get3A_923, %get3A_924] {strides = array<i32>} : memref<128x64xf32, #tpu.memory_space<vmem>>, vector<16xf32>,
      %mul3A_926 = arith.mulf %add3A_922, %get3A_925 : vector<16xf32>
      %add3A_927 = arith.addf %add3A_805, %mul3A_926 : vector<16xf32>
      %reduce_sum3A = arith.constant true
      %reduce_sum3A_928 = vector.broadcast %reduce_sum3A : i1 to vector<16xi1>
      %reduce_sum3A_929 = tpu.scan <sum>, %add3A_927 masked %reduce_sum3A_928 : vector<16xf32>, vector<16xi1> -> vector<16xf32>
      %reduce_sum3A_930 = vector.extract %reduce_sum3A_929[15] : f32 from vector<16xf32>
      %mul3A_931 = arith.mulf %reduce_sum3A_930, %scan3A_319 : f32
      %and3A = arith.constant 15 : i32
      %and3A_932 = arith.andi %scan3A_436, %and3A : i32
      %eq3A = vector.broadcast %and3A_932 : i32 to vector<16xi32>
      %eq3A_933 = arith.cmpi eq, %iota3A, %eq3A : vector<16xi32>
      %broadcast_in_dim3A_934 = vector.broadcast %mul3A_931 : f32 to vector<16xf32>
      %select_n3A = arith.select %eq3A_933, %broadcast_in_dim3A_934, %scan3A_437 : vector<16xi1>, vector<16xf32>
      %and3A_935 = arith.constant 15 : i32
      %and3A_936 = arith.andi %scan3A_436, %and3A_935 : i32
      %eq3A_937 = arith.constant 15 : i32
      %eq3A_938 = arith.cmpi eq, %and3A_936, %eq3A_937 : i32
      %convert_element_type3A = arith.extui %eq3A_938 : i1 to i32
      %cond3A = arith.constant 0 : i32
      %cond3A_939 = arith.cmpi ne, %convert_element_type3A, %cond3A : i32
      scf.if %cond3A_939 {
        %and3A_940 = arith.constant -16 : i32
        %and3A_941 = arith.andi %scan3A_436, %and3A_940 : i32
        %add3A_942 = arith.constant 64 : i32
        %add3A_943 = arith.addi %add3A_942, %and3A_941 : i32
        %swap3A = arith.index_cast %add3A_943 : i32 to index
        %swap3A_944 = tpu.vector_load %arg9[%swap3A] {strides = array<i32>} : memref<128xf32, #tpu.memory_space<vmem>>, vector<16xf32>,
        tpu.vector_store %arg9[%swap3A], %select_n3A {strides = array<i32>} : memref<128xf32, #tpu.memory_space<vmem>>, vector<16xf32>,
      } else {
      }
      scf.yield %select_n3A : vector<16xf32>
    }
    %scan3A_325 = arith.constant 32 : i32
    %run_scoped3A_326 = arith.constant 3 : i32
    "tpu.region"() ({
      %run_scoped3A_436 = tpu.sem_alloc : memref<!tpu.dma_semaphore, #tpu.memory_space<semaphore_mem>>
      %dma_start3A_437 = arith.constant 0 : i32
      %dma_start3A_438 = arith.constant 0 : i32
      %dma_start3A_439 = tpu.memref_slice %arg3[%add3A, %run_scoped3A_326, %dma_start3A_437, %dma_start3A_438] : memref<32x4x5x128xi32, #tpu.memory_space<hbm>> -> memref<1x1x5x128xi32, #tpu.memory_space<hbm>>
      %dma_start3A_440 = tpu.memref_squeeze %dma_start3A_439 : memref<1x1x5x128xi32, #tpu.memory_space<hbm>> -> memref<5x128xi32, #tpu.memory_space<hbm>>
      %dma_start3A_441 = arith.constant 0 : i32
      %dma_start3A_442 = arith.constant 0 : i32
      %dma_start3A_443 = tpu.memref_slice %arg3[%add3A, %run_scoped3A_326, %dma_start3A_441, %dma_start3A_442] : memref<32x4x5x128xi32, #tpu.memory_space<hbm>> -> memref<1x1x5x128xi32, #tpu.memory_space<hbm>>
      %dma_start3A_444 = tpu.memref_squeeze %dma_start3A_443 : memref<1x1x5x128xi32, #tpu.memory_space<hbm>> -> memref<5x128xi32, #tpu.memory_space<hbm>>
      tpu.enqueue_dma source(%dma_start3A_444 : memref<5x128xi32, #tpu.memory_space<hbm>>) target(%arg6 : memref<5x128xi32, #tpu.memory_space<vmem>>) target_semaphore(%run_scoped3A_436 : memref<!tpu.dma_semaphore, #tpu.memory_space<semaphore_mem>>)
      %dma_wait3A_445 = arith.constant 0 : i32
      %dma_wait3A_446 = arith.constant 0 : i32
      %dma_wait3A_447 = tpu.memref_slice %arg3[%add3A, %run_scoped3A_326, %dma_wait3A_445, %dma_wait3A_446] : memref<32x4x5x128xi32, #tpu.memory_space<hbm>> -> memref<1x1x5x128xi32, #tpu.memory_space<hbm>>
      %dma_wait3A_448 = tpu.memref_squeeze %dma_wait3A_447 : memref<1x1x5x128xi32, #tpu.memory_space<hbm>> -> memref<5x128xi32, #tpu.memory_space<hbm>>
      %dma_wait3A_449 = arith.constant 0 : i32
      %dma_wait3A_450 = arith.constant 0 : i32
      %dma_wait3A_451 = tpu.memref_slice %arg3[%add3A, %run_scoped3A_326, %dma_wait3A_449, %dma_wait3A_450] : memref<32x4x5x128xi32, #tpu.memory_space<hbm>> -> memref<1x1x5x128xi32, #tpu.memory_space<hbm>>
      %dma_wait3A_452 = tpu.memref_squeeze %dma_wait3A_451 : memref<1x1x5x128xi32, #tpu.memory_space<hbm>> -> memref<5x128xi32, #tpu.memory_space<hbm>>
      tpu.wait_dma2 semaphore(%run_scoped3A_436 : memref<!tpu.dma_semaphore, #tpu.memory_space<semaphore_mem>>) src(%dma_wait3A_452 : memref<5x128xi32, #tpu.memory_space<hbm>>) dst(%arg6 : memref<5x128xi32, #tpu.memory_space<vmem>>)
      tpu.yield
    }) : () -> ()
    %dma_start3A_327 = arith.constant 0 : i32
    %dma_start3A_328 = arith.constant 0 : i32
    %dma_start3A_329 = arith.constant 0 : i32
    %dma_start3A_330 = tpu.memref_slice %arg7[%dma_start3A_328, %dma_start3A_329] : memref<640x64xf32, #tpu.memory_space<vmem>> -> memref<128x64xf32, #tpu.memory_space<vmem>>
    %dma_start3A_331 = arith.constant 0 : i32
    %dma_start3A_332 = tpu.memref_slice %arg6[%dma_start3A_327, %dma_start3A_331] : memref<5x128xi32, #tpu.memory_space<vmem>> -> memref<1x128xi32, #tpu.memory_space<vmem>>
    %dma_start3A_333 = tpu.memref_squeeze %dma_start3A_332 : memref<1x128xi32, #tpu.memory_space<vmem>> -> memref<128xi32, #tpu.memory_space<vmem>>
    %dma_start3A_334 = arith.constant 0 : i32
    %dma_start3A_335 = arith.constant 0 : i32
    %dma_start3A_336 = tpu.memref_slice %arg2[%dma_start3A_334, %dma_start3A_335] : memref<1000000x64xf32, #tpu.memory_space<hbm>> -> memref<1000000x64xf32, #tpu.memory_space<hbm>>
    tpu.enqueue_indirect_dma source(%dma_start3A_336 : memref<1000000x64xf32, #tpu.memory_space<hbm>>) target(%dma_start3A_330 : memref<128x64xf32, #tpu.memory_space<vmem>>) offsets(%dma_start3A_333 : memref<128xi32, #tpu.memory_space<vmem>>) semaphore(%arg10 : memref<!tpu.dma_semaphore, #tpu.memory_space<semaphore_mem>>)
    %dma_start3A_337 = arith.constant 1 : i32
    %dma_start3A_338 = arith.constant 128 : i32
    %dma_start3A_339 = arith.constant 0 : i32
    %dma_start3A_340 = tpu.memref_slice %arg7[%dma_start3A_338, %dma_start3A_339] : memref<640x64xf32, #tpu.memory_space<vmem>> -> memref<128x64xf32, #tpu.memory_space<vmem>>
    %dma_start3A_341 = arith.constant 0 : i32
    %dma_start3A_342 = tpu.memref_slice %arg6[%dma_start3A_337, %dma_start3A_341] : memref<5x128xi32, #tpu.memory_space<vmem>> -> memref<1x128xi32, #tpu.memory_space<vmem>>
    %dma_start3A_343 = tpu.memref_squeeze %dma_start3A_342 : memref<1x128xi32, #tpu.memory_space<vmem>> -> memref<128xi32, #tpu.memory_space<vmem>>
    %dma_start3A_344 = arith.constant 0 : i32
    %dma_start3A_345 = arith.constant 0 : i32
    %dma_start3A_346 = tpu.memref_slice %arg2[%dma_start3A_344, %dma_start3A_345] : memref<1000000x64xf32, #tpu.memory_space<hbm>> -> memref<1000000x64xf32, #tpu.memory_space<hbm>>
    tpu.enqueue_indirect_dma source(%dma_start3A_346 : memref<1000000x64xf32, #tpu.memory_space<hbm>>) target(%dma_start3A_340 : memref<128x64xf32, #tpu.memory_space<vmem>>) offsets(%dma_start3A_343 : memref<128xi32, #tpu.memory_space<vmem>>) semaphore(%arg10 : memref<!tpu.dma_semaphore, #tpu.memory_space<semaphore_mem>>)
    %dma_start3A_347 = arith.constant 2 : i32
    %dma_start3A_348 = arith.constant 256 : i32
    %dma_start3A_349 = arith.constant 0 : i32
    %dma_start3A_350 = tpu.memref_slice %arg7[%dma_start3A_348, %dma_start3A_349] : memref<640x64xf32, #tpu.memory_space<vmem>> -> memref<128x64xf32, #tpu.memory_space<vmem>>
    %dma_start3A_351 = arith.constant 0 : i32
    %dma_start3A_352 = tpu.memref_slice %arg6[%dma_start3A_347, %dma_start3A_351] : memref<5x128xi32, #tpu.memory_space<vmem>> -> memref<1x128xi32, #tpu.memory_space<vmem>>
    %dma_start3A_353 = tpu.memref_squeeze %dma_start3A_352 : memref<1x128xi32, #tpu.memory_space<vmem>> -> memref<128xi32, #tpu.memory_space<vmem>>
    %dma_start3A_354 = arith.constant 0 : i32
    %dma_start3A_355 = arith.constant 0 : i32
    %dma_start3A_356 = tpu.memref_slice %arg2[%dma_start3A_354, %dma_start3A_355] : memref<1000000x64xf32, #tpu.memory_space<hbm>> -> memref<1000000x64xf32, #tpu.memory_space<hbm>>
    tpu.enqueue_indirect_dma source(%dma_start3A_356 : memref<1000000x64xf32, #tpu.memory_space<hbm>>) target(%dma_start3A_350 : memref<128x64xf32, #tpu.memory_space<vmem>>) offsets(%dma_start3A_353 : memref<128xi32, #tpu.memory_space<vmem>>) semaphore(%arg10 : memref<!tpu.dma_semaphore, #tpu.memory_space<semaphore_mem>>)
    %dma_start3A_357 = arith.constant 3 : i32
    %dma_start3A_358 = arith.constant 384 : i32
    %dma_start3A_359 = arith.constant 0 : i32
    %dma_start3A_360 = tpu.memref_slice %arg7[%dma_start3A_358, %dma_start3A_359] : memref<640x64xf32, #tpu.memory_space<vmem>> -> memref<128x64xf32, #tpu.memory_space<vmem>>
    %dma_start3A_361 = arith.constant 0 : i32
    %dma_start3A_362 = tpu.memref_slice %arg6[%dma_start3A_357, %dma_start3A_361] : memref<5x128xi32, #tpu.memory_space<vmem>> -> memref<1x128xi32, #tpu.memory_space<vmem>>
    %dma_start3A_363 = tpu.memref_squeeze %dma_start3A_362 : memref<1x128xi32, #tpu.memory_space<vmem>> -> memref<128xi32, #tpu.memory_space<vmem>>
    %dma_start3A_364 = arith.constant 0 : i32
    %dma_start3A_365 = arith.constant 0 : i32
    %dma_start3A_366 = tpu.memref_slice %arg2[%dma_start3A_364, %dma_start3A_365] : memref<1000000x64xf32, #tpu.memory_space<hbm>> -> memref<1000000x64xf32, #tpu.memory_space<hbm>>
    tpu.enqueue_indirect_dma source(%dma_start3A_366 : memref<1000000x64xf32, #tpu.memory_space<hbm>>) target(%dma_start3A_360 : memref<128x64xf32, #tpu.memory_space<vmem>>) offsets(%dma_start3A_363 : memref<128xi32, #tpu.memory_space<vmem>>) semaphore(%arg10 : memref<!tpu.dma_semaphore, #tpu.memory_space<semaphore_mem>>)
    %dma_start3A_367 = arith.constant 4 : i32
    %dma_start3A_368 = arith.constant 512 : i32
    %dma_start3A_369 = arith.constant 0 : i32
    %dma_start3A_370 = tpu.memref_slice %arg7[%dma_start3A_368, %dma_start3A_369] : memref<640x64xf32, #tpu.memory_space<vmem>> -> memref<128x64xf32, #tpu.memory_space<vmem>>
    %dma_start3A_371 = arith.constant 0 : i32
    %dma_start3A_372 = tpu.memref_slice %arg6[%dma_start3A_367, %dma_start3A_371] : memref<5x128xi32, #tpu.memory_space<vmem>> -> memref<1x128xi32, #tpu.memory_space<vmem>>
    %dma_start3A_373 = tpu.memref_squeeze %dma_start3A_372 : memref<1x128xi32, #tpu.memory_space<vmem>> -> memref<128xi32, #tpu.memory_space<vmem>>
    %dma_start3A_374 = arith.constant 0 : i32
    %dma_start3A_375 = arith.constant 0 : i32
    %dma_start3A_376 = tpu.memref_slice %arg2[%dma_start3A_374, %dma_start3A_375] : memref<1000000x64xf32, #tpu.memory_space<hbm>> -> memref<1000000x64xf32, #tpu.memory_space<hbm>>
    tpu.enqueue_indirect_dma source(%dma_start3A_376 : memref<1000000x64xf32, #tpu.memory_space<hbm>>) target(%dma_start3A_370 : memref<128x64xf32, #tpu.memory_space<vmem>>) offsets(%dma_start3A_373 : memref<128xi32, #tpu.memory_space<vmem>>) semaphore(%arg10 : memref<!tpu.dma_semaphore, #tpu.memory_space<semaphore_mem>>)
    %dma_wait3A_377 = arith.constant 0 : i32
    %dma_wait3A_378 = arith.constant 0 : i32
    %dma_wait3A_379 = arith.constant 0 : i32
    %dma_wait3A_380 = tpu.memref_slice %arg7[%dma_wait3A_378, %dma_wait3A_379] : memref<640x64xf32, #tpu.memory_space<vmem>> -> memref<128x64xf32, #tpu.memory_space<vmem>>
    %dma_wait3A_381 = arith.constant 0 : i32
    %dma_wait3A_382 = tpu.memref_slice %arg6[%dma_wait3A_377, %dma_wait3A_381] : memref<5x128xi32, #tpu.memory_space<vmem>> -> memref<1x128xi32, #tpu.memory_space<vmem>>
    %dma_wait3A_383 = tpu.memref_squeeze %dma_wait3A_382 : memref<1x128xi32, #tpu.memory_space<vmem>> -> memref<128xi32, #tpu.memory_space<vmem>>
    %dma_wait3A_384 = arith.constant 0 : i32
    %dma_wait3A_385 = arith.constant 0 : i32
    %dma_wait3A_386 = tpu.memref_slice %arg2[%dma_wait3A_384, %dma_wait3A_385] : memref<1000000x64xf32, #tpu.memory_space<hbm>> -> memref<1000000x64xf32, #tpu.memory_space<hbm>>
    tpu.wait_indirect_dma semaphore(%arg10 : memref<!tpu.dma_semaphore, #tpu.memory_space<semaphore_mem>>) src(%dma_wait3A_386 : memref<1000000x64xf32, #tpu.memory_space<hbm>>) dst(%dma_wait3A_380 : memref<128x64xf32, #tpu.memory_space<vmem>>)
    %dma_wait3A_387 = arith.constant 1 : i32
    %dma_wait3A_388 = arith.constant 128 : i32
    %dma_wait3A_389 = arith.constant 0 : i32
    %dma_wait3A_390 = tpu.memref_slice %arg7[%dma_wait3A_388, %dma_wait3A_389] : memref<640x64xf32, #tpu.memory_space<vmem>> -> memref<128x64xf32, #tpu.memory_space<vmem>>
    %dma_wait3A_391 = arith.constant 0 : i32
    %dma_wait3A_392 = tpu.memref_slice %arg6[%dma_wait3A_387, %dma_wait3A_391] : memref<5x128xi32, #tpu.memory_space<vmem>> -> memref<1x128xi32, #tpu.memory_space<vmem>>
    %dma_wait3A_393 = tpu.memref_squeeze %dma_wait3A_392 : memref<1x128xi32, #tpu.memory_space<vmem>> -> memref<128xi32, #tpu.memory_space<vmem>>
    %dma_wait3A_394 = arith.constant 0 : i32
    %dma_wait3A_395 = arith.constant 0 : i32
    %dma_wait3A_396 = tpu.memref_slice %arg2[%dma_wait3A_394, %dma_wait3A_395] : memref<1000000x64xf32, #tpu.memory_space<hbm>> -> memref<1000000x64xf32, #tpu.memory_space<hbm>>
    tpu.wait_indirect_dma semaphore(%arg10 : memref<!tpu.dma_semaphore, #tpu.memory_space<semaphore_mem>>) src(%dma_wait3A_396 : memref<1000000x64xf32, #tpu.memory_space<hbm>>) dst(%dma_wait3A_390 : memref<128x64xf32, #tpu.memory_space<vmem>>)
    %dma_wait3A_397 = arith.constant 2 : i32
    %dma_wait3A_398 = arith.constant 256 : i32
    %dma_wait3A_399 = arith.constant 0 : i32
    %dma_wait3A_400 = tpu.memref_slice %arg7[%dma_wait3A_398, %dma_wait3A_399] : memref<640x64xf32, #tpu.memory_space<vmem>> -> memref<128x64xf32, #tpu.memory_space<vmem>>
    %dma_wait3A_401 = arith.constant 0 : i32
    %dma_wait3A_402 = tpu.memref_slice %arg6[%dma_wait3A_397, %dma_wait3A_401] : memref<5x128xi32, #tpu.memory_space<vmem>> -> memref<1x128xi32, #tpu.memory_space<vmem>>
    %dma_wait3A_403 = tpu.memref_squeeze %dma_wait3A_402 : memref<1x128xi32, #tpu.memory_space<vmem>> -> memref<128xi32, #tpu.memory_space<vmem>>
    %dma_wait3A_404 = arith.constant 0 : i32
    %dma_wait3A_405 = arith.constant 0 : i32
    %dma_wait3A_406 = tpu.memref_slice %arg2[%dma_wait3A_404, %dma_wait3A_405] : memref<1000000x64xf32, #tpu.memory_space<hbm>> -> memref<1000000x64xf32, #tpu.memory_space<hbm>>
    tpu.wait_indirect_dma semaphore(%arg10 : memref<!tpu.dma_semaphore, #tpu.memory_space<semaphore_mem>>) src(%dma_wait3A_406 : memref<1000000x64xf32, #tpu.memory_space<hbm>>) dst(%dma_wait3A_400 : memref<128x64xf32, #tpu.memory_space<vmem>>)
    %dma_wait3A_407 = arith.constant 3 : i32
    %dma_wait3A_408 = arith.constant 384 : i32
    %dma_wait3A_409 = arith.constant 0 : i32
    %dma_wait3A_410 = tpu.memref_slice %arg7[%dma_wait3A_408, %dma_wait3A_409] : memref<640x64xf32, #tpu.memory_space<vmem>> -> memref<128x64xf32, #tpu.memory_space<vmem>>
    %dma_wait3A_411 = arith.constant 0 : i32
    %dma_wait3A_412 = tpu.memref_slice %arg6[%dma_wait3A_407, %dma_wait3A_411] : memref<5x128xi32, #tpu.memory_space<vmem>> -> memref<1x128xi32, #tpu.memory_space<vmem>>
    %dma_wait3A_413 = tpu.memref_squeeze %dma_wait3A_412 : memref<1x128xi32, #tpu.memory_space<vmem>> -> memref<128xi32, #tpu.memory_space<vmem>>
    %dma_wait3A_414 = arith.constant 0 : i32
    %dma_wait3A_415 = arith.constant 0 : i32
    %dma_wait3A_416 = tpu.memref_slice %arg2[%dma_wait3A_414, %dma_wait3A_415] : memref<1000000x64xf32, #tpu.memory_space<hbm>> -> memref<1000000x64xf32, #tpu.memory_space<hbm>>
    tpu.wait_indirect_dma semaphore(%arg10 : memref<!tpu.dma_semaphore, #tpu.memory_space<semaphore_mem>>) src(%dma_wait3A_416 : memref<1000000x64xf32, #tpu.memory_space<hbm>>) dst(%dma_wait3A_410 : memref<128x64xf32, #tpu.memory_space<vmem>>)
    %dma_wait3A_417 = arith.constant 4 : i32
    %dma_wait3A_418 = arith.constant 512 : i32
    %dma_wait3A_419 = arith.constant 0 : i32
    %dma_wait3A_420 = tpu.memref_slice %arg7[%dma_wait3A_418, %dma_wait3A_419] : memref<640x64xf32, #tpu.memory_space<vmem>> -> memref<128x64xf32, #tpu.memory_space<vmem>>
    %dma_wait3A_421 = arith.constant 0 : i32
    %dma_wait3A_422 = tpu.memref_slice %arg6[%dma_wait3A_417, %dma_wait3A_421] : memref<5x128xi32, #tpu.memory_space<vmem>> -> memref<1x128xi32, #tpu.memory_space<vmem>>
    %dma_wait3A_423 = tpu.memref_squeeze %dma_wait3A_422 : memref<1x128xi32, #tpu.memory_space<vmem>> -> memref<128xi32, #tpu.memory_space<vmem>>
    %dma_wait3A_424 = arith.constant 0 : i32
    %dma_wait3A_425 = arith.constant 0 : i32
    %dma_wait3A_426 = tpu.memref_slice %arg2[%dma_wait3A_424, %dma_wait3A_425] : memref<1000000x64xf32, #tpu.memory_space<hbm>> -> memref<1000000x64xf32, #tpu.memory_space<hbm>>
    tpu.wait_indirect_dma semaphore(%arg10 : memref<!tpu.dma_semaphore, #tpu.memory_space<semaphore_mem>>) src(%dma_wait3A_426 : memref<1000000x64xf32, #tpu.memory_space<hbm>>) dst(%dma_wait3A_420 : memref<128x64xf32, #tpu.memory_space<vmem>>)
    %broadcast_in_dim3A_427 = arith.constant 0.000000e+00 : f32
    %broadcast_in_dim3A_428 = vector.broadcast %broadcast_in_dim3A_427 : f32 to vector<16xf32>
    %scan3A_429 = arith.constant 5.000000e-02 : f32
    %scan3A_430 = arith.constant 0 : i32
    %scan3A_431 = arith.constant 32 : i32
    %scan3A_432 = arith.addi %scan3A_430, %scan3A_431 : i32
    %scan3A_433 = arith.constant 1 : i32
    %scan3A_434 = scf.for %scan3A_436 = %scan3A_430 to %scan3A_432 step %scan3A_433 iter_args(%scan3A_437 = %broadcast_in_dim3A_428) -> (vector<16xf32>)  : i32 {
      %mul3A_438 = arith.constant 20 : i32
      %mul3A_439 = arith.muli %scan3A_436, %mul3A_438 : i32
      %add3A_440 = arith.constant 96 : i32
      %add3A_441 = arith.addi %add3A_440, %scan3A_436 : i32
      %get3A = arith.index_cast %mul3A_439 : i32 to index
      %get3A_442 = arith.constant 0 : index
      %get3A_443 = tpu.vector_load %arg7[%get3A, %get3A_442] {strides = array<i32>} : memref<640x64xf32, #tpu.memory_space<vmem>>, vector<16xf32>,
      %add3A_444 = arith.constant 1 : i32
      %add3A_445 = arith.addi %mul3A_439, %add3A_444 : i32
      %get3A_446 = arith.index_cast %add3A_445 : i32 to index
      %get3A_447 = arith.constant 0 : index
      %get3A_448 = tpu.vector_load %arg7[%get3A_446, %get3A_447] {strides = array<i32>} : memref<640x64xf32, #tpu.memory_space<vmem>>, vector<16xf32>,
      %add3A_449 = arith.addf %get3A_443, %get3A_448 : vector<16xf32>
      %add3A_450 = arith.constant 2 : i32
      %add3A_451 = arith.addi %mul3A_439, %add3A_450 : i32
      %get3A_452 = arith.index_cast %add3A_451 : i32 to index
      %get3A_453 = arith.constant 0 : index
      %get3A_454 = tpu.vector_load %arg7[%get3A_452, %get3A_453] {strides = array<i32>} : memref<640x64xf32, #tpu.memory_space<vmem>>, vector<16xf32>,
      %add3A_455 = arith.addf %add3A_449, %get3A_454 : vector<16xf32>
      %add3A_456 = arith.constant 3 : i32
      %add3A_457 = arith.addi %mul3A_439, %add3A_456 : i32
      %get3A_458 = arith.index_cast %add3A_457 : i32 to index
      %get3A_459 = arith.constant 0 : index
      %get3A_460 = tpu.vector_load %arg7[%get3A_458, %get3A_459] {strides = array<i32>} : memref<640x64xf32, #tpu.memory_space<vmem>>, vector<16xf32>,
      %add3A_461 = arith.addf %add3A_455, %get3A_460 : vector<16xf32>
      %add3A_462 = arith.constant 4 : i32
      %add3A_463 = arith.addi %mul3A_439, %add3A_462 : i32
      %get3A_464 = arith.index_cast %add3A_463 : i32 to index
      %get3A_465 = arith.constant 0 : index
      %get3A_466 = tpu.vector_load %arg7[%get3A_464, %get3A_465] {strides = array<i32>} : memref<640x64xf32, #tpu.memory_space<vmem>>, vector<16xf32>,
      %add3A_467 = arith.addf %add3A_461, %get3A_466 : vector<16xf32>
      %add3A_468 = arith.constant 5 : i32
      %add3A_469 = arith.addi %mul3A_439, %add3A_468 : i32
      %get3A_470 = arith.index_cast %add3A_469 : i32 to index
      %get3A_471 = arith.constant 0 : index
      %get3A_472 = tpu.vector_load %arg7[%get3A_470, %get3A_471] {strides = array<i32>} : memref<640x64xf32, #tpu.memory_space<vmem>>, vector<16xf32>,
      %add3A_473 = arith.addf %add3A_467, %get3A_472 : vector<16xf32>
      %add3A_474 = arith.constant 6 : i32
      %add3A_475 = arith.addi %mul3A_439, %add3A_474 : i32
      %get3A_476 = arith.index_cast %add3A_475 : i32 to index
      %get3A_477 = arith.constant 0 : index
      %get3A_478 = tpu.vector_load %arg7[%get3A_476, %get3A_477] {strides = array<i32>} : memref<640x64xf32, #tpu.memory_space<vmem>>, vector<16xf32>,
      %add3A_479 = arith.addf %add3A_473, %get3A_478 : vector<16xf32>
      %add3A_480 = arith.constant 7 : i32
      %add3A_481 = arith.addi %mul3A_439, %add3A_480 : i32
      %get3A_482 = arith.index_cast %add3A_481 : i32 to index
      %get3A_483 = arith.constant 0 : index
      %get3A_484 = tpu.vector_load %arg7[%get3A_482, %get3A_483] {strides = array<i32>} : memref<640x64xf32, #tpu.memory_space<vmem>>, vector<16xf32>,
      %add3A_485 = arith.addf %add3A_479, %get3A_484 : vector<16xf32>
      %add3A_486 = arith.constant 8 : i32
      %add3A_487 = arith.addi %mul3A_439, %add3A_486 : i32
      %get3A_488 = arith.index_cast %add3A_487 : i32 to index
      %get3A_489 = arith.constant 0 : index
      %get3A_490 = tpu.vector_load %arg7[%get3A_488, %get3A_489] {strides = array<i32>} : memref<640x64xf32, #tpu.memory_space<vmem>>, vector<16xf32>,
      %add3A_491 = arith.addf %add3A_485, %get3A_490 : vector<16xf32>
      %add3A_492 = arith.constant 9 : i32
      %add3A_493 = arith.addi %mul3A_439, %add3A_492 : i32
      %get3A_494 = arith.index_cast %add3A_493 : i32 to index
      %get3A_495 = arith.constant 0 : index
      %get3A_496 = tpu.vector_load %arg7[%get3A_494, %get3A_495] {strides = array<i32>} : memref<640x64xf32, #tpu.memory_space<vmem>>, vector<16xf32>,
      %add3A_497 = arith.addf %add3A_491, %get3A_496 : vector<16xf32>
      %add3A_498 = arith.constant 10 : i32
      %add3A_499 = arith.addi %mul3A_439, %add3A_498 : i32
      %get3A_500 = arith.index_cast %add3A_499 : i32 to index
      %get3A_501 = arith.constant 0 : index
      %get3A_502 = tpu.vector_load %arg7[%get3A_500, %get3A_501] {strides = array<i32>} : memref<640x64xf32, #tpu.memory_space<vmem>>, vector<16xf32>,
      %add3A_503 = arith.addf %add3A_497, %get3A_502 : vector<16xf32>
      %add3A_504 = arith.constant 11 : i32
      %add3A_505 = arith.addi %mul3A_439, %add3A_504 : i32
      %get3A_506 = arith.index_cast %add3A_505 : i32 to index
      %get3A_507 = arith.constant 0 : index
      %get3A_508 = tpu.vector_load %arg7[%get3A_506, %get3A_507] {strides = array<i32>} : memref<640x64xf32, #tpu.memory_space<vmem>>, vector<16xf32>,
      %add3A_509 = arith.addf %add3A_503, %get3A_508 : vector<16xf32>
      %add3A_510 = arith.constant 12 : i32
      %add3A_511 = arith.addi %mul3A_439, %add3A_510 : i32
      %get3A_512 = arith.index_cast %add3A_511 : i32 to index
      %get3A_513 = arith.constant 0 : index
      %get3A_514 = tpu.vector_load %arg7[%get3A_512, %get3A_513] {strides = array<i32>} : memref<640x64xf32, #tpu.memory_space<vmem>>, vector<16xf32>,
      %add3A_515 = arith.addf %add3A_509, %get3A_514 : vector<16xf32>
      %add3A_516 = arith.constant 13 : i32
      %add3A_517 = arith.addi %mul3A_439, %add3A_516 : i32
      %get3A_518 = arith.index_cast %add3A_517 : i32 to index
      %get3A_519 = arith.constant 0 : index
      %get3A_520 = tpu.vector_load %arg7[%get3A_518, %get3A_519] {strides = array<i32>} : memref<640x64xf32, #tpu.memory_space<vmem>>, vector<16xf32>,
      %add3A_521 = arith.addf %add3A_515, %get3A_520 : vector<16xf32>
      %add3A_522 = arith.constant 14 : i32
      %add3A_523 = arith.addi %mul3A_439, %add3A_522 : i32
      %get3A_524 = arith.index_cast %add3A_523 : i32 to index
      %get3A_525 = arith.constant 0 : index
      %get3A_526 = tpu.vector_load %arg7[%get3A_524, %get3A_525] {strides = array<i32>} : memref<640x64xf32, #tpu.memory_space<vmem>>, vector<16xf32>,
      %add3A_527 = arith.addf %add3A_521, %get3A_526 : vector<16xf32>
      %add3A_528 = arith.constant 15 : i32
      %add3A_529 = arith.addi %mul3A_439, %add3A_528 : i32
      %get3A_530 = arith.index_cast %add3A_529 : i32 to index
      %get3A_531 = arith.constant 0 : index
      %get3A_532 = tpu.vector_load %arg7[%get3A_530, %get3A_531] {strides = array<i32>} : memref<640x64xf32, #tpu.memory_space<vmem>>, vector<16xf32>,
      %add3A_533 = arith.addf %add3A_527, %get3A_532 : vector<16xf32>
      %add3A_534 = arith.constant 16 : i32
      %add3A_535 = arith.addi %mul3A_439, %add3A_534 : i32
      %get3A_536 = arith.index_cast %add3A_535 : i32 to index
      %get3A_537 = arith.constant 0 : index
      %get3A_538 = tpu.vector_load %arg7[%get3A_536, %get3A_537] {strides = array<i32>} : memref<640x64xf32, #tpu.memory_space<vmem>>, vector<16xf32>,
      %add3A_539 = arith.addf %add3A_533, %get3A_538 : vector<16xf32>
      %add3A_540 = arith.constant 17 : i32
      %add3A_541 = arith.addi %mul3A_439, %add3A_540 : i32
      %get3A_542 = arith.index_cast %add3A_541 : i32 to index
      %get3A_543 = arith.constant 0 : index
      %get3A_544 = tpu.vector_load %arg7[%get3A_542, %get3A_543] {strides = array<i32>} : memref<640x64xf32, #tpu.memory_space<vmem>>, vector<16xf32>,
      %add3A_545 = arith.addf %add3A_539, %get3A_544 : vector<16xf32>
      %add3A_546 = arith.constant 18 : i32
      %add3A_547 = arith.addi %mul3A_439, %add3A_546 : i32
      %get3A_548 = arith.index_cast %add3A_547 : i32 to index
      %get3A_549 = arith.constant 0 : index
      %get3A_550 = tpu.vector_load %arg7[%get3A_548, %get3A_549] {strides = array<i32>} : memref<640x64xf32, #tpu.memory_space<vmem>>, vector<16xf32>,
      %add3A_551 = arith.addf %add3A_545, %get3A_550 : vector<16xf32>
      %add3A_552 = arith.constant 19 : i32
      %add3A_553 = arith.addi %mul3A_439, %add3A_552 : i32
      %get3A_554 = arith.index_cast %add3A_553 : i32 to index
      %get3A_555 = arith.constant 0 : index
      %get3A_556 = tpu.vector_load %arg7[%get3A_554, %get3A_555] {strides = array<i32>} : memref<640x64xf32, #tpu.memory_space<vmem>>, vector<16xf32>,
      %add3A_557 = arith.addf %add3A_551, %get3A_556 : vector<16xf32>
      %get3A_558 = arith.index_cast %add3A_441 : i32 to index
      %get3A_559 = arith.constant 0 : index
      %get3A_560 = tpu.vector_load %arg8[%get3A_558, %get3A_559] {strides = array<i32>} : memref<128x64xf32, #tpu.memory_space<vmem>>, vector<16xf32>,
      %mul3A_561 = arith.mulf %add3A_557, %get3A_560 : vector<16xf32>
      %get3A_562 = arith.index_cast %mul3A_439 : i32 to index
      %get3A_563 = arith.constant 16 : index
      %get3A_564 = tpu.vector_load %arg7[%get3A_562, %get3A_563] {strides = array<i32>} : memref<640x64xf32, #tpu.memory_space<vmem>>, vector<16xf32>,
      %add3A_565 = arith.constant 1 : i32
      %add3A_566 = arith.addi %mul3A_439, %add3A_565 : i32
      %get3A_567 = arith.index_cast %add3A_566 : i32 to index
      %get3A_568 = arith.constant 16 : index
      %get3A_569 = tpu.vector_load %arg7[%get3A_567, %get3A_568] {strides = array<i32>} : memref<640x64xf32, #tpu.memory_space<vmem>>, vector<16xf32>,
      %add3A_570 = arith.addf %get3A_564, %get3A_569 : vector<16xf32>
      %add3A_571 = arith.constant 2 : i32
      %add3A_572 = arith.addi %mul3A_439, %add3A_571 : i32
      %get3A_573 = arith.index_cast %add3A_572 : i32 to index
      %get3A_574 = arith.constant 16 : index
      %get3A_575 = tpu.vector_load %arg7[%get3A_573, %get3A_574] {strides = array<i32>} : memref<640x64xf32, #tpu.memory_space<vmem>>, vector<16xf32>,
      %add3A_576 = arith.addf %add3A_570, %get3A_575 : vector<16xf32>
      %add3A_577 = arith.constant 3 : i32
      %add3A_578 = arith.addi %mul3A_439, %add3A_577 : i32
      %get3A_579 = arith.index_cast %add3A_578 : i32 to index
      %get3A_580 = arith.constant 16 : index
      %get3A_581 = tpu.vector_load %arg7[%get3A_579, %get3A_580] {strides = array<i32>} : memref<640x64xf32, #tpu.memory_space<vmem>>, vector<16xf32>,
      %add3A_582 = arith.addf %add3A_576, %get3A_581 : vector<16xf32>
      %add3A_583 = arith.constant 4 : i32
      %add3A_584 = arith.addi %mul3A_439, %add3A_583 : i32
      %get3A_585 = arith.index_cast %add3A_584 : i32 to index
      %get3A_586 = arith.constant 16 : index
      %get3A_587 = tpu.vector_load %arg7[%get3A_585, %get3A_586] {strides = array<i32>} : memref<640x64xf32, #tpu.memory_space<vmem>>, vector<16xf32>,
      %add3A_588 = arith.addf %add3A_582, %get3A_587 : vector<16xf32>
      %add3A_589 = arith.constant 5 : i32
      %add3A_590 = arith.addi %mul3A_439, %add3A_589 : i32
      %get3A_591 = arith.index_cast %add3A_590 : i32 to index
      %get3A_592 = arith.constant 16 : index
      %get3A_593 = tpu.vector_load %arg7[%get3A_591, %get3A_592] {strides = array<i32>} : memref<640x64xf32, #tpu.memory_space<vmem>>, vector<16xf32>,
      %add3A_594 = arith.addf %add3A_588, %get3A_593 : vector<16xf32>
      %add3A_595 = arith.constant 6 : i32
      %add3A_596 = arith.addi %mul3A_439, %add3A_595 : i32
      %get3A_597 = arith.index_cast %add3A_596 : i32 to index
      %get3A_598 = arith.constant 16 : index
      %get3A_599 = tpu.vector_load %arg7[%get3A_597, %get3A_598] {strides = array<i32>} : memref<640x64xf32, #tpu.memory_space<vmem>>, vector<16xf32>,
      %add3A_600 = arith.addf %add3A_594, %get3A_599 : vector<16xf32>
      %add3A_601 = arith.constant 7 : i32
      %add3A_602 = arith.addi %mul3A_439, %add3A_601 : i32
      %get3A_603 = arith.index_cast %add3A_602 : i32 to index
      %get3A_604 = arith.constant 16 : index
      %get3A_605 = tpu.vector_load %arg7[%get3A_603, %get3A_604] {strides = array<i32>} : memref<640x64xf32, #tpu.memory_space<vmem>>, vector<16xf32>,
      %add3A_606 = arith.addf %add3A_600, %get3A_605 : vector<16xf32>
      %add3A_607 = arith.constant 8 : i32
      %add3A_608 = arith.addi %mul3A_439, %add3A_607 : i32
      %get3A_609 = arith.index_cast %add3A_608 : i32 to index
      %get3A_610 = arith.constant 16 : index
      %get3A_611 = tpu.vector_load %arg7[%get3A_609, %get3A_610] {strides = array<i32>} : memref<640x64xf32, #tpu.memory_space<vmem>>, vector<16xf32>,
      %add3A_612 = arith.addf %add3A_606, %get3A_611 : vector<16xf32>
      %add3A_613 = arith.constant 9 : i32
      %add3A_614 = arith.addi %mul3A_439, %add3A_613 : i32
      %get3A_615 = arith.index_cast %add3A_614 : i32 to index
      %get3A_616 = arith.constant 16 : index
      %get3A_617 = tpu.vector_load %arg7[%get3A_615, %get3A_616] {strides = array<i32>} : memref<640x64xf32, #tpu.memory_space<vmem>>, vector<16xf32>,
      %add3A_618 = arith.addf %add3A_612, %get3A_617 : vector<16xf32>
      %add3A_619 = arith.constant 10 : i32
      %add3A_620 = arith.addi %mul3A_439, %add3A_619 : i32
      %get3A_621 = arith.index_cast %add3A_620 : i32 to index
      %get3A_622 = arith.constant 16 : index
      %get3A_623 = tpu.vector_load %arg7[%get3A_621, %get3A_622] {strides = array<i32>} : memref<640x64xf32, #tpu.memory_space<vmem>>, vector<16xf32>,
      %add3A_624 = arith.addf %add3A_618, %get3A_623 : vector<16xf32>
      %add3A_625 = arith.constant 11 : i32
      %add3A_626 = arith.addi %mul3A_439, %add3A_625 : i32
      %get3A_627 = arith.index_cast %add3A_626 : i32 to index
      %get3A_628 = arith.constant 16 : index
      %get3A_629 = tpu.vector_load %arg7[%get3A_627, %get3A_628] {strides = array<i32>} : memref<640x64xf32, #tpu.memory_space<vmem>>, vector<16xf32>,
      %add3A_630 = arith.addf %add3A_624, %get3A_629 : vector<16xf32>
      %add3A_631 = arith.constant 12 : i32
      %add3A_632 = arith.addi %mul3A_439, %add3A_631 : i32
      %get3A_633 = arith.index_cast %add3A_632 : i32 to index
      %get3A_634 = arith.constant 16 : index
      %get3A_635 = tpu.vector_load %arg7[%get3A_633, %get3A_634] {strides = array<i32>} : memref<640x64xf32, #tpu.memory_space<vmem>>, vector<16xf32>,
      %add3A_636 = arith.addf %add3A_630, %get3A_635 : vector<16xf32>
      %add3A_637 = arith.constant 13 : i32
      %add3A_638 = arith.addi %mul3A_439, %add3A_637 : i32
      %get3A_639 = arith.index_cast %add3A_638 : i32 to index
      %get3A_640 = arith.constant 16 : index
      %get3A_641 = tpu.vector_load %arg7[%get3A_639, %get3A_640] {strides = array<i32>} : memref<640x64xf32, #tpu.memory_space<vmem>>, vector<16xf32>,
      %add3A_642 = arith.addf %add3A_636, %get3A_641 : vector<16xf32>
      %add3A_643 = arith.constant 14 : i32
      %add3A_644 = arith.addi %mul3A_439, %add3A_643 : i32
      %get3A_645 = arith.index_cast %add3A_644 : i32 to index
      %get3A_646 = arith.constant 16 : index
      %get3A_647 = tpu.vector_load %arg7[%get3A_645, %get3A_646] {strides = array<i32>} : memref<640x64xf32, #tpu.memory_space<vmem>>, vector<16xf32>,
      %add3A_648 = arith.addf %add3A_642, %get3A_647 : vector<16xf32>
      %add3A_649 = arith.constant 15 : i32
      %add3A_650 = arith.addi %mul3A_439, %add3A_649 : i32
      %get3A_651 = arith.index_cast %add3A_650 : i32 to index
      %get3A_652 = arith.constant 16 : index
      %get3A_653 = tpu.vector_load %arg7[%get3A_651, %get3A_652] {strides = array<i32>} : memref<640x64xf32, #tpu.memory_space<vmem>>, vector<16xf32>,
      %add3A_654 = arith.addf %add3A_648, %get3A_653 : vector<16xf32>
      %add3A_655 = arith.constant 16 : i32
      %add3A_656 = arith.addi %mul3A_439, %add3A_655 : i32
      %get3A_657 = arith.index_cast %add3A_656 : i32 to index
      %get3A_658 = arith.constant 16 : index
      %get3A_659 = tpu.vector_load %arg7[%get3A_657, %get3A_658] {strides = array<i32>} : memref<640x64xf32, #tpu.memory_space<vmem>>, vector<16xf32>,
      %add3A_660 = arith.addf %add3A_654, %get3A_659 : vector<16xf32>
      %add3A_661 = arith.constant 17 : i32
      %add3A_662 = arith.addi %mul3A_439, %add3A_661 : i32
      %get3A_663 = arith.index_cast %add3A_662 : i32 to index
      %get3A_664 = arith.constant 16 : index
      %get3A_665 = tpu.vector_load %arg7[%get3A_663, %get3A_664] {strides = array<i32>} : memref<640x64xf32, #tpu.memory_space<vmem>>, vector<16xf32>,
      %add3A_666 = arith.addf %add3A_660, %get3A_665 : vector<16xf32>
      %add3A_667 = arith.constant 18 : i32
      %add3A_668 = arith.addi %mul3A_439, %add3A_667 : i32
      %get3A_669 = arith.index_cast %add3A_668 : i32 to index
      %get3A_670 = arith.constant 16 : index
      %get3A_671 = tpu.vector_load %arg7[%get3A_669, %get3A_670] {strides = array<i32>} : memref<640x64xf32, #tpu.memory_space<vmem>>, vector<16xf32>,
      %add3A_672 = arith.addf %add3A_666, %get3A_671 : vector<16xf32>
      %add3A_673 = arith.constant 19 : i32
      %add3A_674 = arith.addi %mul3A_439, %add3A_673 : i32
      %get3A_675 = arith.index_cast %add3A_674 : i32 to index
      %get3A_676 = arith.constant 16 : index
      %get3A_677 = tpu.vector_load %arg7[%get3A_675, %get3A_676] {strides = array<i32>} : memref<640x64xf32, #tpu.memory_space<vmem>>, vector<16xf32>,
      %add3A_678 = arith.addf %add3A_672, %get3A_677 : vector<16xf32>
      %get3A_679 = arith.index_cast %add3A_441 : i32 to index
      %get3A_680 = arith.constant 16 : index
      %get3A_681 = tpu.vector_load %arg8[%get3A_679, %get3A_680] {strides = array<i32>} : memref<128x64xf32, #tpu.memory_space<vmem>>, vector<16xf32>,
      %mul3A_682 = arith.mulf %add3A_678, %get3A_681 : vector<16xf32>
      %add3A_683 = arith.addf %mul3A_561, %mul3A_682 : vector<16xf32>
      %get3A_684 = arith.index_cast %mul3A_439 : i32 to index
      %get3A_685 = arith.constant 32 : index
      %get3A_686 = tpu.vector_load %arg7[%get3A_684, %get3A_685] {strides = array<i32>} : memref<640x64xf32, #tpu.memory_space<vmem>>, vector<16xf32>,
      %add3A_687 = arith.constant 1 : i32
      %add3A_688 = arith.addi %mul3A_439, %add3A_687 : i32
      %get3A_689 = arith.index_cast %add3A_688 : i32 to index
      %get3A_690 = arith.constant 32 : index
      %get3A_691 = tpu.vector_load %arg7[%get3A_689, %get3A_690] {strides = array<i32>} : memref<640x64xf32, #tpu.memory_space<vmem>>, vector<16xf32>,
      %add3A_692 = arith.addf %get3A_686, %get3A_691 : vector<16xf32>
      %add3A_693 = arith.constant 2 : i32
      %add3A_694 = arith.addi %mul3A_439, %add3A_693 : i32
      %get3A_695 = arith.index_cast %add3A_694 : i32 to index
      %get3A_696 = arith.constant 32 : index
      %get3A_697 = tpu.vector_load %arg7[%get3A_695, %get3A_696] {strides = array<i32>} : memref<640x64xf32, #tpu.memory_space<vmem>>, vector<16xf32>,
      %add3A_698 = arith.addf %add3A_692, %get3A_697 : vector<16xf32>
      %add3A_699 = arith.constant 3 : i32
      %add3A_700 = arith.addi %mul3A_439, %add3A_699 : i32
      %get3A_701 = arith.index_cast %add3A_700 : i32 to index
      %get3A_702 = arith.constant 32 : index
      %get3A_703 = tpu.vector_load %arg7[%get3A_701, %get3A_702] {strides = array<i32>} : memref<640x64xf32, #tpu.memory_space<vmem>>, vector<16xf32>,
      %add3A_704 = arith.addf %add3A_698, %get3A_703 : vector<16xf32>
      %add3A_705 = arith.constant 4 : i32
      %add3A_706 = arith.addi %mul3A_439, %add3A_705 : i32
      %get3A_707 = arith.index_cast %add3A_706 : i32 to index
      %get3A_708 = arith.constant 32 : index
      %get3A_709 = tpu.vector_load %arg7[%get3A_707, %get3A_708] {strides = array<i32>} : memref<640x64xf32, #tpu.memory_space<vmem>>, vector<16xf32>,
      %add3A_710 = arith.addf %add3A_704, %get3A_709 : vector<16xf32>
      %add3A_711 = arith.constant 5 : i32
      %add3A_712 = arith.addi %mul3A_439, %add3A_711 : i32
      %get3A_713 = arith.index_cast %add3A_712 : i32 to index
      %get3A_714 = arith.constant 32 : index
      %get3A_715 = tpu.vector_load %arg7[%get3A_713, %get3A_714] {strides = array<i32>} : memref<640x64xf32, #tpu.memory_space<vmem>>, vector<16xf32>,
      %add3A_716 = arith.addf %add3A_710, %get3A_715 : vector<16xf32>
      %add3A_717 = arith.constant 6 : i32
      %add3A_718 = arith.addi %mul3A_439, %add3A_717 : i32
      %get3A_719 = arith.index_cast %add3A_718 : i32 to index
      %get3A_720 = arith.constant 32 : index
      %get3A_721 = tpu.vector_load %arg7[%get3A_719, %get3A_720] {strides = array<i32>} : memref<640x64xf32, #tpu.memory_space<vmem>>, vector<16xf32>,
      %add3A_722 = arith.addf %add3A_716, %get3A_721 : vector<16xf32>
      %add3A_723 = arith.constant 7 : i32
      %add3A_724 = arith.addi %mul3A_439, %add3A_723 : i32
      %get3A_725 = arith.index_cast %add3A_724 : i32 to index
      %get3A_726 = arith.constant 32 : index
      %get3A_727 = tpu.vector_load %arg7[%get3A_725, %get3A_726] {strides = array<i32>} : memref<640x64xf32, #tpu.memory_space<vmem>>, vector<16xf32>,
      %add3A_728 = arith.addf %add3A_722, %get3A_727 : vector<16xf32>
      %add3A_729 = arith.constant 8 : i32
      %add3A_730 = arith.addi %mul3A_439, %add3A_729 : i32
      %get3A_731 = arith.index_cast %add3A_730 : i32 to index
      %get3A_732 = arith.constant 32 : index
      %get3A_733 = tpu.vector_load %arg7[%get3A_731, %get3A_732] {strides = array<i32>} : memref<640x64xf32, #tpu.memory_space<vmem>>, vector<16xf32>,
      %add3A_734 = arith.addf %add3A_728, %get3A_733 : vector<16xf32>
      %add3A_735 = arith.constant 9 : i32
      %add3A_736 = arith.addi %mul3A_439, %add3A_735 : i32
      %get3A_737 = arith.index_cast %add3A_736 : i32 to index
      %get3A_738 = arith.constant 32 : index
      %get3A_739 = tpu.vector_load %arg7[%get3A_737, %get3A_738] {strides = array<i32>} : memref<640x64xf32, #tpu.memory_space<vmem>>, vector<16xf32>,
      %add3A_740 = arith.addf %add3A_734, %get3A_739 : vector<16xf32>
      %add3A_741 = arith.constant 10 : i32
      %add3A_742 = arith.addi %mul3A_439, %add3A_741 : i32
      %get3A_743 = arith.index_cast %add3A_742 : i32 to index
      %get3A_744 = arith.constant 32 : index
      %get3A_745 = tpu.vector_load %arg7[%get3A_743, %get3A_744] {strides = array<i32>} : memref<640x64xf32, #tpu.memory_space<vmem>>, vector<16xf32>,
      %add3A_746 = arith.addf %add3A_740, %get3A_745 : vector<16xf32>
      %add3A_747 = arith.constant 11 : i32
      %add3A_748 = arith.addi %mul3A_439, %add3A_747 : i32
      %get3A_749 = arith.index_cast %add3A_748 : i32 to index
      %get3A_750 = arith.constant 32 : index
      %get3A_751 = tpu.vector_load %arg7[%get3A_749, %get3A_750] {strides = array<i32>} : memref<640x64xf32, #tpu.memory_space<vmem>>, vector<16xf32>,
      %add3A_752 = arith.addf %add3A_746, %get3A_751 : vector<16xf32>
      %add3A_753 = arith.constant 12 : i32
      %add3A_754 = arith.addi %mul3A_439, %add3A_753 : i32
      %get3A_755 = arith.index_cast %add3A_754 : i32 to index
      %get3A_756 = arith.constant 32 : index
      %get3A_757 = tpu.vector_load %arg7[%get3A_755, %get3A_756] {strides = array<i32>} : memref<640x64xf32, #tpu.memory_space<vmem>>, vector<16xf32>,
      %add3A_758 = arith.addf %add3A_752, %get3A_757 : vector<16xf32>
      %add3A_759 = arith.constant 13 : i32
      %add3A_760 = arith.addi %mul3A_439, %add3A_759 : i32
      %get3A_761 = arith.index_cast %add3A_760 : i32 to index
      %get3A_762 = arith.constant 32 : index
      %get3A_763 = tpu.vector_load %arg7[%get3A_761, %get3A_762] {strides = array<i32>} : memref<640x64xf32, #tpu.memory_space<vmem>>, vector<16xf32>,
      %add3A_764 = arith.addf %add3A_758, %get3A_763 : vector<16xf32>
      %add3A_765 = arith.constant 14 : i32
      %add3A_766 = arith.addi %mul3A_439, %add3A_765 : i32
      %get3A_767 = arith.index_cast %add3A_766 : i32 to index
      %get3A_768 = arith.constant 32 : index
      %get3A_769 = tpu.vector_load %arg7[%get3A_767, %get3A_768] {strides = array<i32>} : memref<640x64xf32, #tpu.memory_space<vmem>>, vector<16xf32>,
      %add3A_770 = arith.addf %add3A_764, %get3A_769 : vector<16xf32>
      %add3A_771 = arith.constant 15 : i32
      %add3A_772 = arith.addi %mul3A_439, %add3A_771 : i32
      %get3A_773 = arith.index_cast %add3A_772 : i32 to index
      %get3A_774 = arith.constant 32 : index
      %get3A_775 = tpu.vector_load %arg7[%get3A_773, %get3A_774] {strides = array<i32>} : memref<640x64xf32, #tpu.memory_space<vmem>>, vector<16xf32>,
      %add3A_776 = arith.addf %add3A_770, %get3A_775 : vector<16xf32>
      %add3A_777 = arith.constant 16 : i32
      %add3A_778 = arith.addi %mul3A_439, %add3A_777 : i32
      %get3A_779 = arith.index_cast %add3A_778 : i32 to index
      %get3A_780 = arith.constant 32 : index
      %get3A_781 = tpu.vector_load %arg7[%get3A_779, %get3A_780] {strides = array<i32>} : memref<640x64xf32, #tpu.memory_space<vmem>>, vector<16xf32>,
      %add3A_782 = arith.addf %add3A_776, %get3A_781 : vector<16xf32>
      %add3A_783 = arith.constant 17 : i32
      %add3A_784 = arith.addi %mul3A_439, %add3A_783 : i32
      %get3A_785 = arith.index_cast %add3A_784 : i32 to index
      %get3A_786 = arith.constant 32 : index
      %get3A_787 = tpu.vector_load %arg7[%get3A_785, %get3A_786] {strides = array<i32>} : memref<640x64xf32, #tpu.memory_space<vmem>>, vector<16xf32>,
      %add3A_788 = arith.addf %add3A_782, %get3A_787 : vector<16xf32>
      %add3A_789 = arith.constant 18 : i32
      %add3A_790 = arith.addi %mul3A_439, %add3A_789 : i32
      %get3A_791 = arith.index_cast %add3A_790 : i32 to index
      %get3A_792 = arith.constant 32 : index
      %get3A_793 = tpu.vector_load %arg7[%get3A_791, %get3A_792] {strides = array<i32>} : memref<640x64xf32, #tpu.memory_space<vmem>>, vector<16xf32>,
      %add3A_794 = arith.addf %add3A_788, %get3A_793 : vector<16xf32>
      %add3A_795 = arith.constant 19 : i32
      %add3A_796 = arith.addi %mul3A_439, %add3A_795 : i32
      %get3A_797 = arith.index_cast %add3A_796 : i32 to index
      %get3A_798 = arith.constant 32 : index
      %get3A_799 = tpu.vector_load %arg7[%get3A_797, %get3A_798] {strides = array<i32>} : memref<640x64xf32, #tpu.memory_space<vmem>>, vector<16xf32>,
      %add3A_800 = arith.addf %add3A_794, %get3A_799 : vector<16xf32>
      %get3A_801 = arith.index_cast %add3A_441 : i32 to index
      %get3A_802 = arith.constant 32 : index
      %get3A_803 = tpu.vector_load %arg8[%get3A_801, %get3A_802] {strides = array<i32>} : memref<128x64xf32, #tpu.memory_space<vmem>>, vector<16xf32>,
      %mul3A_804 = arith.mulf %add3A_800, %get3A_803 : vector<16xf32>
      %add3A_805 = arith.addf %add3A_683, %mul3A_804 : vector<16xf32>
      %get3A_806 = arith.index_cast %mul3A_439 : i32 to index
      %get3A_807 = arith.constant 48 : index
      %get3A_808 = tpu.vector_load %arg7[%get3A_806, %get3A_807] {strides = array<i32>} : memref<640x64xf32, #tpu.memory_space<vmem>>, vector<16xf32>,
      %add3A_809 = arith.constant 1 : i32
      %add3A_810 = arith.addi %mul3A_439, %add3A_809 : i32
      %get3A_811 = arith.index_cast %add3A_810 : i32 to index
      %get3A_812 = arith.constant 48 : index
      %get3A_813 = tpu.vector_load %arg7[%get3A_811, %get3A_812] {strides = array<i32>} : memref<640x64xf32, #tpu.memory_space<vmem>>, vector<16xf32>,
      %add3A_814 = arith.addf %get3A_808, %get3A_813 : vector<16xf32>
      %add3A_815 = arith.constant 2 : i32
      %add3A_816 = arith.addi %mul3A_439, %add3A_815 : i32
      %get3A_817 = arith.index_cast %add3A_816 : i32 to index
      %get3A_818 = arith.constant 48 : index
      %get3A_819 = tpu.vector_load %arg7[%get3A_817, %get3A_818] {strides = array<i32>} : memref<640x64xf32, #tpu.memory_space<vmem>>, vector<16xf32>,
      %add3A_820 = arith.addf %add3A_814, %get3A_819 : vector<16xf32>
      %add3A_821 = arith.constant 3 : i32
      %add3A_822 = arith.addi %mul3A_439, %add3A_821 : i32
      %get3A_823 = arith.index_cast %add3A_822 : i32 to index
      %get3A_824 = arith.constant 48 : index
      %get3A_825 = tpu.vector_load %arg7[%get3A_823, %get3A_824] {strides = array<i32>} : memref<640x64xf32, #tpu.memory_space<vmem>>, vector<16xf32>,
      %add3A_826 = arith.addf %add3A_820, %get3A_825 : vector<16xf32>
      %add3A_827 = arith.constant 4 : i32
      %add3A_828 = arith.addi %mul3A_439, %add3A_827 : i32
      %get3A_829 = arith.index_cast %add3A_828 : i32 to index
      %get3A_830 = arith.constant 48 : index
      %get3A_831 = tpu.vector_load %arg7[%get3A_829, %get3A_830] {strides = array<i32>} : memref<640x64xf32, #tpu.memory_space<vmem>>, vector<16xf32>,
      %add3A_832 = arith.addf %add3A_826, %get3A_831 : vector<16xf32>
      %add3A_833 = arith.constant 5 : i32
      %add3A_834 = arith.addi %mul3A_439, %add3A_833 : i32
      %get3A_835 = arith.index_cast %add3A_834 : i32 to index
      %get3A_836 = arith.constant 48 : index
      %get3A_837 = tpu.vector_load %arg7[%get3A_835, %get3A_836] {strides = array<i32>} : memref<640x64xf32, #tpu.memory_space<vmem>>, vector<16xf32>,
      %add3A_838 = arith.addf %add3A_832, %get3A_837 : vector<16xf32>
      %add3A_839 = arith.constant 6 : i32
      %add3A_840 = arith.addi %mul3A_439, %add3A_839 : i32
      %get3A_841 = arith.index_cast %add3A_840 : i32 to index
      %get3A_842 = arith.constant 48 : index
      %get3A_843 = tpu.vector_load %arg7[%get3A_841, %get3A_842] {strides = array<i32>} : memref<640x64xf32, #tpu.memory_space<vmem>>, vector<16xf32>,
      %add3A_844 = arith.addf %add3A_838, %get3A_843 : vector<16xf32>
      %add3A_845 = arith.constant 7 : i32
      %add3A_846 = arith.addi %mul3A_439, %add3A_845 : i32
      %get3A_847 = arith.index_cast %add3A_846 : i32 to index
      %get3A_848 = arith.constant 48 : index
      %get3A_849 = tpu.vector_load %arg7[%get3A_847, %get3A_848] {strides = array<i32>} : memref<640x64xf32, #tpu.memory_space<vmem>>, vector<16xf32>,
      %add3A_850 = arith.addf %add3A_844, %get3A_849 : vector<16xf32>
      %add3A_851 = arith.constant 8 : i32
      %add3A_852 = arith.addi %mul3A_439, %add3A_851 : i32
      %get3A_853 = arith.index_cast %add3A_852 : i32 to index
      %get3A_854 = arith.constant 48 : index
      %get3A_855 = tpu.vector_load %arg7[%get3A_853, %get3A_854] {strides = array<i32>} : memref<640x64xf32, #tpu.memory_space<vmem>>, vector<16xf32>,
      %add3A_856 = arith.addf %add3A_850, %get3A_855 : vector<16xf32>
      %add3A_857 = arith.constant 9 : i32
      %add3A_858 = arith.addi %mul3A_439, %add3A_857 : i32
      %get3A_859 = arith.index_cast %add3A_858 : i32 to index
      %get3A_860 = arith.constant 48 : index
      %get3A_861 = tpu.vector_load %arg7[%get3A_859, %get3A_860] {strides = array<i32>} : memref<640x64xf32, #tpu.memory_space<vmem>>, vector<16xf32>,
      %add3A_862 = arith.addf %add3A_856, %get3A_861 : vector<16xf32>
      %add3A_863 = arith.constant 10 : i32
      %add3A_864 = arith.addi %mul3A_439, %add3A_863 : i32
      %get3A_865 = arith.index_cast %add3A_864 : i32 to index
      %get3A_866 = arith.constant 48 : index
      %get3A_867 = tpu.vector_load %arg7[%get3A_865, %get3A_866] {strides = array<i32>} : memref<640x64xf32, #tpu.memory_space<vmem>>, vector<16xf32>,
      %add3A_868 = arith.addf %add3A_862, %get3A_867 : vector<16xf32>
      %add3A_869 = arith.constant 11 : i32
      %add3A_870 = arith.addi %mul3A_439, %add3A_869 : i32
      %get3A_871 = arith.index_cast %add3A_870 : i32 to index
      %get3A_872 = arith.constant 48 : index
      %get3A_873 = tpu.vector_load %arg7[%get3A_871, %get3A_872] {strides = array<i32>} : memref<640x64xf32, #tpu.memory_space<vmem>>, vector<16xf32>,
      %add3A_874 = arith.addf %add3A_868, %get3A_873 : vector<16xf32>
      %add3A_875 = arith.constant 12 : i32
      %add3A_876 = arith.addi %mul3A_439, %add3A_875 : i32
      %get3A_877 = arith.index_cast %add3A_876 : i32 to index
      %get3A_878 = arith.constant 48 : index
      %get3A_879 = tpu.vector_load %arg7[%get3A_877, %get3A_878] {strides = array<i32>} : memref<640x64xf32, #tpu.memory_space<vmem>>, vector<16xf32>,
      %add3A_880 = arith.addf %add3A_874, %get3A_879 : vector<16xf32>
      %add3A_881 = arith.constant 13 : i32
      %add3A_882 = arith.addi %mul3A_439, %add3A_881 : i32
      %get3A_883 = arith.index_cast %add3A_882 : i32 to index
      %get3A_884 = arith.constant 48 : index
      %get3A_885 = tpu.vector_load %arg7[%get3A_883, %get3A_884] {strides = array<i32>} : memref<640x64xf32, #tpu.memory_space<vmem>>, vector<16xf32>,
      %add3A_886 = arith.addf %add3A_880, %get3A_885 : vector<16xf32>
      %add3A_887 = arith.constant 14 : i32
      %add3A_888 = arith.addi %mul3A_439, %add3A_887 : i32
      %get3A_889 = arith.index_cast %add3A_888 : i32 to index
      %get3A_890 = arith.constant 48 : index
      %get3A_891 = tpu.vector_load %arg7[%get3A_889, %get3A_890] {strides = array<i32>} : memref<640x64xf32, #tpu.memory_space<vmem>>, vector<16xf32>,
      %add3A_892 = arith.addf %add3A_886, %get3A_891 : vector<16xf32>
      %add3A_893 = arith.constant 15 : i32
      %add3A_894 = arith.addi %mul3A_439, %add3A_893 : i32
      %get3A_895 = arith.index_cast %add3A_894 : i32 to index
      %get3A_896 = arith.constant 48 : index
      %get3A_897 = tpu.vector_load %arg7[%get3A_895, %get3A_896] {strides = array<i32>} : memref<640x64xf32, #tpu.memory_space<vmem>>, vector<16xf32>,
      %add3A_898 = arith.addf %add3A_892, %get3A_897 : vector<16xf32>
      %add3A_899 = arith.constant 16 : i32
      %add3A_900 = arith.addi %mul3A_439, %add3A_899 : i32
      %get3A_901 = arith.index_cast %add3A_900 : i32 to index
      %get3A_902 = arith.constant 48 : index
      %get3A_903 = tpu.vector_load %arg7[%get3A_901, %get3A_902] {strides = array<i32>} : memref<640x64xf32, #tpu.memory_space<vmem>>, vector<16xf32>,
      %add3A_904 = arith.addf %add3A_898, %get3A_903 : vector<16xf32>
      %add3A_905 = arith.constant 17 : i32
      %add3A_906 = arith.addi %mul3A_439, %add3A_905 : i32
      %get3A_907 = arith.index_cast %add3A_906 : i32 to index
      %get3A_908 = arith.constant 48 : index
      %get3A_909 = tpu.vector_load %arg7[%get3A_907, %get3A_908] {strides = array<i32>} : memref<640x64xf32, #tpu.memory_space<vmem>>, vector<16xf32>,
      %add3A_910 = arith.addf %add3A_904, %get3A_909 : vector<16xf32>
      %add3A_911 = arith.constant 18 : i32
      %add3A_912 = arith.addi %mul3A_439, %add3A_911 : i32
      %get3A_913 = arith.index_cast %add3A_912 : i32 to index
      %get3A_914 = arith.constant 48 : index
      %get3A_915 = tpu.vector_load %arg7[%get3A_913, %get3A_914] {strides = array<i32>} : memref<640x64xf32, #tpu.memory_space<vmem>>, vector<16xf32>,
      %add3A_916 = arith.addf %add3A_910, %get3A_915 : vector<16xf32>
      %add3A_917 = arith.constant 19 : i32
      %add3A_918 = arith.addi %mul3A_439, %add3A_917 : i32
      %get3A_919 = arith.index_cast %add3A_918 : i32 to index
      %get3A_920 = arith.constant 48 : index
      %get3A_921 = tpu.vector_load %arg7[%get3A_919, %get3A_920] {strides = array<i32>} : memref<640x64xf32, #tpu.memory_space<vmem>>, vector<16xf32>,
      %add3A_922 = arith.addf %add3A_916, %get3A_921 : vector<16xf32>
      %get3A_923 = arith.index_cast %add3A_441 : i32 to index
      %get3A_924 = arith.constant 48 : index
      %get3A_925 = tpu.vector_load %arg8[%get3A_923, %get3A_924] {strides = array<i32>} : memref<128x64xf32, #tpu.memory_space<vmem>>, vector<16xf32>,
      %mul3A_926 = arith.mulf %add3A_922, %get3A_925 : vector<16xf32>
      %add3A_927 = arith.addf %add3A_805, %mul3A_926 : vector<16xf32>
      %reduce_sum3A = arith.constant true
      %reduce_sum3A_928 = vector.broadcast %reduce_sum3A : i1 to vector<16xi1>
      %reduce_sum3A_929 = tpu.scan <sum>, %add3A_927 masked %reduce_sum3A_928 : vector<16xf32>, vector<16xi1> -> vector<16xf32>
      %reduce_sum3A_930 = vector.extract %reduce_sum3A_929[15] : f32 from vector<16xf32>
      %mul3A_931 = arith.mulf %reduce_sum3A_930, %scan3A_429 : f32
      %and3A = arith.constant 15 : i32
      %and3A_932 = arith.andi %scan3A_436, %and3A : i32
      %eq3A = vector.broadcast %and3A_932 : i32 to vector<16xi32>
      %eq3A_933 = arith.cmpi eq, %iota3A, %eq3A : vector<16xi32>
      %broadcast_in_dim3A_934 = vector.broadcast %mul3A_931 : f32 to vector<16xf32>
      %select_n3A = arith.select %eq3A_933, %broadcast_in_dim3A_934, %scan3A_437 : vector<16xi1>, vector<16xf32>
      %and3A_935 = arith.constant 15 : i32
      %and3A_936 = arith.andi %scan3A_436, %and3A_935 : i32
      %eq3A_937 = arith.constant 15 : i32
      %eq3A_938 = arith.cmpi eq, %and3A_936, %eq3A_937 : i32
      %convert_element_type3A = arith.extui %eq3A_938 : i1 to i32
      %cond3A = arith.constant 0 : i32
      %cond3A_939 = arith.cmpi ne, %convert_element_type3A, %cond3A : i32
      scf.if %cond3A_939 {
        %and3A_940 = arith.constant -16 : i32
        %and3A_941 = arith.andi %scan3A_436, %and3A_940 : i32
        %add3A_942 = arith.constant 96 : i32
        %add3A_943 = arith.addi %add3A_942, %and3A_941 : i32
        %swap3A = arith.index_cast %add3A_943 : i32 to index
        %swap3A_944 = tpu.vector_load %arg9[%swap3A] {strides = array<i32>} : memref<128xf32, #tpu.memory_space<vmem>>, vector<16xf32>,
        tpu.vector_store %arg9[%swap3A], %select_n3A {strides = array<i32>} : memref<128xf32, #tpu.memory_space<vmem>>, vector<16xf32>,
      } else {
      }
      scf.yield %select_n3A : vector<16xf32>
    }
    %scan3A_435 = arith.constant 32 : i32
    "tpu.region"() ({
      %run_scoped3A_436 = tpu.sem_alloc : memref<!tpu.dma_semaphore, #tpu.memory_space<semaphore_mem>>
      %dma_start3A_437 = arith.constant 0 : i32
      %dma_start3A_438 = tpu.memref_slice %arg5[%add3A, %dma_start3A_437] : memref<32x128xf32, #tpu.memory_space<hbm>> -> memref<1x128xf32, #tpu.memory_space<hbm>>
      %dma_start3A_439 = tpu.memref_squeeze %dma_start3A_438 : memref<1x128xf32, #tpu.memory_space<hbm>> -> memref<128xf32, #tpu.memory_space<hbm>>
      %dma_start3A_440 = arith.constant 0 : i32
      %dma_start3A_441 = tpu.memref_slice %arg5[%add3A, %dma_start3A_440] : memref<32x128xf32, #tpu.memory_space<hbm>> -> memref<1x128xf32, #tpu.memory_space<hbm>>
      %dma_start3A_442 = tpu.memref_squeeze %dma_start3A_441 : memref<1x128xf32, #tpu.memory_space<hbm>> -> memref<128xf32, #tpu.memory_space<hbm>>
      tpu.enqueue_dma source(%arg9 : memref<128xf32, #tpu.memory_space<vmem>>) target(%dma_start3A_442 : memref<128xf32, #tpu.memory_space<hbm>>) target_semaphore(%run_scoped3A_436 : memref<!tpu.dma_semaphore, #tpu.memory_space<semaphore_mem>>)
      %dma_wait3A_443 = arith.constant 0 : i32
      %dma_wait3A_444 = tpu.memref_slice %arg5[%add3A, %dma_wait3A_443] : memref<32x128xf32, #tpu.memory_space<hbm>> -> memref<1x128xf32, #tpu.memory_space<hbm>>
      %dma_wait3A_445 = tpu.memref_squeeze %dma_wait3A_444 : memref<1x128xf32, #tpu.memory_space<hbm>> -> memref<128xf32, #tpu.memory_space<hbm>>
      %dma_wait3A_446 = arith.constant 0 : i32
      %dma_wait3A_447 = tpu.memref_slice %arg5[%add3A, %dma_wait3A_446] : memref<32x128xf32, #tpu.memory_space<hbm>> -> memref<1x128xf32, #tpu.memory_space<hbm>>
      %dma_wait3A_448 = tpu.memref_squeeze %dma_wait3A_447 : memref<1x128xf32, #tpu.memory_space<hbm>> -> memref<128xf32, #tpu.memory_space<hbm>>
      tpu.wait_dma2 semaphore(%run_scoped3A_436 : memref<!tpu.dma_semaphore, #tpu.memory_space<semaphore_mem>>) src(%arg9 : memref<128xf32, #tpu.memory_space<vmem>>) dst(%dma_wait3A_448 : memref<128xf32, #tpu.memory_space<hbm>>)
      tpu.yield
    }) : () -> ()
    return
  }
}

#map = affine_map<(d0, d1) -> (0, 0, 0)>
#map1 = affine_map<(d0, d1) -> (0, 0)>
module attributes {stable_mosaic.version = 14 : i64} {
  func.func @_tgt_body(%arg0: i32, %arg1: i32, %arg2: memref<8x8x1000000xf32, #tpu.memory_space<hbm>>, %arg3: memref<32x128xi32, #tpu.memory_space<hbm>>, %arg4: memref<32x128x64xf32, #tpu.memory_space<hbm>>, %arg5: memref<144xi32, #tpu.memory_space<vmem>>, %arg6: memref<8x8x8x128xf32, #tpu.memory_space<vmem>>, %arg7: memref<128x64xf32, #tpu.memory_space<vmem>>, %arg8: memref<8x!tpu.dma_semaphore, #tpu.memory_space<semaphore_mem>>) attributes {dimension_semantics = [#tpu.dimension_semantics<core_parallel>, #tpu.dimension_semantics<subcore_parallel>], iteration_bounds = array<i64: 2, 16>, scalar_prefetch = 0 : i64, scratch_operands = 4 : i64, tpu.core_type = #tpu.core_type<sc_vector_subcore>, window_params = [{transform_indices = #map}, {transform_indices = #map1}, {transform_indices = #map}]} {
    %mul3A = arith.constant 2 : i32
    %mul3A_0 = arith.muli %arg1, %mul3A : i32
    %add3A = arith.addi %mul3A_0, %arg0 : i32
    "tpu.region"() ({
      %run_scoped3A = tpu.sem_alloc : memref<!tpu.dma_semaphore, #tpu.memory_space<semaphore_mem>>
      %dma_start3A_289 = arith.constant 0 : i32
      %dma_start3A_290 = tpu.memref_slice %arg5[%dma_start3A_289] : memref<144xi32, #tpu.memory_space<vmem>> -> memref<128xi32, #tpu.memory_space<vmem>>
      %dma_start3A_291 = arith.constant 0 : i32
      %dma_start3A_292 = tpu.memref_slice %arg3[%add3A, %dma_start3A_291] : memref<32x128xi32, #tpu.memory_space<hbm>> -> memref<1x128xi32, #tpu.memory_space<hbm>>
      %dma_start3A_293 = tpu.memref_squeeze %dma_start3A_292 : memref<1x128xi32, #tpu.memory_space<hbm>> -> memref<128xi32, #tpu.memory_space<hbm>>
      %dma_start3A_294 = arith.constant 0 : i32
      %dma_start3A_295 = tpu.memref_slice %arg5[%dma_start3A_294] : memref<144xi32, #tpu.memory_space<vmem>> -> memref<128xi32, #tpu.memory_space<vmem>>
      %dma_start3A_296 = arith.constant 0 : i32
      %dma_start3A_297 = tpu.memref_slice %arg3[%add3A, %dma_start3A_296] : memref<32x128xi32, #tpu.memory_space<hbm>> -> memref<1x128xi32, #tpu.memory_space<hbm>>
      %dma_start3A_298 = tpu.memref_squeeze %dma_start3A_297 : memref<1x128xi32, #tpu.memory_space<hbm>> -> memref<128xi32, #tpu.memory_space<hbm>>
      tpu.enqueue_dma source(%dma_start3A_298 : memref<128xi32, #tpu.memory_space<hbm>>) target(%dma_start3A_295 : memref<128xi32, #tpu.memory_space<vmem>>) target_semaphore(%run_scoped3A : memref<!tpu.dma_semaphore, #tpu.memory_space<semaphore_mem>>)
      %dma_wait3A = arith.constant 0 : i32
      %dma_wait3A_299 = tpu.memref_slice %arg5[%dma_wait3A] : memref<144xi32, #tpu.memory_space<vmem>> -> memref<128xi32, #tpu.memory_space<vmem>>
      %dma_wait3A_300 = arith.constant 0 : i32
      %dma_wait3A_301 = tpu.memref_slice %arg3[%add3A, %dma_wait3A_300] : memref<32x128xi32, #tpu.memory_space<hbm>> -> memref<1x128xi32, #tpu.memory_space<hbm>>
      %dma_wait3A_302 = tpu.memref_squeeze %dma_wait3A_301 : memref<1x128xi32, #tpu.memory_space<hbm>> -> memref<128xi32, #tpu.memory_space<hbm>>
      %dma_wait3A_303 = arith.constant 0 : i32
      %dma_wait3A_304 = tpu.memref_slice %arg5[%dma_wait3A_303] : memref<144xi32, #tpu.memory_space<vmem>> -> memref<128xi32, #tpu.memory_space<vmem>>
      %dma_wait3A_305 = arith.constant 0 : i32
      %dma_wait3A_306 = tpu.memref_slice %arg3[%add3A, %dma_wait3A_305] : memref<32x128xi32, #tpu.memory_space<hbm>> -> memref<1x128xi32, #tpu.memory_space<hbm>>
      %dma_wait3A_307 = tpu.memref_squeeze %dma_wait3A_306 : memref<1x128xi32, #tpu.memory_space<hbm>> -> memref<128xi32, #tpu.memory_space<hbm>>
      tpu.wait_dma2 semaphore(%run_scoped3A : memref<!tpu.dma_semaphore, #tpu.memory_space<semaphore_mem>>) src(%dma_wait3A_307 : memref<128xi32, #tpu.memory_space<hbm>>) dst(%dma_wait3A_304 : memref<128xi32, #tpu.memory_space<vmem>>)
      tpu.yield
    }) : () -> ()
    %iota3A = tpu.iota {dimensions = array<i32: 0>} : vector<16xi32>
    %add3A_1 = arith.constant 0 : i32
    %add3A_2 = vector.broadcast %add3A_1 : i32 to vector<16xi32>
    %add3A_3 = arith.addi %add3A_2, %iota3A : vector<16xi32>
    %shift_right_arithmetic3A = arith.constant 3 : i32
    %shift_right_arithmetic3A_4 = vector.broadcast %shift_right_arithmetic3A : i32 to vector<16xi32>
    %shift_right_arithmetic3A_5 = arith.shrsi %add3A_3, %shift_right_arithmetic3A_4 : vector<16xi32>
    %and3A = arith.constant 7 : i32
    %and3A_6 = vector.broadcast %and3A : i32 to vector<16xi32>
    %and3A_7 = arith.andi %add3A_3, %and3A_6 : vector<16xi32>
    %add3A_8 = arith.constant 16 : i32
    %add3A_9 = vector.broadcast %add3A_8 : i32 to vector<16xi32>
    %add3A_10 = arith.addi %add3A_9, %iota3A : vector<16xi32>
    %shift_right_arithmetic3A_11 = arith.constant 3 : i32
    %shift_right_arithmetic3A_12 = vector.broadcast %shift_right_arithmetic3A_11 : i32 to vector<16xi32>
    %shift_right_arithmetic3A_13 = arith.shrsi %add3A_10, %shift_right_arithmetic3A_12 : vector<16xi32>
    %and3A_14 = arith.constant 7 : i32
    %and3A_15 = vector.broadcast %and3A_14 : i32 to vector<16xi32>
    %and3A_16 = arith.andi %add3A_10, %and3A_15 : vector<16xi32>
    %add3A_17 = arith.constant 32 : i32
    %add3A_18 = vector.broadcast %add3A_17 : i32 to vector<16xi32>
    %add3A_19 = arith.addi %add3A_18, %iota3A : vector<16xi32>
    %shift_right_arithmetic3A_20 = arith.constant 3 : i32
    %shift_right_arithmetic3A_21 = vector.broadcast %shift_right_arithmetic3A_20 : i32 to vector<16xi32>
    %shift_right_arithmetic3A_22 = arith.shrsi %add3A_19, %shift_right_arithmetic3A_21 : vector<16xi32>
    %and3A_23 = arith.constant 7 : i32
    %and3A_24 = vector.broadcast %and3A_23 : i32 to vector<16xi32>
    %and3A_25 = arith.andi %add3A_19, %and3A_24 : vector<16xi32>
    %add3A_26 = arith.constant 48 : i32
    %add3A_27 = vector.broadcast %add3A_26 : i32 to vector<16xi32>
    %add3A_28 = arith.addi %add3A_27, %iota3A : vector<16xi32>
    %shift_right_arithmetic3A_29 = arith.constant 3 : i32
    %shift_right_arithmetic3A_30 = vector.broadcast %shift_right_arithmetic3A_29 : i32 to vector<16xi32>
    %shift_right_arithmetic3A_31 = arith.shrsi %add3A_28, %shift_right_arithmetic3A_30 : vector<16xi32>
    %and3A_32 = arith.constant 7 : i32
    %and3A_33 = vector.broadcast %and3A_32 : i32 to vector<16xi32>
    %and3A_34 = arith.andi %add3A_28, %and3A_33 : vector<16xi32>
    %get3A = arith.constant 0 : index
    %get3A_35 = tpu.vector_load %arg5[%get3A] {strides = array<i32>} : memref<144xi32, #tpu.memory_space<vmem>>, vector<16xi32>,
    %shift_right_arithmetic3A_36 = arith.constant 7 : i32
    %shift_right_arithmetic3A_37 = vector.broadcast %shift_right_arithmetic3A_36 : i32 to vector<16xi32>
    %shift_right_arithmetic3A_38 = arith.shrsi %get3A_35, %shift_right_arithmetic3A_37 : vector<16xi32>
    %mul3A_39 = arith.constant 128 : i32
    %mul3A_40 = vector.broadcast %mul3A_39 : i32 to vector<16xi32>
    %mul3A_41 = arith.muli %shift_right_arithmetic3A_38, %mul3A_40 : vector<16xi32>
    %eq3A = arith.constant 0 : i32
    %eq3A_42 = vector.broadcast %eq3A : i32 to vector<16xi32>
    %eq3A_43 = arith.cmpi eq, %iota3A, %eq3A_42 : vector<16xi32>
    %jit3A = arith.constant 0 : i32
    %broadcast_in_dim3A = vector.broadcast %jit3A : i32 to vector<16xi32>
    %select_n3A = arith.select %eq3A_43, %mul3A_41, %broadcast_in_dim3A : vector<16xi1>, vector<16xi32>
    %reduce_sum3A = arith.constant true
    %reduce_sum3A_44 = vector.broadcast %reduce_sum3A : i1 to vector<16xi1>
    %reduce_sum3A_45 = tpu.scan <sum>, %select_n3A masked %reduce_sum3A_44 : vector<16xi32>, vector<16xi1> -> vector<16xi32>
    %reduce_sum3A_46 = vector.extract %reduce_sum3A_45[15] : i32 from vector<16xi32>
    %multiple_of3A = tpu.assume_multiple %reduce_sum3A_46, 128 : i32
    %dma_start3A = arith.constant 0 : i32
    %dma_start3A_47 = arith.constant 0 : i32
    %dma_start3A_48 = arith.constant 0 : i32
    %dma_start3A_49 = arith.constant 0 : i32
    %dma_start3A_50 = arith.constant 0 : i32
    %dma_start3A_51 = tpu.memref_slice %arg6[%dma_start3A, %dma_start3A_48, %dma_start3A_49, %dma_start3A_50] : memref<8x8x8x128xf32, #tpu.memory_space<vmem>> -> memref<1x8x8x128xf32, #tpu.memory_space<vmem>>
    %dma_start3A_52 = tpu.memref_squeeze %dma_start3A_51 : memref<1x8x8x128xf32, #tpu.memory_space<vmem>> -> memref<8x8x128xf32, #tpu.memory_space<vmem>>
    %dma_start3A_53 = arith.constant 0 : i32
    %dma_start3A_54 = arith.constant 0 : i32
    %dma_start3A_55 = tpu.memref_slice %arg2[%dma_start3A_53, %dma_start3A_54, %multiple_of3A] : memref<8x8x1000000xf32, #tpu.memory_space<hbm>> -> memref<8x8x128xf32, #tpu.memory_space<hbm>>
    %dma_start3A_56 = tpu.memref_slice %arg8[%dma_start3A_47] : memref<8x!tpu.dma_semaphore, #tpu.memory_space<semaphore_mem>> -> memref<1x!tpu.dma_semaphore, #tpu.memory_space<semaphore_mem>>
    %dma_start3A_57 = tpu.memref_squeeze %dma_start3A_56 : memref<1x!tpu.dma_semaphore, #tpu.memory_space<semaphore_mem>> -> memref<!tpu.dma_semaphore, #tpu.memory_space<semaphore_mem>>
    %dma_start3A_58 = arith.constant 0 : i32
    %dma_start3A_59 = arith.constant 0 : i32
    %dma_start3A_60 = arith.constant 0 : i32
    %dma_start3A_61 = tpu.memref_slice %arg6[%dma_start3A, %dma_start3A_58, %dma_start3A_59, %dma_start3A_60] : memref<8x8x8x128xf32, #tpu.memory_space<vmem>> -> memref<1x8x8x128xf32, #tpu.memory_space<vmem>>
    %dma_start3A_62 = tpu.memref_squeeze %dma_start3A_61 : memref<1x8x8x128xf32, #tpu.memory_space<vmem>> -> memref<8x8x128xf32, #tpu.memory_space<vmem>>
    %dma_start3A_63 = arith.constant 0 : i32
    %dma_start3A_64 = arith.constant 0 : i32
    %dma_start3A_65 = tpu.memref_slice %arg2[%dma_start3A_63, %dma_start3A_64, %multiple_of3A] : memref<8x8x1000000xf32, #tpu.memory_space<hbm>> -> memref<8x8x128xf32, #tpu.memory_space<hbm>>
    tpu.enqueue_dma source(%dma_start3A_65 : memref<8x8x128xf32, #tpu.memory_space<hbm>>) target(%dma_start3A_62 : memref<8x8x128xf32, #tpu.memory_space<vmem>>) target_semaphore(%dma_start3A_57 : memref<!tpu.dma_semaphore, #tpu.memory_space<semaphore_mem>>)
    %eq3A_66 = arith.constant 1 : i32
    %eq3A_67 = vector.broadcast %eq3A_66 : i32 to vector<16xi32>
    %eq3A_68 = arith.cmpi eq, %iota3A, %eq3A_67 : vector<16xi32>
    %jit3A_69 = arith.constant 0 : i32
    %broadcast_in_dim3A_70 = vector.broadcast %jit3A_69 : i32 to vector<16xi32>
    %select_n3A_71 = arith.select %eq3A_68, %mul3A_41, %broadcast_in_dim3A_70 : vector<16xi1>, vector<16xi32>
    %reduce_sum3A_72 = arith.constant true
    %reduce_sum3A_73 = vector.broadcast %reduce_sum3A_72 : i1 to vector<16xi1>
    %reduce_sum3A_74 = tpu.scan <sum>, %select_n3A_71 masked %reduce_sum3A_73 : vector<16xi32>, vector<16xi1> -> vector<16xi32>
    %reduce_sum3A_75 = vector.extract %reduce_sum3A_74[15] : i32 from vector<16xi32>
    %multiple_of3A_76 = tpu.assume_multiple %reduce_sum3A_75, 128 : i32
    %dma_start3A_77 = arith.constant 1 : i32
    %dma_start3A_78 = arith.constant 1 : i32
    %dma_start3A_79 = arith.constant 0 : i32
    %dma_start3A_80 = arith.constant 0 : i32
    %dma_start3A_81 = arith.constant 0 : i32
    %dma_start3A_82 = tpu.memref_slice %arg6[%dma_start3A_77, %dma_start3A_79, %dma_start3A_80, %dma_start3A_81] : memref<8x8x8x128xf32, #tpu.memory_space<vmem>> -> memref<1x8x8x128xf32, #tpu.memory_space<vmem>>
    %dma_start3A_83 = tpu.memref_squeeze %dma_start3A_82 : memref<1x8x8x128xf32, #tpu.memory_space<vmem>> -> memref<8x8x128xf32, #tpu.memory_space<vmem>>
    %dma_start3A_84 = arith.constant 0 : i32
    %dma_start3A_85 = arith.constant 0 : i32
    %dma_start3A_86 = tpu.memref_slice %arg2[%dma_start3A_84, %dma_start3A_85, %multiple_of3A_76] : memref<8x8x1000000xf32, #tpu.memory_space<hbm>> -> memref<8x8x128xf32, #tpu.memory_space<hbm>>
    %dma_start3A_87 = tpu.memref_slice %arg8[%dma_start3A_78] : memref<8x!tpu.dma_semaphore, #tpu.memory_space<semaphore_mem>> -> memref<1x!tpu.dma_semaphore, #tpu.memory_space<semaphore_mem>>
    %dma_start3A_88 = tpu.memref_squeeze %dma_start3A_87 : memref<1x!tpu.dma_semaphore, #tpu.memory_space<semaphore_mem>> -> memref<!tpu.dma_semaphore, #tpu.memory_space<semaphore_mem>>
    %dma_start3A_89 = arith.constant 0 : i32
    %dma_start3A_90 = arith.constant 0 : i32
    %dma_start3A_91 = arith.constant 0 : i32
    %dma_start3A_92 = tpu.memref_slice %arg6[%dma_start3A_77, %dma_start3A_89, %dma_start3A_90, %dma_start3A_91] : memref<8x8x8x128xf32, #tpu.memory_space<vmem>> -> memref<1x8x8x128xf32, #tpu.memory_space<vmem>>
    %dma_start3A_93 = tpu.memref_squeeze %dma_start3A_92 : memref<1x8x8x128xf32, #tpu.memory_space<vmem>> -> memref<8x8x128xf32, #tpu.memory_space<vmem>>
    %dma_start3A_94 = arith.constant 0 : i32
    %dma_start3A_95 = arith.constant 0 : i32
    %dma_start3A_96 = tpu.memref_slice %arg2[%dma_start3A_94, %dma_start3A_95, %multiple_of3A_76] : memref<8x8x1000000xf32, #tpu.memory_space<hbm>> -> memref<8x8x128xf32, #tpu.memory_space<hbm>>
    tpu.enqueue_dma source(%dma_start3A_96 : memref<8x8x128xf32, #tpu.memory_space<hbm>>) target(%dma_start3A_93 : memref<8x8x128xf32, #tpu.memory_space<vmem>>) target_semaphore(%dma_start3A_88 : memref<!tpu.dma_semaphore, #tpu.memory_space<semaphore_mem>>)
    %eq3A_97 = arith.constant 2 : i32
    %eq3A_98 = vector.broadcast %eq3A_97 : i32 to vector<16xi32>
    %eq3A_99 = arith.cmpi eq, %iota3A, %eq3A_98 : vector<16xi32>
    %jit3A_100 = arith.constant 0 : i32
    %broadcast_in_dim3A_101 = vector.broadcast %jit3A_100 : i32 to vector<16xi32>
    %select_n3A_102 = arith.select %eq3A_99, %mul3A_41, %broadcast_in_dim3A_101 : vector<16xi1>, vector<16xi32>
    %reduce_sum3A_103 = arith.constant true
    %reduce_sum3A_104 = vector.broadcast %reduce_sum3A_103 : i1 to vector<16xi1>
    %reduce_sum3A_105 = tpu.scan <sum>, %select_n3A_102 masked %reduce_sum3A_104 : vector<16xi32>, vector<16xi1> -> vector<16xi32>
    %reduce_sum3A_106 = vector.extract %reduce_sum3A_105[15] : i32 from vector<16xi32>
    %multiple_of3A_107 = tpu.assume_multiple %reduce_sum3A_106, 128 : i32
    %dma_start3A_108 = arith.constant 2 : i32
    %dma_start3A_109 = arith.constant 2 : i32
    %dma_start3A_110 = arith.constant 0 : i32
    %dma_start3A_111 = arith.constant 0 : i32
    %dma_start3A_112 = arith.constant 0 : i32
    %dma_start3A_113 = tpu.memref_slice %arg6[%dma_start3A_108, %dma_start3A_110, %dma_start3A_111, %dma_start3A_112] : memref<8x8x8x128xf32, #tpu.memory_space<vmem>> -> memref<1x8x8x128xf32, #tpu.memory_space<vmem>>
    %dma_start3A_114 = tpu.memref_squeeze %dma_start3A_113 : memref<1x8x8x128xf32, #tpu.memory_space<vmem>> -> memref<8x8x128xf32, #tpu.memory_space<vmem>>
    %dma_start3A_115 = arith.constant 0 : i32
    %dma_start3A_116 = arith.constant 0 : i32
    %dma_start3A_117 = tpu.memref_slice %arg2[%dma_start3A_115, %dma_start3A_116, %multiple_of3A_107] : memref<8x8x1000000xf32, #tpu.memory_space<hbm>> -> memref<8x8x128xf32, #tpu.memory_space<hbm>>
    %dma_start3A_118 = tpu.memref_slice %arg8[%dma_start3A_109] : memref<8x!tpu.dma_semaphore, #tpu.memory_space<semaphore_mem>> -> memref<1x!tpu.dma_semaphore, #tpu.memory_space<semaphore_mem>>
    %dma_start3A_119 = tpu.memref_squeeze %dma_start3A_118 : memref<1x!tpu.dma_semaphore, #tpu.memory_space<semaphore_mem>> -> memref<!tpu.dma_semaphore, #tpu.memory_space<semaphore_mem>>
    %dma_start3A_120 = arith.constant 0 : i32
    %dma_start3A_121 = arith.constant 0 : i32
    %dma_start3A_122 = arith.constant 0 : i32
    %dma_start3A_123 = tpu.memref_slice %arg6[%dma_start3A_108, %dma_start3A_120, %dma_start3A_121, %dma_start3A_122] : memref<8x8x8x128xf32, #tpu.memory_space<vmem>> -> memref<1x8x8x128xf32, #tpu.memory_space<vmem>>
    %dma_start3A_124 = tpu.memref_squeeze %dma_start3A_123 : memref<1x8x8x128xf32, #tpu.memory_space<vmem>> -> memref<8x8x128xf32, #tpu.memory_space<vmem>>
    %dma_start3A_125 = arith.constant 0 : i32
    %dma_start3A_126 = arith.constant 0 : i32
    %dma_start3A_127 = tpu.memref_slice %arg2[%dma_start3A_125, %dma_start3A_126, %multiple_of3A_107] : memref<8x8x1000000xf32, #tpu.memory_space<hbm>> -> memref<8x8x128xf32, #tpu.memory_space<hbm>>
    tpu.enqueue_dma source(%dma_start3A_127 : memref<8x8x128xf32, #tpu.memory_space<hbm>>) target(%dma_start3A_124 : memref<8x8x128xf32, #tpu.memory_space<vmem>>) target_semaphore(%dma_start3A_119 : memref<!tpu.dma_semaphore, #tpu.memory_space<semaphore_mem>>)
    %eq3A_128 = arith.constant 3 : i32
    %eq3A_129 = vector.broadcast %eq3A_128 : i32 to vector<16xi32>
    %eq3A_130 = arith.cmpi eq, %iota3A, %eq3A_129 : vector<16xi32>
    %jit3A_131 = arith.constant 0 : i32
    %broadcast_in_dim3A_132 = vector.broadcast %jit3A_131 : i32 to vector<16xi32>
    %select_n3A_133 = arith.select %eq3A_130, %mul3A_41, %broadcast_in_dim3A_132 : vector<16xi1>, vector<16xi32>
    %reduce_sum3A_134 = arith.constant true
    %reduce_sum3A_135 = vector.broadcast %reduce_sum3A_134 : i1 to vector<16xi1>
    %reduce_sum3A_136 = tpu.scan <sum>, %select_n3A_133 masked %reduce_sum3A_135 : vector<16xi32>, vector<16xi1> -> vector<16xi32>
    %reduce_sum3A_137 = vector.extract %reduce_sum3A_136[15] : i32 from vector<16xi32>
    %multiple_of3A_138 = tpu.assume_multiple %reduce_sum3A_137, 128 : i32
    %dma_start3A_139 = arith.constant 3 : i32
    %dma_start3A_140 = arith.constant 3 : i32
    %dma_start3A_141 = arith.constant 0 : i32
    %dma_start3A_142 = arith.constant 0 : i32
    %dma_start3A_143 = arith.constant 0 : i32
    %dma_start3A_144 = tpu.memref_slice %arg6[%dma_start3A_139, %dma_start3A_141, %dma_start3A_142, %dma_start3A_143] : memref<8x8x8x128xf32, #tpu.memory_space<vmem>> -> memref<1x8x8x128xf32, #tpu.memory_space<vmem>>
    %dma_start3A_145 = tpu.memref_squeeze %dma_start3A_144 : memref<1x8x8x128xf32, #tpu.memory_space<vmem>> -> memref<8x8x128xf32, #tpu.memory_space<vmem>>
    %dma_start3A_146 = arith.constant 0 : i32
    %dma_start3A_147 = arith.constant 0 : i32
    %dma_start3A_148 = tpu.memref_slice %arg2[%dma_start3A_146, %dma_start3A_147, %multiple_of3A_138] : memref<8x8x1000000xf32, #tpu.memory_space<hbm>> -> memref<8x8x128xf32, #tpu.memory_space<hbm>>
    %dma_start3A_149 = tpu.memref_slice %arg8[%dma_start3A_140] : memref<8x!tpu.dma_semaphore, #tpu.memory_space<semaphore_mem>> -> memref<1x!tpu.dma_semaphore, #tpu.memory_space<semaphore_mem>>
    %dma_start3A_150 = tpu.memref_squeeze %dma_start3A_149 : memref<1x!tpu.dma_semaphore, #tpu.memory_space<semaphore_mem>> -> memref<!tpu.dma_semaphore, #tpu.memory_space<semaphore_mem>>
    %dma_start3A_151 = arith.constant 0 : i32
    %dma_start3A_152 = arith.constant 0 : i32
    %dma_start3A_153 = arith.constant 0 : i32
    %dma_start3A_154 = tpu.memref_slice %arg6[%dma_start3A_139, %dma_start3A_151, %dma_start3A_152, %dma_start3A_153] : memref<8x8x8x128xf32, #tpu.memory_space<vmem>> -> memref<1x8x8x128xf32, #tpu.memory_space<vmem>>
    %dma_start3A_155 = tpu.memref_squeeze %dma_start3A_154 : memref<1x8x8x128xf32, #tpu.memory_space<vmem>> -> memref<8x8x128xf32, #tpu.memory_space<vmem>>
    %dma_start3A_156 = arith.constant 0 : i32
    %dma_start3A_157 = arith.constant 0 : i32
    %dma_start3A_158 = tpu.memref_slice %arg2[%dma_start3A_156, %dma_start3A_157, %multiple_of3A_138] : memref<8x8x1000000xf32, #tpu.memory_space<hbm>> -> memref<8x8x128xf32, #tpu.memory_space<hbm>>
    tpu.enqueue_dma source(%dma_start3A_158 : memref<8x8x128xf32, #tpu.memory_space<hbm>>) target(%dma_start3A_155 : memref<8x8x128xf32, #tpu.memory_space<vmem>>) target_semaphore(%dma_start3A_150 : memref<!tpu.dma_semaphore, #tpu.memory_space<semaphore_mem>>)
    %eq3A_159 = arith.constant 4 : i32
    %eq3A_160 = vector.broadcast %eq3A_159 : i32 to vector<16xi32>
    %eq3A_161 = arith.cmpi eq, %iota3A, %eq3A_160 : vector<16xi32>
    %jit3A_162 = arith.constant 0 : i32
    %broadcast_in_dim3A_163 = vector.broadcast %jit3A_162 : i32 to vector<16xi32>
    %select_n3A_164 = arith.select %eq3A_161, %mul3A_41, %broadcast_in_dim3A_163 : vector<16xi1>, vector<16xi32>
    %reduce_sum3A_165 = arith.constant true
    %reduce_sum3A_166 = vector.broadcast %reduce_sum3A_165 : i1 to vector<16xi1>
    %reduce_sum3A_167 = tpu.scan <sum>, %select_n3A_164 masked %reduce_sum3A_166 : vector<16xi32>, vector<16xi1> -> vector<16xi32>
    %reduce_sum3A_168 = vector.extract %reduce_sum3A_167[15] : i32 from vector<16xi32>
    %multiple_of3A_169 = tpu.assume_multiple %reduce_sum3A_168, 128 : i32
    %dma_start3A_170 = arith.constant 4 : i32
    %dma_start3A_171 = arith.constant 4 : i32
    %dma_start3A_172 = arith.constant 0 : i32
    %dma_start3A_173 = arith.constant 0 : i32
    %dma_start3A_174 = arith.constant 0 : i32
    %dma_start3A_175 = tpu.memref_slice %arg6[%dma_start3A_170, %dma_start3A_172, %dma_start3A_173, %dma_start3A_174] : memref<8x8x8x128xf32, #tpu.memory_space<vmem>> -> memref<1x8x8x128xf32, #tpu.memory_space<vmem>>
    %dma_start3A_176 = tpu.memref_squeeze %dma_start3A_175 : memref<1x8x8x128xf32, #tpu.memory_space<vmem>> -> memref<8x8x128xf32, #tpu.memory_space<vmem>>
    %dma_start3A_177 = arith.constant 0 : i32
    %dma_start3A_178 = arith.constant 0 : i32
    %dma_start3A_179 = tpu.memref_slice %arg2[%dma_start3A_177, %dma_start3A_178, %multiple_of3A_169] : memref<8x8x1000000xf32, #tpu.memory_space<hbm>> -> memref<8x8x128xf32, #tpu.memory_space<hbm>>
    %dma_start3A_180 = tpu.memref_slice %arg8[%dma_start3A_171] : memref<8x!tpu.dma_semaphore, #tpu.memory_space<semaphore_mem>> -> memref<1x!tpu.dma_semaphore, #tpu.memory_space<semaphore_mem>>
    %dma_start3A_181 = tpu.memref_squeeze %dma_start3A_180 : memref<1x!tpu.dma_semaphore, #tpu.memory_space<semaphore_mem>> -> memref<!tpu.dma_semaphore, #tpu.memory_space<semaphore_mem>>
    %dma_start3A_182 = arith.constant 0 : i32
    %dma_start3A_183 = arith.constant 0 : i32
    %dma_start3A_184 = arith.constant 0 : i32
    %dma_start3A_185 = tpu.memref_slice %arg6[%dma_start3A_170, %dma_start3A_182, %dma_start3A_183, %dma_start3A_184] : memref<8x8x8x128xf32, #tpu.memory_space<vmem>> -> memref<1x8x8x128xf32, #tpu.memory_space<vmem>>
    %dma_start3A_186 = tpu.memref_squeeze %dma_start3A_185 : memref<1x8x8x128xf32, #tpu.memory_space<vmem>> -> memref<8x8x128xf32, #tpu.memory_space<vmem>>
    %dma_start3A_187 = arith.constant 0 : i32
    %dma_start3A_188 = arith.constant 0 : i32
    %dma_start3A_189 = tpu.memref_slice %arg2[%dma_start3A_187, %dma_start3A_188, %multiple_of3A_169] : memref<8x8x1000000xf32, #tpu.memory_space<hbm>> -> memref<8x8x128xf32, #tpu.memory_space<hbm>>
    tpu.enqueue_dma source(%dma_start3A_189 : memref<8x8x128xf32, #tpu.memory_space<hbm>>) target(%dma_start3A_186 : memref<8x8x128xf32, #tpu.memory_space<vmem>>) target_semaphore(%dma_start3A_181 : memref<!tpu.dma_semaphore, #tpu.memory_space<semaphore_mem>>)
    %eq3A_190 = arith.constant 5 : i32
    %eq3A_191 = vector.broadcast %eq3A_190 : i32 to vector<16xi32>
    %eq3A_192 = arith.cmpi eq, %iota3A, %eq3A_191 : vector<16xi32>
    %jit3A_193 = arith.constant 0 : i32
    %broadcast_in_dim3A_194 = vector.broadcast %jit3A_193 : i32 to vector<16xi32>
    %select_n3A_195 = arith.select %eq3A_192, %mul3A_41, %broadcast_in_dim3A_194 : vector<16xi1>, vector<16xi32>
    %reduce_sum3A_196 = arith.constant true
    %reduce_sum3A_197 = vector.broadcast %reduce_sum3A_196 : i1 to vector<16xi1>
    %reduce_sum3A_198 = tpu.scan <sum>, %select_n3A_195 masked %reduce_sum3A_197 : vector<16xi32>, vector<16xi1> -> vector<16xi32>
    %reduce_sum3A_199 = vector.extract %reduce_sum3A_198[15] : i32 from vector<16xi32>
    %multiple_of3A_200 = tpu.assume_multiple %reduce_sum3A_199, 128 : i32
    %dma_start3A_201 = arith.constant 5 : i32
    %dma_start3A_202 = arith.constant 5 : i32
    %dma_start3A_203 = arith.constant 0 : i32
    %dma_start3A_204 = arith.constant 0 : i32
    %dma_start3A_205 = arith.constant 0 : i32
    %dma_start3A_206 = tpu.memref_slice %arg6[%dma_start3A_201, %dma_start3A_203, %dma_start3A_204, %dma_start3A_205] : memref<8x8x8x128xf32, #tpu.memory_space<vmem>> -> memref<1x8x8x128xf32, #tpu.memory_space<vmem>>
    %dma_start3A_207 = tpu.memref_squeeze %dma_start3A_206 : memref<1x8x8x128xf32, #tpu.memory_space<vmem>> -> memref<8x8x128xf32, #tpu.memory_space<vmem>>
    %dma_start3A_208 = arith.constant 0 : i32
    %dma_start3A_209 = arith.constant 0 : i32
    %dma_start3A_210 = tpu.memref_slice %arg2[%dma_start3A_208, %dma_start3A_209, %multiple_of3A_200] : memref<8x8x1000000xf32, #tpu.memory_space<hbm>> -> memref<8x8x128xf32, #tpu.memory_space<hbm>>
    %dma_start3A_211 = tpu.memref_slice %arg8[%dma_start3A_202] : memref<8x!tpu.dma_semaphore, #tpu.memory_space<semaphore_mem>> -> memref<1x!tpu.dma_semaphore, #tpu.memory_space<semaphore_mem>>
    %dma_start3A_212 = tpu.memref_squeeze %dma_start3A_211 : memref<1x!tpu.dma_semaphore, #tpu.memory_space<semaphore_mem>> -> memref<!tpu.dma_semaphore, #tpu.memory_space<semaphore_mem>>
    %dma_start3A_213 = arith.constant 0 : i32
    %dma_start3A_214 = arith.constant 0 : i32
    %dma_start3A_215 = arith.constant 0 : i32
    %dma_start3A_216 = tpu.memref_slice %arg6[%dma_start3A_201, %dma_start3A_213, %dma_start3A_214, %dma_start3A_215] : memref<8x8x8x128xf32, #tpu.memory_space<vmem>> -> memref<1x8x8x128xf32, #tpu.memory_space<vmem>>
    %dma_start3A_217 = tpu.memref_squeeze %dma_start3A_216 : memref<1x8x8x128xf32, #tpu.memory_space<vmem>> -> memref<8x8x128xf32, #tpu.memory_space<vmem>>
    %dma_start3A_218 = arith.constant 0 : i32
    %dma_start3A_219 = arith.constant 0 : i32
    %dma_start3A_220 = tpu.memref_slice %arg2[%dma_start3A_218, %dma_start3A_219, %multiple_of3A_200] : memref<8x8x1000000xf32, #tpu.memory_space<hbm>> -> memref<8x8x128xf32, #tpu.memory_space<hbm>>
    tpu.enqueue_dma source(%dma_start3A_220 : memref<8x8x128xf32, #tpu.memory_space<hbm>>) target(%dma_start3A_217 : memref<8x8x128xf32, #tpu.memory_space<vmem>>) target_semaphore(%dma_start3A_212 : memref<!tpu.dma_semaphore, #tpu.memory_space<semaphore_mem>>)
    %eq3A_221 = arith.constant 6 : i32
    %eq3A_222 = vector.broadcast %eq3A_221 : i32 to vector<16xi32>
    %eq3A_223 = arith.cmpi eq, %iota3A, %eq3A_222 : vector<16xi32>
    %jit3A_224 = arith.constant 0 : i32
    %broadcast_in_dim3A_225 = vector.broadcast %jit3A_224 : i32 to vector<16xi32>
    %select_n3A_226 = arith.select %eq3A_223, %mul3A_41, %broadcast_in_dim3A_225 : vector<16xi1>, vector<16xi32>
    %reduce_sum3A_227 = arith.constant true
    %reduce_sum3A_228 = vector.broadcast %reduce_sum3A_227 : i1 to vector<16xi1>
    %reduce_sum3A_229 = tpu.scan <sum>, %select_n3A_226 masked %reduce_sum3A_228 : vector<16xi32>, vector<16xi1> -> vector<16xi32>
    %reduce_sum3A_230 = vector.extract %reduce_sum3A_229[15] : i32 from vector<16xi32>
    %multiple_of3A_231 = tpu.assume_multiple %reduce_sum3A_230, 128 : i32
    %dma_start3A_232 = arith.constant 6 : i32
    %dma_start3A_233 = arith.constant 6 : i32
    %dma_start3A_234 = arith.constant 0 : i32
    %dma_start3A_235 = arith.constant 0 : i32
    %dma_start3A_236 = arith.constant 0 : i32
    %dma_start3A_237 = tpu.memref_slice %arg6[%dma_start3A_232, %dma_start3A_234, %dma_start3A_235, %dma_start3A_236] : memref<8x8x8x128xf32, #tpu.memory_space<vmem>> -> memref<1x8x8x128xf32, #tpu.memory_space<vmem>>
    %dma_start3A_238 = tpu.memref_squeeze %dma_start3A_237 : memref<1x8x8x128xf32, #tpu.memory_space<vmem>> -> memref<8x8x128xf32, #tpu.memory_space<vmem>>
    %dma_start3A_239 = arith.constant 0 : i32
    %dma_start3A_240 = arith.constant 0 : i32
    %dma_start3A_241 = tpu.memref_slice %arg2[%dma_start3A_239, %dma_start3A_240, %multiple_of3A_231] : memref<8x8x1000000xf32, #tpu.memory_space<hbm>> -> memref<8x8x128xf32, #tpu.memory_space<hbm>>
    %dma_start3A_242 = tpu.memref_slice %arg8[%dma_start3A_233] : memref<8x!tpu.dma_semaphore, #tpu.memory_space<semaphore_mem>> -> memref<1x!tpu.dma_semaphore, #tpu.memory_space<semaphore_mem>>
    %dma_start3A_243 = tpu.memref_squeeze %dma_start3A_242 : memref<1x!tpu.dma_semaphore, #tpu.memory_space<semaphore_mem>> -> memref<!tpu.dma_semaphore, #tpu.memory_space<semaphore_mem>>
    %dma_start3A_244 = arith.constant 0 : i32
    %dma_start3A_245 = arith.constant 0 : i32
    %dma_start3A_246 = arith.constant 0 : i32
    %dma_start3A_247 = tpu.memref_slice %arg6[%dma_start3A_232, %dma_start3A_244, %dma_start3A_245, %dma_start3A_246] : memref<8x8x8x128xf32, #tpu.memory_space<vmem>> -> memref<1x8x8x128xf32, #tpu.memory_space<vmem>>
    %dma_start3A_248 = tpu.memref_squeeze %dma_start3A_247 : memref<1x8x8x128xf32, #tpu.memory_space<vmem>> -> memref<8x8x128xf32, #tpu.memory_space<vmem>>
    %dma_start3A_249 = arith.constant 0 : i32
    %dma_start3A_250 = arith.constant 0 : i32
    %dma_start3A_251 = tpu.memref_slice %arg2[%dma_start3A_249, %dma_start3A_250, %multiple_of3A_231] : memref<8x8x1000000xf32, #tpu.memory_space<hbm>> -> memref<8x8x128xf32, #tpu.memory_space<hbm>>
    tpu.enqueue_dma source(%dma_start3A_251 : memref<8x8x128xf32, #tpu.memory_space<hbm>>) target(%dma_start3A_248 : memref<8x8x128xf32, #tpu.memory_space<vmem>>) target_semaphore(%dma_start3A_243 : memref<!tpu.dma_semaphore, #tpu.memory_space<semaphore_mem>>)
    %eq3A_252 = arith.constant 7 : i32
    %eq3A_253 = vector.broadcast %eq3A_252 : i32 to vector<16xi32>
    %eq3A_254 = arith.cmpi eq, %iota3A, %eq3A_253 : vector<16xi32>
    %jit3A_255 = arith.constant 0 : i32
    %broadcast_in_dim3A_256 = vector.broadcast %jit3A_255 : i32 to vector<16xi32>
    %select_n3A_257 = arith.select %eq3A_254, %mul3A_41, %broadcast_in_dim3A_256 : vector<16xi1>, vector<16xi32>
    %reduce_sum3A_258 = arith.constant true
    %reduce_sum3A_259 = vector.broadcast %reduce_sum3A_258 : i1 to vector<16xi1>
    %reduce_sum3A_260 = tpu.scan <sum>, %select_n3A_257 masked %reduce_sum3A_259 : vector<16xi32>, vector<16xi1> -> vector<16xi32>
    %reduce_sum3A_261 = vector.extract %reduce_sum3A_260[15] : i32 from vector<16xi32>
    %multiple_of3A_262 = tpu.assume_multiple %reduce_sum3A_261, 128 : i32
    %dma_start3A_263 = arith.constant 7 : i32
    %dma_start3A_264 = arith.constant 7 : i32
    %dma_start3A_265 = arith.constant 0 : i32
    %dma_start3A_266 = arith.constant 0 : i32
    %dma_start3A_267 = arith.constant 0 : i32
    %dma_start3A_268 = tpu.memref_slice %arg6[%dma_start3A_263, %dma_start3A_265, %dma_start3A_266, %dma_start3A_267] : memref<8x8x8x128xf32, #tpu.memory_space<vmem>> -> memref<1x8x8x128xf32, #tpu.memory_space<vmem>>
    %dma_start3A_269 = tpu.memref_squeeze %dma_start3A_268 : memref<1x8x8x128xf32, #tpu.memory_space<vmem>> -> memref<8x8x128xf32, #tpu.memory_space<vmem>>
    %dma_start3A_270 = arith.constant 0 : i32
    %dma_start3A_271 = arith.constant 0 : i32
    %dma_start3A_272 = tpu.memref_slice %arg2[%dma_start3A_270, %dma_start3A_271, %multiple_of3A_262] : memref<8x8x1000000xf32, #tpu.memory_space<hbm>> -> memref<8x8x128xf32, #tpu.memory_space<hbm>>
    %dma_start3A_273 = tpu.memref_slice %arg8[%dma_start3A_264] : memref<8x!tpu.dma_semaphore, #tpu.memory_space<semaphore_mem>> -> memref<1x!tpu.dma_semaphore, #tpu.memory_space<semaphore_mem>>
    %dma_start3A_274 = tpu.memref_squeeze %dma_start3A_273 : memref<1x!tpu.dma_semaphore, #tpu.memory_space<semaphore_mem>> -> memref<!tpu.dma_semaphore, #tpu.memory_space<semaphore_mem>>
    %dma_start3A_275 = arith.constant 0 : i32
    %dma_start3A_276 = arith.constant 0 : i32
    %dma_start3A_277 = arith.constant 0 : i32
    %dma_start3A_278 = tpu.memref_slice %arg6[%dma_start3A_263, %dma_start3A_275, %dma_start3A_276, %dma_start3A_277] : memref<8x8x8x128xf32, #tpu.memory_space<vmem>> -> memref<1x8x8x128xf32, #tpu.memory_space<vmem>>
    %dma_start3A_279 = tpu.memref_squeeze %dma_start3A_278 : memref<1x8x8x128xf32, #tpu.memory_space<vmem>> -> memref<8x8x128xf32, #tpu.memory_space<vmem>>
    %dma_start3A_280 = arith.constant 0 : i32
    %dma_start3A_281 = arith.constant 0 : i32
    %dma_start3A_282 = tpu.memref_slice %arg2[%dma_start3A_280, %dma_start3A_281, %multiple_of3A_262] : memref<8x8x1000000xf32, #tpu.memory_space<hbm>> -> memref<8x8x128xf32, #tpu.memory_space<hbm>>
    tpu.enqueue_dma source(%dma_start3A_282 : memref<8x8x128xf32, #tpu.memory_space<hbm>>) target(%dma_start3A_279 : memref<8x8x128xf32, #tpu.memory_space<vmem>>) target_semaphore(%dma_start3A_274 : memref<!tpu.dma_semaphore, #tpu.memory_space<semaphore_mem>>)
    %scan3A = arith.constant 0 : i32
    %scan3A_283 = arith.constant 0 : i32
    %scan3A_284 = arith.constant 16 : i32
    %scan3A_285 = arith.addi %scan3A_283, %scan3A_284 : i32
    %scan3A_286 = arith.constant 1 : i32
    %scan3A_287 = scf.for %scan3A_289 = %scan3A_283 to %scan3A_285 step %scan3A_286 iter_args(%scan3A_290 = %scan3A) -> (i32)  : i32 {
      %mul3A_291 = arith.constant 8 : i32
      %mul3A_292 = arith.muli %scan3A_289, %mul3A_291 : i32
      %get3A_293 = arith.index_cast %mul3A_292 : i32 to index
      %get3A_294 = tpu.vector_load %arg5[%get3A_293] {strides = array<i32>} : memref<144xi32, #tpu.memory_space<vmem>>, vector<16xi32>,
      %and3A_295 = arith.constant 127 : i32
      %and3A_296 = vector.broadcast %and3A_295 : i32 to vector<16xi32>
      %and3A_297 = arith.andi %get3A_294, %and3A_296 : vector<16xi32>
      %mul3A_298 = arith.constant 8 : i32
      %mul3A_299 = arith.muli %scan3A_289, %mul3A_298 : i32
      %add3A_300 = arith.constant 8 : i32
      %add3A_301 = arith.addi %mul3A_299, %add3A_300 : i32
      %get3A_302 = arith.index_cast %add3A_301 : i32 to index
      %get3A_303 = tpu.vector_load %arg5[%get3A_302] {strides = array<i32>} : memref<144xi32, #tpu.memory_space<vmem>>, vector<16xi32>,
      %shift_right_arithmetic3A_304 = arith.constant 7 : i32
      %shift_right_arithmetic3A_305 = vector.broadcast %shift_right_arithmetic3A_304 : i32 to vector<16xi32>
      %shift_right_arithmetic3A_306 = arith.shrsi %get3A_303, %shift_right_arithmetic3A_305 : vector<16xi32>
      %mul3A_307 = arith.constant 128 : i32
      %mul3A_308 = vector.broadcast %mul3A_307 : i32 to vector<16xi32>
      %mul3A_309 = arith.muli %shift_right_arithmetic3A_306, %mul3A_308 : vector<16xi32>
      %mul3A_310 = arith.constant 8 : i32
      %mul3A_311 = arith.muli %scan3A_289, %mul3A_310 : i32
      %add3A_312 = arith.constant 0 : i32
      %add3A_313 = arith.addi %mul3A_311, %add3A_312 : i32
      %dma_wait3A = arith.constant 0 : i32
      %dma_wait3A_314 = arith.constant 0 : i32
      %dma_wait3A_315 = arith.constant 0 : i32
      %dma_wait3A_316 = arith.constant 0 : i32
      %dma_wait3A_317 = arith.constant 0 : i32
      %dma_wait3A_318 = tpu.memref_slice %arg6[%dma_wait3A, %dma_wait3A_315, %dma_wait3A_316, %dma_wait3A_317] : memref<8x8x8x128xf32, #tpu.memory_space<vmem>> -> memref<1x8x8x128xf32, #tpu.memory_space<vmem>>
      %dma_wait3A_319 = tpu.memref_squeeze %dma_wait3A_318 : memref<1x8x8x128xf32, #tpu.memory_space<vmem>> -> memref<8x8x128xf32, #tpu.memory_space<vmem>>
      %dma_wait3A_320 = arith.constant 0 : i32
      %dma_wait3A_321 = arith.constant 0 : i32
      %dma_wait3A_322 = arith.constant 0 : i32
      %dma_wait3A_323 = tpu.memref_slice %arg2[%dma_wait3A_320, %dma_wait3A_321, %dma_wait3A_322] : memref<8x8x1000000xf32, #tpu.memory_space<hbm>> -> memref<8x8x128xf32, #tpu.memory_space<hbm>>
      %dma_wait3A_324 = tpu.memref_slice %arg8[%dma_wait3A_314] : memref<8x!tpu.dma_semaphore, #tpu.memory_space<semaphore_mem>> -> memref<1x!tpu.dma_semaphore, #tpu.memory_space<semaphore_mem>>
      %dma_wait3A_325 = tpu.memref_squeeze %dma_wait3A_324 : memref<1x!tpu.dma_semaphore, #tpu.memory_space<semaphore_mem>> -> memref<!tpu.dma_semaphore, #tpu.memory_space<semaphore_mem>>
      %dma_wait3A_326 = arith.constant 0 : i32
      %dma_wait3A_327 = arith.constant 0 : i32
      %dma_wait3A_328 = arith.constant 0 : i32
      %dma_wait3A_329 = tpu.memref_slice %arg6[%dma_wait3A, %dma_wait3A_326, %dma_wait3A_327, %dma_wait3A_328] : memref<8x8x8x128xf32, #tpu.memory_space<vmem>> -> memref<1x8x8x128xf32, #tpu.memory_space<vmem>>
      %dma_wait3A_330 = tpu.memref_squeeze %dma_wait3A_329 : memref<1x8x8x128xf32, #tpu.memory_space<vmem>> -> memref<8x8x128xf32, #tpu.memory_space<vmem>>
      %dma_wait3A_331 = arith.constant 0 : i32
      %dma_wait3A_332 = arith.constant 0 : i32
      %dma_wait3A_333 = arith.constant 0 : i32
      %dma_wait3A_334 = tpu.memref_slice %arg2[%dma_wait3A_331, %dma_wait3A_332, %dma_wait3A_333] : memref<8x8x1000000xf32, #tpu.memory_space<hbm>> -> memref<8x8x128xf32, #tpu.memory_space<hbm>>
      tpu.wait_dma2 semaphore(%dma_wait3A_325 : memref<!tpu.dma_semaphore, #tpu.memory_space<semaphore_mem>>) src(%dma_wait3A_334 : memref<8x8x128xf32, #tpu.memory_space<hbm>>) dst(%dma_wait3A_330 : memref<8x8x128xf32, #tpu.memory_space<vmem>>)
      %eq3A_335 = arith.constant 0 : i32
      %eq3A_336 = vector.broadcast %eq3A_335 : i32 to vector<16xi32>
      %eq3A_337 = arith.cmpi eq, %iota3A, %eq3A_336 : vector<16xi32>
      %jit3A_338 = arith.constant 0 : i32
      %broadcast_in_dim3A_339 = vector.broadcast %jit3A_338 : i32 to vector<16xi32>
      %select_n3A_340 = arith.select %eq3A_337, %and3A_297, %broadcast_in_dim3A_339 : vector<16xi1>, vector<16xi32>
      %reduce_sum3A_341 = arith.constant true
      %reduce_sum3A_342 = vector.broadcast %reduce_sum3A_341 : i1 to vector<16xi1>
      %reduce_sum3A_343 = tpu.scan <sum>, %select_n3A_340 masked %reduce_sum3A_342 : vector<16xi32>, vector<16xi1> -> vector<16xi32>
      %reduce_sum3A_344 = vector.extract %reduce_sum3A_343[15] : i32 from vector<16xi32>
      %broadcast_in_dim3A_345 = vector.broadcast %reduce_sum3A_344 : i32 to vector<16xi32>
      %gather3A = arith.constant 0 : i32
      %gather3A_346 = arith.constant 0 : i32
      %gather3A_347 = arith.constant 0 : i32
      %gather3A_348 = arith.constant 0 : i32
      %gather3A_349 = tpu.memref_slice %arg6[%gather3A, %gather3A_346, %gather3A_347, %gather3A_348] : memref<8x8x8x128xf32, #tpu.memory_space<vmem>> -> memref<1x8x8x128xf32, #tpu.memory_space<vmem>>
      %gather3A_350 = tpu.memref_squeeze %gather3A_349 : memref<1x8x8x128xf32, #tpu.memory_space<vmem>> -> memref<8x8x128xf32, #tpu.memory_space<vmem>>
      %gather3A_351 = tpu.vector_load_idx %gather3A_350[%shift_right_arithmetic3A_5, %and3A_7, %broadcast_in_dim3A_345] : memref<8x8x128xf32, #tpu.memory_space<vmem>>[vector<16xi32>, vector<16xi32>, vector<16xi32>], vector<16xf32>,
      %swap3A = arith.index_cast %add3A_313 : i32 to index
      %swap3A_352 = arith.constant 0 : index
      %swap3A_353 = tpu.vector_load %arg7[%swap3A, %swap3A_352] {strides = array<i32>} : memref<128x64xf32, #tpu.memory_space<vmem>>, vector<16xf32>,
      tpu.vector_store %arg7[%swap3A, %swap3A_352], %gather3A_351 {strides = array<i32>} : memref<128x64xf32, #tpu.memory_space<vmem>>, vector<16xf32>,
      %gather3A_354 = arith.constant 0 : i32
      %gather3A_355 = arith.constant 0 : i32
      %gather3A_356 = arith.constant 0 : i32
      %gather3A_357 = arith.constant 0 : i32
      %gather3A_358 = tpu.memref_slice %arg6[%gather3A_354, %gather3A_355, %gather3A_356, %gather3A_357] : memref<8x8x8x128xf32, #tpu.memory_space<vmem>> -> memref<1x8x8x128xf32, #tpu.memory_space<vmem>>
      %gather3A_359 = tpu.memref_squeeze %gather3A_358 : memref<1x8x8x128xf32, #tpu.memory_space<vmem>> -> memref<8x8x128xf32, #tpu.memory_space<vmem>>
      %gather3A_360 = tpu.vector_load_idx %gather3A_359[%shift_right_arithmetic3A_13, %and3A_16, %broadcast_in_dim3A_345] : memref<8x8x128xf32, #tpu.memory_space<vmem>>[vector<16xi32>, vector<16xi32>, vector<16xi32>], vector<16xf32>,
      %swap3A_361 = arith.index_cast %add3A_313 : i32 to index
      %swap3A_362 = arith.constant 16 : index
      %swap3A_363 = tpu.vector_load %arg7[%swap3A_361, %swap3A_362] {strides = array<i32>} : memref<128x64xf32, #tpu.memory_space<vmem>>, vector<16xf32>,
      tpu.vector_store %arg7[%swap3A_361, %swap3A_362], %gather3A_360 {strides = array<i32>} : memref<128x64xf32, #tpu.memory_space<vmem>>, vector<16xf32>,
      %gather3A_364 = arith.constant 0 : i32
      %gather3A_365 = arith.constant 0 : i32
      %gather3A_366 = arith.constant 0 : i32
      %gather3A_367 = arith.constant 0 : i32
      %gather3A_368 = tpu.memref_slice %arg6[%gather3A_364, %gather3A_365, %gather3A_366, %gather3A_367] : memref<8x8x8x128xf32, #tpu.memory_space<vmem>> -> memref<1x8x8x128xf32, #tpu.memory_space<vmem>>
      %gather3A_369 = tpu.memref_squeeze %gather3A_368 : memref<1x8x8x128xf32, #tpu.memory_space<vmem>> -> memref<8x8x128xf32, #tpu.memory_space<vmem>>
      %gather3A_370 = tpu.vector_load_idx %gather3A_369[%shift_right_arithmetic3A_22, %and3A_25, %broadcast_in_dim3A_345] : memref<8x8x128xf32, #tpu.memory_space<vmem>>[vector<16xi32>, vector<16xi32>, vector<16xi32>], vector<16xf32>,
      %swap3A_371 = arith.index_cast %add3A_313 : i32 to index
      %swap3A_372 = arith.constant 32 : index
      %swap3A_373 = tpu.vector_load %arg7[%swap3A_371, %swap3A_372] {strides = array<i32>} : memref<128x64xf32, #tpu.memory_space<vmem>>, vector<16xf32>,
      tpu.vector_store %arg7[%swap3A_371, %swap3A_372], %gather3A_370 {strides = array<i32>} : memref<128x64xf32, #tpu.memory_space<vmem>>, vector<16xf32>,
      %gather3A_374 = arith.constant 0 : i32
      %gather3A_375 = arith.constant 0 : i32
      %gather3A_376 = arith.constant 0 : i32
      %gather3A_377 = arith.constant 0 : i32
      %gather3A_378 = tpu.memref_slice %arg6[%gather3A_374, %gather3A_375, %gather3A_376, %gather3A_377] : memref<8x8x8x128xf32, #tpu.memory_space<vmem>> -> memref<1x8x8x128xf32, #tpu.memory_space<vmem>>
      %gather3A_379 = tpu.memref_squeeze %gather3A_378 : memref<1x8x8x128xf32, #tpu.memory_space<vmem>> -> memref<8x8x128xf32, #tpu.memory_space<vmem>>
      %gather3A_380 = tpu.vector_load_idx %gather3A_379[%shift_right_arithmetic3A_31, %and3A_34, %broadcast_in_dim3A_345] : memref<8x8x128xf32, #tpu.memory_space<vmem>>[vector<16xi32>, vector<16xi32>, vector<16xi32>], vector<16xf32>,
      %swap3A_381 = arith.index_cast %add3A_313 : i32 to index
      %swap3A_382 = arith.constant 48 : index
      %swap3A_383 = tpu.vector_load %arg7[%swap3A_381, %swap3A_382] {strides = array<i32>} : memref<128x64xf32, #tpu.memory_space<vmem>>, vector<16xf32>,
      tpu.vector_store %arg7[%swap3A_381, %swap3A_382], %gather3A_380 {strides = array<i32>} : memref<128x64xf32, #tpu.memory_space<vmem>>, vector<16xf32>,
      %lt3A = arith.constant 15 : i32
      %lt3A_384 = arith.cmpi slt, %scan3A_289, %lt3A : i32
      %convert_element_type3A = arith.extui %lt3A_384 : i1 to i32
      %cond3A = arith.constant 0 : i32
      %cond3A_385 = arith.cmpi ne, %convert_element_type3A, %cond3A : i32
      scf.if %cond3A_385 {
        %eq3A_961 = arith.constant 0 : i32
        %eq3A_962 = vector.broadcast %eq3A_961 : i32 to vector<16xi32>
        %eq3A_963 = arith.cmpi eq, %iota3A, %eq3A_962 : vector<16xi32>
        %jit3A_964 = arith.constant 0 : i32
        %broadcast_in_dim3A_965 = vector.broadcast %jit3A_964 : i32 to vector<16xi32>
        %select_n3A_966 = arith.select %eq3A_963, %mul3A_309, %broadcast_in_dim3A_965 : vector<16xi1>, vector<16xi32>
        %reduce_sum3A_967 = arith.constant true
        %reduce_sum3A_968 = vector.broadcast %reduce_sum3A_967 : i1 to vector<16xi1>
        %reduce_sum3A_969 = tpu.scan <sum>, %select_n3A_966 masked %reduce_sum3A_968 : vector<16xi32>, vector<16xi1> -> vector<16xi32>
        %reduce_sum3A_970 = vector.extract %reduce_sum3A_969[15] : i32 from vector<16xi32>
        %multiple_of3A_971 = tpu.assume_multiple %reduce_sum3A_970, 128 : i32
        %dma_start3A_972 = arith.constant 0 : i32
        %dma_start3A_973 = arith.constant 0 : i32
        %dma_start3A_974 = arith.constant 0 : i32
        %dma_start3A_975 = arith.constant 0 : i32
        %dma_start3A_976 = arith.constant 0 : i32
        %dma_start3A_977 = tpu.memref_slice %arg6[%dma_start3A_972, %dma_start3A_974, %dma_start3A_975, %dma_start3A_976] : memref<8x8x8x128xf32, #tpu.memory_space<vmem>> -> memref<1x8x8x128xf32, #tpu.memory_space<vmem>>
        %dma_start3A_978 = tpu.memref_squeeze %dma_start3A_977 : memref<1x8x8x128xf32, #tpu.memory_space<vmem>> -> memref<8x8x128xf32, #tpu.memory_space<vmem>>
        %dma_start3A_979 = arith.constant 0 : i32
        %dma_start3A_980 = arith.constant 0 : i32
        %dma_start3A_981 = tpu.memref_slice %arg2[%dma_start3A_979, %dma_start3A_980, %multiple_of3A_971] : memref<8x8x1000000xf32, #tpu.memory_space<hbm>> -> memref<8x8x128xf32, #tpu.memory_space<hbm>>
        %dma_start3A_982 = tpu.memref_slice %arg8[%dma_start3A_973] : memref<8x!tpu.dma_semaphore, #tpu.memory_space<semaphore_mem>> -> memref<1x!tpu.dma_semaphore, #tpu.memory_space<semaphore_mem>>
        %dma_start3A_983 = tpu.memref_squeeze %dma_start3A_982 : memref<1x!tpu.dma_semaphore, #tpu.memory_space<semaphore_mem>> -> memref<!tpu.dma_semaphore, #tpu.memory_space<semaphore_mem>>
        %dma_start3A_984 = arith.constant 0 : i32
        %dma_start3A_985 = arith.constant 0 : i32
        %dma_start3A_986 = arith.constant 0 : i32
        %dma_start3A_987 = tpu.memref_slice %arg6[%dma_start3A_972, %dma_start3A_984, %dma_start3A_985, %dma_start3A_986] : memref<8x8x8x128xf32, #tpu.memory_space<vmem>> -> memref<1x8x8x128xf32, #tpu.memory_space<vmem>>
        %dma_start3A_988 = tpu.memref_squeeze %dma_start3A_987 : memref<1x8x8x128xf32, #tpu.memory_space<vmem>> -> memref<8x8x128xf32, #tpu.memory_space<vmem>>
        %dma_start3A_989 = arith.constant 0 : i32
        %dma_start3A_990 = arith.constant 0 : i32
        %dma_start3A_991 = tpu.memref_slice %arg2[%dma_start3A_989, %dma_start3A_990, %multiple_of3A_971] : memref<8x8x1000000xf32, #tpu.memory_space<hbm>> -> memref<8x8x128xf32, #tpu.memory_space<hbm>>
        tpu.enqueue_dma source(%dma_start3A_991 : memref<8x8x128xf32, #tpu.memory_space<hbm>>) target(%dma_start3A_988 : memref<8x8x128xf32, #tpu.memory_space<vmem>>) target_semaphore(%dma_start3A_983 : memref<!tpu.dma_semaphore, #tpu.memory_space<semaphore_mem>>)
      } else {
      }
      %mul3A_386 = arith.constant 8 : i32
      %mul3A_387 = arith.muli %scan3A_289, %mul3A_386 : i32
      %add3A_388 = arith.constant 1 : i32
      %add3A_389 = arith.addi %mul3A_387, %add3A_388 : i32
      %dma_wait3A_390 = arith.constant 1 : i32
      %dma_wait3A_391 = arith.constant 1 : i32
      %dma_wait3A_392 = arith.constant 0 : i32
      %dma_wait3A_393 = arith.constant 0 : i32
      %dma_wait3A_394 = arith.constant 0 : i32
      %dma_wait3A_395 = tpu.memref_slice %arg6[%dma_wait3A_390, %dma_wait3A_392, %dma_wait3A_393, %dma_wait3A_394] : memref<8x8x8x128xf32, #tpu.memory_space<vmem>> -> memref<1x8x8x128xf32, #tpu.memory_space<vmem>>
      %dma_wait3A_396 = tpu.memref_squeeze %dma_wait3A_395 : memref<1x8x8x128xf32, #tpu.memory_space<vmem>> -> memref<8x8x128xf32, #tpu.memory_space<vmem>>
      %dma_wait3A_397 = arith.constant 0 : i32
      %dma_wait3A_398 = arith.constant 0 : i32
      %dma_wait3A_399 = arith.constant 0 : i32
      %dma_wait3A_400 = tpu.memref_slice %arg2[%dma_wait3A_397, %dma_wait3A_398, %dma_wait3A_399] : memref<8x8x1000000xf32, #tpu.memory_space<hbm>> -> memref<8x8x128xf32, #tpu.memory_space<hbm>>
      %dma_wait3A_401 = tpu.memref_slice %arg8[%dma_wait3A_391] : memref<8x!tpu.dma_semaphore, #tpu.memory_space<semaphore_mem>> -> memref<1x!tpu.dma_semaphore, #tpu.memory_space<semaphore_mem>>
      %dma_wait3A_402 = tpu.memref_squeeze %dma_wait3A_401 : memref<1x!tpu.dma_semaphore, #tpu.memory_space<semaphore_mem>> -> memref<!tpu.dma_semaphore, #tpu.memory_space<semaphore_mem>>
      %dma_wait3A_403 = arith.constant 0 : i32
      %dma_wait3A_404 = arith.constant 0 : i32
      %dma_wait3A_405 = arith.constant 0 : i32
      %dma_wait3A_406 = tpu.memref_slice %arg6[%dma_wait3A_390, %dma_wait3A_403, %dma_wait3A_404, %dma_wait3A_405] : memref<8x8x8x128xf32, #tpu.memory_space<vmem>> -> memref<1x8x8x128xf32, #tpu.memory_space<vmem>>
      %dma_wait3A_407 = tpu.memref_squeeze %dma_wait3A_406 : memref<1x8x8x128xf32, #tpu.memory_space<vmem>> -> memref<8x8x128xf32, #tpu.memory_space<vmem>>
      %dma_wait3A_408 = arith.constant 0 : i32
      %dma_wait3A_409 = arith.constant 0 : i32
      %dma_wait3A_410 = arith.constant 0 : i32
      %dma_wait3A_411 = tpu.memref_slice %arg2[%dma_wait3A_408, %dma_wait3A_409, %dma_wait3A_410] : memref<8x8x1000000xf32, #tpu.memory_space<hbm>> -> memref<8x8x128xf32, #tpu.memory_space<hbm>>
      tpu.wait_dma2 semaphore(%dma_wait3A_402 : memref<!tpu.dma_semaphore, #tpu.memory_space<semaphore_mem>>) src(%dma_wait3A_411 : memref<8x8x128xf32, #tpu.memory_space<hbm>>) dst(%dma_wait3A_407 : memref<8x8x128xf32, #tpu.memory_space<vmem>>)
      %eq3A_412 = arith.constant 1 : i32
      %eq3A_413 = vector.broadcast %eq3A_412 : i32 to vector<16xi32>
      %eq3A_414 = arith.cmpi eq, %iota3A, %eq3A_413 : vector<16xi32>
      %jit3A_415 = arith.constant 0 : i32
      %broadcast_in_dim3A_416 = vector.broadcast %jit3A_415 : i32 to vector<16xi32>
      %select_n3A_417 = arith.select %eq3A_414, %and3A_297, %broadcast_in_dim3A_416 : vector<16xi1>, vector<16xi32>
      %reduce_sum3A_418 = arith.constant true
      %reduce_sum3A_419 = vector.broadcast %reduce_sum3A_418 : i1 to vector<16xi1>
      %reduce_sum3A_420 = tpu.scan <sum>, %select_n3A_417 masked %reduce_sum3A_419 : vector<16xi32>, vector<16xi1> -> vector<16xi32>
      %reduce_sum3A_421 = vector.extract %reduce_sum3A_420[15] : i32 from vector<16xi32>
      %broadcast_in_dim3A_422 = vector.broadcast %reduce_sum3A_421 : i32 to vector<16xi32>
      %gather3A_423 = arith.constant 1 : i32
      %gather3A_424 = arith.constant 0 : i32
      %gather3A_425 = arith.constant 0 : i32
      %gather3A_426 = arith.constant 0 : i32
      %gather3A_427 = tpu.memref_slice %arg6[%gather3A_423, %gather3A_424, %gather3A_425, %gather3A_426] : memref<8x8x8x128xf32, #tpu.memory_space<vmem>> -> memref<1x8x8x128xf32, #tpu.memory_space<vmem>>
      %gather3A_428 = tpu.memref_squeeze %gather3A_427 : memref<1x8x8x128xf32, #tpu.memory_space<vmem>> -> memref<8x8x128xf32, #tpu.memory_space<vmem>>
      %gather3A_429 = tpu.vector_load_idx %gather3A_428[%shift_right_arithmetic3A_5, %and3A_7, %broadcast_in_dim3A_422] : memref<8x8x128xf32, #tpu.memory_space<vmem>>[vector<16xi32>, vector<16xi32>, vector<16xi32>], vector<16xf32>,
      %swap3A_430 = arith.index_cast %add3A_389 : i32 to index
      %swap3A_431 = arith.constant 0 : index
      %swap3A_432 = tpu.vector_load %arg7[%swap3A_430, %swap3A_431] {strides = array<i32>} : memref<128x64xf32, #tpu.memory_space<vmem>>, vector<16xf32>,
      tpu.vector_store %arg7[%swap3A_430, %swap3A_431], %gather3A_429 {strides = array<i32>} : memref<128x64xf32, #tpu.memory_space<vmem>>, vector<16xf32>,
      %gather3A_433 = arith.constant 1 : i32
      %gather3A_434 = arith.constant 0 : i32
      %gather3A_435 = arith.constant 0 : i32
      %gather3A_436 = arith.constant 0 : i32
      %gather3A_437 = tpu.memref_slice %arg6[%gather3A_433, %gather3A_434, %gather3A_435, %gather3A_436] : memref<8x8x8x128xf32, #tpu.memory_space<vmem>> -> memref<1x8x8x128xf32, #tpu.memory_space<vmem>>
      %gather3A_438 = tpu.memref_squeeze %gather3A_437 : memref<1x8x8x128xf32, #tpu.memory_space<vmem>> -> memref<8x8x128xf32, #tpu.memory_space<vmem>>
      %gather3A_439 = tpu.vector_load_idx %gather3A_438[%shift_right_arithmetic3A_13, %and3A_16, %broadcast_in_dim3A_422] : memref<8x8x128xf32, #tpu.memory_space<vmem>>[vector<16xi32>, vector<16xi32>, vector<16xi32>], vector<16xf32>,
      %swap3A_440 = arith.index_cast %add3A_389 : i32 to index
      %swap3A_441 = arith.constant 16 : index
      %swap3A_442 = tpu.vector_load %arg7[%swap3A_440, %swap3A_441] {strides = array<i32>} : memref<128x64xf32, #tpu.memory_space<vmem>>, vector<16xf32>,
      tpu.vector_store %arg7[%swap3A_440, %swap3A_441], %gather3A_439 {strides = array<i32>} : memref<128x64xf32, #tpu.memory_space<vmem>>, vector<16xf32>,
      %gather3A_443 = arith.constant 1 : i32
      %gather3A_444 = arith.constant 0 : i32
      %gather3A_445 = arith.constant 0 : i32
      %gather3A_446 = arith.constant 0 : i32
      %gather3A_447 = tpu.memref_slice %arg6[%gather3A_443, %gather3A_444, %gather3A_445, %gather3A_446] : memref<8x8x8x128xf32, #tpu.memory_space<vmem>> -> memref<1x8x8x128xf32, #tpu.memory_space<vmem>>
      %gather3A_448 = tpu.memref_squeeze %gather3A_447 : memref<1x8x8x128xf32, #tpu.memory_space<vmem>> -> memref<8x8x128xf32, #tpu.memory_space<vmem>>
      %gather3A_449 = tpu.vector_load_idx %gather3A_448[%shift_right_arithmetic3A_22, %and3A_25, %broadcast_in_dim3A_422] : memref<8x8x128xf32, #tpu.memory_space<vmem>>[vector<16xi32>, vector<16xi32>, vector<16xi32>], vector<16xf32>,
      %swap3A_450 = arith.index_cast %add3A_389 : i32 to index
      %swap3A_451 = arith.constant 32 : index
      %swap3A_452 = tpu.vector_load %arg7[%swap3A_450, %swap3A_451] {strides = array<i32>} : memref<128x64xf32, #tpu.memory_space<vmem>>, vector<16xf32>,
      tpu.vector_store %arg7[%swap3A_450, %swap3A_451], %gather3A_449 {strides = array<i32>} : memref<128x64xf32, #tpu.memory_space<vmem>>, vector<16xf32>,
      %gather3A_453 = arith.constant 1 : i32
      %gather3A_454 = arith.constant 0 : i32
      %gather3A_455 = arith.constant 0 : i32
      %gather3A_456 = arith.constant 0 : i32
      %gather3A_457 = tpu.memref_slice %arg6[%gather3A_453, %gather3A_454, %gather3A_455, %gather3A_456] : memref<8x8x8x128xf32, #tpu.memory_space<vmem>> -> memref<1x8x8x128xf32, #tpu.memory_space<vmem>>
      %gather3A_458 = tpu.memref_squeeze %gather3A_457 : memref<1x8x8x128xf32, #tpu.memory_space<vmem>> -> memref<8x8x128xf32, #tpu.memory_space<vmem>>
      %gather3A_459 = tpu.vector_load_idx %gather3A_458[%shift_right_arithmetic3A_31, %and3A_34, %broadcast_in_dim3A_422] : memref<8x8x128xf32, #tpu.memory_space<vmem>>[vector<16xi32>, vector<16xi32>, vector<16xi32>], vector<16xf32>,
      %swap3A_460 = arith.index_cast %add3A_389 : i32 to index
      %swap3A_461 = arith.constant 48 : index
      %swap3A_462 = tpu.vector_load %arg7[%swap3A_460, %swap3A_461] {strides = array<i32>} : memref<128x64xf32, #tpu.memory_space<vmem>>, vector<16xf32>,
      tpu.vector_store %arg7[%swap3A_460, %swap3A_461], %gather3A_459 {strides = array<i32>} : memref<128x64xf32, #tpu.memory_space<vmem>>, vector<16xf32>,
      %lt3A_463 = arith.constant 15 : i32
      %lt3A_464 = arith.cmpi slt, %scan3A_289, %lt3A_463 : i32
      %convert_element_type3A_465 = arith.extui %lt3A_464 : i1 to i32
      %cond3A_466 = arith.constant 0 : i32
      %cond3A_467 = arith.cmpi ne, %convert_element_type3A_465, %cond3A_466 : i32
      scf.if %cond3A_467 {
        %eq3A_961 = arith.constant 1 : i32
        %eq3A_962 = vector.broadcast %eq3A_961 : i32 to vector<16xi32>
        %eq3A_963 = arith.cmpi eq, %iota3A, %eq3A_962 : vector<16xi32>
        %jit3A_964 = arith.constant 0 : i32
        %broadcast_in_dim3A_965 = vector.broadcast %jit3A_964 : i32 to vector<16xi32>
        %select_n3A_966 = arith.select %eq3A_963, %mul3A_309, %broadcast_in_dim3A_965 : vector<16xi1>, vector<16xi32>
        %reduce_sum3A_967 = arith.constant true
        %reduce_sum3A_968 = vector.broadcast %reduce_sum3A_967 : i1 to vector<16xi1>
        %reduce_sum3A_969 = tpu.scan <sum>, %select_n3A_966 masked %reduce_sum3A_968 : vector<16xi32>, vector<16xi1> -> vector<16xi32>
        %reduce_sum3A_970 = vector.extract %reduce_sum3A_969[15] : i32 from vector<16xi32>
        %multiple_of3A_971 = tpu.assume_multiple %reduce_sum3A_970, 128 : i32
        %dma_start3A_972 = arith.constant 1 : i32
        %dma_start3A_973 = arith.constant 1 : i32
        %dma_start3A_974 = arith.constant 0 : i32
        %dma_start3A_975 = arith.constant 0 : i32
        %dma_start3A_976 = arith.constant 0 : i32
        %dma_start3A_977 = tpu.memref_slice %arg6[%dma_start3A_972, %dma_start3A_974, %dma_start3A_975, %dma_start3A_976] : memref<8x8x8x128xf32, #tpu.memory_space<vmem>> -> memref<1x8x8x128xf32, #tpu.memory_space<vmem>>
        %dma_start3A_978 = tpu.memref_squeeze %dma_start3A_977 : memref<1x8x8x128xf32, #tpu.memory_space<vmem>> -> memref<8x8x128xf32, #tpu.memory_space<vmem>>
        %dma_start3A_979 = arith.constant 0 : i32
        %dma_start3A_980 = arith.constant 0 : i32
        %dma_start3A_981 = tpu.memref_slice %arg2[%dma_start3A_979, %dma_start3A_980, %multiple_of3A_971] : memref<8x8x1000000xf32, #tpu.memory_space<hbm>> -> memref<8x8x128xf32, #tpu.memory_space<hbm>>
        %dma_start3A_982 = tpu.memref_slice %arg8[%dma_start3A_973] : memref<8x!tpu.dma_semaphore, #tpu.memory_space<semaphore_mem>> -> memref<1x!tpu.dma_semaphore, #tpu.memory_space<semaphore_mem>>
        %dma_start3A_983 = tpu.memref_squeeze %dma_start3A_982 : memref<1x!tpu.dma_semaphore, #tpu.memory_space<semaphore_mem>> -> memref<!tpu.dma_semaphore, #tpu.memory_space<semaphore_mem>>
        %dma_start3A_984 = arith.constant 0 : i32
        %dma_start3A_985 = arith.constant 0 : i32
        %dma_start3A_986 = arith.constant 0 : i32
        %dma_start3A_987 = tpu.memref_slice %arg6[%dma_start3A_972, %dma_start3A_984, %dma_start3A_985, %dma_start3A_986] : memref<8x8x8x128xf32, #tpu.memory_space<vmem>> -> memref<1x8x8x128xf32, #tpu.memory_space<vmem>>
        %dma_start3A_988 = tpu.memref_squeeze %dma_start3A_987 : memref<1x8x8x128xf32, #tpu.memory_space<vmem>> -> memref<8x8x128xf32, #tpu.memory_space<vmem>>
        %dma_start3A_989 = arith.constant 0 : i32
        %dma_start3A_990 = arith.constant 0 : i32
        %dma_start3A_991 = tpu.memref_slice %arg2[%dma_start3A_989, %dma_start3A_990, %multiple_of3A_971] : memref<8x8x1000000xf32, #tpu.memory_space<hbm>> -> memref<8x8x128xf32, #tpu.memory_space<hbm>>
        tpu.enqueue_dma source(%dma_start3A_991 : memref<8x8x128xf32, #tpu.memory_space<hbm>>) target(%dma_start3A_988 : memref<8x8x128xf32, #tpu.memory_space<vmem>>) target_semaphore(%dma_start3A_983 : memref<!tpu.dma_semaphore, #tpu.memory_space<semaphore_mem>>)
      } else {
      }
      %mul3A_468 = arith.constant 8 : i32
      %mul3A_469 = arith.muli %scan3A_289, %mul3A_468 : i32
      %add3A_470 = arith.constant 2 : i32
      %add3A_471 = arith.addi %mul3A_469, %add3A_470 : i32
      %dma_wait3A_472 = arith.constant 2 : i32
      %dma_wait3A_473 = arith.constant 2 : i32
      %dma_wait3A_474 = arith.constant 0 : i32
      %dma_wait3A_475 = arith.constant 0 : i32
      %dma_wait3A_476 = arith.constant 0 : i32
      %dma_wait3A_477 = tpu.memref_slice %arg6[%dma_wait3A_472, %dma_wait3A_474, %dma_wait3A_475, %dma_wait3A_476] : memref<8x8x8x128xf32, #tpu.memory_space<vmem>> -> memref<1x8x8x128xf32, #tpu.memory_space<vmem>>
      %dma_wait3A_478 = tpu.memref_squeeze %dma_wait3A_477 : memref<1x8x8x128xf32, #tpu.memory_space<vmem>> -> memref<8x8x128xf32, #tpu.memory_space<vmem>>
      %dma_wait3A_479 = arith.constant 0 : i32
      %dma_wait3A_480 = arith.constant 0 : i32
      %dma_wait3A_481 = arith.constant 0 : i32
      %dma_wait3A_482 = tpu.memref_slice %arg2[%dma_wait3A_479, %dma_wait3A_480, %dma_wait3A_481] : memref<8x8x1000000xf32, #tpu.memory_space<hbm>> -> memref<8x8x128xf32, #tpu.memory_space<hbm>>
      %dma_wait3A_483 = tpu.memref_slice %arg8[%dma_wait3A_473] : memref<8x!tpu.dma_semaphore, #tpu.memory_space<semaphore_mem>> -> memref<1x!tpu.dma_semaphore, #tpu.memory_space<semaphore_mem>>
      %dma_wait3A_484 = tpu.memref_squeeze %dma_wait3A_483 : memref<1x!tpu.dma_semaphore, #tpu.memory_space<semaphore_mem>> -> memref<!tpu.dma_semaphore, #tpu.memory_space<semaphore_mem>>
      %dma_wait3A_485 = arith.constant 0 : i32
      %dma_wait3A_486 = arith.constant 0 : i32
      %dma_wait3A_487 = arith.constant 0 : i32
      %dma_wait3A_488 = tpu.memref_slice %arg6[%dma_wait3A_472, %dma_wait3A_485, %dma_wait3A_486, %dma_wait3A_487] : memref<8x8x8x128xf32, #tpu.memory_space<vmem>> -> memref<1x8x8x128xf32, #tpu.memory_space<vmem>>
      %dma_wait3A_489 = tpu.memref_squeeze %dma_wait3A_488 : memref<1x8x8x128xf32, #tpu.memory_space<vmem>> -> memref<8x8x128xf32, #tpu.memory_space<vmem>>
      %dma_wait3A_490 = arith.constant 0 : i32
      %dma_wait3A_491 = arith.constant 0 : i32
      %dma_wait3A_492 = arith.constant 0 : i32
      %dma_wait3A_493 = tpu.memref_slice %arg2[%dma_wait3A_490, %dma_wait3A_491, %dma_wait3A_492] : memref<8x8x1000000xf32, #tpu.memory_space<hbm>> -> memref<8x8x128xf32, #tpu.memory_space<hbm>>
      tpu.wait_dma2 semaphore(%dma_wait3A_484 : memref<!tpu.dma_semaphore, #tpu.memory_space<semaphore_mem>>) src(%dma_wait3A_493 : memref<8x8x128xf32, #tpu.memory_space<hbm>>) dst(%dma_wait3A_489 : memref<8x8x128xf32, #tpu.memory_space<vmem>>)
      %eq3A_494 = arith.constant 2 : i32
      %eq3A_495 = vector.broadcast %eq3A_494 : i32 to vector<16xi32>
      %eq3A_496 = arith.cmpi eq, %iota3A, %eq3A_495 : vector<16xi32>
      %jit3A_497 = arith.constant 0 : i32
      %broadcast_in_dim3A_498 = vector.broadcast %jit3A_497 : i32 to vector<16xi32>
      %select_n3A_499 = arith.select %eq3A_496, %and3A_297, %broadcast_in_dim3A_498 : vector<16xi1>, vector<16xi32>
      %reduce_sum3A_500 = arith.constant true
      %reduce_sum3A_501 = vector.broadcast %reduce_sum3A_500 : i1 to vector<16xi1>
      %reduce_sum3A_502 = tpu.scan <sum>, %select_n3A_499 masked %reduce_sum3A_501 : vector<16xi32>, vector<16xi1> -> vector<16xi32>
      %reduce_sum3A_503 = vector.extract %reduce_sum3A_502[15] : i32 from vector<16xi32>
      %broadcast_in_dim3A_504 = vector.broadcast %reduce_sum3A_503 : i32 to vector<16xi32>
      %gather3A_505 = arith.constant 2 : i32
      %gather3A_506 = arith.constant 0 : i32
      %gather3A_507 = arith.constant 0 : i32
      %gather3A_508 = arith.constant 0 : i32
      %gather3A_509 = tpu.memref_slice %arg6[%gather3A_505, %gather3A_506, %gather3A_507, %gather3A_508] : memref<8x8x8x128xf32, #tpu.memory_space<vmem>> -> memref<1x8x8x128xf32, #tpu.memory_space<vmem>>
      %gather3A_510 = tpu.memref_squeeze %gather3A_509 : memref<1x8x8x128xf32, #tpu.memory_space<vmem>> -> memref<8x8x128xf32, #tpu.memory_space<vmem>>
      %gather3A_511 = tpu.vector_load_idx %gather3A_510[%shift_right_arithmetic3A_5, %and3A_7, %broadcast_in_dim3A_504] : memref<8x8x128xf32, #tpu.memory_space<vmem>>[vector<16xi32>, vector<16xi32>, vector<16xi32>], vector<16xf32>,
      %swap3A_512 = arith.index_cast %add3A_471 : i32 to index
      %swap3A_513 = arith.constant 0 : index
      %swap3A_514 = tpu.vector_load %arg7[%swap3A_512, %swap3A_513] {strides = array<i32>} : memref<128x64xf32, #tpu.memory_space<vmem>>, vector<16xf32>,
      tpu.vector_store %arg7[%swap3A_512, %swap3A_513], %gather3A_511 {strides = array<i32>} : memref<128x64xf32, #tpu.memory_space<vmem>>, vector<16xf32>,
      %gather3A_515 = arith.constant 2 : i32
      %gather3A_516 = arith.constant 0 : i32
      %gather3A_517 = arith.constant 0 : i32
      %gather3A_518 = arith.constant 0 : i32
      %gather3A_519 = tpu.memref_slice %arg6[%gather3A_515, %gather3A_516, %gather3A_517, %gather3A_518] : memref<8x8x8x128xf32, #tpu.memory_space<vmem>> -> memref<1x8x8x128xf32, #tpu.memory_space<vmem>>
      %gather3A_520 = tpu.memref_squeeze %gather3A_519 : memref<1x8x8x128xf32, #tpu.memory_space<vmem>> -> memref<8x8x128xf32, #tpu.memory_space<vmem>>
      %gather3A_521 = tpu.vector_load_idx %gather3A_520[%shift_right_arithmetic3A_13, %and3A_16, %broadcast_in_dim3A_504] : memref<8x8x128xf32, #tpu.memory_space<vmem>>[vector<16xi32>, vector<16xi32>, vector<16xi32>], vector<16xf32>,
      %swap3A_522 = arith.index_cast %add3A_471 : i32 to index
      %swap3A_523 = arith.constant 16 : index
      %swap3A_524 = tpu.vector_load %arg7[%swap3A_522, %swap3A_523] {strides = array<i32>} : memref<128x64xf32, #tpu.memory_space<vmem>>, vector<16xf32>,
      tpu.vector_store %arg7[%swap3A_522, %swap3A_523], %gather3A_521 {strides = array<i32>} : memref<128x64xf32, #tpu.memory_space<vmem>>, vector<16xf32>,
      %gather3A_525 = arith.constant 2 : i32
      %gather3A_526 = arith.constant 0 : i32
      %gather3A_527 = arith.constant 0 : i32
      %gather3A_528 = arith.constant 0 : i32
      %gather3A_529 = tpu.memref_slice %arg6[%gather3A_525, %gather3A_526, %gather3A_527, %gather3A_528] : memref<8x8x8x128xf32, #tpu.memory_space<vmem>> -> memref<1x8x8x128xf32, #tpu.memory_space<vmem>>
      %gather3A_530 = tpu.memref_squeeze %gather3A_529 : memref<1x8x8x128xf32, #tpu.memory_space<vmem>> -> memref<8x8x128xf32, #tpu.memory_space<vmem>>
      %gather3A_531 = tpu.vector_load_idx %gather3A_530[%shift_right_arithmetic3A_22, %and3A_25, %broadcast_in_dim3A_504] : memref<8x8x128xf32, #tpu.memory_space<vmem>>[vector<16xi32>, vector<16xi32>, vector<16xi32>], vector<16xf32>,
      %swap3A_532 = arith.index_cast %add3A_471 : i32 to index
      %swap3A_533 = arith.constant 32 : index
      %swap3A_534 = tpu.vector_load %arg7[%swap3A_532, %swap3A_533] {strides = array<i32>} : memref<128x64xf32, #tpu.memory_space<vmem>>, vector<16xf32>,
      tpu.vector_store %arg7[%swap3A_532, %swap3A_533], %gather3A_531 {strides = array<i32>} : memref<128x64xf32, #tpu.memory_space<vmem>>, vector<16xf32>,
      %gather3A_535 = arith.constant 2 : i32
      %gather3A_536 = arith.constant 0 : i32
      %gather3A_537 = arith.constant 0 : i32
      %gather3A_538 = arith.constant 0 : i32
      %gather3A_539 = tpu.memref_slice %arg6[%gather3A_535, %gather3A_536, %gather3A_537, %gather3A_538] : memref<8x8x8x128xf32, #tpu.memory_space<vmem>> -> memref<1x8x8x128xf32, #tpu.memory_space<vmem>>
      %gather3A_540 = tpu.memref_squeeze %gather3A_539 : memref<1x8x8x128xf32, #tpu.memory_space<vmem>> -> memref<8x8x128xf32, #tpu.memory_space<vmem>>
      %gather3A_541 = tpu.vector_load_idx %gather3A_540[%shift_right_arithmetic3A_31, %and3A_34, %broadcast_in_dim3A_504] : memref<8x8x128xf32, #tpu.memory_space<vmem>>[vector<16xi32>, vector<16xi32>, vector<16xi32>], vector<16xf32>,
      %swap3A_542 = arith.index_cast %add3A_471 : i32 to index
      %swap3A_543 = arith.constant 48 : index
      %swap3A_544 = tpu.vector_load %arg7[%swap3A_542, %swap3A_543] {strides = array<i32>} : memref<128x64xf32, #tpu.memory_space<vmem>>, vector<16xf32>,
      tpu.vector_store %arg7[%swap3A_542, %swap3A_543], %gather3A_541 {strides = array<i32>} : memref<128x64xf32, #tpu.memory_space<vmem>>, vector<16xf32>,
      %lt3A_545 = arith.constant 15 : i32
      %lt3A_546 = arith.cmpi slt, %scan3A_289, %lt3A_545 : i32
      %convert_element_type3A_547 = arith.extui %lt3A_546 : i1 to i32
      %cond3A_548 = arith.constant 0 : i32
      %cond3A_549 = arith.cmpi ne, %convert_element_type3A_547, %cond3A_548 : i32
      scf.if %cond3A_549 {
        %eq3A_961 = arith.constant 2 : i32
        %eq3A_962 = vector.broadcast %eq3A_961 : i32 to vector<16xi32>
        %eq3A_963 = arith.cmpi eq, %iota3A, %eq3A_962 : vector<16xi32>
        %jit3A_964 = arith.constant 0 : i32
        %broadcast_in_dim3A_965 = vector.broadcast %jit3A_964 : i32 to vector<16xi32>
        %select_n3A_966 = arith.select %eq3A_963, %mul3A_309, %broadcast_in_dim3A_965 : vector<16xi1>, vector<16xi32>
        %reduce_sum3A_967 = arith.constant true
        %reduce_sum3A_968 = vector.broadcast %reduce_sum3A_967 : i1 to vector<16xi1>
        %reduce_sum3A_969 = tpu.scan <sum>, %select_n3A_966 masked %reduce_sum3A_968 : vector<16xi32>, vector<16xi1> -> vector<16xi32>
        %reduce_sum3A_970 = vector.extract %reduce_sum3A_969[15] : i32 from vector<16xi32>
        %multiple_of3A_971 = tpu.assume_multiple %reduce_sum3A_970, 128 : i32
        %dma_start3A_972 = arith.constant 2 : i32
        %dma_start3A_973 = arith.constant 2 : i32
        %dma_start3A_974 = arith.constant 0 : i32
        %dma_start3A_975 = arith.constant 0 : i32
        %dma_start3A_976 = arith.constant 0 : i32
        %dma_start3A_977 = tpu.memref_slice %arg6[%dma_start3A_972, %dma_start3A_974, %dma_start3A_975, %dma_start3A_976] : memref<8x8x8x128xf32, #tpu.memory_space<vmem>> -> memref<1x8x8x128xf32, #tpu.memory_space<vmem>>
        %dma_start3A_978 = tpu.memref_squeeze %dma_start3A_977 : memref<1x8x8x128xf32, #tpu.memory_space<vmem>> -> memref<8x8x128xf32, #tpu.memory_space<vmem>>
        %dma_start3A_979 = arith.constant 0 : i32
        %dma_start3A_980 = arith.constant 0 : i32
        %dma_start3A_981 = tpu.memref_slice %arg2[%dma_start3A_979, %dma_start3A_980, %multiple_of3A_971] : memref<8x8x1000000xf32, #tpu.memory_space<hbm>> -> memref<8x8x128xf32, #tpu.memory_space<hbm>>
        %dma_start3A_982 = tpu.memref_slice %arg8[%dma_start3A_973] : memref<8x!tpu.dma_semaphore, #tpu.memory_space<semaphore_mem>> -> memref<1x!tpu.dma_semaphore, #tpu.memory_space<semaphore_mem>>
        %dma_start3A_983 = tpu.memref_squeeze %dma_start3A_982 : memref<1x!tpu.dma_semaphore, #tpu.memory_space<semaphore_mem>> -> memref<!tpu.dma_semaphore, #tpu.memory_space<semaphore_mem>>
        %dma_start3A_984 = arith.constant 0 : i32
        %dma_start3A_985 = arith.constant 0 : i32
        %dma_start3A_986 = arith.constant 0 : i32
        %dma_start3A_987 = tpu.memref_slice %arg6[%dma_start3A_972, %dma_start3A_984, %dma_start3A_985, %dma_start3A_986] : memref<8x8x8x128xf32, #tpu.memory_space<vmem>> -> memref<1x8x8x128xf32, #tpu.memory_space<vmem>>
        %dma_start3A_988 = tpu.memref_squeeze %dma_start3A_987 : memref<1x8x8x128xf32, #tpu.memory_space<vmem>> -> memref<8x8x128xf32, #tpu.memory_space<vmem>>
        %dma_start3A_989 = arith.constant 0 : i32
        %dma_start3A_990 = arith.constant 0 : i32
        %dma_start3A_991 = tpu.memref_slice %arg2[%dma_start3A_989, %dma_start3A_990, %multiple_of3A_971] : memref<8x8x1000000xf32, #tpu.memory_space<hbm>> -> memref<8x8x128xf32, #tpu.memory_space<hbm>>
        tpu.enqueue_dma source(%dma_start3A_991 : memref<8x8x128xf32, #tpu.memory_space<hbm>>) target(%dma_start3A_988 : memref<8x8x128xf32, #tpu.memory_space<vmem>>) target_semaphore(%dma_start3A_983 : memref<!tpu.dma_semaphore, #tpu.memory_space<semaphore_mem>>)
      } else {
      }
      %mul3A_550 = arith.constant 8 : i32
      %mul3A_551 = arith.muli %scan3A_289, %mul3A_550 : i32
      %add3A_552 = arith.constant 3 : i32
      %add3A_553 = arith.addi %mul3A_551, %add3A_552 : i32
      %dma_wait3A_554 = arith.constant 3 : i32
      %dma_wait3A_555 = arith.constant 3 : i32
      %dma_wait3A_556 = arith.constant 0 : i32
      %dma_wait3A_557 = arith.constant 0 : i32
      %dma_wait3A_558 = arith.constant 0 : i32
      %dma_wait3A_559 = tpu.memref_slice %arg6[%dma_wait3A_554, %dma_wait3A_556, %dma_wait3A_557, %dma_wait3A_558] : memref<8x8x8x128xf32, #tpu.memory_space<vmem>> -> memref<1x8x8x128xf32, #tpu.memory_space<vmem>>
      %dma_wait3A_560 = tpu.memref_squeeze %dma_wait3A_559 : memref<1x8x8x128xf32, #tpu.memory_space<vmem>> -> memref<8x8x128xf32, #tpu.memory_space<vmem>>
      %dma_wait3A_561 = arith.constant 0 : i32
      %dma_wait3A_562 = arith.constant 0 : i32
      %dma_wait3A_563 = arith.constant 0 : i32
      %dma_wait3A_564 = tpu.memref_slice %arg2[%dma_wait3A_561, %dma_wait3A_562, %dma_wait3A_563] : memref<8x8x1000000xf32, #tpu.memory_space<hbm>> -> memref<8x8x128xf32, #tpu.memory_space<hbm>>
      %dma_wait3A_565 = tpu.memref_slice %arg8[%dma_wait3A_555] : memref<8x!tpu.dma_semaphore, #tpu.memory_space<semaphore_mem>> -> memref<1x!tpu.dma_semaphore, #tpu.memory_space<semaphore_mem>>
      %dma_wait3A_566 = tpu.memref_squeeze %dma_wait3A_565 : memref<1x!tpu.dma_semaphore, #tpu.memory_space<semaphore_mem>> -> memref<!tpu.dma_semaphore, #tpu.memory_space<semaphore_mem>>
      %dma_wait3A_567 = arith.constant 0 : i32
      %dma_wait3A_568 = arith.constant 0 : i32
      %dma_wait3A_569 = arith.constant 0 : i32
      %dma_wait3A_570 = tpu.memref_slice %arg6[%dma_wait3A_554, %dma_wait3A_567, %dma_wait3A_568, %dma_wait3A_569] : memref<8x8x8x128xf32, #tpu.memory_space<vmem>> -> memref<1x8x8x128xf32, #tpu.memory_space<vmem>>
      %dma_wait3A_571 = tpu.memref_squeeze %dma_wait3A_570 : memref<1x8x8x128xf32, #tpu.memory_space<vmem>> -> memref<8x8x128xf32, #tpu.memory_space<vmem>>
      %dma_wait3A_572 = arith.constant 0 : i32
      %dma_wait3A_573 = arith.constant 0 : i32
      %dma_wait3A_574 = arith.constant 0 : i32
      %dma_wait3A_575 = tpu.memref_slice %arg2[%dma_wait3A_572, %dma_wait3A_573, %dma_wait3A_574] : memref<8x8x1000000xf32, #tpu.memory_space<hbm>> -> memref<8x8x128xf32, #tpu.memory_space<hbm>>
      tpu.wait_dma2 semaphore(%dma_wait3A_566 : memref<!tpu.dma_semaphore, #tpu.memory_space<semaphore_mem>>) src(%dma_wait3A_575 : memref<8x8x128xf32, #tpu.memory_space<hbm>>) dst(%dma_wait3A_571 : memref<8x8x128xf32, #tpu.memory_space<vmem>>)
      %eq3A_576 = arith.constant 3 : i32
      %eq3A_577 = vector.broadcast %eq3A_576 : i32 to vector<16xi32>
      %eq3A_578 = arith.cmpi eq, %iota3A, %eq3A_577 : vector<16xi32>
      %jit3A_579 = arith.constant 0 : i32
      %broadcast_in_dim3A_580 = vector.broadcast %jit3A_579 : i32 to vector<16xi32>
      %select_n3A_581 = arith.select %eq3A_578, %and3A_297, %broadcast_in_dim3A_580 : vector<16xi1>, vector<16xi32>
      %reduce_sum3A_582 = arith.constant true
      %reduce_sum3A_583 = vector.broadcast %reduce_sum3A_582 : i1 to vector<16xi1>
      %reduce_sum3A_584 = tpu.scan <sum>, %select_n3A_581 masked %reduce_sum3A_583 : vector<16xi32>, vector<16xi1> -> vector<16xi32>
      %reduce_sum3A_585 = vector.extract %reduce_sum3A_584[15] : i32 from vector<16xi32>
      %broadcast_in_dim3A_586 = vector.broadcast %reduce_sum3A_585 : i32 to vector<16xi32>
      %gather3A_587 = arith.constant 3 : i32
      %gather3A_588 = arith.constant 0 : i32
      %gather3A_589 = arith.constant 0 : i32
      %gather3A_590 = arith.constant 0 : i32
      %gather3A_591 = tpu.memref_slice %arg6[%gather3A_587, %gather3A_588, %gather3A_589, %gather3A_590] : memref<8x8x8x128xf32, #tpu.memory_space<vmem>> -> memref<1x8x8x128xf32, #tpu.memory_space<vmem>>
      %gather3A_592 = tpu.memref_squeeze %gather3A_591 : memref<1x8x8x128xf32, #tpu.memory_space<vmem>> -> memref<8x8x128xf32, #tpu.memory_space<vmem>>
      %gather3A_593 = tpu.vector_load_idx %gather3A_592[%shift_right_arithmetic3A_5, %and3A_7, %broadcast_in_dim3A_586] : memref<8x8x128xf32, #tpu.memory_space<vmem>>[vector<16xi32>, vector<16xi32>, vector<16xi32>], vector<16xf32>,
      %swap3A_594 = arith.index_cast %add3A_553 : i32 to index
      %swap3A_595 = arith.constant 0 : index
      %swap3A_596 = tpu.vector_load %arg7[%swap3A_594, %swap3A_595] {strides = array<i32>} : memref<128x64xf32, #tpu.memory_space<vmem>>, vector<16xf32>,
      tpu.vector_store %arg7[%swap3A_594, %swap3A_595], %gather3A_593 {strides = array<i32>} : memref<128x64xf32, #tpu.memory_space<vmem>>, vector<16xf32>,
      %gather3A_597 = arith.constant 3 : i32
      %gather3A_598 = arith.constant 0 : i32
      %gather3A_599 = arith.constant 0 : i32
      %gather3A_600 = arith.constant 0 : i32
      %gather3A_601 = tpu.memref_slice %arg6[%gather3A_597, %gather3A_598, %gather3A_599, %gather3A_600] : memref<8x8x8x128xf32, #tpu.memory_space<vmem>> -> memref<1x8x8x128xf32, #tpu.memory_space<vmem>>
      %gather3A_602 = tpu.memref_squeeze %gather3A_601 : memref<1x8x8x128xf32, #tpu.memory_space<vmem>> -> memref<8x8x128xf32, #tpu.memory_space<vmem>>
      %gather3A_603 = tpu.vector_load_idx %gather3A_602[%shift_right_arithmetic3A_13, %and3A_16, %broadcast_in_dim3A_586] : memref<8x8x128xf32, #tpu.memory_space<vmem>>[vector<16xi32>, vector<16xi32>, vector<16xi32>], vector<16xf32>,
      %swap3A_604 = arith.index_cast %add3A_553 : i32 to index
      %swap3A_605 = arith.constant 16 : index
      %swap3A_606 = tpu.vector_load %arg7[%swap3A_604, %swap3A_605] {strides = array<i32>} : memref<128x64xf32, #tpu.memory_space<vmem>>, vector<16xf32>,
      tpu.vector_store %arg7[%swap3A_604, %swap3A_605], %gather3A_603 {strides = array<i32>} : memref<128x64xf32, #tpu.memory_space<vmem>>, vector<16xf32>,
      %gather3A_607 = arith.constant 3 : i32
      %gather3A_608 = arith.constant 0 : i32
      %gather3A_609 = arith.constant 0 : i32
      %gather3A_610 = arith.constant 0 : i32
      %gather3A_611 = tpu.memref_slice %arg6[%gather3A_607, %gather3A_608, %gather3A_609, %gather3A_610] : memref<8x8x8x128xf32, #tpu.memory_space<vmem>> -> memref<1x8x8x128xf32, #tpu.memory_space<vmem>>
      %gather3A_612 = tpu.memref_squeeze %gather3A_611 : memref<1x8x8x128xf32, #tpu.memory_space<vmem>> -> memref<8x8x128xf32, #tpu.memory_space<vmem>>
      %gather3A_613 = tpu.vector_load_idx %gather3A_612[%shift_right_arithmetic3A_22, %and3A_25, %broadcast_in_dim3A_586] : memref<8x8x128xf32, #tpu.memory_space<vmem>>[vector<16xi32>, vector<16xi32>, vector<16xi32>], vector<16xf32>,
      %swap3A_614 = arith.index_cast %add3A_553 : i32 to index
      %swap3A_615 = arith.constant 32 : index
      %swap3A_616 = tpu.vector_load %arg7[%swap3A_614, %swap3A_615] {strides = array<i32>} : memref<128x64xf32, #tpu.memory_space<vmem>>, vector<16xf32>,
      tpu.vector_store %arg7[%swap3A_614, %swap3A_615], %gather3A_613 {strides = array<i32>} : memref<128x64xf32, #tpu.memory_space<vmem>>, vector<16xf32>,
      %gather3A_617 = arith.constant 3 : i32
      %gather3A_618 = arith.constant 0 : i32
      %gather3A_619 = arith.constant 0 : i32
      %gather3A_620 = arith.constant 0 : i32
      %gather3A_621 = tpu.memref_slice %arg6[%gather3A_617, %gather3A_618, %gather3A_619, %gather3A_620] : memref<8x8x8x128xf32, #tpu.memory_space<vmem>> -> memref<1x8x8x128xf32, #tpu.memory_space<vmem>>
      %gather3A_622 = tpu.memref_squeeze %gather3A_621 : memref<1x8x8x128xf32, #tpu.memory_space<vmem>> -> memref<8x8x128xf32, #tpu.memory_space<vmem>>
      %gather3A_623 = tpu.vector_load_idx %gather3A_622[%shift_right_arithmetic3A_31, %and3A_34, %broadcast_in_dim3A_586] : memref<8x8x128xf32, #tpu.memory_space<vmem>>[vector<16xi32>, vector<16xi32>, vector<16xi32>], vector<16xf32>,
      %swap3A_624 = arith.index_cast %add3A_553 : i32 to index
      %swap3A_625 = arith.constant 48 : index
      %swap3A_626 = tpu.vector_load %arg7[%swap3A_624, %swap3A_625] {strides = array<i32>} : memref<128x64xf32, #tpu.memory_space<vmem>>, vector<16xf32>,
      tpu.vector_store %arg7[%swap3A_624, %swap3A_625], %gather3A_623 {strides = array<i32>} : memref<128x64xf32, #tpu.memory_space<vmem>>, vector<16xf32>,
      %lt3A_627 = arith.constant 15 : i32
      %lt3A_628 = arith.cmpi slt, %scan3A_289, %lt3A_627 : i32
      %convert_element_type3A_629 = arith.extui %lt3A_628 : i1 to i32
      %cond3A_630 = arith.constant 0 : i32
      %cond3A_631 = arith.cmpi ne, %convert_element_type3A_629, %cond3A_630 : i32
      scf.if %cond3A_631 {
        %eq3A_961 = arith.constant 3 : i32
        %eq3A_962 = vector.broadcast %eq3A_961 : i32 to vector<16xi32>
        %eq3A_963 = arith.cmpi eq, %iota3A, %eq3A_962 : vector<16xi32>
        %jit3A_964 = arith.constant 0 : i32
        %broadcast_in_dim3A_965 = vector.broadcast %jit3A_964 : i32 to vector<16xi32>
        %select_n3A_966 = arith.select %eq3A_963, %mul3A_309, %broadcast_in_dim3A_965 : vector<16xi1>, vector<16xi32>
        %reduce_sum3A_967 = arith.constant true
        %reduce_sum3A_968 = vector.broadcast %reduce_sum3A_967 : i1 to vector<16xi1>
        %reduce_sum3A_969 = tpu.scan <sum>, %select_n3A_966 masked %reduce_sum3A_968 : vector<16xi32>, vector<16xi1> -> vector<16xi32>
        %reduce_sum3A_970 = vector.extract %reduce_sum3A_969[15] : i32 from vector<16xi32>
        %multiple_of3A_971 = tpu.assume_multiple %reduce_sum3A_970, 128 : i32
        %dma_start3A_972 = arith.constant 3 : i32
        %dma_start3A_973 = arith.constant 3 : i32
        %dma_start3A_974 = arith.constant 0 : i32
        %dma_start3A_975 = arith.constant 0 : i32
        %dma_start3A_976 = arith.constant 0 : i32
        %dma_start3A_977 = tpu.memref_slice %arg6[%dma_start3A_972, %dma_start3A_974, %dma_start3A_975, %dma_start3A_976] : memref<8x8x8x128xf32, #tpu.memory_space<vmem>> -> memref<1x8x8x128xf32, #tpu.memory_space<vmem>>
        %dma_start3A_978 = tpu.memref_squeeze %dma_start3A_977 : memref<1x8x8x128xf32, #tpu.memory_space<vmem>> -> memref<8x8x128xf32, #tpu.memory_space<vmem>>
        %dma_start3A_979 = arith.constant 0 : i32
        %dma_start3A_980 = arith.constant 0 : i32
        %dma_start3A_981 = tpu.memref_slice %arg2[%dma_start3A_979, %dma_start3A_980, %multiple_of3A_971] : memref<8x8x1000000xf32, #tpu.memory_space<hbm>> -> memref<8x8x128xf32, #tpu.memory_space<hbm>>
        %dma_start3A_982 = tpu.memref_slice %arg8[%dma_start3A_973] : memref<8x!tpu.dma_semaphore, #tpu.memory_space<semaphore_mem>> -> memref<1x!tpu.dma_semaphore, #tpu.memory_space<semaphore_mem>>
        %dma_start3A_983 = tpu.memref_squeeze %dma_start3A_982 : memref<1x!tpu.dma_semaphore, #tpu.memory_space<semaphore_mem>> -> memref<!tpu.dma_semaphore, #tpu.memory_space<semaphore_mem>>
        %dma_start3A_984 = arith.constant 0 : i32
        %dma_start3A_985 = arith.constant 0 : i32
        %dma_start3A_986 = arith.constant 0 : i32
        %dma_start3A_987 = tpu.memref_slice %arg6[%dma_start3A_972, %dma_start3A_984, %dma_start3A_985, %dma_start3A_986] : memref<8x8x8x128xf32, #tpu.memory_space<vmem>> -> memref<1x8x8x128xf32, #tpu.memory_space<vmem>>
        %dma_start3A_988 = tpu.memref_squeeze %dma_start3A_987 : memref<1x8x8x128xf32, #tpu.memory_space<vmem>> -> memref<8x8x128xf32, #tpu.memory_space<vmem>>
        %dma_start3A_989 = arith.constant 0 : i32
        %dma_start3A_990 = arith.constant 0 : i32
        %dma_start3A_991 = tpu.memref_slice %arg2[%dma_start3A_989, %dma_start3A_990, %multiple_of3A_971] : memref<8x8x1000000xf32, #tpu.memory_space<hbm>> -> memref<8x8x128xf32, #tpu.memory_space<hbm>>
        tpu.enqueue_dma source(%dma_start3A_991 : memref<8x8x128xf32, #tpu.memory_space<hbm>>) target(%dma_start3A_988 : memref<8x8x128xf32, #tpu.memory_space<vmem>>) target_semaphore(%dma_start3A_983 : memref<!tpu.dma_semaphore, #tpu.memory_space<semaphore_mem>>)
      } else {
      }
      %mul3A_632 = arith.constant 8 : i32
      %mul3A_633 = arith.muli %scan3A_289, %mul3A_632 : i32
      %add3A_634 = arith.constant 4 : i32
      %add3A_635 = arith.addi %mul3A_633, %add3A_634 : i32
      %dma_wait3A_636 = arith.constant 4 : i32
      %dma_wait3A_637 = arith.constant 4 : i32
      %dma_wait3A_638 = arith.constant 0 : i32
      %dma_wait3A_639 = arith.constant 0 : i32
      %dma_wait3A_640 = arith.constant 0 : i32
      %dma_wait3A_641 = tpu.memref_slice %arg6[%dma_wait3A_636, %dma_wait3A_638, %dma_wait3A_639, %dma_wait3A_640] : memref<8x8x8x128xf32, #tpu.memory_space<vmem>> -> memref<1x8x8x128xf32, #tpu.memory_space<vmem>>
      %dma_wait3A_642 = tpu.memref_squeeze %dma_wait3A_641 : memref<1x8x8x128xf32, #tpu.memory_space<vmem>> -> memref<8x8x128xf32, #tpu.memory_space<vmem>>
      %dma_wait3A_643 = arith.constant 0 : i32
      %dma_wait3A_644 = arith.constant 0 : i32
      %dma_wait3A_645 = arith.constant 0 : i32
      %dma_wait3A_646 = tpu.memref_slice %arg2[%dma_wait3A_643, %dma_wait3A_644, %dma_wait3A_645] : memref<8x8x1000000xf32, #tpu.memory_space<hbm>> -> memref<8x8x128xf32, #tpu.memory_space<hbm>>
      %dma_wait3A_647 = tpu.memref_slice %arg8[%dma_wait3A_637] : memref<8x!tpu.dma_semaphore, #tpu.memory_space<semaphore_mem>> -> memref<1x!tpu.dma_semaphore, #tpu.memory_space<semaphore_mem>>
      %dma_wait3A_648 = tpu.memref_squeeze %dma_wait3A_647 : memref<1x!tpu.dma_semaphore, #tpu.memory_space<semaphore_mem>> -> memref<!tpu.dma_semaphore, #tpu.memory_space<semaphore_mem>>
      %dma_wait3A_649 = arith.constant 0 : i32
      %dma_wait3A_650 = arith.constant 0 : i32
      %dma_wait3A_651 = arith.constant 0 : i32
      %dma_wait3A_652 = tpu.memref_slice %arg6[%dma_wait3A_636, %dma_wait3A_649, %dma_wait3A_650, %dma_wait3A_651] : memref<8x8x8x128xf32, #tpu.memory_space<vmem>> -> memref<1x8x8x128xf32, #tpu.memory_space<vmem>>
      %dma_wait3A_653 = tpu.memref_squeeze %dma_wait3A_652 : memref<1x8x8x128xf32, #tpu.memory_space<vmem>> -> memref<8x8x128xf32, #tpu.memory_space<vmem>>
      %dma_wait3A_654 = arith.constant 0 : i32
      %dma_wait3A_655 = arith.constant 0 : i32
      %dma_wait3A_656 = arith.constant 0 : i32
      %dma_wait3A_657 = tpu.memref_slice %arg2[%dma_wait3A_654, %dma_wait3A_655, %dma_wait3A_656] : memref<8x8x1000000xf32, #tpu.memory_space<hbm>> -> memref<8x8x128xf32, #tpu.memory_space<hbm>>
      tpu.wait_dma2 semaphore(%dma_wait3A_648 : memref<!tpu.dma_semaphore, #tpu.memory_space<semaphore_mem>>) src(%dma_wait3A_657 : memref<8x8x128xf32, #tpu.memory_space<hbm>>) dst(%dma_wait3A_653 : memref<8x8x128xf32, #tpu.memory_space<vmem>>)
      %eq3A_658 = arith.constant 4 : i32
      %eq3A_659 = vector.broadcast %eq3A_658 : i32 to vector<16xi32>
      %eq3A_660 = arith.cmpi eq, %iota3A, %eq3A_659 : vector<16xi32>
      %jit3A_661 = arith.constant 0 : i32
      %broadcast_in_dim3A_662 = vector.broadcast %jit3A_661 : i32 to vector<16xi32>
      %select_n3A_663 = arith.select %eq3A_660, %and3A_297, %broadcast_in_dim3A_662 : vector<16xi1>, vector<16xi32>
      %reduce_sum3A_664 = arith.constant true
      %reduce_sum3A_665 = vector.broadcast %reduce_sum3A_664 : i1 to vector<16xi1>
      %reduce_sum3A_666 = tpu.scan <sum>, %select_n3A_663 masked %reduce_sum3A_665 : vector<16xi32>, vector<16xi1> -> vector<16xi32>
      %reduce_sum3A_667 = vector.extract %reduce_sum3A_666[15] : i32 from vector<16xi32>
      %broadcast_in_dim3A_668 = vector.broadcast %reduce_sum3A_667 : i32 to vector<16xi32>
      %gather3A_669 = arith.constant 4 : i32
      %gather3A_670 = arith.constant 0 : i32
      %gather3A_671 = arith.constant 0 : i32
      %gather3A_672 = arith.constant 0 : i32
      %gather3A_673 = tpu.memref_slice %arg6[%gather3A_669, %gather3A_670, %gather3A_671, %gather3A_672] : memref<8x8x8x128xf32, #tpu.memory_space<vmem>> -> memref<1x8x8x128xf32, #tpu.memory_space<vmem>>
      %gather3A_674 = tpu.memref_squeeze %gather3A_673 : memref<1x8x8x128xf32, #tpu.memory_space<vmem>> -> memref<8x8x128xf32, #tpu.memory_space<vmem>>
      %gather3A_675 = tpu.vector_load_idx %gather3A_674[%shift_right_arithmetic3A_5, %and3A_7, %broadcast_in_dim3A_668] : memref<8x8x128xf32, #tpu.memory_space<vmem>>[vector<16xi32>, vector<16xi32>, vector<16xi32>], vector<16xf32>,
      %swap3A_676 = arith.index_cast %add3A_635 : i32 to index
      %swap3A_677 = arith.constant 0 : index
      %swap3A_678 = tpu.vector_load %arg7[%swap3A_676, %swap3A_677] {strides = array<i32>} : memref<128x64xf32, #tpu.memory_space<vmem>>, vector<16xf32>,
      tpu.vector_store %arg7[%swap3A_676, %swap3A_677], %gather3A_675 {strides = array<i32>} : memref<128x64xf32, #tpu.memory_space<vmem>>, vector<16xf32>,
      %gather3A_679 = arith.constant 4 : i32
      %gather3A_680 = arith.constant 0 : i32
      %gather3A_681 = arith.constant 0 : i32
      %gather3A_682 = arith.constant 0 : i32
      %gather3A_683 = tpu.memref_slice %arg6[%gather3A_679, %gather3A_680, %gather3A_681, %gather3A_682] : memref<8x8x8x128xf32, #tpu.memory_space<vmem>> -> memref<1x8x8x128xf32, #tpu.memory_space<vmem>>
      %gather3A_684 = tpu.memref_squeeze %gather3A_683 : memref<1x8x8x128xf32, #tpu.memory_space<vmem>> -> memref<8x8x128xf32, #tpu.memory_space<vmem>>
      %gather3A_685 = tpu.vector_load_idx %gather3A_684[%shift_right_arithmetic3A_13, %and3A_16, %broadcast_in_dim3A_668] : memref<8x8x128xf32, #tpu.memory_space<vmem>>[vector<16xi32>, vector<16xi32>, vector<16xi32>], vector<16xf32>,
      %swap3A_686 = arith.index_cast %add3A_635 : i32 to index
      %swap3A_687 = arith.constant 16 : index
      %swap3A_688 = tpu.vector_load %arg7[%swap3A_686, %swap3A_687] {strides = array<i32>} : memref<128x64xf32, #tpu.memory_space<vmem>>, vector<16xf32>,
      tpu.vector_store %arg7[%swap3A_686, %swap3A_687], %gather3A_685 {strides = array<i32>} : memref<128x64xf32, #tpu.memory_space<vmem>>, vector<16xf32>,
      %gather3A_689 = arith.constant 4 : i32
      %gather3A_690 = arith.constant 0 : i32
      %gather3A_691 = arith.constant 0 : i32
      %gather3A_692 = arith.constant 0 : i32
      %gather3A_693 = tpu.memref_slice %arg6[%gather3A_689, %gather3A_690, %gather3A_691, %gather3A_692] : memref<8x8x8x128xf32, #tpu.memory_space<vmem>> -> memref<1x8x8x128xf32, #tpu.memory_space<vmem>>
      %gather3A_694 = tpu.memref_squeeze %gather3A_693 : memref<1x8x8x128xf32, #tpu.memory_space<vmem>> -> memref<8x8x128xf32, #tpu.memory_space<vmem>>
      %gather3A_695 = tpu.vector_load_idx %gather3A_694[%shift_right_arithmetic3A_22, %and3A_25, %broadcast_in_dim3A_668] : memref<8x8x128xf32, #tpu.memory_space<vmem>>[vector<16xi32>, vector<16xi32>, vector<16xi32>], vector<16xf32>,
      %swap3A_696 = arith.index_cast %add3A_635 : i32 to index
      %swap3A_697 = arith.constant 32 : index
      %swap3A_698 = tpu.vector_load %arg7[%swap3A_696, %swap3A_697] {strides = array<i32>} : memref<128x64xf32, #tpu.memory_space<vmem>>, vector<16xf32>,
      tpu.vector_store %arg7[%swap3A_696, %swap3A_697], %gather3A_695 {strides = array<i32>} : memref<128x64xf32, #tpu.memory_space<vmem>>, vector<16xf32>,
      %gather3A_699 = arith.constant 4 : i32
      %gather3A_700 = arith.constant 0 : i32
      %gather3A_701 = arith.constant 0 : i32
      %gather3A_702 = arith.constant 0 : i32
      %gather3A_703 = tpu.memref_slice %arg6[%gather3A_699, %gather3A_700, %gather3A_701, %gather3A_702] : memref<8x8x8x128xf32, #tpu.memory_space<vmem>> -> memref<1x8x8x128xf32, #tpu.memory_space<vmem>>
      %gather3A_704 = tpu.memref_squeeze %gather3A_703 : memref<1x8x8x128xf32, #tpu.memory_space<vmem>> -> memref<8x8x128xf32, #tpu.memory_space<vmem>>
      %gather3A_705 = tpu.vector_load_idx %gather3A_704[%shift_right_arithmetic3A_31, %and3A_34, %broadcast_in_dim3A_668] : memref<8x8x128xf32, #tpu.memory_space<vmem>>[vector<16xi32>, vector<16xi32>, vector<16xi32>], vector<16xf32>,
      %swap3A_706 = arith.index_cast %add3A_635 : i32 to index
      %swap3A_707 = arith.constant 48 : index
      %swap3A_708 = tpu.vector_load %arg7[%swap3A_706, %swap3A_707] {strides = array<i32>} : memref<128x64xf32, #tpu.memory_space<vmem>>, vector<16xf32>,
      tpu.vector_store %arg7[%swap3A_706, %swap3A_707], %gather3A_705 {strides = array<i32>} : memref<128x64xf32, #tpu.memory_space<vmem>>, vector<16xf32>,
      %lt3A_709 = arith.constant 15 : i32
      %lt3A_710 = arith.cmpi slt, %scan3A_289, %lt3A_709 : i32
      %convert_element_type3A_711 = arith.extui %lt3A_710 : i1 to i32
      %cond3A_712 = arith.constant 0 : i32
      %cond3A_713 = arith.cmpi ne, %convert_element_type3A_711, %cond3A_712 : i32
      scf.if %cond3A_713 {
        %eq3A_961 = arith.constant 4 : i32
        %eq3A_962 = vector.broadcast %eq3A_961 : i32 to vector<16xi32>
        %eq3A_963 = arith.cmpi eq, %iota3A, %eq3A_962 : vector<16xi32>
        %jit3A_964 = arith.constant 0 : i32
        %broadcast_in_dim3A_965 = vector.broadcast %jit3A_964 : i32 to vector<16xi32>
        %select_n3A_966 = arith.select %eq3A_963, %mul3A_309, %broadcast_in_dim3A_965 : vector<16xi1>, vector<16xi32>
        %reduce_sum3A_967 = arith.constant true
        %reduce_sum3A_968 = vector.broadcast %reduce_sum3A_967 : i1 to vector<16xi1>
        %reduce_sum3A_969 = tpu.scan <sum>, %select_n3A_966 masked %reduce_sum3A_968 : vector<16xi32>, vector<16xi1> -> vector<16xi32>
        %reduce_sum3A_970 = vector.extract %reduce_sum3A_969[15] : i32 from vector<16xi32>
        %multiple_of3A_971 = tpu.assume_multiple %reduce_sum3A_970, 128 : i32
        %dma_start3A_972 = arith.constant 4 : i32
        %dma_start3A_973 = arith.constant 4 : i32
        %dma_start3A_974 = arith.constant 0 : i32
        %dma_start3A_975 = arith.constant 0 : i32
        %dma_start3A_976 = arith.constant 0 : i32
        %dma_start3A_977 = tpu.memref_slice %arg6[%dma_start3A_972, %dma_start3A_974, %dma_start3A_975, %dma_start3A_976] : memref<8x8x8x128xf32, #tpu.memory_space<vmem>> -> memref<1x8x8x128xf32, #tpu.memory_space<vmem>>
        %dma_start3A_978 = tpu.memref_squeeze %dma_start3A_977 : memref<1x8x8x128xf32, #tpu.memory_space<vmem>> -> memref<8x8x128xf32, #tpu.memory_space<vmem>>
        %dma_start3A_979 = arith.constant 0 : i32
        %dma_start3A_980 = arith.constant 0 : i32
        %dma_start3A_981 = tpu.memref_slice %arg2[%dma_start3A_979, %dma_start3A_980, %multiple_of3A_971] : memref<8x8x1000000xf32, #tpu.memory_space<hbm>> -> memref<8x8x128xf32, #tpu.memory_space<hbm>>
        %dma_start3A_982 = tpu.memref_slice %arg8[%dma_start3A_973] : memref<8x!tpu.dma_semaphore, #tpu.memory_space<semaphore_mem>> -> memref<1x!tpu.dma_semaphore, #tpu.memory_space<semaphore_mem>>
        %dma_start3A_983 = tpu.memref_squeeze %dma_start3A_982 : memref<1x!tpu.dma_semaphore, #tpu.memory_space<semaphore_mem>> -> memref<!tpu.dma_semaphore, #tpu.memory_space<semaphore_mem>>
        %dma_start3A_984 = arith.constant 0 : i32
        %dma_start3A_985 = arith.constant 0 : i32
        %dma_start3A_986 = arith.constant 0 : i32
        %dma_start3A_987 = tpu.memref_slice %arg6[%dma_start3A_972, %dma_start3A_984, %dma_start3A_985, %dma_start3A_986] : memref<8x8x8x128xf32, #tpu.memory_space<vmem>> -> memref<1x8x8x128xf32, #tpu.memory_space<vmem>>
        %dma_start3A_988 = tpu.memref_squeeze %dma_start3A_987 : memref<1x8x8x128xf32, #tpu.memory_space<vmem>> -> memref<8x8x128xf32, #tpu.memory_space<vmem>>
        %dma_start3A_989 = arith.constant 0 : i32
        %dma_start3A_990 = arith.constant 0 : i32
        %dma_start3A_991 = tpu.memref_slice %arg2[%dma_start3A_989, %dma_start3A_990, %multiple_of3A_971] : memref<8x8x1000000xf32, #tpu.memory_space<hbm>> -> memref<8x8x128xf32, #tpu.memory_space<hbm>>
        tpu.enqueue_dma source(%dma_start3A_991 : memref<8x8x128xf32, #tpu.memory_space<hbm>>) target(%dma_start3A_988 : memref<8x8x128xf32, #tpu.memory_space<vmem>>) target_semaphore(%dma_start3A_983 : memref<!tpu.dma_semaphore, #tpu.memory_space<semaphore_mem>>)
      } else {
      }
      %mul3A_714 = arith.constant 8 : i32
      %mul3A_715 = arith.muli %scan3A_289, %mul3A_714 : i32
      %add3A_716 = arith.constant 5 : i32
      %add3A_717 = arith.addi %mul3A_715, %add3A_716 : i32
      %dma_wait3A_718 = arith.constant 5 : i32
      %dma_wait3A_719 = arith.constant 5 : i32
      %dma_wait3A_720 = arith.constant 0 : i32
      %dma_wait3A_721 = arith.constant 0 : i32
      %dma_wait3A_722 = arith.constant 0 : i32
      %dma_wait3A_723 = tpu.memref_slice %arg6[%dma_wait3A_718, %dma_wait3A_720, %dma_wait3A_721, %dma_wait3A_722] : memref<8x8x8x128xf32, #tpu.memory_space<vmem>> -> memref<1x8x8x128xf32, #tpu.memory_space<vmem>>
      %dma_wait3A_724 = tpu.memref_squeeze %dma_wait3A_723 : memref<1x8x8x128xf32, #tpu.memory_space<vmem>> -> memref<8x8x128xf32, #tpu.memory_space<vmem>>
      %dma_wait3A_725 = arith.constant 0 : i32
      %dma_wait3A_726 = arith.constant 0 : i32
      %dma_wait3A_727 = arith.constant 0 : i32
      %dma_wait3A_728 = tpu.memref_slice %arg2[%dma_wait3A_725, %dma_wait3A_726, %dma_wait3A_727] : memref<8x8x1000000xf32, #tpu.memory_space<hbm>> -> memref<8x8x128xf32, #tpu.memory_space<hbm>>
      %dma_wait3A_729 = tpu.memref_slice %arg8[%dma_wait3A_719] : memref<8x!tpu.dma_semaphore, #tpu.memory_space<semaphore_mem>> -> memref<1x!tpu.dma_semaphore, #tpu.memory_space<semaphore_mem>>
      %dma_wait3A_730 = tpu.memref_squeeze %dma_wait3A_729 : memref<1x!tpu.dma_semaphore, #tpu.memory_space<semaphore_mem>> -> memref<!tpu.dma_semaphore, #tpu.memory_space<semaphore_mem>>
      %dma_wait3A_731 = arith.constant 0 : i32
      %dma_wait3A_732 = arith.constant 0 : i32
      %dma_wait3A_733 = arith.constant 0 : i32
      %dma_wait3A_734 = tpu.memref_slice %arg6[%dma_wait3A_718, %dma_wait3A_731, %dma_wait3A_732, %dma_wait3A_733] : memref<8x8x8x128xf32, #tpu.memory_space<vmem>> -> memref<1x8x8x128xf32, #tpu.memory_space<vmem>>
      %dma_wait3A_735 = tpu.memref_squeeze %dma_wait3A_734 : memref<1x8x8x128xf32, #tpu.memory_space<vmem>> -> memref<8x8x128xf32, #tpu.memory_space<vmem>>
      %dma_wait3A_736 = arith.constant 0 : i32
      %dma_wait3A_737 = arith.constant 0 : i32
      %dma_wait3A_738 = arith.constant 0 : i32
      %dma_wait3A_739 = tpu.memref_slice %arg2[%dma_wait3A_736, %dma_wait3A_737, %dma_wait3A_738] : memref<8x8x1000000xf32, #tpu.memory_space<hbm>> -> memref<8x8x128xf32, #tpu.memory_space<hbm>>
      tpu.wait_dma2 semaphore(%dma_wait3A_730 : memref<!tpu.dma_semaphore, #tpu.memory_space<semaphore_mem>>) src(%dma_wait3A_739 : memref<8x8x128xf32, #tpu.memory_space<hbm>>) dst(%dma_wait3A_735 : memref<8x8x128xf32, #tpu.memory_space<vmem>>)
      %eq3A_740 = arith.constant 5 : i32
      %eq3A_741 = vector.broadcast %eq3A_740 : i32 to vector<16xi32>
      %eq3A_742 = arith.cmpi eq, %iota3A, %eq3A_741 : vector<16xi32>
      %jit3A_743 = arith.constant 0 : i32
      %broadcast_in_dim3A_744 = vector.broadcast %jit3A_743 : i32 to vector<16xi32>
      %select_n3A_745 = arith.select %eq3A_742, %and3A_297, %broadcast_in_dim3A_744 : vector<16xi1>, vector<16xi32>
      %reduce_sum3A_746 = arith.constant true
      %reduce_sum3A_747 = vector.broadcast %reduce_sum3A_746 : i1 to vector<16xi1>
      %reduce_sum3A_748 = tpu.scan <sum>, %select_n3A_745 masked %reduce_sum3A_747 : vector<16xi32>, vector<16xi1> -> vector<16xi32>
      %reduce_sum3A_749 = vector.extract %reduce_sum3A_748[15] : i32 from vector<16xi32>
      %broadcast_in_dim3A_750 = vector.broadcast %reduce_sum3A_749 : i32 to vector<16xi32>
      %gather3A_751 = arith.constant 5 : i32
      %gather3A_752 = arith.constant 0 : i32
      %gather3A_753 = arith.constant 0 : i32
      %gather3A_754 = arith.constant 0 : i32
      %gather3A_755 = tpu.memref_slice %arg6[%gather3A_751, %gather3A_752, %gather3A_753, %gather3A_754] : memref<8x8x8x128xf32, #tpu.memory_space<vmem>> -> memref<1x8x8x128xf32, #tpu.memory_space<vmem>>
      %gather3A_756 = tpu.memref_squeeze %gather3A_755 : memref<1x8x8x128xf32, #tpu.memory_space<vmem>> -> memref<8x8x128xf32, #tpu.memory_space<vmem>>
      %gather3A_757 = tpu.vector_load_idx %gather3A_756[%shift_right_arithmetic3A_5, %and3A_7, %broadcast_in_dim3A_750] : memref<8x8x128xf32, #tpu.memory_space<vmem>>[vector<16xi32>, vector<16xi32>, vector<16xi32>], vector<16xf32>,
      %swap3A_758 = arith.index_cast %add3A_717 : i32 to index
      %swap3A_759 = arith.constant 0 : index
      %swap3A_760 = tpu.vector_load %arg7[%swap3A_758, %swap3A_759] {strides = array<i32>} : memref<128x64xf32, #tpu.memory_space<vmem>>, vector<16xf32>,
      tpu.vector_store %arg7[%swap3A_758, %swap3A_759], %gather3A_757 {strides = array<i32>} : memref<128x64xf32, #tpu.memory_space<vmem>>, vector<16xf32>,
      %gather3A_761 = arith.constant 5 : i32
      %gather3A_762 = arith.constant 0 : i32
      %gather3A_763 = arith.constant 0 : i32
      %gather3A_764 = arith.constant 0 : i32
      %gather3A_765 = tpu.memref_slice %arg6[%gather3A_761, %gather3A_762, %gather3A_763, %gather3A_764] : memref<8x8x8x128xf32, #tpu.memory_space<vmem>> -> memref<1x8x8x128xf32, #tpu.memory_space<vmem>>
      %gather3A_766 = tpu.memref_squeeze %gather3A_765 : memref<1x8x8x128xf32, #tpu.memory_space<vmem>> -> memref<8x8x128xf32, #tpu.memory_space<vmem>>
      %gather3A_767 = tpu.vector_load_idx %gather3A_766[%shift_right_arithmetic3A_13, %and3A_16, %broadcast_in_dim3A_750] : memref<8x8x128xf32, #tpu.memory_space<vmem>>[vector<16xi32>, vector<16xi32>, vector<16xi32>], vector<16xf32>,
      %swap3A_768 = arith.index_cast %add3A_717 : i32 to index
      %swap3A_769 = arith.constant 16 : index
      %swap3A_770 = tpu.vector_load %arg7[%swap3A_768, %swap3A_769] {strides = array<i32>} : memref<128x64xf32, #tpu.memory_space<vmem>>, vector<16xf32>,
      tpu.vector_store %arg7[%swap3A_768, %swap3A_769], %gather3A_767 {strides = array<i32>} : memref<128x64xf32, #tpu.memory_space<vmem>>, vector<16xf32>,
      %gather3A_771 = arith.constant 5 : i32
      %gather3A_772 = arith.constant 0 : i32
      %gather3A_773 = arith.constant 0 : i32
      %gather3A_774 = arith.constant 0 : i32
      %gather3A_775 = tpu.memref_slice %arg6[%gather3A_771, %gather3A_772, %gather3A_773, %gather3A_774] : memref<8x8x8x128xf32, #tpu.memory_space<vmem>> -> memref<1x8x8x128xf32, #tpu.memory_space<vmem>>
      %gather3A_776 = tpu.memref_squeeze %gather3A_775 : memref<1x8x8x128xf32, #tpu.memory_space<vmem>> -> memref<8x8x128xf32, #tpu.memory_space<vmem>>
      %gather3A_777 = tpu.vector_load_idx %gather3A_776[%shift_right_arithmetic3A_22, %and3A_25, %broadcast_in_dim3A_750] : memref<8x8x128xf32, #tpu.memory_space<vmem>>[vector<16xi32>, vector<16xi32>, vector<16xi32>], vector<16xf32>,
      %swap3A_778 = arith.index_cast %add3A_717 : i32 to index
      %swap3A_779 = arith.constant 32 : index
      %swap3A_780 = tpu.vector_load %arg7[%swap3A_778, %swap3A_779] {strides = array<i32>} : memref<128x64xf32, #tpu.memory_space<vmem>>, vector<16xf32>,
      tpu.vector_store %arg7[%swap3A_778, %swap3A_779], %gather3A_777 {strides = array<i32>} : memref<128x64xf32, #tpu.memory_space<vmem>>, vector<16xf32>,
      %gather3A_781 = arith.constant 5 : i32
      %gather3A_782 = arith.constant 0 : i32
      %gather3A_783 = arith.constant 0 : i32
      %gather3A_784 = arith.constant 0 : i32
      %gather3A_785 = tpu.memref_slice %arg6[%gather3A_781, %gather3A_782, %gather3A_783, %gather3A_784] : memref<8x8x8x128xf32, #tpu.memory_space<vmem>> -> memref<1x8x8x128xf32, #tpu.memory_space<vmem>>
      %gather3A_786 = tpu.memref_squeeze %gather3A_785 : memref<1x8x8x128xf32, #tpu.memory_space<vmem>> -> memref<8x8x128xf32, #tpu.memory_space<vmem>>
      %gather3A_787 = tpu.vector_load_idx %gather3A_786[%shift_right_arithmetic3A_31, %and3A_34, %broadcast_in_dim3A_750] : memref<8x8x128xf32, #tpu.memory_space<vmem>>[vector<16xi32>, vector<16xi32>, vector<16xi32>], vector<16xf32>,
      %swap3A_788 = arith.index_cast %add3A_717 : i32 to index
      %swap3A_789 = arith.constant 48 : index
      %swap3A_790 = tpu.vector_load %arg7[%swap3A_788, %swap3A_789] {strides = array<i32>} : memref<128x64xf32, #tpu.memory_space<vmem>>, vector<16xf32>,
      tpu.vector_store %arg7[%swap3A_788, %swap3A_789], %gather3A_787 {strides = array<i32>} : memref<128x64xf32, #tpu.memory_space<vmem>>, vector<16xf32>,
      %lt3A_791 = arith.constant 15 : i32
      %lt3A_792 = arith.cmpi slt, %scan3A_289, %lt3A_791 : i32
      %convert_element_type3A_793 = arith.extui %lt3A_792 : i1 to i32
      %cond3A_794 = arith.constant 0 : i32
      %cond3A_795 = arith.cmpi ne, %convert_element_type3A_793, %cond3A_794 : i32
      scf.if %cond3A_795 {
        %eq3A_961 = arith.constant 5 : i32
        %eq3A_962 = vector.broadcast %eq3A_961 : i32 to vector<16xi32>
        %eq3A_963 = arith.cmpi eq, %iota3A, %eq3A_962 : vector<16xi32>
        %jit3A_964 = arith.constant 0 : i32
        %broadcast_in_dim3A_965 = vector.broadcast %jit3A_964 : i32 to vector<16xi32>
        %select_n3A_966 = arith.select %eq3A_963, %mul3A_309, %broadcast_in_dim3A_965 : vector<16xi1>, vector<16xi32>
        %reduce_sum3A_967 = arith.constant true
        %reduce_sum3A_968 = vector.broadcast %reduce_sum3A_967 : i1 to vector<16xi1>
        %reduce_sum3A_969 = tpu.scan <sum>, %select_n3A_966 masked %reduce_sum3A_968 : vector<16xi32>, vector<16xi1> -> vector<16xi32>
        %reduce_sum3A_970 = vector.extract %reduce_sum3A_969[15] : i32 from vector<16xi32>
        %multiple_of3A_971 = tpu.assume_multiple %reduce_sum3A_970, 128 : i32
        %dma_start3A_972 = arith.constant 5 : i32
        %dma_start3A_973 = arith.constant 5 : i32
        %dma_start3A_974 = arith.constant 0 : i32
        %dma_start3A_975 = arith.constant 0 : i32
        %dma_start3A_976 = arith.constant 0 : i32
        %dma_start3A_977 = tpu.memref_slice %arg6[%dma_start3A_972, %dma_start3A_974, %dma_start3A_975, %dma_start3A_976] : memref<8x8x8x128xf32, #tpu.memory_space<vmem>> -> memref<1x8x8x128xf32, #tpu.memory_space<vmem>>
        %dma_start3A_978 = tpu.memref_squeeze %dma_start3A_977 : memref<1x8x8x128xf32, #tpu.memory_space<vmem>> -> memref<8x8x128xf32, #tpu.memory_space<vmem>>
        %dma_start3A_979 = arith.constant 0 : i32
        %dma_start3A_980 = arith.constant 0 : i32
        %dma_start3A_981 = tpu.memref_slice %arg2[%dma_start3A_979, %dma_start3A_980, %multiple_of3A_971] : memref<8x8x1000000xf32, #tpu.memory_space<hbm>> -> memref<8x8x128xf32, #tpu.memory_space<hbm>>
        %dma_start3A_982 = tpu.memref_slice %arg8[%dma_start3A_973] : memref<8x!tpu.dma_semaphore, #tpu.memory_space<semaphore_mem>> -> memref<1x!tpu.dma_semaphore, #tpu.memory_space<semaphore_mem>>
        %dma_start3A_983 = tpu.memref_squeeze %dma_start3A_982 : memref<1x!tpu.dma_semaphore, #tpu.memory_space<semaphore_mem>> -> memref<!tpu.dma_semaphore, #tpu.memory_space<semaphore_mem>>
        %dma_start3A_984 = arith.constant 0 : i32
        %dma_start3A_985 = arith.constant 0 : i32
        %dma_start3A_986 = arith.constant 0 : i32
        %dma_start3A_987 = tpu.memref_slice %arg6[%dma_start3A_972, %dma_start3A_984, %dma_start3A_985, %dma_start3A_986] : memref<8x8x8x128xf32, #tpu.memory_space<vmem>> -> memref<1x8x8x128xf32, #tpu.memory_space<vmem>>
        %dma_start3A_988 = tpu.memref_squeeze %dma_start3A_987 : memref<1x8x8x128xf32, #tpu.memory_space<vmem>> -> memref<8x8x128xf32, #tpu.memory_space<vmem>>
        %dma_start3A_989 = arith.constant 0 : i32
        %dma_start3A_990 = arith.constant 0 : i32
        %dma_start3A_991 = tpu.memref_slice %arg2[%dma_start3A_989, %dma_start3A_990, %multiple_of3A_971] : memref<8x8x1000000xf32, #tpu.memory_space<hbm>> -> memref<8x8x128xf32, #tpu.memory_space<hbm>>
        tpu.enqueue_dma source(%dma_start3A_991 : memref<8x8x128xf32, #tpu.memory_space<hbm>>) target(%dma_start3A_988 : memref<8x8x128xf32, #tpu.memory_space<vmem>>) target_semaphore(%dma_start3A_983 : memref<!tpu.dma_semaphore, #tpu.memory_space<semaphore_mem>>)
      } else {
      }
      %mul3A_796 = arith.constant 8 : i32
      %mul3A_797 = arith.muli %scan3A_289, %mul3A_796 : i32
      %add3A_798 = arith.constant 6 : i32
      %add3A_799 = arith.addi %mul3A_797, %add3A_798 : i32
      %dma_wait3A_800 = arith.constant 6 : i32
      %dma_wait3A_801 = arith.constant 6 : i32
      %dma_wait3A_802 = arith.constant 0 : i32
      %dma_wait3A_803 = arith.constant 0 : i32
      %dma_wait3A_804 = arith.constant 0 : i32
      %dma_wait3A_805 = tpu.memref_slice %arg6[%dma_wait3A_800, %dma_wait3A_802, %dma_wait3A_803, %dma_wait3A_804] : memref<8x8x8x128xf32, #tpu.memory_space<vmem>> -> memref<1x8x8x128xf32, #tpu.memory_space<vmem>>
      %dma_wait3A_806 = tpu.memref_squeeze %dma_wait3A_805 : memref<1x8x8x128xf32, #tpu.memory_space<vmem>> -> memref<8x8x128xf32, #tpu.memory_space<vmem>>
      %dma_wait3A_807 = arith.constant 0 : i32
      %dma_wait3A_808 = arith.constant 0 : i32
      %dma_wait3A_809 = arith.constant 0 : i32
      %dma_wait3A_810 = tpu.memref_slice %arg2[%dma_wait3A_807, %dma_wait3A_808, %dma_wait3A_809] : memref<8x8x1000000xf32, #tpu.memory_space<hbm>> -> memref<8x8x128xf32, #tpu.memory_space<hbm>>
      %dma_wait3A_811 = tpu.memref_slice %arg8[%dma_wait3A_801] : memref<8x!tpu.dma_semaphore, #tpu.memory_space<semaphore_mem>> -> memref<1x!tpu.dma_semaphore, #tpu.memory_space<semaphore_mem>>
      %dma_wait3A_812 = tpu.memref_squeeze %dma_wait3A_811 : memref<1x!tpu.dma_semaphore, #tpu.memory_space<semaphore_mem>> -> memref<!tpu.dma_semaphore, #tpu.memory_space<semaphore_mem>>
      %dma_wait3A_813 = arith.constant 0 : i32
      %dma_wait3A_814 = arith.constant 0 : i32
      %dma_wait3A_815 = arith.constant 0 : i32
      %dma_wait3A_816 = tpu.memref_slice %arg6[%dma_wait3A_800, %dma_wait3A_813, %dma_wait3A_814, %dma_wait3A_815] : memref<8x8x8x128xf32, #tpu.memory_space<vmem>> -> memref<1x8x8x128xf32, #tpu.memory_space<vmem>>
      %dma_wait3A_817 = tpu.memref_squeeze %dma_wait3A_816 : memref<1x8x8x128xf32, #tpu.memory_space<vmem>> -> memref<8x8x128xf32, #tpu.memory_space<vmem>>
      %dma_wait3A_818 = arith.constant 0 : i32
      %dma_wait3A_819 = arith.constant 0 : i32
      %dma_wait3A_820 = arith.constant 0 : i32
      %dma_wait3A_821 = tpu.memref_slice %arg2[%dma_wait3A_818, %dma_wait3A_819, %dma_wait3A_820] : memref<8x8x1000000xf32, #tpu.memory_space<hbm>> -> memref<8x8x128xf32, #tpu.memory_space<hbm>>
      tpu.wait_dma2 semaphore(%dma_wait3A_812 : memref<!tpu.dma_semaphore, #tpu.memory_space<semaphore_mem>>) src(%dma_wait3A_821 : memref<8x8x128xf32, #tpu.memory_space<hbm>>) dst(%dma_wait3A_817 : memref<8x8x128xf32, #tpu.memory_space<vmem>>)
      %eq3A_822 = arith.constant 6 : i32
      %eq3A_823 = vector.broadcast %eq3A_822 : i32 to vector<16xi32>
      %eq3A_824 = arith.cmpi eq, %iota3A, %eq3A_823 : vector<16xi32>
      %jit3A_825 = arith.constant 0 : i32
      %broadcast_in_dim3A_826 = vector.broadcast %jit3A_825 : i32 to vector<16xi32>
      %select_n3A_827 = arith.select %eq3A_824, %and3A_297, %broadcast_in_dim3A_826 : vector<16xi1>, vector<16xi32>
      %reduce_sum3A_828 = arith.constant true
      %reduce_sum3A_829 = vector.broadcast %reduce_sum3A_828 : i1 to vector<16xi1>
      %reduce_sum3A_830 = tpu.scan <sum>, %select_n3A_827 masked %reduce_sum3A_829 : vector<16xi32>, vector<16xi1> -> vector<16xi32>
      %reduce_sum3A_831 = vector.extract %reduce_sum3A_830[15] : i32 from vector<16xi32>
      %broadcast_in_dim3A_832 = vector.broadcast %reduce_sum3A_831 : i32 to vector<16xi32>
      %gather3A_833 = arith.constant 6 : i32
      %gather3A_834 = arith.constant 0 : i32
      %gather3A_835 = arith.constant 0 : i32
      %gather3A_836 = arith.constant 0 : i32
      %gather3A_837 = tpu.memref_slice %arg6[%gather3A_833, %gather3A_834, %gather3A_835, %gather3A_836] : memref<8x8x8x128xf32, #tpu.memory_space<vmem>> -> memref<1x8x8x128xf32, #tpu.memory_space<vmem>>
      %gather3A_838 = tpu.memref_squeeze %gather3A_837 : memref<1x8x8x128xf32, #tpu.memory_space<vmem>> -> memref<8x8x128xf32, #tpu.memory_space<vmem>>
      %gather3A_839 = tpu.vector_load_idx %gather3A_838[%shift_right_arithmetic3A_5, %and3A_7, %broadcast_in_dim3A_832] : memref<8x8x128xf32, #tpu.memory_space<vmem>>[vector<16xi32>, vector<16xi32>, vector<16xi32>], vector<16xf32>,
      %swap3A_840 = arith.index_cast %add3A_799 : i32 to index
      %swap3A_841 = arith.constant 0 : index
      %swap3A_842 = tpu.vector_load %arg7[%swap3A_840, %swap3A_841] {strides = array<i32>} : memref<128x64xf32, #tpu.memory_space<vmem>>, vector<16xf32>,
      tpu.vector_store %arg7[%swap3A_840, %swap3A_841], %gather3A_839 {strides = array<i32>} : memref<128x64xf32, #tpu.memory_space<vmem>>, vector<16xf32>,
      %gather3A_843 = arith.constant 6 : i32
      %gather3A_844 = arith.constant 0 : i32
      %gather3A_845 = arith.constant 0 : i32
      %gather3A_846 = arith.constant 0 : i32
      %gather3A_847 = tpu.memref_slice %arg6[%gather3A_843, %gather3A_844, %gather3A_845, %gather3A_846] : memref<8x8x8x128xf32, #tpu.memory_space<vmem>> -> memref<1x8x8x128xf32, #tpu.memory_space<vmem>>
      %gather3A_848 = tpu.memref_squeeze %gather3A_847 : memref<1x8x8x128xf32, #tpu.memory_space<vmem>> -> memref<8x8x128xf32, #tpu.memory_space<vmem>>
      %gather3A_849 = tpu.vector_load_idx %gather3A_848[%shift_right_arithmetic3A_13, %and3A_16, %broadcast_in_dim3A_832] : memref<8x8x128xf32, #tpu.memory_space<vmem>>[vector<16xi32>, vector<16xi32>, vector<16xi32>], vector<16xf32>,
      %swap3A_850 = arith.index_cast %add3A_799 : i32 to index
      %swap3A_851 = arith.constant 16 : index
      %swap3A_852 = tpu.vector_load %arg7[%swap3A_850, %swap3A_851] {strides = array<i32>} : memref<128x64xf32, #tpu.memory_space<vmem>>, vector<16xf32>,
      tpu.vector_store %arg7[%swap3A_850, %swap3A_851], %gather3A_849 {strides = array<i32>} : memref<128x64xf32, #tpu.memory_space<vmem>>, vector<16xf32>,
      %gather3A_853 = arith.constant 6 : i32
      %gather3A_854 = arith.constant 0 : i32
      %gather3A_855 = arith.constant 0 : i32
      %gather3A_856 = arith.constant 0 : i32
      %gather3A_857 = tpu.memref_slice %arg6[%gather3A_853, %gather3A_854, %gather3A_855, %gather3A_856] : memref<8x8x8x128xf32, #tpu.memory_space<vmem>> -> memref<1x8x8x128xf32, #tpu.memory_space<vmem>>
      %gather3A_858 = tpu.memref_squeeze %gather3A_857 : memref<1x8x8x128xf32, #tpu.memory_space<vmem>> -> memref<8x8x128xf32, #tpu.memory_space<vmem>>
      %gather3A_859 = tpu.vector_load_idx %gather3A_858[%shift_right_arithmetic3A_22, %and3A_25, %broadcast_in_dim3A_832] : memref<8x8x128xf32, #tpu.memory_space<vmem>>[vector<16xi32>, vector<16xi32>, vector<16xi32>], vector<16xf32>,
      %swap3A_860 = arith.index_cast %add3A_799 : i32 to index
      %swap3A_861 = arith.constant 32 : index
      %swap3A_862 = tpu.vector_load %arg7[%swap3A_860, %swap3A_861] {strides = array<i32>} : memref<128x64xf32, #tpu.memory_space<vmem>>, vector<16xf32>,
      tpu.vector_store %arg7[%swap3A_860, %swap3A_861], %gather3A_859 {strides = array<i32>} : memref<128x64xf32, #tpu.memory_space<vmem>>, vector<16xf32>,
      %gather3A_863 = arith.constant 6 : i32
      %gather3A_864 = arith.constant 0 : i32
      %gather3A_865 = arith.constant 0 : i32
      %gather3A_866 = arith.constant 0 : i32
      %gather3A_867 = tpu.memref_slice %arg6[%gather3A_863, %gather3A_864, %gather3A_865, %gather3A_866] : memref<8x8x8x128xf32, #tpu.memory_space<vmem>> -> memref<1x8x8x128xf32, #tpu.memory_space<vmem>>
      %gather3A_868 = tpu.memref_squeeze %gather3A_867 : memref<1x8x8x128xf32, #tpu.memory_space<vmem>> -> memref<8x8x128xf32, #tpu.memory_space<vmem>>
      %gather3A_869 = tpu.vector_load_idx %gather3A_868[%shift_right_arithmetic3A_31, %and3A_34, %broadcast_in_dim3A_832] : memref<8x8x128xf32, #tpu.memory_space<vmem>>[vector<16xi32>, vector<16xi32>, vector<16xi32>], vector<16xf32>,
      %swap3A_870 = arith.index_cast %add3A_799 : i32 to index
      %swap3A_871 = arith.constant 48 : index
      %swap3A_872 = tpu.vector_load %arg7[%swap3A_870, %swap3A_871] {strides = array<i32>} : memref<128x64xf32, #tpu.memory_space<vmem>>, vector<16xf32>,
      tpu.vector_store %arg7[%swap3A_870, %swap3A_871], %gather3A_869 {strides = array<i32>} : memref<128x64xf32, #tpu.memory_space<vmem>>, vector<16xf32>,
      %lt3A_873 = arith.constant 15 : i32
      %lt3A_874 = arith.cmpi slt, %scan3A_289, %lt3A_873 : i32
      %convert_element_type3A_875 = arith.extui %lt3A_874 : i1 to i32
      %cond3A_876 = arith.constant 0 : i32
      %cond3A_877 = arith.cmpi ne, %convert_element_type3A_875, %cond3A_876 : i32
      scf.if %cond3A_877 {
        %eq3A_961 = arith.constant 6 : i32
        %eq3A_962 = vector.broadcast %eq3A_961 : i32 to vector<16xi32>
        %eq3A_963 = arith.cmpi eq, %iota3A, %eq3A_962 : vector<16xi32>
        %jit3A_964 = arith.constant 0 : i32
        %broadcast_in_dim3A_965 = vector.broadcast %jit3A_964 : i32 to vector<16xi32>
        %select_n3A_966 = arith.select %eq3A_963, %mul3A_309, %broadcast_in_dim3A_965 : vector<16xi1>, vector<16xi32>
        %reduce_sum3A_967 = arith.constant true
        %reduce_sum3A_968 = vector.broadcast %reduce_sum3A_967 : i1 to vector<16xi1>
        %reduce_sum3A_969 = tpu.scan <sum>, %select_n3A_966 masked %reduce_sum3A_968 : vector<16xi32>, vector<16xi1> -> vector<16xi32>
        %reduce_sum3A_970 = vector.extract %reduce_sum3A_969[15] : i32 from vector<16xi32>
        %multiple_of3A_971 = tpu.assume_multiple %reduce_sum3A_970, 128 : i32
        %dma_start3A_972 = arith.constant 6 : i32
        %dma_start3A_973 = arith.constant 6 : i32
        %dma_start3A_974 = arith.constant 0 : i32
        %dma_start3A_975 = arith.constant 0 : i32
        %dma_start3A_976 = arith.constant 0 : i32
        %dma_start3A_977 = tpu.memref_slice %arg6[%dma_start3A_972, %dma_start3A_974, %dma_start3A_975, %dma_start3A_976] : memref<8x8x8x128xf32, #tpu.memory_space<vmem>> -> memref<1x8x8x128xf32, #tpu.memory_space<vmem>>
        %dma_start3A_978 = tpu.memref_squeeze %dma_start3A_977 : memref<1x8x8x128xf32, #tpu.memory_space<vmem>> -> memref<8x8x128xf32, #tpu.memory_space<vmem>>
        %dma_start3A_979 = arith.constant 0 : i32
        %dma_start3A_980 = arith.constant 0 : i32
        %dma_start3A_981 = tpu.memref_slice %arg2[%dma_start3A_979, %dma_start3A_980, %multiple_of3A_971] : memref<8x8x1000000xf32, #tpu.memory_space<hbm>> -> memref<8x8x128xf32, #tpu.memory_space<hbm>>
        %dma_start3A_982 = tpu.memref_slice %arg8[%dma_start3A_973] : memref<8x!tpu.dma_semaphore, #tpu.memory_space<semaphore_mem>> -> memref<1x!tpu.dma_semaphore, #tpu.memory_space<semaphore_mem>>
        %dma_start3A_983 = tpu.memref_squeeze %dma_start3A_982 : memref<1x!tpu.dma_semaphore, #tpu.memory_space<semaphore_mem>> -> memref<!tpu.dma_semaphore, #tpu.memory_space<semaphore_mem>>
        %dma_start3A_984 = arith.constant 0 : i32
        %dma_start3A_985 = arith.constant 0 : i32
        %dma_start3A_986 = arith.constant 0 : i32
        %dma_start3A_987 = tpu.memref_slice %arg6[%dma_start3A_972, %dma_start3A_984, %dma_start3A_985, %dma_start3A_986] : memref<8x8x8x128xf32, #tpu.memory_space<vmem>> -> memref<1x8x8x128xf32, #tpu.memory_space<vmem>>
        %dma_start3A_988 = tpu.memref_squeeze %dma_start3A_987 : memref<1x8x8x128xf32, #tpu.memory_space<vmem>> -> memref<8x8x128xf32, #tpu.memory_space<vmem>>
        %dma_start3A_989 = arith.constant 0 : i32
        %dma_start3A_990 = arith.constant 0 : i32
        %dma_start3A_991 = tpu.memref_slice %arg2[%dma_start3A_989, %dma_start3A_990, %multiple_of3A_971] : memref<8x8x1000000xf32, #tpu.memory_space<hbm>> -> memref<8x8x128xf32, #tpu.memory_space<hbm>>
        tpu.enqueue_dma source(%dma_start3A_991 : memref<8x8x128xf32, #tpu.memory_space<hbm>>) target(%dma_start3A_988 : memref<8x8x128xf32, #tpu.memory_space<vmem>>) target_semaphore(%dma_start3A_983 : memref<!tpu.dma_semaphore, #tpu.memory_space<semaphore_mem>>)
      } else {
      }
      %mul3A_878 = arith.constant 8 : i32
      %mul3A_879 = arith.muli %scan3A_289, %mul3A_878 : i32
      %add3A_880 = arith.constant 7 : i32
      %add3A_881 = arith.addi %mul3A_879, %add3A_880 : i32
      %dma_wait3A_882 = arith.constant 7 : i32
      %dma_wait3A_883 = arith.constant 7 : i32
      %dma_wait3A_884 = arith.constant 0 : i32
      %dma_wait3A_885 = arith.constant 0 : i32
      %dma_wait3A_886 = arith.constant 0 : i32
      %dma_wait3A_887 = tpu.memref_slice %arg6[%dma_wait3A_882, %dma_wait3A_884, %dma_wait3A_885, %dma_wait3A_886] : memref<8x8x8x128xf32, #tpu.memory_space<vmem>> -> memref<1x8x8x128xf32, #tpu.memory_space<vmem>>
      %dma_wait3A_888 = tpu.memref_squeeze %dma_wait3A_887 : memref<1x8x8x128xf32, #tpu.memory_space<vmem>> -> memref<8x8x128xf32, #tpu.memory_space<vmem>>
      %dma_wait3A_889 = arith.constant 0 : i32
      %dma_wait3A_890 = arith.constant 0 : i32
      %dma_wait3A_891 = arith.constant 0 : i32
      %dma_wait3A_892 = tpu.memref_slice %arg2[%dma_wait3A_889, %dma_wait3A_890, %dma_wait3A_891] : memref<8x8x1000000xf32, #tpu.memory_space<hbm>> -> memref<8x8x128xf32, #tpu.memory_space<hbm>>
      %dma_wait3A_893 = tpu.memref_slice %arg8[%dma_wait3A_883] : memref<8x!tpu.dma_semaphore, #tpu.memory_space<semaphore_mem>> -> memref<1x!tpu.dma_semaphore, #tpu.memory_space<semaphore_mem>>
      %dma_wait3A_894 = tpu.memref_squeeze %dma_wait3A_893 : memref<1x!tpu.dma_semaphore, #tpu.memory_space<semaphore_mem>> -> memref<!tpu.dma_semaphore, #tpu.memory_space<semaphore_mem>>
      %dma_wait3A_895 = arith.constant 0 : i32
      %dma_wait3A_896 = arith.constant 0 : i32
      %dma_wait3A_897 = arith.constant 0 : i32
      %dma_wait3A_898 = tpu.memref_slice %arg6[%dma_wait3A_882, %dma_wait3A_895, %dma_wait3A_896, %dma_wait3A_897] : memref<8x8x8x128xf32, #tpu.memory_space<vmem>> -> memref<1x8x8x128xf32, #tpu.memory_space<vmem>>
      %dma_wait3A_899 = tpu.memref_squeeze %dma_wait3A_898 : memref<1x8x8x128xf32, #tpu.memory_space<vmem>> -> memref<8x8x128xf32, #tpu.memory_space<vmem>>
      %dma_wait3A_900 = arith.constant 0 : i32
      %dma_wait3A_901 = arith.constant 0 : i32
      %dma_wait3A_902 = arith.constant 0 : i32
      %dma_wait3A_903 = tpu.memref_slice %arg2[%dma_wait3A_900, %dma_wait3A_901, %dma_wait3A_902] : memref<8x8x1000000xf32, #tpu.memory_space<hbm>> -> memref<8x8x128xf32, #tpu.memory_space<hbm>>
      tpu.wait_dma2 semaphore(%dma_wait3A_894 : memref<!tpu.dma_semaphore, #tpu.memory_space<semaphore_mem>>) src(%dma_wait3A_903 : memref<8x8x128xf32, #tpu.memory_space<hbm>>) dst(%dma_wait3A_899 : memref<8x8x128xf32, #tpu.memory_space<vmem>>)
      %eq3A_904 = arith.constant 7 : i32
      %eq3A_905 = vector.broadcast %eq3A_904 : i32 to vector<16xi32>
      %eq3A_906 = arith.cmpi eq, %iota3A, %eq3A_905 : vector<16xi32>
      %jit3A_907 = arith.constant 0 : i32
      %broadcast_in_dim3A_908 = vector.broadcast %jit3A_907 : i32 to vector<16xi32>
      %select_n3A_909 = arith.select %eq3A_906, %and3A_297, %broadcast_in_dim3A_908 : vector<16xi1>, vector<16xi32>
      %reduce_sum3A_910 = arith.constant true
      %reduce_sum3A_911 = vector.broadcast %reduce_sum3A_910 : i1 to vector<16xi1>
      %reduce_sum3A_912 = tpu.scan <sum>, %select_n3A_909 masked %reduce_sum3A_911 : vector<16xi32>, vector<16xi1> -> vector<16xi32>
      %reduce_sum3A_913 = vector.extract %reduce_sum3A_912[15] : i32 from vector<16xi32>
      %broadcast_in_dim3A_914 = vector.broadcast %reduce_sum3A_913 : i32 to vector<16xi32>
      %gather3A_915 = arith.constant 7 : i32
      %gather3A_916 = arith.constant 0 : i32
      %gather3A_917 = arith.constant 0 : i32
      %gather3A_918 = arith.constant 0 : i32
      %gather3A_919 = tpu.memref_slice %arg6[%gather3A_915, %gather3A_916, %gather3A_917, %gather3A_918] : memref<8x8x8x128xf32, #tpu.memory_space<vmem>> -> memref<1x8x8x128xf32, #tpu.memory_space<vmem>>
      %gather3A_920 = tpu.memref_squeeze %gather3A_919 : memref<1x8x8x128xf32, #tpu.memory_space<vmem>> -> memref<8x8x128xf32, #tpu.memory_space<vmem>>
      %gather3A_921 = tpu.vector_load_idx %gather3A_920[%shift_right_arithmetic3A_5, %and3A_7, %broadcast_in_dim3A_914] : memref<8x8x128xf32, #tpu.memory_space<vmem>>[vector<16xi32>, vector<16xi32>, vector<16xi32>], vector<16xf32>,
      %swap3A_922 = arith.index_cast %add3A_881 : i32 to index
      %swap3A_923 = arith.constant 0 : index
      %swap3A_924 = tpu.vector_load %arg7[%swap3A_922, %swap3A_923] {strides = array<i32>} : memref<128x64xf32, #tpu.memory_space<vmem>>, vector<16xf32>,
      tpu.vector_store %arg7[%swap3A_922, %swap3A_923], %gather3A_921 {strides = array<i32>} : memref<128x64xf32, #tpu.memory_space<vmem>>, vector<16xf32>,
      %gather3A_925 = arith.constant 7 : i32
      %gather3A_926 = arith.constant 0 : i32
      %gather3A_927 = arith.constant 0 : i32
      %gather3A_928 = arith.constant 0 : i32
      %gather3A_929 = tpu.memref_slice %arg6[%gather3A_925, %gather3A_926, %gather3A_927, %gather3A_928] : memref<8x8x8x128xf32, #tpu.memory_space<vmem>> -> memref<1x8x8x128xf32, #tpu.memory_space<vmem>>
      %gather3A_930 = tpu.memref_squeeze %gather3A_929 : memref<1x8x8x128xf32, #tpu.memory_space<vmem>> -> memref<8x8x128xf32, #tpu.memory_space<vmem>>
      %gather3A_931 = tpu.vector_load_idx %gather3A_930[%shift_right_arithmetic3A_13, %and3A_16, %broadcast_in_dim3A_914] : memref<8x8x128xf32, #tpu.memory_space<vmem>>[vector<16xi32>, vector<16xi32>, vector<16xi32>], vector<16xf32>,
      %swap3A_932 = arith.index_cast %add3A_881 : i32 to index
      %swap3A_933 = arith.constant 16 : index
      %swap3A_934 = tpu.vector_load %arg7[%swap3A_932, %swap3A_933] {strides = array<i32>} : memref<128x64xf32, #tpu.memory_space<vmem>>, vector<16xf32>,
      tpu.vector_store %arg7[%swap3A_932, %swap3A_933], %gather3A_931 {strides = array<i32>} : memref<128x64xf32, #tpu.memory_space<vmem>>, vector<16xf32>,
      %gather3A_935 = arith.constant 7 : i32
      %gather3A_936 = arith.constant 0 : i32
      %gather3A_937 = arith.constant 0 : i32
      %gather3A_938 = arith.constant 0 : i32
      %gather3A_939 = tpu.memref_slice %arg6[%gather3A_935, %gather3A_936, %gather3A_937, %gather3A_938] : memref<8x8x8x128xf32, #tpu.memory_space<vmem>> -> memref<1x8x8x128xf32, #tpu.memory_space<vmem>>
      %gather3A_940 = tpu.memref_squeeze %gather3A_939 : memref<1x8x8x128xf32, #tpu.memory_space<vmem>> -> memref<8x8x128xf32, #tpu.memory_space<vmem>>
      %gather3A_941 = tpu.vector_load_idx %gather3A_940[%shift_right_arithmetic3A_22, %and3A_25, %broadcast_in_dim3A_914] : memref<8x8x128xf32, #tpu.memory_space<vmem>>[vector<16xi32>, vector<16xi32>, vector<16xi32>], vector<16xf32>,
      %swap3A_942 = arith.index_cast %add3A_881 : i32 to index
      %swap3A_943 = arith.constant 32 : index
      %swap3A_944 = tpu.vector_load %arg7[%swap3A_942, %swap3A_943] {strides = array<i32>} : memref<128x64xf32, #tpu.memory_space<vmem>>, vector<16xf32>,
      tpu.vector_store %arg7[%swap3A_942, %swap3A_943], %gather3A_941 {strides = array<i32>} : memref<128x64xf32, #tpu.memory_space<vmem>>, vector<16xf32>,
      %gather3A_945 = arith.constant 7 : i32
      %gather3A_946 = arith.constant 0 : i32
      %gather3A_947 = arith.constant 0 : i32
      %gather3A_948 = arith.constant 0 : i32
      %gather3A_949 = tpu.memref_slice %arg6[%gather3A_945, %gather3A_946, %gather3A_947, %gather3A_948] : memref<8x8x8x128xf32, #tpu.memory_space<vmem>> -> memref<1x8x8x128xf32, #tpu.memory_space<vmem>>
      %gather3A_950 = tpu.memref_squeeze %gather3A_949 : memref<1x8x8x128xf32, #tpu.memory_space<vmem>> -> memref<8x8x128xf32, #tpu.memory_space<vmem>>
      %gather3A_951 = tpu.vector_load_idx %gather3A_950[%shift_right_arithmetic3A_31, %and3A_34, %broadcast_in_dim3A_914] : memref<8x8x128xf32, #tpu.memory_space<vmem>>[vector<16xi32>, vector<16xi32>, vector<16xi32>], vector<16xf32>,
      %swap3A_952 = arith.index_cast %add3A_881 : i32 to index
      %swap3A_953 = arith.constant 48 : index
      %swap3A_954 = tpu.vector_load %arg7[%swap3A_952, %swap3A_953] {strides = array<i32>} : memref<128x64xf32, #tpu.memory_space<vmem>>, vector<16xf32>,
      tpu.vector_store %arg7[%swap3A_952, %swap3A_953], %gather3A_951 {strides = array<i32>} : memref<128x64xf32, #tpu.memory_space<vmem>>, vector<16xf32>,
      %lt3A_955 = arith.constant 15 : i32
      %lt3A_956 = arith.cmpi slt, %scan3A_289, %lt3A_955 : i32
      %convert_element_type3A_957 = arith.extui %lt3A_956 : i1 to i32
      %cond3A_958 = arith.constant 0 : i32
      %cond3A_959 = arith.cmpi ne, %convert_element_type3A_957, %cond3A_958 : i32
      scf.if %cond3A_959 {
        %eq3A_961 = arith.constant 7 : i32
        %eq3A_962 = vector.broadcast %eq3A_961 : i32 to vector<16xi32>
        %eq3A_963 = arith.cmpi eq, %iota3A, %eq3A_962 : vector<16xi32>
        %jit3A_964 = arith.constant 0 : i32
        %broadcast_in_dim3A_965 = vector.broadcast %jit3A_964 : i32 to vector<16xi32>
        %select_n3A_966 = arith.select %eq3A_963, %mul3A_309, %broadcast_in_dim3A_965 : vector<16xi1>, vector<16xi32>
        %reduce_sum3A_967 = arith.constant true
        %reduce_sum3A_968 = vector.broadcast %reduce_sum3A_967 : i1 to vector<16xi1>
        %reduce_sum3A_969 = tpu.scan <sum>, %select_n3A_966 masked %reduce_sum3A_968 : vector<16xi32>, vector<16xi1> -> vector<16xi32>
        %reduce_sum3A_970 = vector.extract %reduce_sum3A_969[15] : i32 from vector<16xi32>
        %multiple_of3A_971 = tpu.assume_multiple %reduce_sum3A_970, 128 : i32
        %dma_start3A_972 = arith.constant 7 : i32
        %dma_start3A_973 = arith.constant 7 : i32
        %dma_start3A_974 = arith.constant 0 : i32
        %dma_start3A_975 = arith.constant 0 : i32
        %dma_start3A_976 = arith.constant 0 : i32
        %dma_start3A_977 = tpu.memref_slice %arg6[%dma_start3A_972, %dma_start3A_974, %dma_start3A_975, %dma_start3A_976] : memref<8x8x8x128xf32, #tpu.memory_space<vmem>> -> memref<1x8x8x128xf32, #tpu.memory_space<vmem>>
        %dma_start3A_978 = tpu.memref_squeeze %dma_start3A_977 : memref<1x8x8x128xf32, #tpu.memory_space<vmem>> -> memref<8x8x128xf32, #tpu.memory_space<vmem>>
        %dma_start3A_979 = arith.constant 0 : i32
        %dma_start3A_980 = arith.constant 0 : i32
        %dma_start3A_981 = tpu.memref_slice %arg2[%dma_start3A_979, %dma_start3A_980, %multiple_of3A_971] : memref<8x8x1000000xf32, #tpu.memory_space<hbm>> -> memref<8x8x128xf32, #tpu.memory_space<hbm>>
        %dma_start3A_982 = tpu.memref_slice %arg8[%dma_start3A_973] : memref<8x!tpu.dma_semaphore, #tpu.memory_space<semaphore_mem>> -> memref<1x!tpu.dma_semaphore, #tpu.memory_space<semaphore_mem>>
        %dma_start3A_983 = tpu.memref_squeeze %dma_start3A_982 : memref<1x!tpu.dma_semaphore, #tpu.memory_space<semaphore_mem>> -> memref<!tpu.dma_semaphore, #tpu.memory_space<semaphore_mem>>
        %dma_start3A_984 = arith.constant 0 : i32
        %dma_start3A_985 = arith.constant 0 : i32
        %dma_start3A_986 = arith.constant 0 : i32
        %dma_start3A_987 = tpu.memref_slice %arg6[%dma_start3A_972, %dma_start3A_984, %dma_start3A_985, %dma_start3A_986] : memref<8x8x8x128xf32, #tpu.memory_space<vmem>> -> memref<1x8x8x128xf32, #tpu.memory_space<vmem>>
        %dma_start3A_988 = tpu.memref_squeeze %dma_start3A_987 : memref<1x8x8x128xf32, #tpu.memory_space<vmem>> -> memref<8x8x128xf32, #tpu.memory_space<vmem>>
        %dma_start3A_989 = arith.constant 0 : i32
        %dma_start3A_990 = arith.constant 0 : i32
        %dma_start3A_991 = tpu.memref_slice %arg2[%dma_start3A_989, %dma_start3A_990, %multiple_of3A_971] : memref<8x8x1000000xf32, #tpu.memory_space<hbm>> -> memref<8x8x128xf32, #tpu.memory_space<hbm>>
        tpu.enqueue_dma source(%dma_start3A_991 : memref<8x8x128xf32, #tpu.memory_space<hbm>>) target(%dma_start3A_988 : memref<8x8x128xf32, #tpu.memory_space<vmem>>) target_semaphore(%dma_start3A_983 : memref<!tpu.dma_semaphore, #tpu.memory_space<semaphore_mem>>)
      } else {
      }
      %scan3A_960 = arith.constant 0 : i32
      scf.yield %scan3A_960 : i32
    }
    %scan3A_288 = arith.constant 16 : i32
    "tpu.region"() ({
      %run_scoped3A = tpu.sem_alloc : memref<!tpu.dma_semaphore, #tpu.memory_space<semaphore_mem>>
      %dma_start3A_289 = arith.constant 0 : i32
      %dma_start3A_290 = arith.constant 0 : i32
      %dma_start3A_291 = tpu.memref_slice %arg4[%add3A, %dma_start3A_289, %dma_start3A_290] : memref<32x128x64xf32, #tpu.memory_space<hbm>> -> memref<1x128x64xf32, #tpu.memory_space<hbm>>
      %dma_start3A_292 = tpu.memref_squeeze %dma_start3A_291 : memref<1x128x64xf32, #tpu.memory_space<hbm>> -> memref<128x64xf32, #tpu.memory_space<hbm>>
      %dma_start3A_293 = arith.constant 0 : i32
      %dma_start3A_294 = arith.constant 0 : i32
      %dma_start3A_295 = tpu.memref_slice %arg4[%add3A, %dma_start3A_293, %dma_start3A_294] : memref<32x128x64xf32, #tpu.memory_space<hbm>> -> memref<1x128x64xf32, #tpu.memory_space<hbm>>
      %dma_start3A_296 = tpu.memref_squeeze %dma_start3A_295 : memref<1x128x64xf32, #tpu.memory_space<hbm>> -> memref<128x64xf32, #tpu.memory_space<hbm>>
      tpu.enqueue_dma source(%arg7 : memref<128x64xf32, #tpu.memory_space<vmem>>) target(%dma_start3A_296 : memref<128x64xf32, #tpu.memory_space<hbm>>) target_semaphore(%run_scoped3A : memref<!tpu.dma_semaphore, #tpu.memory_space<semaphore_mem>>)
      %dma_wait3A = arith.constant 0 : i32
      %dma_wait3A_297 = arith.constant 0 : i32
      %dma_wait3A_298 = tpu.memref_slice %arg4[%add3A, %dma_wait3A, %dma_wait3A_297] : memref<32x128x64xf32, #tpu.memory_space<hbm>> -> memref<1x128x64xf32, #tpu.memory_space<hbm>>
      %dma_wait3A_299 = tpu.memref_squeeze %dma_wait3A_298 : memref<1x128x64xf32, #tpu.memory_space<hbm>> -> memref<128x64xf32, #tpu.memory_space<hbm>>
      %dma_wait3A_300 = arith.constant 0 : i32
      %dma_wait3A_301 = arith.constant 0 : i32
      %dma_wait3A_302 = tpu.memref_slice %arg4[%add3A, %dma_wait3A_300, %dma_wait3A_301] : memref<32x128x64xf32, #tpu.memory_space<hbm>> -> memref<1x128x64xf32, #tpu.memory_space<hbm>>
      %dma_wait3A_303 = tpu.memref_squeeze %dma_wait3A_302 : memref<1x128x64xf32, #tpu.memory_space<hbm>> -> memref<128x64xf32, #tpu.memory_space<hbm>>
      tpu.wait_dma2 semaphore(%run_scoped3A : memref<!tpu.dma_semaphore, #tpu.memory_space<semaphore_mem>>) src(%arg7 : memref<128x64xf32, #tpu.memory_space<vmem>>) dst(%dma_wait3A_303 : memref<128x64xf32, #tpu.memory_space<hbm>>)
      tpu.yield
    }) : () -> ()
    return
  }
}

</mosaic_0001>

<sc_bundles>
// kernel: _cbow.4.cloned.1.call-start
scs
__scs_entry_jumppad:
0x0: {  	(pc) =	sbr.rel $0x88, $3  }
0x1: {  	(tag) =	ssettag $0x0;
	lr =	simm.s32 $0x1  }
0x2: {  	[smem:$0x3F9D] =	sst lr;
	_ =	strace $0xD0000000  }
0x3: {  	_ = 	snop  }
0x4: {  	_ = 	snop  }
0x5: {  	_ = 	snop  }
0x6: {  	_ = 	snop  }
0x7: {  	_ = 	snop  }
__scs_overlays_trampoline_lowered:
0x8: {  	[smem:$0x3FAC] =	sst s0  }
0x9: {  	[smem:$0x3FAD] =	sst s1  }
0xa: {  	[smem:$0x3FAE] =	sst s2  }
0xb: {  	[smem:$0x3FAF] =	sst s3  }
0xc: {  	[smem:$0x3FB0] =	sst s4  }
0xd: {  	[smem:$0x3FB1] =	sst s5  }
0xe: {  	[smem:$0x3FB2] =	sst s6  }
0xf: {  	[smem:$0x3FB3] =	sst s7  }
0x10: {  	[smem:$0x3FB4] =	sst s8  }
0x11: {  	[smem:$0x3FB5] =	sst s9;
	s0 =	simm.s32 @!p0 $0x0  }
0x12: {  	s1 =	sld [smem:$0x3F9B];
	s0 =	simm.s32 @p0 $0x1  }
0x13: {  	[smem:$0x3FB6] =	sst s0;
	s0 =	simm.s32 @!p1 $0x0  }
0x14: {  	s2 =	sld [smem:$0x3F9A];
	s0 =	simm.s32 @p1 $0x1  }
0x15: {  	[smem:$0x3FB7] =	sst s0;
	s0 =	simm.s32 @!p2 $0x0  }
0x16: {  	s3 =	sld [smem:$0x3FDB];
	s0 =	simm.s32 @p2 $0x1  }
0x17: {  	s4 =	simm.s32 $0x1BF5;
	[smem:$0x3FB9] =	sst s0  }
0x18: {  	s0 =	sld [smem:$0x3F9C];
	_ =	swait.ge [sflag:s4], $0x0  }
0x19: {  	s7 =	sld [smem:$0x3F9D]  }
0x1a: {  	s8 =	sadd.s32 $0xFFFFE003, lr  }
0x1b: {  	s9 =	sadd.s32 $0xFFFFFEF7, lr;
	s5 =	simm.s32 $0xFFFFFFFF;
	p2 =	slt.u32 s8, $0xFFFFF086  }
0x1c: {  	p1 =	slt.u32 s9, $0xF7A;
	s5 =	simm.s32 @!p2 $0x0  }
0x1d: {  	s5 =	simm.s32 @p1 $0x1;
	p0 =	seq.s32 s7, s2  }
0x1e: {  	s7 =	smul.u32 @!p0 $0xF7A, s2;
	p2 =	seq.s32 @!p0 s5, $0x0  }
0x1f: {  	s9 =	smul.u32 $0xF7A, s1;
	s8 =	simm.s32 @!p0 $0x1BF5;
	p2 =	por !p2, p0  }
0x20: {  	[sflag:s8] =	ssyncset.s32 @!p0 $0xFFFFF086;
	s6 =	sadd.s32 @!p0 s3, s7;
	s7 =	simm.s32 @!p0 $0x108  }
0x21: {  	s3 =	sadd.s32 s3, s9;
	s6 =	sadd.s32 @!p0 $0x88, s6;
	s7 =	simm.s32 @p2 $0x1082  }
0x22: {  	[simem:s7], [sflag:s8] =	dma.local @!p0 [hbm:s6], $0xF7A  }
0x23: {  	s9 =	sor.u32 $0xD0000000, s2;
	s6 =	simm.s32 $0x108;
	_ =	swait.ge @!p0 [sflag:s8], $0x0  }
0x24: {  	s3 =	sadd.s32 $0x88, s3;
	s6 =	simm.s32 @!p1 $0x1082;
	[sflag:s4] =	ssyncset.s32 $0xFFFFF086  }
0x25: {  	[simem:s6], [sflag:s4] =	dma.local [hbm:s3], $0xF7A  }
0x26: {  	[smem:$0x3F9D] =	sst s1;
	(tag) =	ssettag s2;
	_ =	strace s9  }
0x27: {  	s1 =	sld [smem:$0x3FAD]  }
0x28: {  	s2 =	sld [smem:$0x3FAE]  }
0x29: {  	s4 =	sld [smem:$0x3FB0]  }
0x2a: {  	p0 =	seq.s32 s5, $0x0;
	s5 =	sld [smem:$0x3FB1]  }
0x2b: {  	s6 =	sld [smem:$0x3FB2]  }
0x2c: {  	s7 =	sld [smem:$0x3FB3]  }
0x2d: {  	s3 =	simm.s32 $0x108;
	s8 =	sld [smem:$0x3FB4]  }
0x2e: {  	s3 =	simm.s32 @!p0 $0x1082;
	s9 =	sld [smem:$0x3FB5]  }
0x2f: {  	lr =	sadd.s32 s0, s3;
	s0 =	sld [smem:$0x3FAC]  }
0x30: {  	s3 =	sld [smem:$0x3FAF]  }
0x31: {  	[smem:$0x3FB8] =	sst s10  }
0x32: {  	s10 =	sld [smem:$0x3FB6];
	_ =	sdelay $0x3  }
0x33: {  	p0 =	seq.s32 s10, $0x1;
	s10 =	sld [smem:$0x3FB8];
	_ =	sdelay $0x3  }
0x34: {  	[smem:$0x3FB8] =	sst s10  }
0x35: {  	s10 =	sld [smem:$0x3FB7];
	_ =	sdelay $0x3  }
0x36: {  	p1 =	seq.s32 s10, $0x1;
	s10 =	sld [smem:$0x3FB8];
	_ =	sdelay $0x3  }
0x37: {  	[smem:$0x3FB8] =	sst s10  }
0x38: {  	s10 =	sld [smem:$0x3FB9]  }
0x39: {  	_ = 	snop;
	(pc) =	sbr.ind lr, $3  }
0x3a: {  	_ = 	snop  }
0x3b: {  	_ = 	snop  }
0x3c: {  	p2 =	seq.s32 s10, $0x1;
	s10 =	sld [smem:$0x3FB8]  }
0x3d: {  	_ =	shalt  }
0x3e: {  	_ =	shalt  }
0x3f: {  	_ =	shalt  }
0x40: {  	_ =	shalt  }
0x41: {  	_ =	shalt  }
0x42: {  	_ =	shalt  }
0x43: {  	_ =	shalt  }
0x44: {  	_ =	shalt  }
0x45: {  	_ =	shalt  }
0x46: {  	_ =	shalt  }
0x47: {  	_ =	shalt  }
0x48: {  	_ =	shalt  }
0x49: {  	_ =	shalt  }
0x4a: {  	_ =	shalt  }
0x4b: {  	_ =	shalt  }
0x4c: {  	_ =	shalt  }
0x4d: {  	_ =	shalt  }
0x4e: {  	_ =	shalt  }
0x4f: {  	_ =	shalt  }
0x50: {  	_ =	shalt  }
0x51: {  	_ =	shalt  }
0x52: {  	_ =	shalt  }
0x53: {  	_ =	shalt  }
0x54: {  	_ =	shalt  }
0x55: {  	_ =	shalt  }
0x56: {  	_ =	shalt  }
0x57: {  	_ =	shalt  }
0x58: {  	_ =	shalt  }
0x59: {  	_ =	shalt  }
0x5a: {  	_ =	shalt  }
0x5b: {  	_ =	shalt  }
0x5c: {  	_ =	shalt  }
0x5d: {  	_ =	shalt  }
0x5e: {  	_ =	shalt  }
0x5f: {  	_ =	shalt  }
0x60: {  	_ =	shalt  }
0x61: {  	_ =	shalt  }
0x62: {  	_ =	shalt  }
0x63: {  	_ =	shalt  }
0x64: {  	_ =	shalt  }
0x65: {  	_ =	shalt  }
0x66: {  	_ =	shalt  }
0x67: {  	_ =	shalt  }
0x68: {  	_ =	shalt  }
0x69: {  	_ =	shalt  }
0x6a: {  	_ =	shalt  }
0x6b: {  	_ =	shalt  }
0x6c: {  	_ =	shalt  }
0x6d: {  	_ =	shalt  }
0x6e: {  	_ =	shalt  }
0x6f: {  	_ =	shalt  }
0x70: {  	_ =	shalt  }
0x71: {  	_ =	shalt  }
0x72: {  	_ =	shalt  }
0x73: {  	_ =	shalt  }
0x74: {  	_ =	shalt  }
0x75: {  	_ =	shalt  }
0x76: {  	_ =	shalt  }
0x77: {  	_ =	shalt  }
0x78: {  	_ =	shalt  }
0x79: {  	_ =	shalt  }
0x7a: {  	_ =	shalt  }
0x7b: {  	_ =	shalt  }
0x7c: {  	_ =	shalt  }
0x7d: {  	_ =	shalt  }
0x7e: {  	_ =	shalt  }
0x7f: {  	_ =	shalt  }
0x80: {  	_ =	shalt  }
0x81: {  	_ =	shalt  }
0x82: {  	_ =	shalt  }
0x83: {  	_ =	shalt  }
0x84: {  	_ =	shalt  }
0x85: {  	_ =	shalt  }
0x86: {  	_ =	shalt  }
0x87: {  	_ =	shalt  }
.Lfunc_end0:
.L_simem_size_0:
called_computation_lowered:
.L_overlay_start_0:
0x88: {  	s2 =	sld [smem:$0x3FD9]  }
0x89: {  	s3 =	sld [smem:$0x3FFE];
	_ =	sdelay $0x1  }
0x8a: {  	s1 =	srdreg.scid  }
0x8b: {  	s0 =	sand.u32 $0x1, s1  }
0x8c: {  	s17 =	sshll.u32 s0, $0xA;
	s2 =	sadd.s32 s3, s2  }
0x8d: {  	s2 =	sadd.s32 s2, s17  }
0x8e: {  	[smem:$0x3FC4] =	sst s2  }
0x8f: {  	_ = 	snop  }
0x90: {  	s2 =	sld [smem:$0x3FC8]  }
0x91: {  	s18 =	sld [smem:$0x3FC6];
	(tm) =	ssettm $0x1  }
0x92: {  	s4 =	sld [smem:$0x3FFB];
	_ =	sdelay $0x3  }
0x93: {  	_ =	strace s4  }
0x94: {  	s4 =	sld [smem:$0x3FFC];
	_ =	sdelay $0x3  }
0x95: {  	_ =	strace s4  }
0x96: {  	s4 =	sld [smem:$0x3FFD];
	_ =	sdelay $0x3  }
0x97: {  	_ =	strace s4  }
0x98: {  	_ =	strace $0x8FFFFFFF  }
0x99: {  	s19 =	sld [smem:$0x3FDB];
	_ =	sdelay $0x1  }
0x9a: {  	s5 =	simm.s32 $_scs_section_size  }
0x9b: {  	s6 =	simm.s32 $_size__tile_overlayer_lowered;
	s7 =	simm.s32 $_tile_overlayer_lowered  }
0x9c: {  	s22 =	simm.s32 $0x1BFF;
	s21 =	sshll.u32 s7, $0x1;
	s4 =	sadd.s32 s5, s19  }
0x9d: {  	s8 =	simm.s32 $0x0;
	s20 =	sshll.u32 s6, $0x1;
	s6 =	sadd.s32 s21, s4  }
0x9e: {  	[timem:s8], [sflag:s22] =	dma.local [hbm:s6], s20  }
0x9f: {  	_ =	swait.ge [sflag:s22], s20  }
0xa0: {  	s5 =	ssub.s32 $0x0, s20;
	[sflag:s22] =	ssyncset.done $0x0  }
0xa1: {  	[sflag:s22] =	ssyncadd.s32 s5;
	_ =	sdelay $0x1  }
0xa2: {  	s23 =	simm.s32 $0x1B8B  }
0xa3: {  	_ =	swait.ge [sflag:s23], $0x1  }
0xa4: {  	[sflag:s23] =	ssyncset.done $0x0  }
0xa5: {  	s25 =	simm.s32 $0x1B8E;
	s24 =	sld [smem:$0x3FFE];
	[sflag:s23] =	ssyncadd.s32 $0xFFFFFFFF  }
0xa6: {  	s26 =	simm.s32 $execute0_lowered;
	[smem:$0x3FD2] =	sst s25  }
0xa7: {  	s6 =	sshll.u32 s26, $0x1;
	_ =	strace $0x80000046;
	[dreg:$0x1] =	wrdreg $0xFFFFFFFF  }
0xa8: {  	s28 =	simm.s32 $_size_execute0_lowered;
	s4 =	sadd.s32 s4, s6;
	[dreg:$0x0] =	wrdreg $0x0  }
0xa9: {  	s6 =	sshll.u32 s28, $0x1;
	[dreg:$0x2] =	wrdreg s4  }
0xaa: {  	[dreg:$0x3] =	wrdreg s6  }
0xab: {  	[dreg:$0x4] =	wrdreg $0xC0  }
0xac: {  	_ =	task [dreg:s8], $0x5FFFF  }
0xad: {  	[dreg:$0x1] =	wrdreg $0xFFFFFFFF  }
0xae: {  	[dreg:$0x0] =	wrdreg $0x60  }
0xaf: {  	[dreg:$0x2] =	wrdreg s18  }
0xb0: {  	[dreg:$0x3] =	wrdreg s2  }
0xb1: {  	[dreg:$0x4] =	wrdreg s24  }
0xb2: {  	[dreg:$0x5] =	wrdreg $0x9  }
0xb3: {  	_ =	task.clear_ibuf [dreg:s8], $0x6FFFF;
	_ =	strace $0x90000046  }
0xb4: {  	s29 =	simm.s32 $0x9;
	_ =	strace $0x80000048  }
0xb5: {  	_ =	swait.ge [sflag:s29], $0x1  }
0xb6: {  	[sflag:s29] =	ssyncadd.s32 $0xFFFFFFFF  }
0xb7: {  	_ =	strace $0x90000048  }
0xb8: {  	_ =	sfence  }
0xb9: {  	s30 =	sld [smem:$0x0];
	_ =	sdelay $0x2  }
0xba: {  	s31 =	sshll.u32 s1, $0xD;
	s1 =	sshrl.u32 s1, $0x2  }
0xbb: {  	s3 =	sand.u32 $0x4000, s31;
	s1 =	sadd.s32 s1, s30  }
0xbc: {  	s0 =	sor.u32 s3, s0;
	s1 =	sshll.u32 s1, $0x11  }
0xbd: {  	s0 =	sor.u32 s1, s0  }
0xbe: {  	s0 =	sadd.s32 $0x8F2B, s0  }
0xbf: {  	[sflag:s0] =	ssyncadd.remote.s32 $0x1  }
0xc0: {  	_ =	sfence.sel $0xFFFF  }
0xc1: {  	[dreg:$0x0] =	wrdreg $0xFFFFFFFF;
	(pc) =	sbr.abs _section_cstart, $3  }
0xc2: {  	[dreg:$0x1] =	wrdreg $0xFFFFFFFF  }
0xc3: {  	_ =	task.clear_ibuf [dreg:s8], $0x2FFFF;
	_ =	strace $0x9FFFFFFF  }
0xc4: {  	(tm) =	ssettm $0x7FFFFFFF  }
0xc5: {  	_ =	shalt  }
tec
execute0_lowered:
.L_overlay_start_1:
0x0: {  	(tag) =	ssettag $0x1  }
0x1: {  	s1 =	rddreg [dreg:$0x0]  }
0x2: {  	s0 =	rddreg [dreg:$0x1]  }
0x3: {  	s4 =	rddreg [dreg:$0x2]  }
0x4: {  	s5 =	srdreg.scid;
	s2 =	stileid.u32  }
0x5: {  	s3 =	simm.s32 $0x0;
	s9 =	simm.s32 $0x7A1400;
	s10 =	simm.s32 $0x100  }
0x6: {  	s11 =	simm.s32 $0x2100;
	s12 =	simm.s32 $0x4100;
	s13 =	simm.s32 $0x6100  }
0x7: {  	s14 =	simm.s32 $0x8100;
	s15 =	simm.s32 $0xA100;
	s16 =	simm.s32 $0xC100  }
0x8: {  	s17 =	simm.s32 $0xE100;
	s18 =	simm.s32 $0x1;
	s19 =	simm.s32 $0x2  }
0x9: {  	s20 =	simm.s32 $0x3;
	s21 =	simm.s32 $0x4;
	s22 =	simm.s32 $0x5  }
0xa: {  	s23 =	simm.s32 $0x6;
	s24 =	simm.s32 $0x7;
	s25 =	simm.s32 $0x8  }
0xb: {  	s28 =	simm.s32 $0x0;
	s5 =	sand.u32 $0x1, s5;
	s6 =	sshll.u32 s2, $0x1  }
.Ltmp0:
0xc: {  	vm0 =	vmmov $0x1;
	[smem:$0x7FF] =	sst s3;
	s6 =	sor.u32 s5, s6;
	(pc) =	sbr.rel .LBB2_1-.Ltmp0, $4  }
0xd: {  	vm1 =	vcmask $0x308;
	vm2 =	vcmask $0x70C;
	v0 =	vlaneseq.u32;
	s5 =	ssub.s32 $0x2, s5;
	_ =	strace $0x80000047;
	s7 =	sshll.u32 s6, $0xB  }
0xe: {  	vm3 =	vcmask $0xB10;
	vm4 =	vcmask $0xF14;
	v0 =	vmul.u32 $0x80, v0;
	s8 =	sshrl.u32 s5, $0x1;
	s31 =	sshll.u32 s6, $0x4;
	s7 =	sadd.s32 s7, s4  }
0xf: {  	vm5 =	vcmask $0x1318;
	vm6 =	vcmask $0x171C;
	vm7 =	vcmask $0x1B20;
	s8 =	ssub.s32 s5, s8;
	s4 =	sadd.s32 s0, s31;
	s5 =	sadd.s32 $0xA00, s7  }
0x10: {  	v1 =	vor.u32 $0x800, v0;
	v2 =	vor.u32 $0x1000, v0;
	v3 =	vor.u32 $0x1800, v0;
	s6 =	smax.u32 s8, $0x1;
	s7 =	simm.s32 $0x9;
	s8 =	simm.s32 $0x400  }
.LBB2_4:
0x11: {  	s28 =	sadd.s32 $0x1, s28  }
0x12: {  	p0 =	sne.s32 s28, s6  }
.Ltmp1:
0x13: {  	s0 =	simm.s32 $0x10100;
	(pc) =	sbr.rel @!p0 .LBB2_5-.Ltmp1, $4  }
0x14: {  	[hbm4b:s5+s3] =	stream.linear.scatter [tilespmem:s0], [sflag:$0x9], $0x4000, $0x38;
	[tilespmem:$0x14100] =	vst v63  }
0x15: {  	_ =	swait.ge [sflag:s7], $0x4000  }
0x16: {  	[sflag:s7] =	ssyncset.done $0x0  }
0x17: {  	[sflag:s7] =	ssyncadd.s32 $0xFFFFC000  }
.LBB2_1:
0x18: {  	[tilespmem:s3], [sflag:$0x9] =	stream.linear.gather [hbm4b:s4+s3], $0x80, $0x38;
	[tilespmem:$0x14100] =	vst v63  }
0x19: {  	_ =	swait.ge [sflag:s7], $0x80  }
0x1a: {  	[sflag:s7] =	ssyncset.done $0x0  }
0x1b: {  	[sflag:s7] =	ssyncadd.s32 $0xFFFFFF80  }
0x1c: {  	v4 =	vld [tilespmem:$0x0];
	_ =	sdelay $0x4  }
0x1d: {  	v4 =	vand.u32 $0xFFFFFF80, v4  }
0x1e: {  	v5 =	vnsel vm0, $0x0, v4  }
0x1f: {  	(xrf0) =	vadd.scan.msk.s32 $0xffff, v5;
	_ =	sdelay $0x1  }
0x20: {  	v5 =	vsel vm1, $0x0, v4  }
0x21: {  	(xrf0) =	vadd.scan.msk.s32 $0xffff, v5;
	_ =	sdelay $0x2  }
0x22: {  	v5, _, _ =	vpop (xrf0)  }
0x23: {  	(v2sf) =	vpush v5, $0xF;
	v5 =	vsel vm2, $0x0, v4  }
0x24: {  	(xrf0) =	vadd.scan.msk.s32 $0xffff, v5  }
0x25: {  	v6, _, _ =	vpop (xrf0);
	v5 =	vsel vm3, $0x0, v4  }
0x26: {  	(v2sf) =	vpush v6, $0xF;
	(xrf0) =	vadd.scan.msk.s32 $0xffff, v5;
	v5 =	vsel vm4, $0x0, v4  }
0x27: {  	(xrf0) =	vadd.scan.msk.s32 $0xffff, v5;
	_ =	sdelay $0x2  }
0x28: {  	v5, _, _ =	vpop (xrf0)  }
0x29: {  	(v2sf) =	vpush v5, $0xF  }
0x2a: {  	v5 =	vsel vm5, $0x0, v4;
	v62, _, _ =	vpop (xrf0)  }
0x2b: {  	(xrf0) =	vadd.scan.msk.s32 $0xffff, v5;
	(v2sf) =	vpush v62, $0xF;
	v5 =	vsel vm6, $0x0, v4;
	v63, _, _ =	vpop (xrf0)  }
0x2c: {  	(xrf0) =	vadd.scan.msk.s32 $0xffff, v5;
	(v2sf) =	vpush v63, $0xF;
	_ =	sdelay $0x2  }
0x2d: {  	v4 =	vsel vm7, $0x0, v4;
	_ =	sdelay $0x1  }
0x2e: {  	v5, _, _ =	vpop (xrf0);
	(xrf0) =	vadd.scan.msk.s32 $0xffff, v4  }
0x2f: {  	s0 =	spop (v2sf);
	(v2sf) =	vpush v5, $0xF;
	v4, _, _ =	vpop (xrf0)  }
0x30: {  	s31 =	spop (v2sf);
	(v2sf) =	vpush v4, $0xF  }
0x31: {  	s0 =	sand.u32 $0xFFFFF80, s0  }
0x32: {  	s0 =	sadd.s32 s1, s0  }
0x33: {  	[tilespmem:s10], [sflag:$0x1] =	stream.strided.gather [hbm4b:s0+s8], $0x2000, s9, s8, $0x38;
	[tilespmem:$0x14100] =	vst v63  }
0x34: {  	s0 =	sand.u32 $0xFFFFF80, s31;
	v4, _, _ =	vpop (xrf0)  }
0x35: {  	s0 =	sadd.s32 s1, s0;
	s2 =	spop (v2sf);
	(v2sf) =	vpush v4, $0xF  }
0x36: {  	[tilespmem:s11], [sflag:$0x2] =	stream.strided.gather [hbm4b:s0+s8], $0x2000, s9, s8, $0x38;
	[tilespmem:$0x14100] =	vst v63  }
0x37: {  	s0 =	sand.u32 $0xFFFFF80, s2;
	s29 =	spop (v2sf)  }
0x38: {  	s0 =	sadd.s32 s1, s0;
	s26 =	sand.u32 $0xFFFFF80, s29;
	s29 =	spop (v2sf)  }
0x39: {  	[tilespmem:s12], [sflag:$0x3] =	stream.strided.gather [hbm4b:s0+s8], $0x2000, s9, s8, $0x38;
	[tilespmem:$0x14100] =	vst v63  }
0x3a: {  	s0 =	sadd.s32 s1, s26;
	s31 =	sand.u32 $0xFFFFF80, s29  }
0x3b: {  	[tilespmem:s13], [sflag:$0x4] =	stream.strided.gather [hbm4b:s0+s8], $0x2000, s9, s8, $0x38;
	[tilespmem:$0x14100] =	vst v63  }
0x3c: {  	s0 =	sadd.s32 s1, s31  }
0x3d: {  	[tilespmem:s14], [sflag:$0x5] =	stream.strided.gather [hbm4b:s0+s8], $0x2000, s9, s8, $0x38;
	[tilespmem:$0x14100] =	vst v63  }
0x3e: {  	s29 =	spop (v2sf)  }
0x3f: {  	s2 =	sand.u32 $0xFFFFF80, s29;
	s29 =	spop (v2sf)  }
0x40: {  	s0 =	sadd.s32 s1, s2;
	s26 =	sand.u32 $0xFFFFF80, s29  }
0x41: {  	[tilespmem:s15], [sflag:$0x6] =	stream.strided.gather [hbm4b:s0+s8], $0x2000, s9, s8, $0x38;
	[tilespmem:$0x14100] =	vst v63  }
0x42: {  	s0 =	sadd.s32 s1, s26  }
0x43: {  	[tilespmem:s16], [sflag:$0x7] =	stream.strided.gather [hbm4b:s0+s8], $0x2000, s9, s8, $0x38;
	[tilespmem:$0x14100] =	vst v63  }
0x44: {  	s31 =	spop (v2sf)  }
0x45: {  	s0 =	sand.u32 $0xFFFFF80, s31  }
0x46: {  	s30 =	simm.s32 $0x10300;
	s29 =	simm.s32 $0x20;
	s0 =	sadd.s32 s1, s0  }
0x47: {  	[tilespmem:s17], [sflag:$0x8] =	stream.strided.gather [hbm4b:s0+s8], $0x2000, s9, s8, $0x38;
	[tilespmem:$0x14100] =	vst v63  }
.LBB2_2:
0x48: {  	s0 =	sshra.s32 s29, $0x2  }
0x49: {  	v4 =	vld [tilespmem:s0+$0xFFFFFFF8];
	_ =	sdelay $0x4  }
0x4a: {  	v5 =	vand.u32 $0x7F, v4  }
0x4b: {  	v4 =	vld [tilespmem:s0+$0x0];
	_ =	swait.ge [sflag:s18], $0x2000;
	v6 =	vnsel vm0, $0x0, v5  }
0x4c: {  	(xrf0) =	vadd.scan.msk.s32 $0xffff, v6;
	_ =	sdelay $0x5  }
0x4d: {  	v6, _, _ =	vpop (xrf0)  }
0x4e: {  	v6 =	vbroadcast v6, $0xF;
	_ =	sdelay $0x1  }
0x4f: {  	v7 =	vadd.s32 v0, v6  }
0x50: {  	p0 =	seq.s32 s29, $0x200  }
0x51: {  	vm8 =	vmmov @!p0 $0x1;
	v4 =	vand.u32 $0xFFFFFF80, v4  }
0x52: {  	[sflag:s18] =	ssyncset.done $0x0;
	v8 =	vnsel @!p0 vm8, $0x0, v4  }
0x53: {  	[sflag:s18] =	ssyncadd.s32 $0xFFFFE000;
	(xrf0) =	vadd.scan.msk.s32 @!p0 $0xffff, v8  }
0x54: {  	v7 =	vld.idx.msk [tilespmem:v7+s10+$0x0], $0xffff  }
0x55: {  	v56 =	vadd.s32 v1, v6;
	_ =	sdelay $0x3  }
0x56: {  	v9, _, _ =	vpop @!p0 (xrf0);
	[tilespmem:s30+$0xFFFFFE00] =	vst v7  }
0x57: {  	(v2sf) =	vpush @!p0 v9, $0xF;
	v7 =	vld.idx.msk [tilespmem:v56+s10+$0x0], $0xffff  }
0x58: {  	v57 =	vadd.s32 v2, v6;
	_ =	sdelay $0x3  }
0x59: {  	[tilespmem:s30+$0xFFFFFE10] =	vst v7  }
0x5a: {  	v7 =	vld.idx.msk [tilespmem:v57+s10+$0x0], $0xffff  }
0x5b: {  	v6 =	vadd.s32 v3, v6;
	_ =	sdelay $0x3  }
0x5c: {  	[tilespmem:s30+$0xFFFFFE20] =	vst v7  }
0x5d: {  	v6 =	vld.idx.msk [tilespmem:v6+s10+$0x0], $0xffff;
	_ =	sdelay $0x2  }
0x5e: {  	s0 =	spop @!p0 (v2sf)  }
0x5f: {  	s31 =	simm.s32 @!p0 $0x400;
	s0 =	sand.u32 @!p0 $0xFFFFF80, s0  }
0x60: {  	s26 =	simm.s32 @!p0 $0x100;
	s2 =	sadd.s32 @!p0 s1, s0;
	s0 =	simm.s32 @!p0 $0x7A1400;
	[tilespmem:s30+$0xFFFFFE30] =	vst v6  }
0x61: {  	[tilespmem:s26], [sflag:$0x1] =	stream.strided.gather @!p0 [hbm4b:s2+s31], $0x2000, s0, s31, $0x38;
	[tilespmem:$0x14100] =	vst v63  }
0x62: {  	v6 =	vsel vm1, $0x0, v5;
	_ =	swait.ge [sflag:s19], $0x2000  }
0x63: {  	(xrf0) =	vadd.scan.msk.s32 $0xffff, v6;
	_ =	sdelay $0x5  }
0x64: {  	v6, _, _ =	vpop (xrf0)  }
0x65: {  	v6 =	vbroadcast v6, $0xF;
	_ =	sdelay $0x1  }
0x66: {  	v7 =	vadd.s32 v0, v6;
	_ =	sdelay $0x1  }
0x67: {  	vm8 =	vcmask @!p0 $0x308  }
0x68: {  	v8 =	vsel @!p0 vm8, $0x0, v4;
	[sflag:s19] =	ssyncset.done $0x0  }
0x69: {  	[sflag:s19] =	ssyncadd.s32 $0xFFFFE000;
	(xrf0) =	vadd.scan.msk.s32 @!p0 $0xffff, v8  }
0x6a: {  	v7 =	vld.idx.msk [tilespmem:v7+s11+$0x0], $0xffff  }
0x6b: {  	v58 =	vadd.s32 v1, v6;
	_ =	sdelay $0x3  }
0x6c: {  	[tilespmem:s30+$0xFFFFFE80] =	vst v7;
	v7, _, _ =	vpop @!p0 (xrf0)  }
0x6d: {  	v8 =	vld.idx.msk [tilespmem:v58+s11+$0x0], $0xffff;
	(v2sf) =	vpush @!p0 v7, $0xF  }
0x6e: {  	v7 =	vadd.s32 v2, v6;
	_ =	sdelay $0x3  }
0x6f: {  	[tilespmem:s30+$0xFFFFFE90] =	vst v8  }
0x70: {  	v7 =	vld.idx.msk [tilespmem:v7+s11+$0x0], $0xffff  }
0x71: {  	v6 =	vadd.s32 v3, v6;
	_ =	sdelay $0x3  }
0x72: {  	[tilespmem:s30+$0xFFFFFEA0] =	vst v7  }
0x73: {  	v6 =	vld.idx.msk [tilespmem:v6+s11+$0x0], $0xffff;
	_ =	sdelay $0x2  }
0x74: {  	s2 =	spop @!p0 (v2sf)  }
0x75: {  	s2 =	sand.u32 @!p0 $0xFFFFF80, s2  }
0x76: {  	s26 =	simm.s32 @!p0 $0x2100;
	[tilespmem:s30+$0xFFFFFEB0] =	vst v6;
	s2 =	sadd.s32 @!p0 s1, s2  }
0x77: {  	[tilespmem:s26], [sflag:$0x2] =	stream.strided.gather @!p0 [hbm4b:s2+s31], $0x2000, s0, s31, $0x38;
	[tilespmem:$0x14100] =	vst v63  }
0x78: {  	v6 =	vsel vm2, $0x0, v5;
	_ =	swait.ge [sflag:s20], $0x2000  }
0x79: {  	(xrf0) =	vadd.scan.msk.s32 $0xffff, v6;
	_ =	sdelay $0x5  }
0x7a: {  	v6, _, _ =	vpop (xrf0)  }
0x7b: {  	v6 =	vbroadcast v6, $0xF;
	_ =	sdelay $0x1  }
0x7c: {  	v7 =	vadd.s32 v0, v6;
	_ =	sdelay $0x1  }
0x7d: {  	vm8 =	vcmask @!p0 $0x70C  }
0x7e: {  	v8 =	vsel @!p0 vm8, $0x0, v4;
	[sflag:s20] =	ssyncset.done $0x0  }
0x7f: {  	[sflag:s20] =	ssyncadd.s32 $0xFFFFE000;
	(xrf0) =	vadd.scan.msk.s32 @!p0 $0xffff, v8  }
0x80: {  	v7 =	vld.idx.msk [tilespmem:v7+s12+$0x0], $0xffff  }
0x81: {  	v59 =	vadd.s32 v1, v6;
	_ =	sdelay $0x3  }
0x82: {  	[tilespmem:s30+$0xFFFFFF00] =	vst v7;
	v7, _, _ =	vpop @!p0 (xrf0)  }
0x83: {  	v8 =	vld.idx.msk [tilespmem:v59+s12+$0x0], $0xffff;
	(v2sf) =	vpush @!p0 v7, $0xF  }
0x84: {  	v7 =	vadd.s32 v2, v6;
	_ =	sdelay $0x3  }
0x85: {  	[tilespmem:s30+$0xFFFFFF10] =	vst v8  }
0x86: {  	v7 =	vld.idx.msk [tilespmem:v7+s12+$0x0], $0xffff  }
0x87: {  	v6 =	vadd.s32 v3, v6;
	_ =	sdelay $0x3  }
0x88: {  	[tilespmem:s30+$0xFFFFFF20] =	vst v7  }
0x89: {  	v6 =	vld.idx.msk [tilespmem:v6+s12+$0x0], $0xffff;
	_ =	sdelay $0x2  }
0x8a: {  	s2 =	spop @!p0 (v2sf)  }
0x8b: {  	s2 =	sand.u32 @!p0 $0xFFFFF80, s2  }
0x8c: {  	s26 =	simm.s32 @!p0 $0x4100;
	[tilespmem:s30+$0xFFFFFF30] =	vst v6;
	s2 =	sadd.s32 @!p0 s1, s2  }
0x8d: {  	[tilespmem:s26], [sflag:$0x3] =	stream.strided.gather @!p0 [hbm4b:s2+s31], $0x2000, s0, s31, $0x38;
	[tilespmem:$0x14100] =	vst v63  }
0x8e: {  	v6 =	vsel vm3, $0x0, v5;
	_ =	swait.ge [sflag:s21], $0x2000  }
0x8f: {  	(xrf0) =	vadd.scan.msk.s32 $0xffff, v6;
	_ =	sdelay $0x5  }
0x90: {  	v6, _, _ =	vpop (xrf0)  }
0x91: {  	v6 =	vbroadcast v6, $0xF;
	_ =	sdelay $0x1  }
0x92: {  	v7 =	vadd.s32 v0, v6;
	_ =	sdelay $0x1  }
0x93: {  	vm8 =	vcmask @!p0 $0xB10  }
0x94: {  	v8 =	vsel @!p0 vm8, $0x0, v4;
	[sflag:s21] =	ssyncset.done $0x0  }
0x95: {  	[sflag:s21] =	ssyncadd.s32 $0xFFFFE000;
	(xrf0) =	vadd.scan.msk.s32 @!p0 $0xffff, v8  }
0x96: {  	v7 =	vld.idx.msk [tilespmem:v7+s13+$0x0], $0xffff  }
0x97: {  	v60 =	vadd.s32 v1, v6;
	_ =	sdelay $0x3  }
0x98: {  	[tilespmem:s30+$0xFFFFFF80] =	vst v7;
	v7, _, _ =	vpop @!p0 (xrf0)  }
0x99: {  	v8 =	vld.idx.msk [tilespmem:v60+s13+$0x0], $0xffff;
	(v2sf) =	vpush @!p0 v7, $0xF  }
0x9a: {  	v7 =	vadd.s32 v2, v6;
	_ =	sdelay $0x3  }
0x9b: {  	[tilespmem:s30+$0xFFFFFF90] =	vst v8  }
0x9c: {  	v7 =	vld.idx.msk [tilespmem:v7+s13+$0x0], $0xffff  }
0x9d: {  	v6 =	vadd.s32 v3, v6;
	_ =	sdelay $0x3  }
0x9e: {  	[tilespmem:s30+$0xFFFFFFA0] =	vst v7  }
0x9f: {  	v6 =	vld.idx.msk [tilespmem:v6+s13+$0x0], $0xffff;
	_ =	sdelay $0x2  }
0xa0: {  	s2 =	spop @!p0 (v2sf)  }
0xa1: {  	s2 =	sand.u32 @!p0 $0xFFFFF80, s2  }
0xa2: {  	s26 =	simm.s32 @!p0 $0x6100;
	[tilespmem:s30+$0xFFFFFFB0] =	vst v6;
	s2 =	sadd.s32 @!p0 s1, s2  }
0xa3: {  	[tilespmem:s26], [sflag:$0x4] =	stream.strided.gather @!p0 [hbm4b:s2+s31], $0x2000, s0, s31, $0x38;
	[tilespmem:$0x14100] =	vst v63  }
0xa4: {  	v6 =	vsel vm4, $0x0, v5;
	_ =	swait.ge [sflag:s22], $0x2000  }
0xa5: {  	(xrf0) =	vadd.scan.msk.s32 $0xffff, v6;
	_ =	sdelay $0x5  }
0xa6: {  	v6, _, _ =	vpop (xrf0)  }
0xa7: {  	v6 =	vbroadcast v6, $0xF;
	_ =	sdelay $0x1  }
0xa8: {  	v7 =	vadd.s32 v0, v6;
	_ =	sdelay $0x1  }
0xa9: {  	vm8 =	vcmask @!p0 $0xF14  }
0xaa: {  	v8 =	vsel @!p0 vm8, $0x0, v4;
	[sflag:s22] =	ssyncset.done $0x0  }
0xab: {  	[sflag:s22] =	ssyncadd.s32 $0xFFFFE000;
	(xrf0) =	vadd.scan.msk.s32 @!p0 $0xffff, v8  }
0xac: {  	v7 =	vld.idx.msk [tilespmem:v7+s14+$0x0], $0xffff  }
0xad: {  	v61 =	vadd.s32 v1, v6;
	_ =	sdelay $0x3  }
0xae: {  	[tilespmem:s30+$0x0] =	vst v7;
	v7, _, _ =	vpop @!p0 (xrf0)  }
0xaf: {  	v8 =	vld.idx.msk [tilespmem:v61+s14+$0x0], $0xffff;
	(v2sf) =	vpush @!p0 v7, $0xF  }
0xb0: {  	v7 =	vadd.s32 v2, v6;
	_ =	sdelay $0x3  }
0xb1: {  	[tilespmem:s30+$0x10] =	vst v8  }
0xb2: {  	v7 =	vld.idx.msk [tilespmem:v7+s14+$0x0], $0xffff  }
0xb3: {  	v6 =	vadd.s32 v3, v6;
	_ =	sdelay $0x3  }
0xb4: {  	[tilespmem:s30+$0x20] =	vst v7  }
0xb5: {  	v6 =	vld.idx.msk [tilespmem:v6+s14+$0x0], $0xffff;
	_ =	sdelay $0x2  }
0xb6: {  	s2 =	spop @!p0 (v2sf)  }
0xb7: {  	s2 =	sand.u32 @!p0 $0xFFFFF80, s2  }
0xb8: {  	s26 =	simm.s32 @!p0 $0x8100;
	[tilespmem:s30+$0x30] =	vst v6;
	s2 =	sadd.s32 @!p0 s1, s2  }
0xb9: {  	[tilespmem:s26], [sflag:$0x5] =	stream.strided.gather @!p0 [hbm4b:s2+s31], $0x2000, s0, s31, $0x38;
	[tilespmem:$0x14100] =	vst v63  }
0xba: {  	v6 =	vsel vm5, $0x0, v5;
	_ =	swait.ge [sflag:s23], $0x2000  }
0xbb: {  	(xrf0) =	vadd.scan.msk.s32 $0xffff, v6;
	_ =	sdelay $0x5  }
0xbc: {  	v6, _, _ =	vpop (xrf0)  }
0xbd: {  	v6 =	vbroadcast v6, $0xF;
	_ =	sdelay $0x1  }
0xbe: {  	v7 =	vadd.s32 v0, v6;
	_ =	sdelay $0x1  }
0xbf: {  	vm8 =	vcmask @!p0 $0x1318  }
0xc0: {  	v8 =	vsel @!p0 vm8, $0x0, v4;
	[sflag:s23] =	ssyncset.done $0x0  }
0xc1: {  	[sflag:s23] =	ssyncadd.s32 $0xFFFFE000;
	(xrf0) =	vadd.scan.msk.s32 @!p0 $0xffff, v8  }
0xc2: {  	v7 =	vld.idx.msk [tilespmem:v7+s15+$0x0], $0xffff  }
0xc3: {  	v62 =	vadd.s32 v1, v6;
	_ =	sdelay $0x3  }
0xc4: {  	[tilespmem:s30+$0x80] =	vst v7;
	v7, _, _ =	vpop @!p0 (xrf0)  }
0xc5: {  	v8 =	vld.idx.msk [tilespmem:v62+s15+$0x0], $0xffff;
	(v2sf) =	vpush @!p0 v7, $0xF  }
0xc6: {  	v7 =	vadd.s32 v2, v6;
	_ =	sdelay $0x3  }
0xc7: {  	[tilespmem:s30+$0x90] =	vst v8  }
0xc8: {  	v7 =	vld.idx.msk [tilespmem:v7+s15+$0x0], $0xffff  }
0xc9: {  	v6 =	vadd.s32 v3, v6;
	_ =	sdelay $0x3  }
0xca: {  	[tilespmem:s30+$0xA0] =	vst v7  }
0xcb: {  	v6 =	vld.idx.msk [tilespmem:v6+s15+$0x0], $0xffff;
	_ =	sdelay $0x2  }
0xcc: {  	s2 =	spop @!p0 (v2sf)  }
0xcd: {  	s2 =	sand.u32 @!p0 $0xFFFFF80, s2  }
0xce: {  	s26 =	simm.s32 @!p0 $0xA100;
	[tilespmem:s30+$0xB0] =	vst v6;
	s2 =	sadd.s32 @!p0 s1, s2  }
0xcf: {  	[tilespmem:s26], [sflag:$0x6] =	stream.strided.gather @!p0 [hbm4b:s2+s31], $0x2000, s0, s31, $0x38;
	[tilespmem:$0x14100] =	vst v63  }
0xd0: {  	v6 =	vsel vm6, $0x0, v5;
	_ =	swait.ge [sflag:s24], $0x2000  }
0xd1: {  	(xrf0) =	vadd.scan.msk.s32 $0xffff, v6;
	_ =	sdelay $0x5  }
0xd2: {  	v6, _, _ =	vpop (xrf0)  }
0xd3: {  	v6 =	vbroadcast v6, $0xF;
	_ =	sdelay $0x1  }
0xd4: {  	v7 =	vadd.s32 v0, v6;
	_ =	sdelay $0x1  }
0xd5: {  	vm8 =	vcmask @!p0 $0x171C  }
0xd6: {  	v8 =	vsel @!p0 vm8, $0x0, v4;
	[sflag:s24] =	ssyncset.done $0x0  }
0xd7: {  	[sflag:s24] =	ssyncadd.s32 $0xFFFFE000;
	(xrf0) =	vadd.scan.msk.s32 @!p0 $0xffff, v8  }
0xd8: {  	v7 =	vld.idx.msk [tilespmem:v7+s16+$0x0], $0xffff  }
0xd9: {  	v63 =	vadd.s32 v1, v6;
	_ =	sdelay $0x3  }
0xda: {  	[tilespmem:s30+$0x100] =	vst v7;
	v7, _, _ =	vpop @!p0 (xrf0)  }
0xdb: {  	v8 =	vld.idx.msk [tilespmem:v63+s16+$0x0], $0xffff;
	(v2sf) =	vpush @!p0 v7, $0xF  }
0xdc: {  	v7 =	vadd.s32 v2, v6;
	_ =	sdelay $0x3  }
0xdd: {  	[tilespmem:s30+$0x110] =	vst v8  }
0xde: {  	v7 =	vld.idx.msk [tilespmem:v7+s16+$0x0], $0xffff  }
0xdf: {  	v6 =	vadd.s32 v3, v6;
	_ =	sdelay $0x3  }
0xe0: {  	[tilespmem:s30+$0x120] =	vst v7  }
0xe1: {  	v6 =	vld.idx.msk [tilespmem:v6+s16+$0x0], $0xffff;
	_ =	sdelay $0x2  }
0xe2: {  	s2 =	spop @!p0 (v2sf)  }
0xe3: {  	s2 =	sand.u32 @!p0 $0xFFFFF80, s2  }
0xe4: {  	s26 =	simm.s32 @!p0 $0xC100;
	[tilespmem:s30+$0x130] =	vst v6;
	s2 =	sadd.s32 @!p0 s1, s2  }
0xe5: {  	[tilespmem:s26], [sflag:$0x7] =	stream.strided.gather @!p0 [hbm4b:s2+s31], $0x2000, s0, s31, $0x38;
	[tilespmem:$0x14100] =	vst v63  }
0xe6: {  	v5 =	vsel vm7, $0x0, v5;
	_ =	swait.ge [sflag:s25], $0x2000  }
0xe7: {  	(xrf0) =	vadd.scan.msk.s32 $0xffff, v5;
	_ =	sdelay $0x5  }
0xe8: {  	v5, _, _ =	vpop (xrf0)  }
0xe9: {  	v5 =	vbroadcast v5, $0xF;
	_ =	sdelay $0x1  }
0xea: {  	v6 =	vadd.s32 v0, v5;
	_ =	sdelay $0x2  }
0xeb: {  	[sflag:s25] =	ssyncset.done $0x0  }
0xec: {  	[sflag:s25] =	ssyncadd.s32 $0xFFFFE000  }
0xed: {  	v6 =	vld.idx.msk [tilespmem:v6+s17+$0x0], $0xffff  }
0xee: {  	v7 =	vadd.s32 v1, v5;
	_ =	sdelay $0x3  }
0xef: {  	[tilespmem:s30+$0x180] =	vst v6  }
0xf0: {  	v6 =	vld.idx.msk [tilespmem:v7+s17+$0x0], $0xffff  }
0xf1: {  	v7 =	vadd.s32 v2, v5;
	_ =	sdelay $0x3  }
0xf2: {  	[tilespmem:s30+$0x190] =	vst v6  }
0xf3: {  	v6 =	vld.idx.msk [tilespmem:v7+s17+$0x0], $0xffff  }
0xf4: {  	v5 =	vadd.s32 v3, v5;
	_ =	sdelay $0x3  }
0xf5: {  	[tilespmem:s30+$0x1A0] =	vst v6  }
0xf6: {  	v5 =	vld.idx.msk [tilespmem:v5+s17+$0x0], $0xffff  }
.Ltmp2:
0xf7: {  	_ = 	snop;
	(pc) =	sbr.rel @p0 .LBB2_4-.Ltmp2, $2  }
0xf8: {  	_ =	sdelay $0x2  }
0xf9: {  	[tilespmem:s30+$0x1B0] =	vst v5  }
0xfa: {  	v4 =	vsel vm7, $0x0, v4  }
0xfb: {  	(xrf0) =	vadd.scan.msk.s32 $0xffff, v4;
	_ =	sdelay $0x5  }
0xfc: {  	v4, _, _ =	vpop (xrf0)  }
0xfd: {  	(v2sf) =	vpush v4, $0xF;
	_ =	sdelay $0xd  }
.Ltmp3:
0xfe: {  	_ = 	snop;
	(pc) =	sbr.rel .LBB2_2-.Ltmp3, $4  }
0xff: {  	s0 =	spop (v2sf)  }
0x100: {  	s0 =	sand.u32 $0xFFFFF80, s0  }
0x101: {  	s29 =	sadd.s32 $0x20, s29;
	s30 =	sadd.s32 $0x400, s30;
	s0 =	sadd.s32 s1, s0  }
0x102: {  	[tilespmem:s17], [sflag:$0x8] =	stream.strided.gather [hbm4b:s0+s8], $0x2000, s9, s8, $0x38;
	[tilespmem:$0x14100] =	vst v63  }
.LBB2_5:
0x103: {  	_ =	sfence.sel $0x180000  }
0x104: {  	[bflag:$0x0] =	sbarrier.arrive $0xFFFF  }
0x105: {  	_ =	strace $0x90000047  }
0x106: {  	s0 =	stileid.u32;
	[bflag:$0x2] =	sbarrier.arrive $0xFFFF  }
0x107: {  	p0 =	sne.s32 s0, $0x0;
	s0 =	rddreg [dreg:$0x3]  }
0x108: {  	s0 =	sadd.s32 @!p0 $0x100000, s0  }
0x109: {  	[sflag:s0] =	ssyncadd.tile.s32 @!p0 $0x1;
	_ =	shalt  }
.Lfunc_end2:
_tile_overlayer_lowered:
.L_overlay_start_2:
0x10a: {  	(tag) =	ssettag $0x2  }
0x10b: {  	s0 =	rddreg [dreg:$0x0];
	s2 =	stileid.u32  }
0x10c: {  	s1 =	rddreg [dreg:$0x1];
	p0 =	sne.s32 s2, $0x0  }
0x10d: {  	s3 =	rddreg [dreg:$0x2];
	[bflag:$0x3] =	sbarrier.arrive $0xFFFF;
	s2 =	simm.s32 @!p0 $0x1C09  }
0x10e: {  	[timem:s3], [sflag:s2] =	dma.local @!p0 [hbm:s0], s1  }
0x10f: {  	s0 =	simm.s32 @!p0 $0x9  }
0x110: {  	_ =	swait.ge @!p0 [sflag:s0], s1  }
0x111: {  	s1 =	ssub.s32 @!p0 $0x0, s1;
	[sflag:s0] =	ssyncset.done @!p0 $0x0  }
0x112: {  	[sflag:s0] =	ssyncadd.s32 @!p0 s1  }
0x113: {  	[bflag:$0x3] =	sbarrier.arrive $0xFFFF  }
0x114: {  	_ =	shalt  }

// kernel: _cbow.7.cloned.1.call-start
scs
__scs_entry_jumppad:
0x0: {  	(pc) =	sbr.rel $0x88, $3  }
0x1: {  	(tag) =	ssettag $0x0;
	lr =	simm.s32 $0x1  }
0x2: {  	[smem:$0x3F9D] =	sst lr;
	_ =	strace $0xD0000000  }
0x3: {  	_ = 	snop  }
0x4: {  	_ = 	snop  }
0x5: {  	_ = 	snop  }
0x6: {  	_ = 	snop  }
0x7: {  	_ = 	snop  }
__scs_overlays_trampoline_lowered:
0x8: {  	[smem:$0x3FAC] =	sst s0  }
0x9: {  	[smem:$0x3FAD] =	sst s1  }
0xa: {  	[smem:$0x3FAE] =	sst s2  }
0xb: {  	[smem:$0x3FAF] =	sst s3  }
0xc: {  	[smem:$0x3FB0] =	sst s4  }
0xd: {  	[smem:$0x3FB1] =	sst s5  }
0xe: {  	[smem:$0x3FB2] =	sst s6  }
0xf: {  	[smem:$0x3FB3] =	sst s7  }
0x10: {  	[smem:$0x3FB4] =	sst s8  }
0x11: {  	[smem:$0x3FB5] =	sst s9;
	s0 =	simm.s32 @!p0 $0x0  }
0x12: {  	s1 =	sld [smem:$0x3F9B];
	s0 =	simm.s32 @p0 $0x1  }
0x13: {  	[smem:$0x3FB6] =	sst s0;
	s0 =	simm.s32 @!p1 $0x0  }
0x14: {  	s2 =	sld [smem:$0x3F9A];
	s0 =	simm.s32 @p1 $0x1  }
0x15: {  	[smem:$0x3FB7] =	sst s0;
	s0 =	simm.s32 @!p2 $0x0  }
0x16: {  	s3 =	sld [smem:$0x3FDB];
	s0 =	simm.s32 @p2 $0x1  }
0x17: {  	s4 =	simm.s32 $0x1BF5;
	[smem:$0x3FB9] =	sst s0  }
0x18: {  	s0 =	sld [smem:$0x3F9C];
	_ =	swait.ge [sflag:s4], $0x0  }
0x19: {  	s7 =	sld [smem:$0x3F9D]  }
0x1a: {  	s8 =	sadd.s32 $0xFFFFE003, lr  }
0x1b: {  	s9 =	sadd.s32 $0xFFFFFEF7, lr;
	s5 =	simm.s32 $0xFFFFFFFF;
	p2 =	slt.u32 s8, $0xFFFFF086  }
0x1c: {  	p1 =	slt.u32 s9, $0xF7A;
	s5 =	simm.s32 @!p2 $0x0  }
0x1d: {  	s5 =	simm.s32 @p1 $0x1;
	p0 =	seq.s32 s7, s2  }
0x1e: {  	s7 =	smul.u32 @!p0 $0xF7A, s2;
	p2 =	seq.s32 @!p0 s5, $0x0  }
0x1f: {  	s9 =	smul.u32 $0xF7A, s1;
	s8 =	simm.s32 @!p0 $0x1BF5;
	p2 =	por !p2, p0  }
0x20: {  	[sflag:s8] =	ssyncset.s32 @!p0 $0xFFFFF086;
	s6 =	sadd.s32 @!p0 s3, s7;
	s7 =	simm.s32 @!p0 $0x108  }
0x21: {  	s3 =	sadd.s32 s3, s9;
	s6 =	sadd.s32 @!p0 $0x88, s6;
	s7 =	simm.s32 @p2 $0x1082  }
0x22: {  	[simem:s7], [sflag:s8] =	dma.local @!p0 [hbm:s6], $0xF7A  }
0x23: {  	s9 =	sor.u32 $0xD0000000, s2;
	s6 =	simm.s32 $0x108;
	_ =	swait.ge @!p0 [sflag:s8], $0x0  }
0x24: {  	s3 =	sadd.s32 $0x88, s3;
	s6 =	simm.s32 @!p1 $0x1082;
	[sflag:s4] =	ssyncset.s32 $0xFFFFF086  }
0x25: {  	[simem:s6], [sflag:s4] =	dma.local [hbm:s3], $0xF7A  }
0x26: {  	[smem:$0x3F9D] =	sst s1;
	(tag) =	ssettag s2;
	_ =	strace s9  }
0x27: {  	s1 =	sld [smem:$0x3FAD]  }
0x28: {  	s2 =	sld [smem:$0x3FAE]  }
0x29: {  	s4 =	sld [smem:$0x3FB0]  }
0x2a: {  	p0 =	seq.s32 s5, $0x0;
	s5 =	sld [smem:$0x3FB1]  }
0x2b: {  	s6 =	sld [smem:$0x3FB2]  }
0x2c: {  	s7 =	sld [smem:$0x3FB3]  }
0x2d: {  	s3 =	simm.s32 $0x108;
	s8 =	sld [smem:$0x3FB4]  }
0x2e: {  	s3 =	simm.s32 @!p0 $0x1082;
	s9 =	sld [smem:$0x3FB5]  }
0x2f: {  	lr =	sadd.s32 s0, s3;
	s0 =	sld [smem:$0x3FAC]  }
0x30: {  	s3 =	sld [smem:$0x3FAF]  }
0x31: {  	[smem:$0x3FB8] =	sst s10  }
0x32: {  	s10 =	sld [smem:$0x3FB6];
	_ =	sdelay $0x3  }
0x33: {  	p0 =	seq.s32 s10, $0x1;
	s10 =	sld [smem:$0x3FB8];
	_ =	sdelay $0x3  }
0x34: {  	[smem:$0x3FB8] =	sst s10  }
0x35: {  	s10 =	sld [smem:$0x3FB7];
	_ =	sdelay $0x3  }
0x36: {  	p1 =	seq.s32 s10, $0x1;
	s10 =	sld [smem:$0x3FB8];
	_ =	sdelay $0x3  }
0x37: {  	[smem:$0x3FB8] =	sst s10  }
0x38: {  	s10 =	sld [smem:$0x3FB9]  }
0x39: {  	_ = 	snop;
	(pc) =	sbr.ind lr, $3  }
0x3a: {  	_ = 	snop  }
0x3b: {  	_ = 	snop  }
0x3c: {  	p2 =	seq.s32 s10, $0x1;
	s10 =	sld [smem:$0x3FB8]  }
0x3d: {  	_ =	shalt  }
0x3e: {  	_ =	shalt  }
0x3f: {  	_ =	shalt  }
0x40: {  	_ =	shalt  }
0x41: {  	_ =	shalt  }
0x42: {  	_ =	shalt  }
0x43: {  	_ =	shalt  }
0x44: {  	_ =	shalt  }
0x45: {  	_ =	shalt  }
0x46: {  	_ =	shalt  }
0x47: {  	_ =	shalt  }
0x48: {  	_ =	shalt  }
0x49: {  	_ =	shalt  }
0x4a: {  	_ =	shalt  }
0x4b: {  	_ =	shalt  }
0x4c: {  	_ =	shalt  }
0x4d: {  	_ =	shalt  }
0x4e: {  	_ =	shalt  }
0x4f: {  	_ =	shalt  }
0x50: {  	_ =	shalt  }
0x51: {  	_ =	shalt  }
0x52: {  	_ =	shalt  }
0x53: {  	_ =	shalt  }
0x54: {  	_ =	shalt  }
0x55: {  	_ =	shalt  }
0x56: {  	_ =	shalt  }
0x57: {  	_ =	shalt  }
0x58: {  	_ =	shalt  }
0x59: {  	_ =	shalt  }
0x5a: {  	_ =	shalt  }
0x5b: {  	_ =	shalt  }
0x5c: {  	_ =	shalt  }
0x5d: {  	_ =	shalt  }
0x5e: {  	_ =	shalt  }
0x5f: {  	_ =	shalt  }
0x60: {  	_ =	shalt  }
0x61: {  	_ =	shalt  }
0x62: {  	_ =	shalt  }
0x63: {  	_ =	shalt  }
0x64: {  	_ =	shalt  }
0x65: {  	_ =	shalt  }
0x66: {  	_ =	shalt  }
0x67: {  	_ =	shalt  }
0x68: {  	_ =	shalt  }
0x69: {  	_ =	shalt  }
0x6a: {  	_ =	shalt  }
0x6b: {  	_ =	shalt  }
0x6c: {  	_ =	shalt  }
0x6d: {  	_ =	shalt  }
0x6e: {  	_ =	shalt  }
0x6f: {  	_ =	shalt  }
0x70: {  	_ =	shalt  }
0x71: {  	_ =	shalt  }
0x72: {  	_ =	shalt  }
0x73: {  	_ =	shalt  }
0x74: {  	_ =	shalt  }
0x75: {  	_ =	shalt  }
0x76: {  	_ =	shalt  }
0x77: {  	_ =	shalt  }
0x78: {  	_ =	shalt  }
0x79: {  	_ =	shalt  }
0x7a: {  	_ =	shalt  }
0x7b: {  	_ =	shalt  }
0x7c: {  	_ =	shalt  }
0x7d: {  	_ =	shalt  }
0x7e: {  	_ =	shalt  }
0x7f: {  	_ =	shalt  }
0x80: {  	_ =	shalt  }
0x81: {  	_ =	shalt  }
0x82: {  	_ =	shalt  }
0x83: {  	_ =	shalt  }
0x84: {  	_ =	shalt  }
0x85: {  	_ =	shalt  }
0x86: {  	_ =	shalt  }
0x87: {  	_ =	shalt  }
.Lfunc_end0:
.L_simem_size_0:
called_computation.1_lowered:
.L_overlay_start_0:
0x88: {  	s2 =	sld [smem:$0x3FD9]  }
0x89: {  	s3 =	sld [smem:$0x3FFE];
	_ =	sdelay $0x1  }
0x8a: {  	s1 =	srdreg.scid  }
0x8b: {  	s0 =	sand.u32 $0x1, s1  }
0x8c: {  	s17 =	sshll.u32 s0, $0xA;
	s2 =	sadd.s32 s3, s2  }
0x8d: {  	s2 =	sadd.s32 s2, s17  }
0x8e: {  	[smem:$0x3FC4] =	sst s2  }
0x8f: {  	_ = 	snop  }
0x90: {  	s2 =	sld [smem:$0x3FD0];
	(tm) =	ssettm $0x1  }
0x91: {  	s18 =	sld [smem:$0x3FFB];
	_ =	sdelay $0x3  }
0x92: {  	_ =	strace s18  }
0x93: {  	s3 =	sld [smem:$0x3FFC];
	_ =	sdelay $0x3  }
0x94: {  	_ =	strace s3  }
0x95: {  	s3 =	sld [smem:$0x3FFD];
	_ =	sdelay $0x3  }
0x96: {  	_ =	strace s3  }
0x97: {  	_ =	strace $0x8FFFFFFF  }
0x98: {  	s19 =	sld [smem:$0x3FDB];
	_ =	sdelay $0x1  }
0x99: {  	s4 =	simm.s32 $_scs_section_size  }
0x9a: {  	s5 =	simm.s32 $_size__tile_overlayer_lowered;
	s6 =	simm.s32 $_tile_overlayer_lowered  }
0x9b: {  	s22 =	simm.s32 $0x1BFF;
	s21 =	sshll.u32 s6, $0x1;
	s3 =	sadd.s32 s4, s19  }
0x9c: {  	s7 =	simm.s32 $0x0;
	s20 =	sshll.u32 s5, $0x1;
	s5 =	sadd.s32 s21, s3  }
0x9d: {  	[timem:s7], [sflag:s22] =	dma.local [hbm:s5], s20  }
0x9e: {  	_ =	swait.ge [sflag:s22], s20  }
0x9f: {  	s4 =	ssub.s32 $0x0, s20;
	[sflag:s22] =	ssyncset.done $0x0  }
0xa0: {  	[sflag:s22] =	ssyncadd.s32 s4;
	_ =	sdelay $0x1  }
0xa1: {  	s23 =	simm.s32 $0x1B8B  }
0xa2: {  	_ =	swait.ge [sflag:s23], $0x1  }
0xa3: {  	[sflag:s23] =	ssyncset.done $0x0  }
0xa4: {  	s25 =	simm.s32 $0x1B8E;
	s24 =	sld [smem:$0x3FFE];
	[sflag:s23] =	ssyncadd.s32 $0xFFFFFFFF  }
0xa5: {  	s26 =	simm.s32 $execute0_lowered;
	[smem:$0x3FD2] =	sst s25  }
0xa6: {  	s5 =	sshll.u32 s26, $0x1;
	_ =	strace $0x80000049;
	[dreg:$0x1] =	wrdreg $0xFFFFFFFF  }
0xa7: {  	s28 =	simm.s32 $_size_execute0_lowered;
	s3 =	sadd.s32 s3, s5;
	[dreg:$0x0] =	wrdreg $0x0  }
0xa8: {  	s5 =	sshll.u32 s28, $0x1;
	[dreg:$0x2] =	wrdreg s3  }
0xa9: {  	[dreg:$0x3] =	wrdreg s5  }
0xaa: {  	[dreg:$0x4] =	wrdreg $0xC0  }
0xab: {  	_ =	task [dreg:s7], $0x5FFFF  }
0xac: {  	[dreg:$0x1] =	wrdreg $0xFFFFFFFF  }
0xad: {  	[dreg:$0x0] =	wrdreg $0x60  }
0xae: {  	[dreg:$0x2] =	wrdreg s24  }
0xaf: {  	[dreg:$0x3] =	wrdreg s2  }
0xb0: {  	[dreg:$0x4] =	wrdreg $0x9  }
0xb1: {  	_ =	task.clear_ibuf [dreg:s7], $0x5FFFF;
	_ =	strace $0x90000049  }
0xb2: {  	s29 =	simm.s32 $0x9;
	_ =	strace $0x8000004B  }
0xb3: {  	_ =	swait.ge [sflag:s29], $0x1  }
0xb4: {  	[sflag:s29] =	ssyncadd.s32 $0xFFFFFFFF  }
0xb5: {  	_ =	strace $0x9000004B  }
0xb6: {  	_ =	sfence  }
0xb7: {  	s30 =	sld [smem:$0x0];
	_ =	sdelay $0x2  }
0xb8: {  	s31 =	sshll.u32 s1, $0xD;
	s1 =	sshrl.u32 s1, $0x2  }
0xb9: {  	s3 =	sand.u32 $0x4000, s31;
	s1 =	sadd.s32 s1, s30  }
0xba: {  	s0 =	sor.u32 s3, s0;
	s1 =	sshll.u32 s1, $0x11  }
0xbb: {  	s0 =	sor.u32 s1, s0  }
0xbc: {  	s0 =	sadd.s32 $0x8F2B, s0  }
0xbd: {  	[sflag:s0] =	ssyncadd.remote.s32 $0x1  }
0xbe: {  	_ =	sfence.sel $0xFFFF  }
0xbf: {  	[dreg:$0x0] =	wrdreg $0xFFFFFFFF;
	(pc) =	sbr.abs _section_cstart, $3  }
0xc0: {  	[dreg:$0x1] =	wrdreg $0xFFFFFFFF  }
0xc1: {  	_ =	task.clear_ibuf [dreg:s7], $0x2FFFF;
	_ =	strace $0x9FFFFFFF  }
0xc2: {  	(tm) =	ssettm $0x7FFFFFFF  }
0xc3: {  	_ =	shalt  }
tec
execute0_lowered:
.L_overlay_start_1:
0x0: {  	(tag) =	ssettag $0x1  }
0x1: {  	s4 =	rddreg [dreg:$0x0]  }
0x2: {  	s9 =	rddreg [dreg:$0x1]  }
0x3: {  	s0 =	rddreg [dreg:$0x2]  }
0x4: {  	s3 =	srdreg.scid;
	s1 =	stileid.u32;
	s2 =	simm.s32 $0x0  }
0x5: {  	s13 =	simm.s32 $0x80;
	s14 =	simm.s32 $0x280;
	s15 =	simm.s32 $0x2280  }
0x6: {  	s16 =	simm.s32 $0x100;
	s17 =	simm.s32 $0x4280;
	s18 =	simm.s32 $0x180  }
0x7: {  	s19 =	simm.s32 $0x6280;
	s20 =	simm.s32 $0x200;
	s21 =	simm.s32 $0x8280  }
0x8: {  	s22 =	simm.s32 $0x1;
	s23 =	simm.s32 $0xC280;
	s24 =	simm.s32 $0x0  }
0x9: {  	s5 =	sand.u32 $0x1, s3;
	s31 =	sshll.u32 s1, $0x1;
	[smem:$0x7FF] =	sst s2  }
0xa: {  	s3 =	sadd.s32 $0xF52E00, s4;
	s7 =	sor.u32 s5, s31;
	_ =	strace $0x8000004A  }
0xb: {  	s5 =	ssub.s32 $0x2, s5;
	s6 =	smul.u32 $0xA00, s7;
	s8 =	sshll.u32 s7, $0xA  }
0xc: {  	s10 =	sshrl.u32 s5, $0x1;
	s12 =	sshll.u32 s7, $0x4;
	s8 =	sadd.s32 s8, s4  }
0xd: {  	s10 =	ssub.s32 s5, s10;
	s9 =	sadd.s32 s9, s12;
	s6 =	sshrl.u32 s6, $0x3  }
0xe: {  	s12 =	simm.s32 $0x2;
	s10 =	smax.u32 s10, $0x1;
	s11 =	sadd.s32 s6, s4  }
0xf: {  	s4 =	sadd.s32 $0x13200, s8;
	s5 =	sadd.s32 $0x10A00, s11;
	s6 =	sadd.s32 $0x10A50, s11  }
0x10: {  	v0 =	vlaneseq.u32;
	s7 =	sadd.s32 $0x10AA0, s11;
	s8 =	sadd.s32 $0x10AF0, s11;
	s11 =	simm.s32 $0xA280  }
.LBB2_1:
0x11: {  	[tilespmem:s11], [sflag:$0x2] =	stream.linear.gather [hbm4b:s4+s2], $0x2000, $0x38;
	[tilespmem:$0xC300] =	vst v63  }
0x12: {  	_ =	swait.ge [sflag:s12], $0x2000  }
0x13: {  	[sflag:s12] =	ssyncset.done $0x0  }
0x14: {  	[sflag:s12] =	ssyncadd.s32 $0xFFFFE000  }
0x15: {  	[tilespmem:s2], [sflag:$0x2] =	stream.linear.gather [hbm4b:s5+s2], $0x280, $0x38;
	[tilespmem:$0xC300] =	vst v63  }
0x16: {  	_ =	swait.ge [sflag:s12], $0x280  }
0x17: {  	[sflag:s12] =	ssyncset.done $0x0  }
0x18: {  	[sflag:s12] =	ssyncadd.s32 $0xFFFFFD80  }
0x19: {  	[tilespmem:s14], [sflag:$0x1] =	stream.indirect.gather [hbm4b:s3+s13], $0x40, s2, s13, $0xb8;
	[tilespmem:$0xC300] =	vst v63  }
0x1a: {  	_ = 	snop  }
0x1b: {  	[tilespmem:s15], [sflag:$0x1] =	stream.indirect.gather [hbm4b:s3+s13], $0x40, s13, s13, $0xb8;
	[tilespmem:$0xC300] =	vst v63  }
0x1c: {  	_ = 	snop  }
0x1d: {  	[tilespmem:s17], [sflag:$0x1] =	stream.indirect.gather [hbm4b:s3+s13], $0x40, s16, s13, $0xb8;
	[tilespmem:$0xC300] =	vst v63  }
0x1e: {  	_ = 	snop  }
0x1f: {  	[tilespmem:s19], [sflag:$0x1] =	stream.indirect.gather [hbm4b:s3+s13], $0x40, s18, s13, $0xb8;
	[tilespmem:$0xC300] =	vst v63  }
0x20: {  	_ = 	snop  }
0x21: {  	[tilespmem:s21], [sflag:$0x1] =	stream.indirect.gather [hbm4b:s3+s13], $0x40, s20, s13, $0xb8;
	[tilespmem:$0xC300] =	vst v63  }
0x22: {  	_ =	swait.ge [sflag:s22], $0x2000  }
0x23: {  	[sflag:s22] =	ssyncset.done $0x0  }
0x24: {  	[sflag:s22] =	ssyncadd.s32 $0xFFFFE000  }
0x25: {  	_ =	swait.ge [sflag:s22], $0x2000  }
0x26: {  	[sflag:s22] =	ssyncset.done $0x0  }
0x27: {  	[sflag:s22] =	ssyncadd.s32 $0xFFFFE000  }
0x28: {  	_ =	swait.ge [sflag:s22], $0x2000  }
0x29: {  	[sflag:s22] =	ssyncset.done $0x0  }
0x2a: {  	[sflag:s22] =	ssyncadd.s32 $0xFFFFE000  }
0x2b: {  	_ =	swait.ge [sflag:s22], $0x2000  }
0x2c: {  	[sflag:s22] =	ssyncset.done $0x0  }
0x2d: {  	[sflag:s22] =	ssyncadd.s32 $0xFFFFE000  }
0x2e: {  	_ =	swait.ge [sflag:s22], $0x2000  }
0x2f: {  	[sflag:s22] =	ssyncset.done $0x0  }
0x30: {  	s26 =	simm.s32 $0xA2A0;
	[sflag:s22] =	ssyncadd.s32 $0xFFFFE000  }
0x31: {  	v1 =	vld [tilespmem:s26+$0xFFFFFFE0]  }
0x32: {  	s25 =	simm.s32 $0x500;
	v2 =	vld [tilespmem:s26+$0xFFFFFFF0]  }
0x33: {  	v3 =	vld [tilespmem:s25+$0x240]  }
0x34: {  	v4 =	vld [tilespmem:s25+$0x220]  }
0x35: {  	v5 =	vld [tilespmem:s25+$0x200]  }
0x36: {  	v6 =	vld [tilespmem:s25+$0x1E0]  }
0x37: {  	v7 =	vld [tilespmem:s25+$0x1C0]  }
0x38: {  	v8 =	vld [tilespmem:s25+$0x1A0]  }
0x39: {  	v9 =	vld [tilespmem:s25+$0x180]  }
0x3a: {  	v10 =	vld [tilespmem:s25+$0x160]  }
0x3b: {  	v11 =	vld [tilespmem:s25+$0x140]  }
0x3c: {  	v12 =	vld [tilespmem:s25+$0x120]  }
0x3d: {  	v13 =	vld [tilespmem:s25+$0x100]  }
0x3e: {  	v14 =	vld [tilespmem:s25+$0xE0]  }
0x3f: {  	v15 =	vld [tilespmem:s25+$0xC0]  }
0x40: {  	v16 =	vld [tilespmem:s25+$0xA0]  }
0x41: {  	v17 =	vld [tilespmem:s25+$0x80]  }
0x42: {  	v18 =	vld [tilespmem:s25+$0x60]  }
0x43: {  	v19 =	vld [tilespmem:s25+$0x40]  }
0x44: {  	v20 =	vld [tilespmem:s25+$0x20]  }
0x45: {  	v21 =	vld [tilespmem:s25+$0x0]  }
0x46: {  	v22 =	vld [tilespmem:s25+$0xFFFFFFE0]  }
0x47: {  	v23 =	vld [tilespmem:s25+$0xFFFFFFC0]  }
0x48: {  	v24 =	vld [tilespmem:s25+$0xFFFFFFA0]  }
0x49: {  	v25 =	vld [tilespmem:s25+$0xFFFFFF80]  }
0x4a: {  	v26 =	vld [tilespmem:s25+$0xFFFFFF60]  }
0x4b: {  	v27 =	vld [tilespmem:s25+$0xFFFFFF40]  }
0x4c: {  	v28 =	vld [tilespmem:s25+$0xFFFFFF20]  }
0x4d: {  	v29 =	vld [tilespmem:s25+$0xFFFFFF00]  }
0x4e: {  	v30 =	vld [tilespmem:s25+$0xFFFFFEE0]  }
0x4f: {  	v31 =	vld [tilespmem:s25+$0xFFFFFEC0]  }
0x50: {  	v32 =	vld [tilespmem:s25+$0xFFFFFEA0]  }
0x51: {  	v33 =	vld [tilespmem:s25+$0xFFFFFE80]  }
0x52: {  	v34 =	vld [tilespmem:s25+$0xFFFFFE60]  }
0x53: {  	v35 =	vld [tilespmem:s25+$0xFFFFFE40]  }
0x54: {  	v36 =	vld [tilespmem:s25+$0xFFFFFE20]  }
0x55: {  	v37 =	vld [tilespmem:s25+$0xFFFFFDB0]  }
0x56: {  	v38 =	vld [tilespmem:s25+$0xFFFFFE00]  }
0x57: {  	v39 =	vld [tilespmem:s25+$0xFFFFFDA0]  }
0x58: {  	v40 =	vld [tilespmem:s25+$0xFFFFFDC0]  }
0x59: {  	v41 =	vld [tilespmem:s25+$0xFFFFFD80]  }
0x5a: {  	v42 =	vld [tilespmem:s25+$0xFFFFFD90]  }
0x5b: {  	v43 =	vld [tilespmem:s25+$0xFFFFFDD0]  }
0x5c: {  	v44 =	vld [tilespmem:s25+$0xFFFFFDE0]  }
0x5d: {  	v45 =	vld [tilespmem:s25+$0xFFFFFE10]  }
0x5e: {  	v46 =	vld [tilespmem:s25+$0xFFFFFDF0]  }
0x5f: {  	v47 =	vld [tilespmem:s25+$0xFFFFFE50]  }
0x60: {  	v51 =	vld [tilespmem:s25+$0xFFFFFE30];
	v40 =	vadd.f32 v40, v41;
	v50 =	vadd.f32 v43, v42  }
0x61: {  	v52 =	vld [tilespmem:s25+$0xFFFFFE90];
	v39 =	vadd.f32 v44, v39  }
0x62: {  	v54 =	vld [tilespmem:s25+$0xFFFFFE70];
	v38 =	vadd.f32 v38, v40;
	v53 =	vadd.f32 v45, v50  }
0x63: {  	v55 =	vld [tilespmem:s25+$0xFFFFFED0];
	v37 =	vadd.f32 v46, v37;
	v36 =	vadd.f32 v36, v39  }
0x64: {  	v57 =	vld [tilespmem:s25+$0xFFFFFEB0];
	v35 =	vadd.f32 v35, v38;
	v56 =	vadd.f32 v47, v53  }
0x65: {  	v58 =	vld [tilespmem:s25+$0xFFFFFF10];
	v59 =	vadd.f32 v51, v37;
	v34 =	vadd.f32 v34, v36  }
0x66: {  	v61 =	vld [tilespmem:s25+$0xFFFFFEF0];
	v33 =	vadd.f32 v33, v35;
	v60 =	vadd.f32 v52, v56  }
0x67: {  	v62 =	vld [tilespmem:s25+$0xFFFFFF50];
	v63 =	vadd.f32 v54, v59;
	v32 =	vadd.f32 v32, v34  }
0x68: {  	v42 =	vld [tilespmem:s25+$0xFFFFFF30];
	v31 =	vadd.f32 v31, v33;
	v41 =	vadd.f32 v55, v60  }
0x69: {  	v43 =	vld [tilespmem:s25+$0xFFFFFF90];
	v44 =	vadd.f32 v57, v63;
	v30 =	vadd.f32 v30, v32  }
0x6a: {  	v46 =	vld [tilespmem:s25+$0xFFFFFF70];
	v29 =	vadd.f32 v29, v31;
	v45 =	vadd.f32 v58, v41  }
0x6b: {  	v47 =	vld [tilespmem:s25+$0xFFFFFFD0];
	v48 =	vadd.f32 v61, v44;
	v28 =	vadd.f32 v28, v30  }
0x6c: {  	v50 =	vld [tilespmem:s25+$0xFFFFFFB0];
	v27 =	vadd.f32 v27, v29;
	v49 =	vadd.f32 v62, v45  }
0x6d: {  	v51 =	vld [tilespmem:s25+$0x10];
	v52 =	vadd.f32 v42, v48;
	v26 =	vadd.f32 v26, v28  }
0x6e: {  	v54 =	vld [tilespmem:s25+$0xFFFFFFF0];
	v25 =	vadd.f32 v25, v27;
	v53 =	vadd.f32 v43, v49  }
0x6f: {  	v55 =	vld [tilespmem:s25+$0x50];
	v56 =	vadd.f32 v46, v52;
	v24 =	vadd.f32 v24, v26  }
0x70: {  	v58 =	vld [tilespmem:s25+$0x30];
	v23 =	vadd.f32 v23, v25;
	v57 =	vadd.f32 v47, v53  }
0x71: {  	v59 =	vld [tilespmem:s25+$0x90];
	v60 =	vadd.f32 v50, v56;
	v22 =	vadd.f32 v22, v24  }
0x72: {  	v62 =	vld [tilespmem:s25+$0x70];
	v21 =	vadd.f32 v21, v23;
	v61 =	vadd.f32 v51, v57  }
0x73: {  	v63 =	vld [tilespmem:s25+$0xD0];
	v29 =	vadd.f32 v54, v60;
	v20 =	vadd.f32 v20, v22  }
0x74: {  	v32 =	vld [tilespmem:s25+$0xB0];
	v19 =	vadd.f32 v19, v21;
	v31 =	vadd.f32 v55, v61  }
0x75: {  	v33 =	vld [tilespmem:s25+$0x110];
	v34 =	vadd.f32 v58, v29;
	v18 =	vadd.f32 v18, v20  }
0x76: {  	v36 =	vld [tilespmem:s25+$0xF0];
	v17 =	vadd.f32 v17, v19;
	v35 =	vadd.f32 v59, v31  }
0x77: {  	v37 =	vld [tilespmem:s25+$0x150];
	v38 =	vadd.f32 v62, v34;
	v16 =	vadd.f32 v16, v18  }
0x78: {  	v40 =	vld [tilespmem:s25+$0x130];
	v15 =	vadd.f32 v15, v17;
	v39 =	vadd.f32 v63, v35  }
0x79: {  	v41 =	vld [tilespmem:s25+$0x190];
	v42 =	vadd.f32 v32, v38;
	v14 =	vadd.f32 v14, v16  }
0x7a: {  	v44 =	vld [tilespmem:s25+$0x170];
	v13 =	vadd.f32 v13, v15;
	v43 =	vadd.f32 v33, v39  }
0x7b: {  	v45 =	vld [tilespmem:s25+$0x1D0];
	v46 =	vadd.f32 v36, v42;
	v12 =	vadd.f32 v12, v14  }
0x7c: {  	v48 =	vld [tilespmem:s25+$0x1B0];
	v11 =	vadd.f32 v11, v13;
	v47 =	vadd.f32 v37, v43  }
0x7d: {  	v49 =	vld [tilespmem:s25+$0x210];
	v50 =	vadd.f32 v40, v46;
	v10 =	vadd.f32 v10, v12  }
0x7e: {  	v52 =	vld [tilespmem:s25+$0x1F0];
	v9 =	vadd.f32 v9, v11;
	v51 =	vadd.f32 v41, v47  }
0x7f: {  	v53 =	vld [tilespmem:s25+$0x250];
	v54 =	vadd.f32 v44, v50;
	v8 =	vadd.f32 v8, v10  }
0x80: {  	v56 =	vld [tilespmem:s25+$0x230];
	v7 =	vadd.f32 v7, v9;
	v55 =	vadd.f32 v45, v51  }
0x81: {  	v57 =	vld [tilespmem:s25+$0x260];
	v10 =	vadd.f32 v48, v54;
	v6 =	vadd.f32 v6, v8  }
0x82: {  	v61 =	vld [tilespmem:s25+$0x270];
	v5 =	vadd.f32 v5, v7;
	v58 =	vadd.f32 v49, v55  }
0x83: {  	v59 =	vld [tilespmem:s26+$0x0];
	v60 =	vadd.f32 v52, v10;
	v4 =	vadd.f32 v4, v6  }
0x84: {  	v3 =	vadd.f32 v3, v5;
	v62 =	vadd.f32 v53, v58  }
0x85: {  	v63 =	vld [tilespmem:s26+$0x10];
	v6 =	vadd.f32 v56, v60  }
0x86: {  	v1 =	vmul.f32 v1, v3;
	v2 =	vmul.f32 v2, v62;
	v3 =	vadd.f32 v57, v4;
	_ =	sdelay $0x1  }
0x87: {  	v1 =	vadd.f32 v2, v1;
	v2 =	vmul.f32 v59, v3;
	v3 =	vadd.f32 v61, v6;
	_ =	sdelay $0x1  }
0x88: {  	v1 =	vadd.f32 v2, v1;
	v2 =	vmul.f32 v63, v3;
	_ =	sdelay $0x1  }
0x89: {  	v1 =	vadd.f32 v2, v1;
	_ =	sdelay $0x1  }
0x8a: {  	(xrf2) =	vadd.scan.msk.f32 $0xffff, v1;
	_ =	sdelay $0x9  }
0x8b: {  	v1, _, _ =	vpop (xrf2)  }
0x8c: {  	(v2sf) =	vpush v1, $0xF;
	_ =	sdelay $0xe  }
0x8d: {  	s31 =	sand.u32 $0xF, s2;
	s28 =	spop (v2sf)  }
0x8e: {  	v1 =	vmov s31;
	s28 =	smul.f32 $5.000000070e-02, s28  }
0x8f: {  	p0 =	sne.s32 s31, $0xF;
	v2 =	vimm.f32 $0.0e+00;
	vm0 =	veq.s32 v1, v0  }
0x90: {  	v1 =	vsel vm0, s28, v2;
	s28 =	sand.u32 @!p0 $0x10, s2  }
0x91: {  	s26 =	simm.s32 $0x1;
	[tilespmem:s28+$0xC280] =	vst @!p0 v1;
	s28 =	simm.s32 $0xA2E0  }
.LBB2_2:
0x92: {  	v2 =	vld [tilespmem:s28+$0xFFFFFFE0];
	s29 =	smov.u32 s26  }
0x93: {  	s25 =	sadd.s32 $0x500, s25;
	v3 =	vld [tilespmem:s28+$0xFFFFFFF0]  }
0x94: {  	v4 =	vld [tilespmem:s25+$0x240]  }
0x95: {  	v5 =	vld [tilespmem:s25+$0x220]  }
0x96: {  	v6 =	vld [tilespmem:s25+$0x200]  }
0x97: {  	v7 =	vld [tilespmem:s25+$0x1E0]  }
0x98: {  	v8 =	vld [tilespmem:s25+$0x1C0]  }
0x99: {  	v9 =	vld [tilespmem:s25+$0x1A0]  }
0x9a: {  	v10 =	vld [tilespmem:s25+$0x180]  }
0x9b: {  	v11 =	vld [tilespmem:s25+$0x160]  }
0x9c: {  	v12 =	vld [tilespmem:s25+$0x140]  }
0x9d: {  	v13 =	vld [tilespmem:s25+$0x120]  }
0x9e: {  	v14 =	vld [tilespmem:s25+$0x100]  }
0x9f: {  	v15 =	vld [tilespmem:s25+$0xE0]  }
0xa0: {  	v16 =	vld [tilespmem:s25+$0xC0]  }
0xa1: {  	v17 =	vld [tilespmem:s25+$0xA0]  }
0xa2: {  	v18 =	vld [tilespmem:s25+$0x80]  }
0xa3: {  	v19 =	vld [tilespmem:s25+$0x60]  }
0xa4: {  	v20 =	vld [tilespmem:s25+$0x40]  }
0xa5: {  	v21 =	vld [tilespmem:s25+$0x20]  }
0xa6: {  	v22 =	vld [tilespmem:s25+$0x0]  }
0xa7: {  	v23 =	vld [tilespmem:s25+$0xFFFFFFE0]  }
0xa8: {  	v24 =	vld [tilespmem:s25+$0xFFFFFFC0]  }
0xa9: {  	v25 =	vld [tilespmem:s25+$0xFFFFFFA0]  }
0xaa: {  	v26 =	vld [tilespmem:s25+$0xFFFFFF80]  }
0xab: {  	v27 =	vld [tilespmem:s25+$0xFFFFFF60]  }
0xac: {  	v28 =	vld [tilespmem:s25+$0xFFFFFF40]  }
0xad: {  	v29 =	vld [tilespmem:s25+$0xFFFFFF20]  }
0xae: {  	v30 =	vld [tilespmem:s25+$0xFFFFFF00]  }
0xaf: {  	v31 =	vld [tilespmem:s25+$0xFFFFFEE0]  }
0xb0: {  	v32 =	vld [tilespmem:s25+$0xFFFFFEC0]  }
0xb1: {  	v33 =	vld [tilespmem:s25+$0xFFFFFEA0]  }
0xb2: {  	v34 =	vld [tilespmem:s25+$0xFFFFFE80]  }
0xb3: {  	v35 =	vld [tilespmem:s25+$0xFFFFFE60]  }
0xb4: {  	v36 =	vld [tilespmem:s25+$0xFFFFFE40]  }
0xb5: {  	v37 =	vld [tilespmem:s25+$0xFFFFFE20]  }
0xb6: {  	v38 =	vld [tilespmem:s25+$0xFFFFFDB0]  }
0xb7: {  	v39 =	vld [tilespmem:s25+$0xFFFFFE00]  }
0xb8: {  	v40 =	vld [tilespmem:s25+$0xFFFFFDA0]  }
0xb9: {  	v41 =	vld [tilespmem:s25+$0xFFFFFDC0]  }
0xba: {  	v42 =	vld [tilespmem:s25+$0xFFFFFD80]  }
0xbb: {  	v43 =	vld [tilespmem:s25+$0xFFFFFD90]  }
0xbc: {  	s26 =	sadd.s32 $0x1, s26;
	v44 =	vld [tilespmem:s25+$0xFFFFFDD0]  }
0xbd: {  	p0 =	sne.s32 s26, $0x20;
	v45 =	vld [tilespmem:s25+$0xFFFFFDE0]  }
0xbe: {  	v46 =	vld [tilespmem:s25+$0xFFFFFE10]  }
0xbf: {  	v47 =	vld [tilespmem:s25+$0xFFFFFDF0]  }
0xc0: {  	v48 =	vld [tilespmem:s25+$0xFFFFFE50]  }
0xc1: {  	v41 =	vadd.f32 v41, v42;
	v42 =	vadd.f32 v44, v43;
	v43 =	vld [tilespmem:s25+$0xFFFFFE30]  }
0xc2: {  	v44 =	vld [tilespmem:s25+$0xFFFFFE90];
	v40 =	vadd.f32 v45, v40  }
0xc3: {  	v39 =	vadd.f32 v39, v41;
	v41 =	vadd.f32 v46, v42;
	v42 =	vld [tilespmem:s25+$0xFFFFFE70]  }
0xc4: {  	v45 =	vld [tilespmem:s25+$0xFFFFFED0];
	v37 =	vadd.f32 v37, v40;
	v38 =	vadd.f32 v47, v38  }
0xc5: {  	v36 =	vadd.f32 v36, v39;
	v39 =	vadd.f32 v48, v41;
	v40 =	vld [tilespmem:s25+$0xFFFFFEB0]  }
0xc6: {  	v41 =	vld [tilespmem:s25+$0xFFFFFF10];
	v35 =	vadd.f32 v35, v37;
	v37 =	vadd.f32 v43, v38  }
0xc7: {  	v34 =	vadd.f32 v34, v36;
	v36 =	vadd.f32 v44, v39;
	v38 =	vld [tilespmem:s25+$0xFFFFFEF0]  }
0xc8: {  	v39 =	vld [tilespmem:s25+$0xFFFFFF50];
	v33 =	vadd.f32 v33, v35;
	v35 =	vadd.f32 v42, v37  }
0xc9: {  	v32 =	vadd.f32 v32, v34;
	v34 =	vadd.f32 v45, v36;
	v36 =	vld [tilespmem:s25+$0xFFFFFF30]  }
0xca: {  	v37 =	vld [tilespmem:s25+$0xFFFFFF90];
	v31 =	vadd.f32 v31, v33;
	v33 =	vadd.f32 v40, v35  }
0xcb: {  	v30 =	vadd.f32 v30, v32;
	v32 =	vadd.f32 v41, v34;
	v34 =	vld [tilespmem:s25+$0xFFFFFF70]  }
0xcc: {  	v35 =	vld [tilespmem:s25+$0xFFFFFFD0];
	v29 =	vadd.f32 v29, v31;
	v31 =	vadd.f32 v38, v33  }
0xcd: {  	v28 =	vadd.f32 v28, v30;
	v30 =	vadd.f32 v39, v32;
	v32 =	vld [tilespmem:s25+$0xFFFFFFB0]  }
0xce: {  	v33 =	vld [tilespmem:s25+$0x10];
	v27 =	vadd.f32 v27, v29;
	v29 =	vadd.f32 v36, v31  }
0xcf: {  	v26 =	vadd.f32 v26, v28;
	v28 =	vadd.f32 v37, v30;
	v30 =	vld [tilespmem:s25+$0xFFFFFFF0]  }
0xd0: {  	v31 =	vld [tilespmem:s25+$0x50];
	v25 =	vadd.f32 v25, v27;
	v27 =	vadd.f32 v34, v29  }
0xd1: {  	v24 =	vadd.f32 v24, v26;
	v26 =	vadd.f32 v35, v28;
	v28 =	vld [tilespmem:s25+$0x30]  }
0xd2: {  	v29 =	vld [tilespmem:s25+$0x90];
	v23 =	vadd.f32 v23, v25;
	v25 =	vadd.f32 v32, v27  }
0xd3: {  	v22 =	vadd.f32 v22, v24;
	v24 =	vadd.f32 v33, v26;
	v26 =	vld [tilespmem:s25+$0x70]  }
0xd4: {  	v27 =	vld [tilespmem:s25+$0xD0];
	v21 =	vadd.f32 v21, v23;
	v23 =	vadd.f32 v30, v25  }
0xd5: {  	v20 =	vadd.f32 v20, v22;
	v22 =	vadd.f32 v31, v24;
	v24 =	vld [tilespmem:s25+$0xB0]  }
0xd6: {  	v25 =	vld [tilespmem:s25+$0x110];
	v19 =	vadd.f32 v19, v21;
	v21 =	vadd.f32 v28, v23  }
0xd7: {  	v18 =	vadd.f32 v18, v20;
	v20 =	vadd.f32 v29, v22;
	v22 =	vld [tilespmem:s25+$0xF0]  }
0xd8: {  	v23 =	vld [tilespmem:s25+$0x150];
	v17 =	vadd.f32 v17, v19;
	v19 =	vadd.f32 v26, v21  }
0xd9: {  	v16 =	vadd.f32 v16, v18;
	v18 =	vadd.f32 v27, v20;
	v20 =	vld [tilespmem:s25+$0x130]  }
0xda: {  	v21 =	vld [tilespmem:s25+$0x190];
	v15 =	vadd.f32 v15, v17;
	v17 =	vadd.f32 v24, v19  }
0xdb: {  	v14 =	vadd.f32 v14, v16;
	v16 =	vadd.f32 v25, v18;
	v18 =	vld [tilespmem:s25+$0x170]  }
0xdc: {  	v19 =	vld [tilespmem:s25+$0x1D0];
	v13 =	vadd.f32 v13, v15;
	v15 =	vadd.f32 v22, v17  }
0xdd: {  	v12 =	vadd.f32 v12, v14;
	v14 =	vadd.f32 v23, v16;
	v16 =	vld [tilespmem:s25+$0x1B0]  }
0xde: {  	v17 =	vld [tilespmem:s25+$0x210];
	v11 =	vadd.f32 v11, v13;
	v13 =	vadd.f32 v20, v15  }
0xdf: {  	v10 =	vadd.f32 v10, v12;
	v12 =	vadd.f32 v21, v14;
	v14 =	vld [tilespmem:s25+$0x1F0]  }
0xe0: {  	v15 =	vld [tilespmem:s25+$0x250];
	v9 =	vadd.f32 v9, v11;
	v11 =	vadd.f32 v18, v13  }
0xe1: {  	v8 =	vadd.f32 v8, v10;
	v10 =	vadd.f32 v19, v12;
	v12 =	vld [tilespmem:s25+$0x230]  }
0xe2: {  	v7 =	vadd.f32 v7, v9;
	v9 =	vld [tilespmem:s25+$0x260];
	v11 =	vadd.f32 v16, v11  }
0xe3: {  	v6 =	vadd.f32 v6, v8;
	v8 =	vadd.f32 v17, v10;
	v10 =	vld [tilespmem:s28+$0x0]  }
0xe4: {  	v5 =	vadd.f32 v5, v7;
	v7 =	vadd.f32 v14, v11;
	v11 =	vld [tilespmem:s25+$0x270]  }
0xe5: {  	v4 =	vadd.f32 v4, v6;
	v6 =	vadd.f32 v15, v8  }
0xe6: {  	v7 =	vadd.f32 v12, v7;
	v8 =	vld [tilespmem:s28+$0x10]  }
0xe7: {  	v2 =	vmul.f32 v2, v4;
	v3 =	vmul.f32 v3, v6;
	v4 =	vadd.f32 v9, v5;
	_ =	sdelay $0x1  }
0xe8: {  	v2 =	vadd.f32 v3, v2;
	v3 =	vmul.f32 v10, v4;
	v4 =	vadd.f32 v11, v7;
	_ =	sdelay $0x1  }
0xe9: {  	v2 =	vadd.f32 v3, v2;
	v3 =	vmul.f32 v8, v4;
	_ =	sdelay $0x1  }
0xea: {  	v2 =	vadd.f32 v3, v2;
	_ =	sdelay $0x1  }
0xeb: {  	(xrf2) =	vadd.scan.msk.f32 $0xffff, v2;
	_ =	sdelay $0x9  }
0xec: {  	v2, _, _ =	vpop (xrf2)  }
0xed: {  	(v2sf) =	vpush v2, $0xF;
	_ =	sdelay $0xe  }
.Ltmp0:
0xee: {  	s30 =	sand.u32 $0xF, s29;
	s31 =	spop (v2sf);
	(pc) =	sbr.rel @p0 .LBB2_2-.Ltmp0, $4  }
0xef: {  	v2 =	vmov s30;
	s31 =	smul.f32 $5.000000070e-02, s31  }
0xf0: {  	p1 =	sne.s32 s30, $0xF;
	vm0 =	veq.s32 v2, v0  }
0xf1: {  	s29 =	sand.u32 @!p1 $0x10, s29;
	v1 =	vsel vm0, s31, v1  }
0xf2: {  	s28 =	sadd.s32 $0x40, s28;
	[tilespmem:s29+$0xC280] =	vst @!p1 v1  }
0xf3: {  	s26 =	simm.s32 $0x0  }
0xf4: {  	[tilespmem:s26], [sflag:$0x2] =	stream.linear.gather [hbm4b:s6+s26], $0x280, $0x38;
	[tilespmem:$0xC300] =	vst v63  }
0xf5: {  	_ =	swait.ge [sflag:s12], $0x280  }
0xf6: {  	[sflag:s12] =	ssyncset.done $0x0  }
0xf7: {  	[sflag:s12] =	ssyncadd.s32 $0xFFFFFD80  }
0xf8: {  	[tilespmem:s14], [sflag:$0x1] =	stream.indirect.gather [hbm4b:s3+s13], $0x40, s26, s13, $0xb8;
	[tilespmem:$0xC300] =	vst v63  }
0xf9: {  	_ = 	snop  }
0xfa: {  	[tilespmem:s15], [sflag:$0x1] =	stream.indirect.gather [hbm4b:s3+s13], $0x40, s13, s13, $0xb8;
	[tilespmem:$0xC300] =	vst v63  }
0xfb: {  	_ = 	snop  }
0xfc: {  	[tilespmem:s17], [sflag:$0x1] =	stream.indirect.gather [hbm4b:s3+s13], $0x40, s16, s13, $0xb8;
	[tilespmem:$0xC300] =	vst v63  }
0xfd: {  	_ = 	snop  }
0xfe: {  	[tilespmem:s19], [sflag:$0x1] =	stream.indirect.gather [hbm4b:s3+s13], $0x40, s18, s13, $0xb8;
	[tilespmem:$0xC300] =	vst v63  }
0xff: {  	_ = 	snop  }
0x100: {  	[tilespmem:s21], [sflag:$0x1] =	stream.indirect.gather [hbm4b:s3+s13], $0x40, s20, s13, $0xb8;
	[tilespmem:$0xC300] =	vst v63  }
0x101: {  	_ =	swait.ge [sflag:s22], $0x2000  }
0x102: {  	[sflag:s22] =	ssyncset.done $0x0  }
0x103: {  	[sflag:s22] =	ssyncadd.s32 $0xFFFFE000  }
0x104: {  	_ =	swait.ge [sflag:s22], $0x2000  }
0x105: {  	[sflag:s22] =	ssyncset.done $0x0  }
0x106: {  	[sflag:s22] =	ssyncadd.s32 $0xFFFFE000  }
0x107: {  	_ =	swait.ge [sflag:s22], $0x2000  }
0x108: {  	[sflag:s22] =	ssyncset.done $0x0  }
0x109: {  	[sflag:s22] =	ssyncadd.s32 $0xFFFFE000  }
0x10a: {  	_ =	swait.ge [sflag:s22], $0x2000  }
0x10b: {  	[sflag:s22] =	ssyncset.done $0x0  }
0x10c: {  	[sflag:s22] =	ssyncadd.s32 $0xFFFFE000  }
0x10d: {  	_ =	swait.ge [sflag:s22], $0x2000  }
0x10e: {  	[sflag:s22] =	ssyncset.done $0x0  }
0x10f: {  	s28 =	simm.s32 $0xAAB0;
	[sflag:s22] =	ssyncadd.s32 $0xFFFFE000  }
0x110: {  	v1 =	vld [tilespmem:s28+$0xFFFFFFD0]  }
0x111: {  	s25 =	simm.s32 $0x500;
	v2 =	vld [tilespmem:s28+$0xFFFFFFE0]  }
0x112: {  	v3 =	vld [tilespmem:s25+$0x240]  }
0x113: {  	v4 =	vld [tilespmem:s25+$0x220]  }
0x114: {  	v5 =	vld [tilespmem:s25+$0x200]  }
0x115: {  	v6 =	vld [tilespmem:s25+$0x1E0]  }
0x116: {  	v7 =	vld [tilespmem:s25+$0x1C0]  }
0x117: {  	v8 =	vld [tilespmem:s25+$0x1A0]  }
0x118: {  	v9 =	vld [tilespmem:s25+$0x180]  }
0x119: {  	v10 =	vld [tilespmem:s25+$0x160]  }
0x11a: {  	v11 =	vld [tilespmem:s25+$0x140]  }
0x11b: {  	v12 =	vld [tilespmem:s25+$0x120]  }
0x11c: {  	v13 =	vld [tilespmem:s25+$0x100]  }
0x11d: {  	v14 =	vld [tilespmem:s25+$0xE0]  }
0x11e: {  	v15 =	vld [tilespmem:s25+$0xC0]  }
0x11f: {  	v16 =	vld [tilespmem:s25+$0xA0]  }
0x120: {  	v17 =	vld [tilespmem:s25+$0x80]  }
0x121: {  	v18 =	vld [tilespmem:s25+$0x60]  }
0x122: {  	v19 =	vld [tilespmem:s25+$0x40]  }
0x123: {  	v20 =	vld [tilespmem:s25+$0x20]  }
0x124: {  	v21 =	vld [tilespmem:s25+$0x0]  }
0x125: {  	v22 =	vld [tilespmem:s25+$0xFFFFFFE0]  }
0x126: {  	v23 =	vld [tilespmem:s25+$0xFFFFFFC0]  }
0x127: {  	v24 =	vld [tilespmem:s25+$0xFFFFFFA0]  }
0x128: {  	v25 =	vld [tilespmem:s25+$0xFFFFFF80]  }
0x129: {  	v26 =	vld [tilespmem:s25+$0xFFFFFF60]  }
0x12a: {  	v27 =	vld [tilespmem:s25+$0xFFFFFF40]  }
0x12b: {  	v28 =	vld [tilespmem:s25+$0xFFFFFF20]  }
0x12c: {  	v29 =	vld [tilespmem:s25+$0xFFFFFF00]  }
0x12d: {  	v30 =	vld [tilespmem:s25+$0xFFFFFEE0]  }
0x12e: {  	v31 =	vld [tilespmem:s25+$0xFFFFFEC0]  }
0x12f: {  	v32 =	vld [tilespmem:s25+$0xFFFFFEA0]  }
0x130: {  	v33 =	vld [tilespmem:s25+$0xFFFFFE80]  }
0x131: {  	v34 =	vld [tilespmem:s25+$0xFFFFFE60]  }
0x132: {  	v35 =	vld [tilespmem:s25+$0xFFFFFE40]  }
0x133: {  	v36 =	vld [tilespmem:s25+$0xFFFFFE20]  }
0x134: {  	v37 =	vld [tilespmem:s25+$0xFFFFFDB0]  }
0x135: {  	v38 =	vld [tilespmem:s25+$0xFFFFFE00]  }
0x136: {  	v39 =	vld [tilespmem:s25+$0xFFFFFDA0]  }
0x137: {  	v40 =	vld [tilespmem:s25+$0xFFFFFDC0]  }
0x138: {  	v41 =	vld [tilespmem:s25+$0xFFFFFD80]  }
0x139: {  	v42 =	vld [tilespmem:s25+$0xFFFFFD90]  }
0x13a: {  	v43 =	vld [tilespmem:s25+$0xFFFFFDD0]  }
0x13b: {  	v44 =	vld [tilespmem:s25+$0xFFFFFDE0]  }
0x13c: {  	v45 =	vld [tilespmem:s25+$0xFFFFFE10]  }
0x13d: {  	v46 =	vld [tilespmem:s25+$0xFFFFFDF0]  }
0x13e: {  	v47 =	vld [tilespmem:s25+$0xFFFFFE50]  }
0x13f: {  	v51 =	vld [tilespmem:s25+$0xFFFFFE30];
	v40 =	vadd.f32 v40, v41;
	v50 =	vadd.f32 v43, v42  }
0x140: {  	v52 =	vld [tilespmem:s25+$0xFFFFFE90];
	v39 =	vadd.f32 v44, v39  }
0x141: {  	v54 =	vld [tilespmem:s25+$0xFFFFFE70];
	v38 =	vadd.f32 v38, v40;
	v53 =	vadd.f32 v45, v50  }
0x142: {  	v55 =	vld [tilespmem:s25+$0xFFFFFED0];
	v37 =	vadd.f32 v46, v37;
	v36 =	vadd.f32 v36, v39  }
0x143: {  	v57 =	vld [tilespmem:s25+$0xFFFFFEB0];
	v35 =	vadd.f32 v35, v38;
	v56 =	vadd.f32 v47, v53  }
0x144: {  	v58 =	vld [tilespmem:s25+$0xFFFFFF10];
	v59 =	vadd.f32 v51, v37;
	v34 =	vadd.f32 v34, v36  }
0x145: {  	v61 =	vld [tilespmem:s25+$0xFFFFFEF0];
	v33 =	vadd.f32 v33, v35;
	v60 =	vadd.f32 v52, v56  }
0x146: {  	v62 =	vld [tilespmem:s25+$0xFFFFFF50];
	v63 =	vadd.f32 v54, v59;
	v32 =	vadd.f32 v32, v34  }
0x147: {  	v42 =	vld [tilespmem:s25+$0xFFFFFF30];
	v31 =	vadd.f32 v31, v33;
	v41 =	vadd.f32 v55, v60  }
0x148: {  	v43 =	vld [tilespmem:s25+$0xFFFFFF90];
	v44 =	vadd.f32 v57, v63;
	v30 =	vadd.f32 v30, v32  }
0x149: {  	v46 =	vld [tilespmem:s25+$0xFFFFFF70];
	v29 =	vadd.f32 v29, v31;
	v45 =	vadd.f32 v58, v41  }
0x14a: {  	v47 =	vld [tilespmem:s25+$0xFFFFFFD0];
	v48 =	vadd.f32 v61, v44;
	v28 =	vadd.f32 v28, v30  }
0x14b: {  	v50 =	vld [tilespmem:s25+$0xFFFFFFB0];
	v27 =	vadd.f32 v27, v29;
	v49 =	vadd.f32 v62, v45  }
0x14c: {  	v51 =	vld [tilespmem:s25+$0x10];
	v52 =	vadd.f32 v42, v48;
	v26 =	vadd.f32 v26, v28  }
0x14d: {  	v54 =	vld [tilespmem:s25+$0xFFFFFFF0];
	v25 =	vadd.f32 v25, v27;
	v53 =	vadd.f32 v43, v49  }
0x14e: {  	v55 =	vld [tilespmem:s25+$0x50];
	v56 =	vadd.f32 v46, v52;
	v24 =	vadd.f32 v24, v26  }
0x14f: {  	v58 =	vld [tilespmem:s25+$0x30];
	v23 =	vadd.f32 v23, v25;
	v57 =	vadd.f32 v47, v53  }
0x150: {  	v59 =	vld [tilespmem:s25+$0x90];
	v60 =	vadd.f32 v50, v56;
	v22 =	vadd.f32 v22, v24  }
0x151: {  	v62 =	vld [tilespmem:s25+$0x70];
	v21 =	vadd.f32 v21, v23;
	v61 =	vadd.f32 v51, v57  }
0x152: {  	v63 =	vld [tilespmem:s25+$0xD0];
	v29 =	vadd.f32 v54, v60;
	v20 =	vadd.f32 v20, v22  }
0x153: {  	v32 =	vld [tilespmem:s25+$0xB0];
	v19 =	vadd.f32 v19, v21;
	v31 =	vadd.f32 v55, v61  }
0x154: {  	v33 =	vld [tilespmem:s25+$0x110];
	v34 =	vadd.f32 v58, v29;
	v18 =	vadd.f32 v18, v20  }
0x155: {  	v36 =	vld [tilespmem:s25+$0xF0];
	v17 =	vadd.f32 v17, v19;
	v35 =	vadd.f32 v59, v31  }
0x156: {  	v37 =	vld [tilespmem:s25+$0x150];
	v38 =	vadd.f32 v62, v34;
	v16 =	vadd.f32 v16, v18  }
0x157: {  	v40 =	vld [tilespmem:s25+$0x130];
	v15 =	vadd.f32 v15, v17;
	v39 =	vadd.f32 v63, v35  }
0x158: {  	v41 =	vld [tilespmem:s25+$0x190];
	v42 =	vadd.f32 v32, v38;
	v14 =	vadd.f32 v14, v16  }
0x159: {  	v44 =	vld [tilespmem:s25+$0x170];
	v13 =	vadd.f32 v13, v15;
	v43 =	vadd.f32 v33, v39  }
0x15a: {  	v45 =	vld [tilespmem:s25+$0x1D0];
	v46 =	vadd.f32 v36, v42;
	v12 =	vadd.f32 v12, v14  }
0x15b: {  	v48 =	vld [tilespmem:s25+$0x1B0];
	v11 =	vadd.f32 v11, v13;
	v47 =	vadd.f32 v37, v43  }
0x15c: {  	v49 =	vld [tilespmem:s25+$0x210];
	v50 =	vadd.f32 v40, v46;
	v10 =	vadd.f32 v10, v12  }
0x15d: {  	v52 =	vld [tilespmem:s25+$0x1F0];
	v9 =	vadd.f32 v9, v11;
	v51 =	vadd.f32 v41, v47  }
0x15e: {  	v53 =	vld [tilespmem:s25+$0x250];
	v54 =	vadd.f32 v44, v50;
	v8 =	vadd.f32 v8, v10  }
0x15f: {  	v56 =	vld [tilespmem:s25+$0x230];
	v7 =	vadd.f32 v7, v9;
	v55 =	vadd.f32 v45, v51  }
0x160: {  	v57 =	vld [tilespmem:s25+$0x260];
	v10 =	vadd.f32 v48, v54;
	v6 =	vadd.f32 v6, v8  }
0x161: {  	v61 =	vld [tilespmem:s25+$0x270];
	v5 =	vadd.f32 v5, v7;
	v58 =	vadd.f32 v49, v55  }
0x162: {  	v59 =	vld [tilespmem:s28+$0xFFFFFFF0];
	v60 =	vadd.f32 v52, v10;
	v4 =	vadd.f32 v4, v6  }
0x163: {  	v3 =	vadd.f32 v3, v5;
	v62 =	vadd.f32 v53, v58  }
0x164: {  	v63 =	vld [tilespmem:s28+$0x0];
	v6 =	vadd.f32 v56, v60  }
0x165: {  	v1 =	vmul.f32 v1, v3;
	v2 =	vmul.f32 v2, v62;
	v3 =	vadd.f32 v57, v4;
	_ =	sdelay $0x1  }
0x166: {  	v1 =	vadd.f32 v2, v1;
	v2 =	vmul.f32 v59, v3;
	v3 =	vadd.f32 v61, v6;
	_ =	sdelay $0x1  }
0x167: {  	v1 =	vadd.f32 v2, v1;
	v2 =	vmul.f32 v63, v3;
	_ =	sdelay $0x1  }
0x168: {  	v1 =	vadd.f32 v2, v1;
	_ =	sdelay $0x1  }
0x169: {  	(xrf2) =	vadd.scan.msk.f32 $0xffff, v1;
	_ =	sdelay $0x9  }
0x16a: {  	v1, _, _ =	vpop (xrf2)  }
0x16b: {  	(v2sf) =	vpush v1, $0xF;
	_ =	sdelay $0xe  }
0x16c: {  	s28 =	sand.u32 $0xF, s26;
	s29 =	spop (v2sf)  }
0x16d: {  	v1 =	vmov s28;
	s29 =	smul.f32 $5.000000070e-02, s29  }
0x16e: {  	p0 =	sne.s32 s28, $0xF;
	v2 =	vimm.f32 $0.0e+00;
	vm0 =	veq.s32 v1, v0  }
0x16f: {  	s28 =	sand.u32 @!p0 $0x10, s26;
	v1 =	vsel vm0, s29, v2  }
0x170: {  	s26 =	simm.s32 $0x1;
	[tilespmem:s28+$0xC2A0] =	vst @!p0 v1;
	s28 =	simm.s32 $0xAAF0  }
.LBB2_4:
0x171: {  	v2 =	vld [tilespmem:s28+$0xFFFFFFD0];
	s29 =	smov.u32 s26  }
0x172: {  	s25 =	sadd.s32 $0x500, s25;
	v3 =	vld [tilespmem:s28+$0xFFFFFFE0]  }
0x173: {  	v4 =	vld [tilespmem:s25+$0x240]  }
0x174: {  	v5 =	vld [tilespmem:s25+$0x220]  }
0x175: {  	v6 =	vld [tilespmem:s25+$0x200]  }
0x176: {  	v7 =	vld [tilespmem:s25+$0x1E0]  }
0x177: {  	v8 =	vld [tilespmem:s25+$0x1C0]  }
0x178: {  	v9 =	vld [tilespmem:s25+$0x1A0]  }
0x179: {  	v10 =	vld [tilespmem:s25+$0x180]  }
0x17a: {  	v11 =	vld [tilespmem:s25+$0x160]  }
0x17b: {  	v12 =	vld [tilespmem:s25+$0x140]  }
0x17c: {  	v13 =	vld [tilespmem:s25+$0x120]  }
0x17d: {  	v14 =	vld [tilespmem:s25+$0x100]  }
0x17e: {  	v15 =	vld [tilespmem:s25+$0xE0]  }
0x17f: {  	v16 =	vld [tilespmem:s25+$0xC0]  }
0x180: {  	v17 =	vld [tilespmem:s25+$0xA0]  }
0x181: {  	v18 =	vld [tilespmem:s25+$0x80]  }
0x182: {  	v19 =	vld [tilespmem:s25+$0x60]  }
0x183: {  	v20 =	vld [tilespmem:s25+$0x40]  }
0x184: {  	v21 =	vld [tilespmem:s25+$0x20]  }
0x185: {  	v22 =	vld [tilespmem:s25+$0x0]  }
0x186: {  	v23 =	vld [tilespmem:s25+$0xFFFFFFE0]  }
0x187: {  	v24 =	vld [tilespmem:s25+$0xFFFFFFC0]  }
0x188: {  	v25 =	vld [tilespmem:s25+$0xFFFFFFA0]  }
0x189: {  	v26 =	vld [tilespmem:s25+$0xFFFFFF80]  }
0x18a: {  	v27 =	vld [tilespmem:s25+$0xFFFFFF60]  }
0x18b: {  	v28 =	vld [tilespmem:s25+$0xFFFFFF40]  }
0x18c: {  	v29 =	vld [tilespmem:s25+$0xFFFFFF20]  }
0x18d: {  	v30 =	vld [tilespmem:s25+$0xFFFFFF00]  }
0x18e: {  	v31 =	vld [tilespmem:s25+$0xFFFFFEE0]  }
0x18f: {  	v32 =	vld [tilespmem:s25+$0xFFFFFEC0]  }
0x190: {  	v33 =	vld [tilespmem:s25+$0xFFFFFEA0]  }
0x191: {  	v34 =	vld [tilespmem:s25+$0xFFFFFE80]  }
0x192: {  	v35 =	vld [tilespmem:s25+$0xFFFFFE60]  }
0x193: {  	v36 =	vld [tilespmem:s25+$0xFFFFFE40]  }
0x194: {  	v37 =	vld [tilespmem:s25+$0xFFFFFE20]  }
0x195: {  	v38 =	vld [tilespmem:s25+$0xFFFFFDB0]  }
0x196: {  	v39 =	vld [tilespmem:s25+$0xFFFFFE00]  }
0x197: {  	v40 =	vld [tilespmem:s25+$0xFFFFFDA0]  }
0x198: {  	v41 =	vld [tilespmem:s25+$0xFFFFFDC0]  }
0x199: {  	v42 =	vld [tilespmem:s25+$0xFFFFFD80]  }
0x19a: {  	v43 =	vld [tilespmem:s25+$0xFFFFFD90]  }
0x19b: {  	s26 =	sadd.s32 $0x1, s26;
	v44 =	vld [tilespmem:s25+$0xFFFFFDD0]  }
0x19c: {  	p0 =	sne.s32 s26, $0x20;
	v45 =	vld [tilespmem:s25+$0xFFFFFDE0]  }
0x19d: {  	v46 =	vld [tilespmem:s25+$0xFFFFFE10]  }
0x19e: {  	v47 =	vld [tilespmem:s25+$0xFFFFFDF0]  }
0x19f: {  	v48 =	vld [tilespmem:s25+$0xFFFFFE50]  }
0x1a0: {  	v41 =	vadd.f32 v41, v42;
	v42 =	vadd.f32 v44, v43;
	v43 =	vld [tilespmem:s25+$0xFFFFFE30]  }
0x1a1: {  	v44 =	vld [tilespmem:s25+$0xFFFFFE90];
	v40 =	vadd.f32 v45, v40  }
0x1a2: {  	v39 =	vadd.f32 v39, v41;
	v41 =	vadd.f32 v46, v42;
	v42 =	vld [tilespmem:s25+$0xFFFFFE70]  }
0x1a3: {  	v45 =	vld [tilespmem:s25+$0xFFFFFED0];
	v37 =	vadd.f32 v37, v40;
	v38 =	vadd.f32 v47, v38  }
0x1a4: {  	v36 =	vadd.f32 v36, v39;
	v39 =	vadd.f32 v48, v41;
	v40 =	vld [tilespmem:s25+$0xFFFFFEB0]  }
0x1a5: {  	v41 =	vld [tilespmem:s25+$0xFFFFFF10];
	v35 =	vadd.f32 v35, v37;
	v37 =	vadd.f32 v43, v38  }
0x1a6: {  	v34 =	vadd.f32 v34, v36;
	v36 =	vadd.f32 v44, v39;
	v38 =	vld [tilespmem:s25+$0xFFFFFEF0]  }
0x1a7: {  	v39 =	vld [tilespmem:s25+$0xFFFFFF50];
	v33 =	vadd.f32 v33, v35;
	v35 =	vadd.f32 v42, v37  }
0x1a8: {  	v32 =	vadd.f32 v32, v34;
	v34 =	vadd.f32 v45, v36;
	v36 =	vld [tilespmem:s25+$0xFFFFFF30]  }
0x1a9: {  	v37 =	vld [tilespmem:s25+$0xFFFFFF90];
	v31 =	vadd.f32 v31, v33;
	v33 =	vadd.f32 v40, v35  }
0x1aa: {  	v30 =	vadd.f32 v30, v32;
	v32 =	vadd.f32 v41, v34;
	v34 =	vld [tilespmem:s25+$0xFFFFFF70]  }
0x1ab: {  	v35 =	vld [tilespmem:s25+$0xFFFFFFD0];
	v29 =	vadd.f32 v29, v31;
	v31 =	vadd.f32 v38, v33  }
0x1ac: {  	v28 =	vadd.f32 v28, v30;
	v30 =	vadd.f32 v39, v32;
	v32 =	vld [tilespmem:s25+$0xFFFFFFB0]  }
0x1ad: {  	v33 =	vld [tilespmem:s25+$0x10];
	v27 =	vadd.f32 v27, v29;
	v29 =	vadd.f32 v36, v31  }
0x1ae: {  	v26 =	vadd.f32 v26, v28;
	v28 =	vadd.f32 v37, v30;
	v30 =	vld [tilespmem:s25+$0xFFFFFFF0]  }
0x1af: {  	v31 =	vld [tilespmem:s25+$0x50];
	v25 =	vadd.f32 v25, v27;
	v27 =	vadd.f32 v34, v29  }
0x1b0: {  	v24 =	vadd.f32 v24, v26;
	v26 =	vadd.f32 v35, v28;
	v28 =	vld [tilespmem:s25+$0x30]  }
0x1b1: {  	v29 =	vld [tilespmem:s25+$0x90];
	v23 =	vadd.f32 v23, v25;
	v25 =	vadd.f32 v32, v27  }
0x1b2: {  	v22 =	vadd.f32 v22, v24;
	v24 =	vadd.f32 v33, v26;
	v26 =	vld [tilespmem:s25+$0x70]  }
0x1b3: {  	v27 =	vld [tilespmem:s25+$0xD0];
	v21 =	vadd.f32 v21, v23;
	v23 =	vadd.f32 v30, v25  }
0x1b4: {  	v20 =	vadd.f32 v20, v22;
	v22 =	vadd.f32 v31, v24;
	v24 =	vld [tilespmem:s25+$0xB0]  }
0x1b5: {  	v25 =	vld [tilespmem:s25+$0x110];
	v19 =	vadd.f32 v19, v21;
	v21 =	vadd.f32 v28, v23  }
0x1b6: {  	v18 =	vadd.f32 v18, v20;
	v20 =	vadd.f32 v29, v22;
	v22 =	vld [tilespmem:s25+$0xF0]  }
0x1b7: {  	v23 =	vld [tilespmem:s25+$0x150];
	v17 =	vadd.f32 v17, v19;
	v19 =	vadd.f32 v26, v21  }
0x1b8: {  	v16 =	vadd.f32 v16, v18;
	v18 =	vadd.f32 v27, v20;
	v20 =	vld [tilespmem:s25+$0x130]  }
0x1b9: {  	v21 =	vld [tilespmem:s25+$0x190];
	v15 =	vadd.f32 v15, v17;
	v17 =	vadd.f32 v24, v19  }
0x1ba: {  	v14 =	vadd.f32 v14, v16;
	v16 =	vadd.f32 v25, v18;
	v18 =	vld [tilespmem:s25+$0x170]  }
0x1bb: {  	v19 =	vld [tilespmem:s25+$0x1D0];
	v13 =	vadd.f32 v13, v15;
	v15 =	vadd.f32 v22, v17  }
0x1bc: {  	v12 =	vadd.f32 v12, v14;
	v14 =	vadd.f32 v23, v16;
	v16 =	vld [tilespmem:s25+$0x1B0]  }
0x1bd: {  	v17 =	vld [tilespmem:s25+$0x210];
	v11 =	vadd.f32 v11, v13;
	v13 =	vadd.f32 v20, v15  }
0x1be: {  	v10 =	vadd.f32 v10, v12;
	v12 =	vadd.f32 v21, v14;
	v14 =	vld [tilespmem:s25+$0x1F0]  }
0x1bf: {  	v15 =	vld [tilespmem:s25+$0x250];
	v9 =	vadd.f32 v9, v11;
	v11 =	vadd.f32 v18, v13  }
0x1c0: {  	v8 =	vadd.f32 v8, v10;
	v10 =	vadd.f32 v19, v12;
	v12 =	vld [tilespmem:s25+$0x230]  }
0x1c1: {  	v7 =	vadd.f32 v7, v9;
	v9 =	vld [tilespmem:s25+$0x260];
	v11 =	vadd.f32 v16, v11  }
0x1c2: {  	v6 =	vadd.f32 v6, v8;
	v8 =	vadd.f32 v17, v10;
	v10 =	vld [tilespmem:s28+$0xFFFFFFF0]  }
0x1c3: {  	v5 =	vadd.f32 v5, v7;
	v7 =	vadd.f32 v14, v11;
	v11 =	vld [tilespmem:s25+$0x270]  }
0x1c4: {  	v4 =	vadd.f32 v4, v6;
	v6 =	vadd.f32 v15, v8  }
0x1c5: {  	v7 =	vadd.f32 v12, v7;
	v8 =	vld [tilespmem:s28+$0x0]  }
0x1c6: {  	v2 =	vmul.f32 v2, v4;
	v3 =	vmul.f32 v3, v6;
	v4 =	vadd.f32 v9, v5;
	_ =	sdelay $0x1  }
0x1c7: {  	v2 =	vadd.f32 v3, v2;
	v3 =	vmul.f32 v10, v4;
	v4 =	vadd.f32 v11, v7;
	_ =	sdelay $0x1  }
0x1c8: {  	v2 =	vadd.f32 v3, v2;
	v3 =	vmul.f32 v8, v4;
	_ =	sdelay $0x1  }
0x1c9: {  	v2 =	vadd.f32 v3, v2;
	_ =	sdelay $0x1  }
0x1ca: {  	(xrf2) =	vadd.scan.msk.f32 $0xffff, v2;
	_ =	sdelay $0x9  }
0x1cb: {  	v2, _, _ =	vpop (xrf2)  }
0x1cc: {  	(v2sf) =	vpush v2, $0xF;
	_ =	sdelay $0xe  }
.Ltmp1:
0x1cd: {  	s30 =	sand.u32 $0xF, s29;
	s31 =	spop (v2sf);
	(pc) =	sbr.rel @p0 .LBB2_4-.Ltmp1, $4  }
0x1ce: {  	v2 =	vmov s30;
	s31 =	smul.f32 $5.000000070e-02, s31  }
0x1cf: {  	p1 =	sne.s32 s30, $0xF;
	vm0 =	veq.s32 v2, v0  }
0x1d0: {  	s29 =	sand.u32 @!p1 $0x10, s29;
	v1 =	vsel vm0, s31, v1  }
0x1d1: {  	s28 =	sadd.s32 $0x40, s28;
	[tilespmem:s29+$0xC2A0] =	vst @!p1 v1  }
0x1d2: {  	s26 =	simm.s32 $0x0  }
0x1d3: {  	[tilespmem:s26], [sflag:$0x2] =	stream.linear.gather [hbm4b:s7+s26], $0x280, $0x38;
	[tilespmem:$0xC300] =	vst v63  }
0x1d4: {  	_ =	swait.ge [sflag:s12], $0x280  }
0x1d5: {  	[sflag:s12] =	ssyncset.done $0x0  }
0x1d6: {  	[sflag:s12] =	ssyncadd.s32 $0xFFFFFD80  }
0x1d7: {  	[tilespmem:s14], [sflag:$0x1] =	stream.indirect.gather [hbm4b:s3+s13], $0x40, s26, s13, $0xb8;
	[tilespmem:$0xC300] =	vst v63  }
0x1d8: {  	_ = 	snop  }
0x1d9: {  	[tilespmem:s15], [sflag:$0x1] =	stream.indirect.gather [hbm4b:s3+s13], $0x40, s13, s13, $0xb8;
	[tilespmem:$0xC300] =	vst v63  }
0x1da: {  	_ = 	snop  }
0x1db: {  	[tilespmem:s17], [sflag:$0x1] =	stream.indirect.gather [hbm4b:s3+s13], $0x40, s16, s13, $0xb8;
	[tilespmem:$0xC300] =	vst v63  }
0x1dc: {  	_ = 	snop  }
0x1dd: {  	[tilespmem:s19], [sflag:$0x1] =	stream.indirect.gather [hbm4b:s3+s13], $0x40, s18, s13, $0xb8;
	[tilespmem:$0xC300] =	vst v63  }
0x1de: {  	_ = 	snop  }
0x1df: {  	[tilespmem:s21], [sflag:$0x1] =	stream.indirect.gather [hbm4b:s3+s13], $0x40, s20, s13, $0xb8;
	[tilespmem:$0xC300] =	vst v63  }
0x1e0: {  	_ =	swait.ge [sflag:s22], $0x2000  }
0x1e1: {  	[sflag:s22] =	ssyncset.done $0x0  }
0x1e2: {  	[sflag:s22] =	ssyncadd.s32 $0xFFFFE000  }
0x1e3: {  	_ =	swait.ge [sflag:s22], $0x2000  }
0x1e4: {  	[sflag:s22] =	ssyncset.done $0x0  }
0x1e5: {  	[sflag:s22] =	ssyncadd.s32 $0xFFFFE000  }
0x1e6: {  	_ =	swait.ge [sflag:s22], $0x2000  }
0x1e7: {  	[sflag:s22] =	ssyncset.done $0x0  }
0x1e8: {  	[sflag:s22] =	ssyncadd.s32 $0xFFFFE000  }
0x1e9: {  	_ =	swait.ge [sflag:s22], $0x2000  }
0x1ea: {  	[sflag:s22] =	ssyncset.done $0x0  }
0x1eb: {  	[sflag:s22] =	ssyncadd.s32 $0xFFFFE000  }
0x1ec: {  	_ =	swait.ge [sflag:s22], $0x2000  }
0x1ed: {  	[sflag:s22] =	ssyncset.done $0x0  }
0x1ee: {  	s28 =	simm.s32 $0xB2B0;
	[sflag:s22] =	ssyncadd.s32 $0xFFFFE000  }
0x1ef: {  	v1 =	vld [tilespmem:s28+$0xFFFFFFD0]  }
0x1f0: {  	s25 =	simm.s32 $0x500;
	v2 =	vld [tilespmem:s28+$0xFFFFFFE0]  }
0x1f1: {  	v3 =	vld [tilespmem:s25+$0x240]  }
0x1f2: {  	v4 =	vld [tilespmem:s25+$0x220]  }
0x1f3: {  	v5 =	vld [tilespmem:s25+$0x200]  }
0x1f4: {  	v6 =	vld [tilespmem:s25+$0x1E0]  }
0x1f5: {  	v7 =	vld [tilespmem:s25+$0x1C0]  }
0x1f6: {  	v8 =	vld [tilespmem:s25+$0x1A0]  }
0x1f7: {  	v9 =	vld [tilespmem:s25+$0x180]  }
0x1f8: {  	v10 =	vld [tilespmem:s25+$0x160]  }
0x1f9: {  	v11 =	vld [tilespmem:s25+$0x140]  }
0x1fa: {  	v12 =	vld [tilespmem:s25+$0x120]  }
0x1fb: {  	v13 =	vld [tilespmem:s25+$0x100]  }
0x1fc: {  	v14 =	vld [tilespmem:s25+$0xE0]  }
0x1fd: {  	v15 =	vld [tilespmem:s25+$0xC0]  }
0x1fe: {  	v16 =	vld [tilespmem:s25+$0xA0]  }
0x1ff: {  	v17 =	vld [tilespmem:s25+$0x80]  }
0x200: {  	v18 =	vld [tilespmem:s25+$0x60]  }
0x201: {  	v19 =	vld [tilespmem:s25+$0x40]  }
0x202: {  	v20 =	vld [tilespmem:s25+$0x20]  }
0x203: {  	v21 =	vld [tilespmem:s25+$0x0]  }
0x204: {  	v22 =	vld [tilespmem:s25+$0xFFFFFFE0]  }
0x205: {  	v23 =	vld [tilespmem:s25+$0xFFFFFFC0]  }
0x206: {  	v24 =	vld [tilespmem:s25+$0xFFFFFFA0]  }
0x207: {  	v25 =	vld [tilespmem:s25+$0xFFFFFF80]  }
0x208: {  	v26 =	vld [tilespmem:s25+$0xFFFFFF60]  }
0x209: {  	v27 =	vld [tilespmem:s25+$0xFFFFFF40]  }
0x20a: {  	v28 =	vld [tilespmem:s25+$0xFFFFFF20]  }
0x20b: {  	v29 =	vld [tilespmem:s25+$0xFFFFFF00]  }
0x20c: {  	v30 =	vld [tilespmem:s25+$0xFFFFFEE0]  }
0x20d: {  	v31 =	vld [tilespmem:s25+$0xFFFFFEC0]  }
0x20e: {  	v32 =	vld [tilespmem:s25+$0xFFFFFEA0]  }
0x20f: {  	v33 =	vld [tilespmem:s25+$0xFFFFFE80]  }
0x210: {  	v34 =	vld [tilespmem:s25+$0xFFFFFE60]  }
0x211: {  	v35 =	vld [tilespmem:s25+$0xFFFFFE40]  }
0x212: {  	v36 =	vld [tilespmem:s25+$0xFFFFFE20]  }
0x213: {  	v37 =	vld [tilespmem:s25+$0xFFFFFDB0]  }
0x214: {  	v38 =	vld [tilespmem:s25+$0xFFFFFE00]  }
0x215: {  	v39 =	vld [tilespmem:s25+$0xFFFFFDA0]  }
0x216: {  	v40 =	vld [tilespmem:s25+$0xFFFFFDC0]  }
0x217: {  	v41 =	vld [tilespmem:s25+$0xFFFFFD80]  }
0x218: {  	v42 =	vld [tilespmem:s25+$0xFFFFFD90]  }
0x219: {  	v43 =	vld [tilespmem:s25+$0xFFFFFDD0]  }
0x21a: {  	v44 =	vld [tilespmem:s25+$0xFFFFFDE0]  }
0x21b: {  	v45 =	vld [tilespmem:s25+$0xFFFFFE10]  }
0x21c: {  	v46 =	vld [tilespmem:s25+$0xFFFFFDF0]  }
0x21d: {  	v47 =	vld [tilespmem:s25+$0xFFFFFE50]  }
0x21e: {  	v51 =	vld [tilespmem:s25+$0xFFFFFE30];
	v40 =	vadd.f32 v40, v41;
	v50 =	vadd.f32 v43, v42  }
0x21f: {  	v52 =	vld [tilespmem:s25+$0xFFFFFE90];
	v39 =	vadd.f32 v44, v39  }
0x220: {  	v54 =	vld [tilespmem:s25+$0xFFFFFE70];
	v38 =	vadd.f32 v38, v40;
	v53 =	vadd.f32 v45, v50  }
0x221: {  	v55 =	vld [tilespmem:s25+$0xFFFFFED0];
	v37 =	vadd.f32 v46, v37;
	v36 =	vadd.f32 v36, v39  }
0x222: {  	v57 =	vld [tilespmem:s25+$0xFFFFFEB0];
	v35 =	vadd.f32 v35, v38;
	v56 =	vadd.f32 v47, v53  }
0x223: {  	v58 =	vld [tilespmem:s25+$0xFFFFFF10];
	v59 =	vadd.f32 v51, v37;
	v34 =	vadd.f32 v34, v36  }
0x224: {  	v61 =	vld [tilespmem:s25+$0xFFFFFEF0];
	v33 =	vadd.f32 v33, v35;
	v60 =	vadd.f32 v52, v56  }
0x225: {  	v62 =	vld [tilespmem:s25+$0xFFFFFF50];
	v63 =	vadd.f32 v54, v59;
	v32 =	vadd.f32 v32, v34  }
0x226: {  	v42 =	vld [tilespmem:s25+$0xFFFFFF30];
	v31 =	vadd.f32 v31, v33;
	v41 =	vadd.f32 v55, v60  }
0x227: {  	v43 =	vld [tilespmem:s25+$0xFFFFFF90];
	v44 =	vadd.f32 v57, v63;
	v30 =	vadd.f32 v30, v32  }
0x228: {  	v46 =	vld [tilespmem:s25+$0xFFFFFF70];
	v29 =	vadd.f32 v29, v31;
	v45 =	vadd.f32 v58, v41  }
0x229: {  	v47 =	vld [tilespmem:s25+$0xFFFFFFD0];
	v48 =	vadd.f32 v61, v44;
	v28 =	vadd.f32 v28, v30  }
0x22a: {  	v50 =	vld [tilespmem:s25+$0xFFFFFFB0];
	v27 =	vadd.f32 v27, v29;
	v49 =	vadd.f32 v62, v45  }
0x22b: {  	v51 =	vld [tilespmem:s25+$0x10];
	v52 =	vadd.f32 v42, v48;
	v26 =	vadd.f32 v26, v28  }
0x22c: {  	v54 =	vld [tilespmem:s25+$0xFFFFFFF0];
	v25 =	vadd.f32 v25, v27;
	v53 =	vadd.f32 v43, v49  }
0x22d: {  	v55 =	vld [tilespmem:s25+$0x50];
	v56 =	vadd.f32 v46, v52;
	v24 =	vadd.f32 v24, v26  }
0x22e: {  	v58 =	vld [tilespmem:s25+$0x30];
	v23 =	vadd.f32 v23, v25;
	v57 =	vadd.f32 v47, v53  }
0x22f: {  	v59 =	vld [tilespmem:s25+$0x90];
	v60 =	vadd.f32 v50, v56;
	v22 =	vadd.f32 v22, v24  }
0x230: {  	v62 =	vld [tilespmem:s25+$0x70];
	v21 =	vadd.f32 v21, v23;
	v61 =	vadd.f32 v51, v57  }
0x231: {  	v63 =	vld [tilespmem:s25+$0xD0];
	v29 =	vadd.f32 v54, v60;
	v20 =	vadd.f32 v20, v22  }
0x232: {  	v32 =	vld [tilespmem:s25+$0xB0];
	v19 =	vadd.f32 v19, v21;
	v31 =	vadd.f32 v55, v61  }
0x233: {  	v33 =	vld [tilespmem:s25+$0x110];
	v34 =	vadd.f32 v58, v29;
	v18 =	vadd.f32 v18, v20  }
0x234: {  	v36 =	vld [tilespmem:s25+$0xF0];
	v17 =	vadd.f32 v17, v19;
	v35 =	vadd.f32 v59, v31  }
0x235: {  	v37 =	vld [tilespmem:s25+$0x150];
	v38 =	vadd.f32 v62, v34;
	v16 =	vadd.f32 v16, v18  }
0x236: {  	v40 =	vld [tilespmem:s25+$0x130];
	v15 =	vadd.f32 v15, v17;
	v39 =	vadd.f32 v63, v35  }
0x237: {  	v41 =	vld [tilespmem:s25+$0x190];
	v42 =	vadd.f32 v32, v38;
	v14 =	vadd.f32 v14, v16  }
0x238: {  	v44 =	vld [tilespmem:s25+$0x170];
	v13 =	vadd.f32 v13, v15;
	v43 =	vadd.f32 v33, v39  }
0x239: {  	v45 =	vld [tilespmem:s25+$0x1D0];
	v46 =	vadd.f32 v36, v42;
	v12 =	vadd.f32 v12, v14  }
0x23a: {  	v48 =	vld [tilespmem:s25+$0x1B0];
	v11 =	vadd.f32 v11, v13;
	v47 =	vadd.f32 v37, v43  }
0x23b: {  	v49 =	vld [tilespmem:s25+$0x210];
	v50 =	vadd.f32 v40, v46;
	v10 =	vadd.f32 v10, v12  }
0x23c: {  	v52 =	vld [tilespmem:s25+$0x1F0];
	v9 =	vadd.f32 v9, v11;
	v51 =	vadd.f32 v41, v47  }
0x23d: {  	v53 =	vld [tilespmem:s25+$0x250];
	v54 =	vadd.f32 v44, v50;
	v8 =	vadd.f32 v8, v10  }
0x23e: {  	v56 =	vld [tilespmem:s25+$0x230];
	v7 =	vadd.f32 v7, v9;
	v55 =	vadd.f32 v45, v51  }
0x23f: {  	v57 =	vld [tilespmem:s25+$0x260];
	v10 =	vadd.f32 v48, v54;
	v6 =	vadd.f32 v6, v8  }
0x240: {  	v61 =	vld [tilespmem:s25+$0x270];
	v5 =	vadd.f32 v5, v7;
	v58 =	vadd.f32 v49, v55  }
0x241: {  	v59 =	vld [tilespmem:s28+$0xFFFFFFF0];
	v60 =	vadd.f32 v52, v10;
	v4 =	vadd.f32 v4, v6  }
0x242: {  	v3 =	vadd.f32 v3, v5;
	v62 =	vadd.f32 v53, v58  }
0x243: {  	v63 =	vld [tilespmem:s28+$0x0];
	v6 =	vadd.f32 v56, v60  }
0x244: {  	v1 =	vmul.f32 v1, v3;
	v2 =	vmul.f32 v2, v62;
	v3 =	vadd.f32 v57, v4;
	_ =	sdelay $0x1  }
0x245: {  	v1 =	vadd.f32 v2, v1;
	v2 =	vmul.f32 v59, v3;
	v3 =	vadd.f32 v61, v6;
	_ =	sdelay $0x1  }
0x246: {  	v1 =	vadd.f32 v2, v1;
	v2 =	vmul.f32 v63, v3;
	_ =	sdelay $0x1  }
0x247: {  	v1 =	vadd.f32 v2, v1;
	_ =	sdelay $0x1  }
0x248: {  	(xrf2) =	vadd.scan.msk.f32 $0xffff, v1;
	_ =	sdelay $0x9  }
0x249: {  	v1, _, _ =	vpop (xrf2)  }
0x24a: {  	(v2sf) =	vpush v1, $0xF;
	_ =	sdelay $0xe  }
0x24b: {  	s28 =	sand.u32 $0xF, s26;
	s29 =	spop (v2sf)  }
0x24c: {  	v1 =	vmov s28;
	s29 =	smul.f32 $5.000000070e-02, s29  }
0x24d: {  	p0 =	sne.s32 s28, $0xF;
	v2 =	vimm.f32 $0.0e+00;
	vm0 =	veq.s32 v1, v0  }
0x24e: {  	s28 =	sand.u32 @!p0 $0x10, s26;
	v1 =	vsel vm0, s29, v2  }
0x24f: {  	s26 =	simm.s32 $0x1;
	[tilespmem:s28+$0xC2C0] =	vst @!p0 v1;
	s28 =	simm.s32 $0xB2F0  }
.LBB2_6:
0x250: {  	v2 =	vld [tilespmem:s28+$0xFFFFFFD0];
	s29 =	smov.u32 s26  }
0x251: {  	s25 =	sadd.s32 $0x500, s25;
	v3 =	vld [tilespmem:s28+$0xFFFFFFE0]  }
0x252: {  	v4 =	vld [tilespmem:s25+$0x240]  }
0x253: {  	v5 =	vld [tilespmem:s25+$0x220]  }
0x254: {  	v6 =	vld [tilespmem:s25+$0x200]  }
0x255: {  	v7 =	vld [tilespmem:s25+$0x1E0]  }
0x256: {  	v8 =	vld [tilespmem:s25+$0x1C0]  }
0x257: {  	v9 =	vld [tilespmem:s25+$0x1A0]  }
0x258: {  	v10 =	vld [tilespmem:s25+$0x180]  }
0x259: {  	v11 =	vld [tilespmem:s25+$0x160]  }
0x25a: {  	v12 =	vld [tilespmem:s25+$0x140]  }
0x25b: {  	v13 =	vld [tilespmem:s25+$0x120]  }
0x25c: {  	v14 =	vld [tilespmem:s25+$0x100]  }
0x25d: {  	v15 =	vld [tilespmem:s25+$0xE0]  }
0x25e: {  	v16 =	vld [tilespmem:s25+$0xC0]  }
0x25f: {  	v17 =	vld [tilespmem:s25+$0xA0]  }
0x260: {  	v18 =	vld [tilespmem:s25+$0x80]  }
0x261: {  	v19 =	vld [tilespmem:s25+$0x60]  }
0x262: {  	v20 =	vld [tilespmem:s25+$0x40]  }
0x263: {  	v21 =	vld [tilespmem:s25+$0x20]  }
0x264: {  	v22 =	vld [tilespmem:s25+$0x0]  }
0x265: {  	v23 =	vld [tilespmem:s25+$0xFFFFFFE0]  }
0x266: {  	v24 =	vld [tilespmem:s25+$0xFFFFFFC0]  }
0x267: {  	v25 =	vld [tilespmem:s25+$0xFFFFFFA0]  }
0x268: {  	v26 =	vld [tilespmem:s25+$0xFFFFFF80]  }
0x269: {  	v27 =	vld [tilespmem:s25+$0xFFFFFF60]  }
0x26a: {  	v28 =	vld [tilespmem:s25+$0xFFFFFF40]  }
0x26b: {  	v29 =	vld [tilespmem:s25+$0xFFFFFF20]  }
0x26c: {  	v30 =	vld [tilespmem:s25+$0xFFFFFF00]  }
0x26d: {  	v31 =	vld [tilespmem:s25+$0xFFFFFEE0]  }
0x26e: {  	v32 =	vld [tilespmem:s25+$0xFFFFFEC0]  }
0x26f: {  	v33 =	vld [tilespmem:s25+$0xFFFFFEA0]  }
0x270: {  	v34 =	vld [tilespmem:s25+$0xFFFFFE80]  }
0x271: {  	v35 =	vld [tilespmem:s25+$0xFFFFFE60]  }
0x272: {  	v36 =	vld [tilespmem:s25+$0xFFFFFE40]  }
0x273: {  	v37 =	vld [tilespmem:s25+$0xFFFFFE20]  }
0x274: {  	v38 =	vld [tilespmem:s25+$0xFFFFFDB0]  }
0x275: {  	v39 =	vld [tilespmem:s25+$0xFFFFFE00]  }
0x276: {  	v40 =	vld [tilespmem:s25+$0xFFFFFDA0]  }
0x277: {  	v41 =	vld [tilespmem:s25+$0xFFFFFDC0]  }
0x278: {  	v42 =	vld [tilespmem:s25+$0xFFFFFD80]  }
0x279: {  	v43 =	vld [tilespmem:s25+$0xFFFFFD90]  }
0x27a: {  	s26 =	sadd.s32 $0x1, s26;
	v44 =	vld [tilespmem:s25+$0xFFFFFDD0]  }
0x27b: {  	p0 =	sne.s32 s26, $0x20;
	v45 =	vld [tilespmem:s25+$0xFFFFFDE0]  }
0x27c: {  	v46 =	vld [tilespmem:s25+$0xFFFFFE10]  }
0x27d: {  	v47 =	vld [tilespmem:s25+$0xFFFFFDF0]  }
0x27e: {  	v48 =	vld [tilespmem:s25+$0xFFFFFE50]  }
0x27f: {  	v41 =	vadd.f32 v41, v42;
	v42 =	vadd.f32 v44, v43;
	v43 =	vld [tilespmem:s25+$0xFFFFFE30]  }
0x280: {  	v44 =	vld [tilespmem:s25+$0xFFFFFE90];
	v40 =	vadd.f32 v45, v40  }
0x281: {  	v39 =	vadd.f32 v39, v41;
	v41 =	vadd.f32 v46, v42;
	v42 =	vld [tilespmem:s25+$0xFFFFFE70]  }
0x282: {  	v45 =	vld [tilespmem:s25+$0xFFFFFED0];
	v37 =	vadd.f32 v37, v40;
	v38 =	vadd.f32 v47, v38  }
0x283: {  	v36 =	vadd.f32 v36, v39;
	v39 =	vadd.f32 v48, v41;
	v40 =	vld [tilespmem:s25+$0xFFFFFEB0]  }
0x284: {  	v41 =	vld [tilespmem:s25+$0xFFFFFF10];
	v35 =	vadd.f32 v35, v37;
	v37 =	vadd.f32 v43, v38  }
0x285: {  	v34 =	vadd.f32 v34, v36;
	v36 =	vadd.f32 v44, v39;
	v38 =	vld [tilespmem:s25+$0xFFFFFEF0]  }
0x286: {  	v39 =	vld [tilespmem:s25+$0xFFFFFF50];
	v33 =	vadd.f32 v33, v35;
	v35 =	vadd.f32 v42, v37  }
0x287: {  	v32 =	vadd.f32 v32, v34;
	v34 =	vadd.f32 v45, v36;
	v36 =	vld [tilespmem:s25+$0xFFFFFF30]  }
0x288: {  	v37 =	vld [tilespmem:s25+$0xFFFFFF90];
	v31 =	vadd.f32 v31, v33;
	v33 =	vadd.f32 v40, v35  }
0x289: {  	v30 =	vadd.f32 v30, v32;
	v32 =	vadd.f32 v41, v34;
	v34 =	vld [tilespmem:s25+$0xFFFFFF70]  }
0x28a: {  	v35 =	vld [tilespmem:s25+$0xFFFFFFD0];
	v29 =	vadd.f32 v29, v31;
	v31 =	vadd.f32 v38, v33  }
0x28b: {  	v28 =	vadd.f32 v28, v30;
	v30 =	vadd.f32 v39, v32;
	v32 =	vld [tilespmem:s25+$0xFFFFFFB0]  }
0x28c: {  	v33 =	vld [tilespmem:s25+$0x10];
	v27 =	vadd.f32 v27, v29;
	v29 =	vadd.f32 v36, v31  }
0x28d: {  	v26 =	vadd.f32 v26, v28;
	v28 =	vadd.f32 v37, v30;
	v30 =	vld [tilespmem:s25+$0xFFFFFFF0]  }
0x28e: {  	v31 =	vld [tilespmem:s25+$0x50];
	v25 =	vadd.f32 v25, v27;
	v27 =	vadd.f32 v34, v29  }
0x28f: {  	v24 =	vadd.f32 v24, v26;
	v26 =	vadd.f32 v35, v28;
	v28 =	vld [tilespmem:s25+$0x30]  }
0x290: {  	v29 =	vld [tilespmem:s25+$0x90];
	v23 =	vadd.f32 v23, v25;
	v25 =	vadd.f32 v32, v27  }
0x291: {  	v22 =	vadd.f32 v22, v24;
	v24 =	vadd.f32 v33, v26;
	v26 =	vld [tilespmem:s25+$0x70]  }
0x292: {  	v27 =	vld [tilespmem:s25+$0xD0];
	v21 =	vadd.f32 v21, v23;
	v23 =	vadd.f32 v30, v25  }
0x293: {  	v20 =	vadd.f32 v20, v22;
	v22 =	vadd.f32 v31, v24;
	v24 =	vld [tilespmem:s25+$0xB0]  }
0x294: {  	v25 =	vld [tilespmem:s25+$0x110];
	v19 =	vadd.f32 v19, v21;
	v21 =	vadd.f32 v28, v23  }
0x295: {  	v18 =	vadd.f32 v18, v20;
	v20 =	vadd.f32 v29, v22;
	v22 =	vld [tilespmem:s25+$0xF0]  }
0x296: {  	v23 =	vld [tilespmem:s25+$0x150];
	v17 =	vadd.f32 v17, v19;
	v19 =	vadd.f32 v26, v21  }
0x297: {  	v16 =	vadd.f32 v16, v18;
	v18 =	vadd.f32 v27, v20;
	v20 =	vld [tilespmem:s25+$0x130]  }
0x298: {  	v21 =	vld [tilespmem:s25+$0x190];
	v15 =	vadd.f32 v15, v17;
	v17 =	vadd.f32 v24, v19  }
0x299: {  	v14 =	vadd.f32 v14, v16;
	v16 =	vadd.f32 v25, v18;
	v18 =	vld [tilespmem:s25+$0x170]  }
0x29a: {  	v19 =	vld [tilespmem:s25+$0x1D0];
	v13 =	vadd.f32 v13, v15;
	v15 =	vadd.f32 v22, v17  }
0x29b: {  	v12 =	vadd.f32 v12, v14;
	v14 =	vadd.f32 v23, v16;
	v16 =	vld [tilespmem:s25+$0x1B0]  }
0x29c: {  	v17 =	vld [tilespmem:s25+$0x210];
	v11 =	vadd.f32 v11, v13;
	v13 =	vadd.f32 v20, v15  }
0x29d: {  	v10 =	vadd.f32 v10, v12;
	v12 =	vadd.f32 v21, v14;
	v14 =	vld [tilespmem:s25+$0x1F0]  }
0x29e: {  	v15 =	vld [tilespmem:s25+$0x250];
	v9 =	vadd.f32 v9, v11;
	v11 =	vadd.f32 v18, v13  }
0x29f: {  	v8 =	vadd.f32 v8, v10;
	v10 =	vadd.f32 v19, v12;
	v12 =	vld [tilespmem:s25+$0x230]  }
0x2a0: {  	v7 =	vadd.f32 v7, v9;
	v9 =	vld [tilespmem:s25+$0x260];
	v11 =	vadd.f32 v16, v11  }
0x2a1: {  	v6 =	vadd.f32 v6, v8;
	v8 =	vadd.f32 v17, v10;
	v10 =	vld [tilespmem:s28+$0xFFFFFFF0]  }
0x2a2: {  	v5 =	vadd.f32 v5, v7;
	v7 =	vadd.f32 v14, v11;
	v11 =	vld [tilespmem:s25+$0x270]  }
0x2a3: {  	v4 =	vadd.f32 v4, v6;
	v6 =	vadd.f32 v15, v8  }
0x2a4: {  	v7 =	vadd.f32 v12, v7;
	v8 =	vld [tilespmem:s28+$0x0]  }
0x2a5: {  	v2 =	vmul.f32 v2, v4;
	v3 =	vmul.f32 v3, v6;
	v4 =	vadd.f32 v9, v5;
	_ =	sdelay $0x1  }
0x2a6: {  	v2 =	vadd.f32 v3, v2;
	v3 =	vmul.f32 v10, v4;
	v4 =	vadd.f32 v11, v7;
	_ =	sdelay $0x1  }
0x2a7: {  	v2 =	vadd.f32 v3, v2;
	v3 =	vmul.f32 v8, v4;
	_ =	sdelay $0x1  }
0x2a8: {  	v2 =	vadd.f32 v3, v2;
	_ =	sdelay $0x1  }
0x2a9: {  	(xrf2) =	vadd.scan.msk.f32 $0xffff, v2;
	_ =	sdelay $0x9  }
0x2aa: {  	v2, _, _ =	vpop (xrf2)  }
0x2ab: {  	(v2sf) =	vpush v2, $0xF;
	_ =	sdelay $0xe  }
.Ltmp2:
0x2ac: {  	s30 =	sand.u32 $0xF, s29;
	s31 =	spop (v2sf);
	(pc) =	sbr.rel @p0 .LBB2_6-.Ltmp2, $4  }
0x2ad: {  	v2 =	vmov s30;
	s31 =	smul.f32 $5.000000070e-02, s31  }
0x2ae: {  	p1 =	sne.s32 s30, $0xF;
	vm0 =	veq.s32 v2, v0  }
0x2af: {  	s29 =	sand.u32 @!p1 $0x10, s29;
	v1 =	vsel vm0, s31, v1  }
0x2b0: {  	s28 =	sadd.s32 $0x40, s28;
	[tilespmem:s29+$0xC2C0] =	vst @!p1 v1  }
0x2b1: {  	s26 =	simm.s32 $0x0  }
0x2b2: {  	[tilespmem:s26], [sflag:$0x2] =	stream.linear.gather [hbm4b:s8+s26], $0x280, $0x38;
	[tilespmem:$0xC300] =	vst v63  }
0x2b3: {  	_ =	swait.ge [sflag:s12], $0x280  }
0x2b4: {  	[sflag:s12] =	ssyncset.done $0x0  }
0x2b5: {  	[sflag:s12] =	ssyncadd.s32 $0xFFFFFD80  }
0x2b6: {  	[tilespmem:s14], [sflag:$0x1] =	stream.indirect.gather [hbm4b:s3+s13], $0x40, s26, s13, $0xb8;
	[tilespmem:$0xC300] =	vst v63  }
0x2b7: {  	_ = 	snop  }
0x2b8: {  	[tilespmem:s15], [sflag:$0x1] =	stream.indirect.gather [hbm4b:s3+s13], $0x40, s13, s13, $0xb8;
	[tilespmem:$0xC300] =	vst v63  }
0x2b9: {  	_ = 	snop  }
0x2ba: {  	[tilespmem:s17], [sflag:$0x1] =	stream.indirect.gather [hbm4b:s3+s13], $0x40, s16, s13, $0xb8;
	[tilespmem:$0xC300] =	vst v63  }
0x2bb: {  	_ = 	snop  }
0x2bc: {  	[tilespmem:s19], [sflag:$0x1] =	stream.indirect.gather [hbm4b:s3+s13], $0x40, s18, s13, $0xb8;
	[tilespmem:$0xC300] =	vst v63  }
0x2bd: {  	_ = 	snop  }
0x2be: {  	[tilespmem:s21], [sflag:$0x1] =	stream.indirect.gather [hbm4b:s3+s13], $0x40, s20, s13, $0xb8;
	[tilespmem:$0xC300] =	vst v63  }
0x2bf: {  	_ =	swait.ge [sflag:s22], $0x2000  }
0x2c0: {  	[sflag:s22] =	ssyncset.done $0x0  }
0x2c1: {  	[sflag:s22] =	ssyncadd.s32 $0xFFFFE000  }
0x2c2: {  	_ =	swait.ge [sflag:s22], $0x2000  }
0x2c3: {  	[sflag:s22] =	ssyncset.done $0x0  }
0x2c4: {  	[sflag:s22] =	ssyncadd.s32 $0xFFFFE000  }
0x2c5: {  	_ =	swait.ge [sflag:s22], $0x2000  }
0x2c6: {  	[sflag:s22] =	ssyncset.done $0x0  }
0x2c7: {  	[sflag:s22] =	ssyncadd.s32 $0xFFFFE000  }
0x2c8: {  	_ =	swait.ge [sflag:s22], $0x2000  }
0x2c9: {  	[sflag:s22] =	ssyncset.done $0x0  }
0x2ca: {  	[sflag:s22] =	ssyncadd.s32 $0xFFFFE000  }
0x2cb: {  	_ =	swait.ge [sflag:s22], $0x2000  }
0x2cc: {  	[sflag:s22] =	ssyncset.done $0x0  }
0x2cd: {  	s28 =	simm.s32 $0xBAB0;
	[sflag:s22] =	ssyncadd.s32 $0xFFFFE000  }
0x2ce: {  	v1 =	vld [tilespmem:s28+$0xFFFFFFD0]  }
0x2cf: {  	s25 =	simm.s32 $0x500;
	v2 =	vld [tilespmem:s28+$0xFFFFFFE0]  }
0x2d0: {  	v3 =	vld [tilespmem:s25+$0x240]  }
0x2d1: {  	v4 =	vld [tilespmem:s25+$0x220]  }
0x2d2: {  	v5 =	vld [tilespmem:s25+$0x200]  }
0x2d3: {  	v6 =	vld [tilespmem:s25+$0x1E0]  }
0x2d4: {  	v7 =	vld [tilespmem:s25+$0x1C0]  }
0x2d5: {  	v8 =	vld [tilespmem:s25+$0x1A0]  }
0x2d6: {  	v9 =	vld [tilespmem:s25+$0x180]  }
0x2d7: {  	v10 =	vld [tilespmem:s25+$0x160]  }
0x2d8: {  	v11 =	vld [tilespmem:s25+$0x140]  }
0x2d9: {  	v12 =	vld [tilespmem:s25+$0x120]  }
0x2da: {  	v13 =	vld [tilespmem:s25+$0x100]  }
0x2db: {  	v14 =	vld [tilespmem:s25+$0xE0]  }
0x2dc: {  	v15 =	vld [tilespmem:s25+$0xC0]  }
0x2dd: {  	v16 =	vld [tilespmem:s25+$0xA0]  }
0x2de: {  	v17 =	vld [tilespmem:s25+$0x80]  }
0x2df: {  	v18 =	vld [tilespmem:s25+$0x60]  }
0x2e0: {  	v19 =	vld [tilespmem:s25+$0x40]  }
0x2e1: {  	v20 =	vld [tilespmem:s25+$0x20]  }
0x2e2: {  	v21 =	vld [tilespmem:s25+$0x0]  }
0x2e3: {  	v22 =	vld [tilespmem:s25+$0xFFFFFFE0]  }
0x2e4: {  	v23 =	vld [tilespmem:s25+$0xFFFFFFC0]  }
0x2e5: {  	v24 =	vld [tilespmem:s25+$0xFFFFFFA0]  }
0x2e6: {  	v25 =	vld [tilespmem:s25+$0xFFFFFF80]  }
0x2e7: {  	v26 =	vld [tilespmem:s25+$0xFFFFFF60]  }
0x2e8: {  	v27 =	vld [tilespmem:s25+$0xFFFFFF40]  }
0x2e9: {  	v28 =	vld [tilespmem:s25+$0xFFFFFF20]  }
0x2ea: {  	v29 =	vld [tilespmem:s25+$0xFFFFFF00]  }
0x2eb: {  	v30 =	vld [tilespmem:s25+$0xFFFFFEE0]  }
0x2ec: {  	v31 =	vld [tilespmem:s25+$0xFFFFFEC0]  }
0x2ed: {  	v32 =	vld [tilespmem:s25+$0xFFFFFEA0]  }
0x2ee: {  	v33 =	vld [tilespmem:s25+$0xFFFFFE80]  }
0x2ef: {  	v34 =	vld [tilespmem:s25+$0xFFFFFE60]  }
0x2f0: {  	v35 =	vld [tilespmem:s25+$0xFFFFFE40]  }
0x2f1: {  	v36 =	vld [tilespmem:s25+$0xFFFFFE20]  }
0x2f2: {  	v37 =	vld [tilespmem:s25+$0xFFFFFDB0]  }
0x2f3: {  	v38 =	vld [tilespmem:s25+$0xFFFFFE00]  }
0x2f4: {  	v39 =	vld [tilespmem:s25+$0xFFFFFDA0]  }
0x2f5: {  	v40 =	vld [tilespmem:s25+$0xFFFFFDC0]  }
0x2f6: {  	v41 =	vld [tilespmem:s25+$0xFFFFFD80]  }
0x2f7: {  	v42 =	vld [tilespmem:s25+$0xFFFFFD90]  }
0x2f8: {  	v43 =	vld [tilespmem:s25+$0xFFFFFDD0]  }
0x2f9: {  	v44 =	vld [tilespmem:s25+$0xFFFFFDE0]  }
0x2fa: {  	v45 =	vld [tilespmem:s25+$0xFFFFFE10]  }
0x2fb: {  	v46 =	vld [tilespmem:s25+$0xFFFFFDF0]  }
0x2fc: {  	v47 =	vld [tilespmem:s25+$0xFFFFFE50]  }
0x2fd: {  	v51 =	vld [tilespmem:s25+$0xFFFFFE30];
	v40 =	vadd.f32 v40, v41;
	v50 =	vadd.f32 v43, v42  }
0x2fe: {  	v52 =	vld [tilespmem:s25+$0xFFFFFE90];
	v39 =	vadd.f32 v44, v39  }
0x2ff: {  	v54 =	vld [tilespmem:s25+$0xFFFFFE70];
	v38 =	vadd.f32 v38, v40;
	v53 =	vadd.f32 v45, v50  }
0x300: {  	v55 =	vld [tilespmem:s25+$0xFFFFFED0];
	v37 =	vadd.f32 v46, v37;
	v36 =	vadd.f32 v36, v39  }
0x301: {  	v57 =	vld [tilespmem:s25+$0xFFFFFEB0];
	v35 =	vadd.f32 v35, v38;
	v56 =	vadd.f32 v47, v53  }
0x302: {  	v58 =	vld [tilespmem:s25+$0xFFFFFF10];
	v59 =	vadd.f32 v51, v37;
	v34 =	vadd.f32 v34, v36  }
0x303: {  	v61 =	vld [tilespmem:s25+$0xFFFFFEF0];
	v33 =	vadd.f32 v33, v35;
	v60 =	vadd.f32 v52, v56  }
0x304: {  	v62 =	vld [tilespmem:s25+$0xFFFFFF50];
	v63 =	vadd.f32 v54, v59;
	v32 =	vadd.f32 v32, v34  }
0x305: {  	v42 =	vld [tilespmem:s25+$0xFFFFFF30];
	v31 =	vadd.f32 v31, v33;
	v41 =	vadd.f32 v55, v60  }
0x306: {  	v43 =	vld [tilespmem:s25+$0xFFFFFF90];
	v44 =	vadd.f32 v57, v63;
	v30 =	vadd.f32 v30, v32  }
0x307: {  	v46 =	vld [tilespmem:s25+$0xFFFFFF70];
	v29 =	vadd.f32 v29, v31;
	v45 =	vadd.f32 v58, v41  }
0x308: {  	v47 =	vld [tilespmem:s25+$0xFFFFFFD0];
	v48 =	vadd.f32 v61, v44;
	v28 =	vadd.f32 v28, v30  }
0x309: {  	v50 =	vld [tilespmem:s25+$0xFFFFFFB0];
	v27 =	vadd.f32 v27, v29;
	v49 =	vadd.f32 v62, v45  }
0x30a: {  	v51 =	vld [tilespmem:s25+$0x10];
	v52 =	vadd.f32 v42, v48;
	v26 =	vadd.f32 v26, v28  }
0x30b: {  	v54 =	vld [tilespmem:s25+$0xFFFFFFF0];
	v25 =	vadd.f32 v25, v27;
	v53 =	vadd.f32 v43, v49  }
0x30c: {  	v55 =	vld [tilespmem:s25+$0x50];
	v56 =	vadd.f32 v46, v52;
	v24 =	vadd.f32 v24, v26  }
0x30d: {  	v58 =	vld [tilespmem:s25+$0x30];
	v23 =	vadd.f32 v23, v25;
	v57 =	vadd.f32 v47, v53  }
0x30e: {  	v59 =	vld [tilespmem:s25+$0x90];
	v60 =	vadd.f32 v50, v56;
	v22 =	vadd.f32 v22, v24  }
0x30f: {  	v62 =	vld [tilespmem:s25+$0x70];
	v21 =	vadd.f32 v21, v23;
	v61 =	vadd.f32 v51, v57  }
0x310: {  	v63 =	vld [tilespmem:s25+$0xD0];
	v29 =	vadd.f32 v54, v60;
	v20 =	vadd.f32 v20, v22  }
0x311: {  	v32 =	vld [tilespmem:s25+$0xB0];
	v19 =	vadd.f32 v19, v21;
	v31 =	vadd.f32 v55, v61  }
0x312: {  	v33 =	vld [tilespmem:s25+$0x110];
	v34 =	vadd.f32 v58, v29;
	v18 =	vadd.f32 v18, v20  }
0x313: {  	v36 =	vld [tilespmem:s25+$0xF0];
	v17 =	vadd.f32 v17, v19;
	v35 =	vadd.f32 v59, v31  }
0x314: {  	v37 =	vld [tilespmem:s25+$0x150];
	v38 =	vadd.f32 v62, v34;
	v16 =	vadd.f32 v16, v18  }
0x315: {  	v40 =	vld [tilespmem:s25+$0x130];
	v15 =	vadd.f32 v15, v17;
	v39 =	vadd.f32 v63, v35  }
0x316: {  	v41 =	vld [tilespmem:s25+$0x190];
	v42 =	vadd.f32 v32, v38;
	v14 =	vadd.f32 v14, v16  }
0x317: {  	v44 =	vld [tilespmem:s25+$0x170];
	v13 =	vadd.f32 v13, v15;
	v43 =	vadd.f32 v33, v39  }
0x318: {  	v45 =	vld [tilespmem:s25+$0x1D0];
	v46 =	vadd.f32 v36, v42;
	v12 =	vadd.f32 v12, v14  }
0x319: {  	v48 =	vld [tilespmem:s25+$0x1B0];
	v11 =	vadd.f32 v11, v13;
	v47 =	vadd.f32 v37, v43  }
0x31a: {  	v49 =	vld [tilespmem:s25+$0x210];
	v50 =	vadd.f32 v40, v46;
	v10 =	vadd.f32 v10, v12  }
0x31b: {  	v52 =	vld [tilespmem:s25+$0x1F0];
	v9 =	vadd.f32 v9, v11;
	v51 =	vadd.f32 v41, v47  }
0x31c: {  	v53 =	vld [tilespmem:s25+$0x250];
	v54 =	vadd.f32 v44, v50;
	v8 =	vadd.f32 v8, v10  }
0x31d: {  	v56 =	vld [tilespmem:s25+$0x230];
	v7 =	vadd.f32 v7, v9;
	v55 =	vadd.f32 v45, v51  }
0x31e: {  	v57 =	vld [tilespmem:s25+$0x260];
	v10 =	vadd.f32 v48, v54;
	v6 =	vadd.f32 v6, v8  }
0x31f: {  	v61 =	vld [tilespmem:s25+$0x270];
	v5 =	vadd.f32 v5, v7;
	v58 =	vadd.f32 v49, v55  }
0x320: {  	v59 =	vld [tilespmem:s28+$0xFFFFFFF0];
	v60 =	vadd.f32 v52, v10;
	v4 =	vadd.f32 v4, v6  }
0x321: {  	v3 =	vadd.f32 v3, v5;
	v62 =	vadd.f32 v53, v58  }
0x322: {  	v63 =	vld [tilespmem:s28+$0x0];
	v6 =	vadd.f32 v56, v60  }
0x323: {  	v1 =	vmul.f32 v1, v3;
	v2 =	vmul.f32 v2, v62;
	v3 =	vadd.f32 v57, v4;
	_ =	sdelay $0x1  }
0x324: {  	v1 =	vadd.f32 v2, v1;
	v2 =	vmul.f32 v59, v3;
	v3 =	vadd.f32 v61, v6;
	_ =	sdelay $0x1  }
0x325: {  	v1 =	vadd.f32 v2, v1;
	v2 =	vmul.f32 v63, v3;
	_ =	sdelay $0x1  }
0x326: {  	v1 =	vadd.f32 v2, v1;
	_ =	sdelay $0x1  }
0x327: {  	(xrf2) =	vadd.scan.msk.f32 $0xffff, v1;
	_ =	sdelay $0x9  }
0x328: {  	v1, _, _ =	vpop (xrf2)  }
0x329: {  	(v2sf) =	vpush v1, $0xF;
	_ =	sdelay $0xe  }
0x32a: {  	s28 =	sand.u32 $0xF, s26;
	s29 =	spop (v2sf)  }
0x32b: {  	v1 =	vmov s28;
	s29 =	smul.f32 $5.000000070e-02, s29  }
0x32c: {  	p0 =	sne.s32 s28, $0xF;
	v2 =	vimm.f32 $0.0e+00;
	vm0 =	veq.s32 v1, v0  }
0x32d: {  	s28 =	sand.u32 @!p0 $0x10, s26;
	v1 =	vsel vm0, s29, v2  }
0x32e: {  	s26 =	simm.s32 $0x1;
	[tilespmem:s28+$0xC2E0] =	vst @!p0 v1;
	s28 =	simm.s32 $0xBAF0  }
.LBB2_8:
0x32f: {  	v2 =	vld [tilespmem:s28+$0xFFFFFFD0];
	s29 =	smov.u32 s26  }
0x330: {  	s25 =	sadd.s32 $0x500, s25;
	v3 =	vld [tilespmem:s28+$0xFFFFFFE0]  }
0x331: {  	v4 =	vld [tilespmem:s25+$0x240]  }
0x332: {  	v5 =	vld [tilespmem:s25+$0x220]  }
0x333: {  	v6 =	vld [tilespmem:s25+$0x200]  }
0x334: {  	v7 =	vld [tilespmem:s25+$0x1E0]  }
0x335: {  	v8 =	vld [tilespmem:s25+$0x1C0]  }
0x336: {  	v9 =	vld [tilespmem:s25+$0x1A0]  }
0x337: {  	v10 =	vld [tilespmem:s25+$0x180]  }
0x338: {  	v11 =	vld [tilespmem:s25+$0x160]  }
0x339: {  	v12 =	vld [tilespmem:s25+$0x140]  }
0x33a: {  	v13 =	vld [tilespmem:s25+$0x120]  }
0x33b: {  	v14 =	vld [tilespmem:s25+$0x100]  }
0x33c: {  	v15 =	vld [tilespmem:s25+$0xE0]  }
0x33d: {  	v16 =	vld [tilespmem:s25+$0xC0]  }
0x33e: {  	v17 =	vld [tilespmem:s25+$0xA0]  }
0x33f: {  	v18 =	vld [tilespmem:s25+$0x80]  }
0x340: {  	v19 =	vld [tilespmem:s25+$0x60]  }
0x341: {  	v20 =	vld [tilespmem:s25+$0x40]  }
0x342: {  	v21 =	vld [tilespmem:s25+$0x20]  }
0x343: {  	v22 =	vld [tilespmem:s25+$0x0]  }
0x344: {  	v23 =	vld [tilespmem:s25+$0xFFFFFFE0]  }
0x345: {  	v24 =	vld [tilespmem:s25+$0xFFFFFFC0]  }
0x346: {  	v25 =	vld [tilespmem:s25+$0xFFFFFFA0]  }
0x347: {  	v26 =	vld [tilespmem:s25+$0xFFFFFF80]  }
0x348: {  	v27 =	vld [tilespmem:s25+$0xFFFFFF60]  }
0x349: {  	v28 =	vld [tilespmem:s25+$0xFFFFFF40]  }
0x34a: {  	v29 =	vld [tilespmem:s25+$0xFFFFFF20]  }
0x34b: {  	v30 =	vld [tilespmem:s25+$0xFFFFFF00]  }
0x34c: {  	v31 =	vld [tilespmem:s25+$0xFFFFFEE0]  }
0x34d: {  	v32 =	vld [tilespmem:s25+$0xFFFFFEC0]  }
0x34e: {  	v33 =	vld [tilespmem:s25+$0xFFFFFEA0]  }
0x34f: {  	v34 =	vld [tilespmem:s25+$0xFFFFFE80]  }
0x350: {  	v35 =	vld [tilespmem:s25+$0xFFFFFE60]  }
0x351: {  	v36 =	vld [tilespmem:s25+$0xFFFFFE40]  }
0x352: {  	v37 =	vld [tilespmem:s25+$0xFFFFFE20]  }
0x353: {  	v38 =	vld [tilespmem:s25+$0xFFFFFDB0]  }
0x354: {  	v39 =	vld [tilespmem:s25+$0xFFFFFE00]  }
0x355: {  	v40 =	vld [tilespmem:s25+$0xFFFFFDA0]  }
0x356: {  	v41 =	vld [tilespmem:s25+$0xFFFFFDC0]  }
0x357: {  	v42 =	vld [tilespmem:s25+$0xFFFFFD80]  }
0x358: {  	v43 =	vld [tilespmem:s25+$0xFFFFFD90]  }
0x359: {  	s26 =	sadd.s32 $0x1, s26;
	v44 =	vld [tilespmem:s25+$0xFFFFFDD0]  }
0x35a: {  	p0 =	sne.s32 s26, $0x20;
	v45 =	vld [tilespmem:s25+$0xFFFFFDE0]  }
0x35b: {  	v46 =	vld [tilespmem:s25+$0xFFFFFE10]  }
0x35c: {  	v47 =	vld [tilespmem:s25+$0xFFFFFDF0]  }
0x35d: {  	v48 =	vld [tilespmem:s25+$0xFFFFFE50]  }
0x35e: {  	v41 =	vadd.f32 v41, v42;
	v42 =	vadd.f32 v44, v43;
	v43 =	vld [tilespmem:s25+$0xFFFFFE30]  }
0x35f: {  	v44 =	vld [tilespmem:s25+$0xFFFFFE90];
	v40 =	vadd.f32 v45, v40  }
0x360: {  	v39 =	vadd.f32 v39, v41;
	v41 =	vadd.f32 v46, v42;
	v42 =	vld [tilespmem:s25+$0xFFFFFE70]  }
0x361: {  	v45 =	vld [tilespmem:s25+$0xFFFFFED0];
	v37 =	vadd.f32 v37, v40;
	v38 =	vadd.f32 v47, v38  }
0x362: {  	v36 =	vadd.f32 v36, v39;
	v39 =	vadd.f32 v48, v41;
	v40 =	vld [tilespmem:s25+$0xFFFFFEB0]  }
0x363: {  	v41 =	vld [tilespmem:s25+$0xFFFFFF10];
	v35 =	vadd.f32 v35, v37;
	v37 =	vadd.f32 v43, v38  }
0x364: {  	v34 =	vadd.f32 v34, v36;
	v36 =	vadd.f32 v44, v39;
	v38 =	vld [tilespmem:s25+$0xFFFFFEF0]  }
0x365: {  	v39 =	vld [tilespmem:s25+$0xFFFFFF50];
	v33 =	vadd.f32 v33, v35;
	v35 =	vadd.f32 v42, v37  }
0x366: {  	v32 =	vadd.f32 v32, v34;
	v34 =	vadd.f32 v45, v36;
	v36 =	vld [tilespmem:s25+$0xFFFFFF30]  }
0x367: {  	v37 =	vld [tilespmem:s25+$0xFFFFFF90];
	v31 =	vadd.f32 v31, v33;
	v33 =	vadd.f32 v40, v35  }
0x368: {  	v30 =	vadd.f32 v30, v32;
	v32 =	vadd.f32 v41, v34;
	v34 =	vld [tilespmem:s25+$0xFFFFFF70]  }
0x369: {  	v35 =	vld [tilespmem:s25+$0xFFFFFFD0];
	v29 =	vadd.f32 v29, v31;
	v31 =	vadd.f32 v38, v33  }
0x36a: {  	v28 =	vadd.f32 v28, v30;
	v30 =	vadd.f32 v39, v32;
	v32 =	vld [tilespmem:s25+$0xFFFFFFB0]  }
0x36b: {  	v33 =	vld [tilespmem:s25+$0x10];
	v27 =	vadd.f32 v27, v29;
	v29 =	vadd.f32 v36, v31  }
0x36c: {  	v26 =	vadd.f32 v26, v28;
	v28 =	vadd.f32 v37, v30;
	v30 =	vld [tilespmem:s25+$0xFFFFFFF0]  }
0x36d: {  	v31 =	vld [tilespmem:s25+$0x50];
	v25 =	vadd.f32 v25, v27;
	v27 =	vadd.f32 v34, v29  }
0x36e: {  	v24 =	vadd.f32 v24, v26;
	v26 =	vadd.f32 v35, v28;
	v28 =	vld [tilespmem:s25+$0x30]  }
0x36f: {  	v29 =	vld [tilespmem:s25+$0x90];
	v23 =	vadd.f32 v23, v25;
	v25 =	vadd.f32 v32, v27  }
0x370: {  	v22 =	vadd.f32 v22, v24;
	v24 =	vadd.f32 v33, v26;
	v26 =	vld [tilespmem:s25+$0x70]  }
0x371: {  	v27 =	vld [tilespmem:s25+$0xD0];
	v21 =	vadd.f32 v21, v23;
	v23 =	vadd.f32 v30, v25  }
0x372: {  	v20 =	vadd.f32 v20, v22;
	v22 =	vadd.f32 v31, v24;
	v24 =	vld [tilespmem:s25+$0xB0]  }
0x373: {  	v25 =	vld [tilespmem:s25+$0x110];
	v19 =	vadd.f32 v19, v21;
	v21 =	vadd.f32 v28, v23  }
0x374: {  	v18 =	vadd.f32 v18, v20;
	v20 =	vadd.f32 v29, v22;
	v22 =	vld [tilespmem:s25+$0xF0]  }
0x375: {  	v23 =	vld [tilespmem:s25+$0x150];
	v17 =	vadd.f32 v17, v19;
	v19 =	vadd.f32 v26, v21  }
0x376: {  	v16 =	vadd.f32 v16, v18;
	v18 =	vadd.f32 v27, v20;
	v20 =	vld [tilespmem:s25+$0x130]  }
0x377: {  	v21 =	vld [tilespmem:s25+$0x190];
	v15 =	vadd.f32 v15, v17;
	v17 =	vadd.f32 v24, v19  }
0x378: {  	v14 =	vadd.f32 v14, v16;
	v16 =	vadd.f32 v25, v18;
	v18 =	vld [tilespmem:s25+$0x170]  }
0x379: {  	v19 =	vld [tilespmem:s25+$0x1D0];
	v13 =	vadd.f32 v13, v15;
	v15 =	vadd.f32 v22, v17  }
0x37a: {  	v12 =	vadd.f32 v12, v14;
	v14 =	vadd.f32 v23, v16;
	v16 =	vld [tilespmem:s25+$0x1B0]  }
0x37b: {  	v17 =	vld [tilespmem:s25+$0x210];
	v11 =	vadd.f32 v11, v13;
	v13 =	vadd.f32 v20, v15  }
0x37c: {  	v10 =	vadd.f32 v10, v12;
	v12 =	vadd.f32 v21, v14;
	v14 =	vld [tilespmem:s25+$0x1F0]  }
0x37d: {  	v15 =	vld [tilespmem:s25+$0x250];
	v9 =	vadd.f32 v9, v11;
	v11 =	vadd.f32 v18, v13  }
0x37e: {  	v8 =	vadd.f32 v8, v10;
	v10 =	vadd.f32 v19, v12;
	v12 =	vld [tilespmem:s25+$0x230]  }
0x37f: {  	v7 =	vadd.f32 v7, v9;
	v9 =	vld [tilespmem:s25+$0x260];
	v11 =	vadd.f32 v16, v11  }
0x380: {  	v6 =	vadd.f32 v6, v8;
	v8 =	vadd.f32 v17, v10;
	v10 =	vld [tilespmem:s28+$0xFFFFFFF0]  }
0x381: {  	v5 =	vadd.f32 v5, v7;
	v7 =	vadd.f32 v14, v11;
	v11 =	vld [tilespmem:s25+$0x270]  }
0x382: {  	v4 =	vadd.f32 v4, v6;
	v6 =	vadd.f32 v15, v8  }
0x383: {  	v7 =	vadd.f32 v12, v7;
	v8 =	vld [tilespmem:s28+$0x0]  }
0x384: {  	v2 =	vmul.f32 v2, v4;
	v3 =	vmul.f32 v3, v6;
	v4 =	vadd.f32 v9, v5;
	_ =	sdelay $0x1  }
0x385: {  	v2 =	vadd.f32 v3, v2;
	v3 =	vmul.f32 v10, v4;
	v4 =	vadd.f32 v11, v7;
	_ =	sdelay $0x1  }
0x386: {  	v2 =	vadd.f32 v3, v2;
	v3 =	vmul.f32 v8, v4;
	_ =	sdelay $0x1  }
0x387: {  	v2 =	vadd.f32 v3, v2;
	_ =	sdelay $0x1  }
0x388: {  	(xrf2) =	vadd.scan.msk.f32 $0xffff, v2;
	_ =	sdelay $0x9  }
0x389: {  	v2, _, _ =	vpop (xrf2)  }
0x38a: {  	(v2sf) =	vpush v2, $0xF;
	_ =	sdelay $0xe  }
.Ltmp3:
0x38b: {  	s30 =	sand.u32 $0xF, s29;
	s31 =	spop (v2sf);
	(pc) =	sbr.rel @p0 .LBB2_8-.Ltmp3, $4  }
0x38c: {  	v2 =	vmov s30;
	s31 =	smul.f32 $5.000000070e-02, s31  }
0x38d: {  	p1 =	sne.s32 s30, $0xF;
	vm0 =	veq.s32 v2, v0  }
0x38e: {  	s29 =	sand.u32 @!p1 $0x10, s29;
	v1 =	vsel vm0, s31, v1  }
0x38f: {  	s28 =	sadd.s32 $0x40, s28;
	[tilespmem:s29+$0xC2E0] =	vst @!p1 v1  }
0x390: {  	s24 =	sadd.s32 $0x1, s24  }
0x391: {  	p0 =	sne.s32 s24, s10  }
.Ltmp4:
0x392: {  	_ = 	snop;
	(pc) =	sbr.rel @p0 .LBB2_1-.Ltmp4, $4  }
0x393: {  	[hbm4b:s9+s2] =	stream.linear.scatter [tilespmem:s23], [sflag:$0x2], $0x80, $0x38;
	[tilespmem:$0xC300] =	vst v63  }
0x394: {  	_ =	swait.ge [sflag:s12], $0x80  }
0x395: {  	[sflag:s12] =	ssyncset.done $0x0  }
0x396: {  	[sflag:s12] =	ssyncadd.s32 $0xFFFFFF80  }
0x397: {  	_ =	sfence.sel $0x180000  }
0x398: {  	[bflag:$0x0] =	sbarrier.arrive $0xFFFF  }
0x399: {  	p0 =	sne.s32 s1, $0x0;
	_ =	strace $0x9000004A  }
0x39a: {  	s0 =	sadd.s32 @!p0 $0x100000, s0;
	[bflag:$0x2] =	sbarrier.arrive $0xFFFF  }
0x39b: {  	[sflag:s0] =	ssyncadd.tile.s32 @!p0 $0x1;
	_ =	shalt  }
.Lfunc_end2:
_tile_overlayer_lowered:
.L_overlay_start_2:
0x39c: {  	(tag) =	ssettag $0x2  }
0x39d: {  	s0 =	rddreg [dreg:$0x0];
	s2 =	stileid.u32  }
0x39e: {  	s1 =	rddreg [dreg:$0x1];
	p0 =	sne.s32 s2, $0x0  }
0x39f: {  	s3 =	rddreg [dreg:$0x2];
	[bflag:$0x3] =	sbarrier.arrive $0xFFFF;
	s2 =	simm.s32 @!p0 $0x1C02  }
0x3a0: {  	[timem:s3], [sflag:s2] =	dma.local @!p0 [hbm:s0], s1  }
0x3a1: {  	s0 =	simm.s32 @!p0 $0x2  }
0x3a2: {  	_ =	swait.ge @!p0 [sflag:s0], s1  }
0x3a3: {  	s1 =	ssub.s32 @!p0 $0x0, s1;
	[sflag:s0] =	ssyncset.done @!p0 $0x0  }
0x3a4: {  	[sflag:s0] =	ssyncadd.s32 @!p0 s1  }
0x3a5: {  	[bflag:$0x3] =	sbarrier.arrive $0xFFFF  }
0x3a6: {  	_ =	shalt  }

</sc_bundles>
